<compile_context>
chip_gen: v7x
topology: tpu7x:2x2x1
jax: 0.10.2.dev20260603
libtpu: 0.0.44.dev20260713+nightly
codegen_flags: <defaults>
</compile_context>

<pallas_src>
import functools

import jax
import jax.numpy as jnp
from jax import lax
from jax.experimental import pallas as pl
from jax.experimental.pallas import tpu as pltpu
from jax.experimental.pallas import tpu_sc as plsc

CORPUS = 1000000
B = 16384
D = 64
NNEG = 10
NC = 2
NS = 16
NW = NC * NS
EPW = B // NW
CB = 32
NCH = EPW // CB
NIDXROW = 128
NROWS = CB * NNEG
NJ = NROWS // NIDXROW
VW = 2 * D
PHASE = 17
UNROLL = 4


def _sc_body(vrow_u, par_u, vrow_i, par_i, vrow_n, par_n, tab_u, tab_i,
             pos_out, neg_out,
             idxu_v, paru_v, idxi_v, pari_v, idxn_v, parn_v,
             u_rows, i_rows, n_rows, pos_v, neg_v,
             sem0, sem1):
  cid = lax.axis_index("c")
  sid = lax.axis_index("s")
  wid = sid * NC + cid
  sems = (sem0, sem1)

  iota = lax.iota(jnp.int32, 16)

  def stage_idx(b, c):
    base_e = (wid * NCH + c) * CB
    pltpu.sync_copy(vrow_u.at[pl.ds(base_e, CB)], idxu_v.at[pl.ds(b * CB, CB)])
    pltpu.sync_copy(par_u.at[pl.ds(base_e, CB)], paru_v.at[pl.ds(b * CB, CB)])
    pltpu.sync_copy(vrow_i.at[pl.ds(base_e, CB)], idxi_v.at[pl.ds(b * CB, CB)])
    pltpu.sync_copy(par_i.at[pl.ds(base_e, CB)], pari_v.at[pl.ds(b * CB, CB)])
    pltpu.sync_copy(vrow_n.at[pl.ds(base_e * NNEG, NROWS)],
                    idxn_v.at[pl.ds(b * NROWS, NROWS)])
    pltpu.sync_copy(par_n.at[pl.ds(base_e * NNEG, NROWS)],
                    parn_v.at[pl.ds(b * NROWS, NROWS)])

  def row_copies(b):
    cps = [
        pltpu.make_async_copy(tab_u.at[idxu_v.at[pl.ds(b * CB, CB)]],
                              u_rows.at[pl.ds(b * CB, CB)], sems[b]),
        pltpu.make_async_copy(tab_i.at[idxi_v.at[pl.ds(b * CB, CB)]],
                              i_rows.at[pl.ds(b * CB, CB)], sems[b]),
    ]
    for j in range(0, NROWS, NIDXROW):
      w = min(NIDXROW, NROWS - j)
      cps.append(
          pltpu.make_async_copy(
              tab_i.at[idxn_v.at[pl.ds(b * NROWS + j, w)]],
              n_rows.at[pl.ds(b * NROWS + j, w)], sems[b]))
    return cps

  def fire(b):
    for cp in row_copies(b):
      cp.start()

  def drain(b):
    for cp in row_copies(b):
      cp.wait()

  def compute(b, c):
    base_e = (wid * NCH + c) * CB
    for g in range(CB // 16):
      rowu = iota + g * 16 + b * CB
      rowns = [(iota + g * 16) * NNEG + n + b * NROWS for n in range(NNEG)]
      paru = paru_v[pl.ds(b * CB + g * 16, 16)]
      pari = pari_v[pl.ds(b * CB + g * 16, 16)]
      parns = [plsc.load_gather(parn_v, [rowns[n]]) for n in range(NNEG)]

      iotap = iota * PHASE

      def d_body(i, acc):
        accp, accn = acc
        d0 = i * UNROLL
        for k in range(UNROLL):
          dv = (iotap + (d0 + k)) & (D - 1)
          u_d = plsc.load_gather(u_rows, [rowu, paru + dv])
          i_d = plsc.load_gather(i_rows, [rowu, pari + dv])
          accp = accp + u_d * i_d
          accn = tuple(
              accn[n]
              + plsc.load_gather(n_rows, [rowns[n], parns[n] + dv]) * u_d
              for n in range(NNEG))
        return accp, accn

      z = jnp.zeros((16,), jnp.float32)
      accp, accn = lax.fori_loop(0, D // UNROLL, d_body, (z, (z,) * NNEG))
      pos_v[pl.ds(g * 16, 16)] = accp
      for n in range(NNEG):
        neg_v[n, pl.ds(g * 16, 16)] = accn[n]

    pltpu.sync_copy(pos_v, pos_out.at[pl.ds(base_e, CB)])
    pltpu.sync_copy(neg_v, neg_out.at[wid, c])

  stage_idx(0, 0)
  fire(0)
  stage_idx(1, 1)
  fire(1)

  def pair_body(p, carry):
    for b in range(2):
      c = p * 2 + b
      drain(b)
      compute(b, c)

      @pl.when(c + 2 < NCH)
      def _():
        stage_idx(b, c + 2)
        fire(b)

    return carry

  lax.fori_loop(0, NCH // 2, pair_body, 0)


_sc_scores = functools.partial(
    pl.kernel,
    mesh=plsc.VectorSubcoreMesh(
        core_axis_name="c", subcore_axis_name="s",
        num_cores=NC, num_subcores=NS),
    out_type=[
        jax.ShapeDtypeStruct((B,), jnp.float32),
        jax.ShapeDtypeStruct((NW, NCH, NNEG, CB), jnp.float32),
    ],
    scratch_types=[
        pltpu.VMEM((2 * CB,), jnp.int32),
        pltpu.VMEM((2 * CB,), jnp.int32),
        pltpu.VMEM((2 * CB,), jnp.int32),
        pltpu.VMEM((2 * CB,), jnp.int32),
        pltpu.VMEM((2 * NROWS,), jnp.int32),
        pltpu.VMEM((2 * NROWS,), jnp.int32),
        pltpu.VMEM((2 * CB, VW), jnp.float32),
        pltpu.VMEM((2 * CB, VW), jnp.float32),
        pltpu.VMEM((2 * NROWS, VW), jnp.float32),
        pltpu.VMEM((CB,), jnp.float32),
        pltpu.VMEM((NNEG, CB), jnp.float32),
        pltpu.SemaphoreType.DMA,
        pltpu.SemaphoreType.DMA,
    ],
    compiler_params=pltpu.CompilerParams(needs_layout_passes=False),
)(_sc_body)


TBLK = 8192
TG = (CORPUS + TBLK - 1) // TBLK
VROWS = TG * (TBLK // 2)


def _transpose_body(embt_ref, out_ref):
  x = embt_ref[...]
  out_ref[:, 0:D] = jnp.transpose(x[:, : TBLK // 2], (1, 0))
  out_ref[:, D:VW] = jnp.transpose(x[:, TBLK // 2 :], (1, 0))


_repack = pl.pallas_call(
    _transpose_body,
    grid=(TG,),
    in_specs=[pl.BlockSpec((D, TBLK), lambda g: (0, g))],
    out_specs=pl.BlockSpec((TBLK // 2, VW), lambda g: (g, 0)),
    out_shape=jax.ShapeDtypeStruct((VROWS, VW), jnp.float32),
)


def _tc_finish(pos_ref, neg_ref, out_ref):
  s = jnp.clip(pos_ref[...], -10.0, 10.0)
  t = jnp.clip(neg_ref[...], -10.0, 10.0)
  total = jnp.sum(jax.nn.softplus(-s)) + jnp.sum(jax.nn.softplus(t))
  out_ref[0, 0] = total * (1.0 / B)


def kernel(pos_input, pos_item, neg_item, input_emb, item_emb):
  pos_idx = pos_input.astype(jnp.int32)
  item_idx = pos_item.astype(jnp.int32)
  neg_idx = neg_item.astype(jnp.int32).reshape(B * NNEG)

  def _vrow(r):
    return (r >> 13) * (TBLK // 2) + (r & (TBLK // 2 - 1))

  def _par(r):
    return (r & (TBLK // 2)) >> 6

  vrow_u = _vrow(pos_idx)
  par_u = _par(pos_idx)
  vrow_i = _vrow(item_idx)
  par_i = _par(item_idx)
  vrow_n = _vrow(neg_idx)
  par_n = _par(neg_idx)

  tab_u = _repack(input_emb.T)
  tab_i = _repack(item_emb.T)

  pos_sc, neg_sc = _sc_scores(vrow_u, par_u, vrow_i, par_i, vrow_n, par_n,
                              tab_u, tab_i)

  out = pl.pallas_call(
      _tc_finish,
      out_shape=jax.ShapeDtypeStruct((1, 1), jnp.float32),
      in_specs=[
          pl.BlockSpec(memory_space=pltpu.VMEM),
          pl.BlockSpec(memory_space=pltpu.VMEM),
      ],
      out_specs=pl.BlockSpec(memory_space=pltpu.SMEM),
  )(pos_sc.reshape(128, 128), neg_sc.reshape(B * NNEG // 128, 128))
  return out[0, 0]

# --- scband reference (transcript-rebuilt; emitter-appended) ---
"""Pipeline reference for scband-one-tower-32573031973553 (READ-ONLY COPY).

The authoritative reference and input builder live on the scoring server;
editing this copy changes nothing except your own understanding.
"""

import jax, jax.numpy as jnp
import numpy as np

CORPUS = 1000000
D = 64
B = 16384
NNEG = 10


def setup_inputs(seed: int = 0) -> dict:
    key = jax.random.key(seed)
    k1, k2, k3, k4, k5 = jax.random.split(key, 5)
    pos_input = jax.random.randint(k1, (B,), 0, CORPUS)
    pos_item = jax.random.randint(k2, (B,), 0, CORPUS)
    neg_item = jax.random.randint(k3, (B, NNEG), 0, CORPUS)
    r = 1.0 / D
    input_emb = jax.random.uniform(k4, (CORPUS, D), minval=-r, maxval=r, dtype=jnp.float32)
    item_emb = jax.random.uniform(k5, (CORPUS, D), minval=-r, maxval=r, dtype=jnp.float32)
    return {
        "pos_input": pos_input,
        "pos_item": pos_item,
        "neg_item": neg_item,
        "input_emb": input_emb,
        "item_emb": item_emb,
    }


def reference(pos_input, pos_item, neg_item, input_emb, item_emb):
    # entity_type='page': plain embedding lookup
    # single_layer=True: emb_user is the raw input embedding (no MLP)
    emb_user = jnp.take(input_emb, pos_input, axis=0)          # [B, D]
    emb_item = jnp.take(item_emb, pos_item, axis=0)            # [B, D]
    emb_neg_item = jnp.take(item_emb, neg_item, axis=0)        # [B, NNEG, D]

    score = jnp.sum(emb_user * emb_item, axis=1)               # [B]
    score = jnp.clip(score, -10.0, 10.0)
    score = -jax.nn.log_sigmoid(score)

    # torch.bmm(emb_neg_item, emb_user.unsqueeze(2)).squeeze() -> [B, NNEG]
    neg_score = jnp.einsum('bnd,bd->bn', emb_neg_item, emb_user)
    neg_score = jnp.clip(neg_score, -10.0, 10.0)
    neg_score = -jnp.sum(jax.nn.log_sigmoid(-neg_score), axis=1)  # [B]

    return jnp.mean(score + neg_score)

if __name__ == "__main__":
    import jax
    _d = setup_inputs()
    print(jax.jit(kernel)(*tuple(_d.values())))

</pallas_src>

<mosaic_0001>
#map = affine_map<(d0, d1) -> (0)>
#map1 = affine_map<(d0, d1) -> (0, 0)>
#map2 = affine_map<(d0, d1) -> (0, 0, 0, 0)>
module attributes {stable_mosaic.version = 14 : i64} {
  func.func @_sc_body(%arg0: i32, %arg1: i32, %arg2: memref<16384xi32, #tpu.memory_space<hbm>>, %arg3: memref<16384xi32, #tpu.memory_space<hbm>>, %arg4: memref<16384xi32, #tpu.memory_space<hbm>>, %arg5: memref<16384xi32, #tpu.memory_space<hbm>>, %arg6: memref<163840xi32, #tpu.memory_space<hbm>>, %arg7: memref<163840xi32, #tpu.memory_space<hbm>>, %arg8: memref<503808x128xf32, #tpu.memory_space<hbm>>, %arg9: memref<503808x128xf32, #tpu.memory_space<hbm>>, %arg10: memref<16384xf32, #tpu.memory_space<hbm>>, %arg11: memref<32x16x10x32xf32, #tpu.memory_space<hbm>>, %arg12: memref<64xi32, #tpu.memory_space<vmem>>, %arg13: memref<64xi32, #tpu.memory_space<vmem>>, %arg14: memref<64xi32, #tpu.memory_space<vmem>>, %arg15: memref<64xi32, #tpu.memory_space<vmem>>, %arg16: memref<640xi32, #tpu.memory_space<vmem>>, %arg17: memref<640xi32, #tpu.memory_space<vmem>>, %arg18: memref<64x128xf32, #tpu.memory_space<vmem>>, %arg19: memref<64x128xf32, #tpu.memory_space<vmem>>, %arg20: memref<640x128xf32, #tpu.memory_space<vmem>>, %arg21: memref<32xf32, #tpu.memory_space<vmem>>, %arg22: memref<10x32xf32, #tpu.memory_space<vmem>>, %arg23: memref<!tpu.dma_semaphore, #tpu.memory_space<semaphore_mem>>, %arg24: memref<!tpu.dma_semaphore, #tpu.memory_space<semaphore_mem>>) attributes {dimension_semantics = [#tpu.dimension_semantics<core_parallel>, #tpu.dimension_semantics<subcore_parallel>], iteration_bounds = array<i64: 2, 16>, scalar_prefetch = 0 : i64, scratch_operands = 13 : i64, tpu.core_type = #tpu.core_type<sc_vector_subcore>, window_params = [{transform_indices = #map}, {transform_indices = #map}, {transform_indices = #map}, {transform_indices = #map}, {transform_indices = #map}, {transform_indices = #map}, {transform_indices = #map1}, {transform_indices = #map1}, {transform_indices = #map}, {transform_indices = #map2}]} {
    %mul3A = arith.constant 2 : i32
    %mul3A_0 = arith.muli %arg1, %mul3A : i32
    %add3A = arith.addi %mul3A_0, %arg0 : i32
    %iota3A = tpu.iota {dimensions = array<i32: 0>} : vector<16xi32>
    %mul3A_1 = arith.constant 16 : i32
    %mul3A_2 = arith.muli %add3A, %mul3A_1 : i32
    %add3A_3 = arith.constant 0 : i32
    %add3A_4 = arith.addi %mul3A_2, %add3A_3 : i32
    %mul3A_5 = arith.constant 32 : i32
    %mul3A_6 = arith.muli %add3A_4, %mul3A_5 : i32
    "tpu.region"() ({
      %run_scoped3A = tpu.sem_alloc : memref<!tpu.dma_semaphore, #tpu.memory_space<semaphore_mem>>
      %dma_start3A_105 = arith.constant 0 : i32
      %dma_start3A_106 = tpu.memref_slice %arg12[%dma_start3A_105] : memref<64xi32, #tpu.memory_space<vmem>> -> memref<32xi32, #tpu.memory_space<vmem>>
      %dma_start3A_107 = tpu.memref_slice %arg2[%mul3A_6] : memref<16384xi32, #tpu.memory_space<hbm>> -> memref<32xi32, #tpu.memory_space<hbm>>
      %dma_start3A_108 = arith.constant 0 : i32
      %dma_start3A_109 = tpu.memref_slice %arg12[%dma_start3A_108] : memref<64xi32, #tpu.memory_space<vmem>> -> memref<32xi32, #tpu.memory_space<vmem>>
      %dma_start3A_110 = tpu.memref_slice %arg2[%mul3A_6] : memref<16384xi32, #tpu.memory_space<hbm>> -> memref<32xi32, #tpu.memory_space<hbm>>
      tpu.enqueue_dma source(%dma_start3A_110 : memref<32xi32, #tpu.memory_space<hbm>>) target(%dma_start3A_109 : memref<32xi32, #tpu.memory_space<vmem>>) target_semaphore(%run_scoped3A : memref<!tpu.dma_semaphore, #tpu.memory_space<semaphore_mem>>)
      %dma_wait3A = arith.constant 0 : i32
      %dma_wait3A_111 = tpu.memref_slice %arg12[%dma_wait3A] : memref<64xi32, #tpu.memory_space<vmem>> -> memref<32xi32, #tpu.memory_space<vmem>>
      %dma_wait3A_112 = tpu.memref_slice %arg2[%mul3A_6] : memref<16384xi32, #tpu.memory_space<hbm>> -> memref<32xi32, #tpu.memory_space<hbm>>
      %dma_wait3A_113 = arith.constant 0 : i32
      %dma_wait3A_114 = tpu.memref_slice %arg12[%dma_wait3A_113] : memref<64xi32, #tpu.memory_space<vmem>> -> memref<32xi32, #tpu.memory_space<vmem>>
      %dma_wait3A_115 = tpu.memref_slice %arg2[%mul3A_6] : memref<16384xi32, #tpu.memory_space<hbm>> -> memref<32xi32, #tpu.memory_space<hbm>>
      tpu.wait_dma2 semaphore(%run_scoped3A : memref<!tpu.dma_semaphore, #tpu.memory_space<semaphore_mem>>) src(%dma_wait3A_115 : memref<32xi32, #tpu.memory_space<hbm>>) dst(%dma_wait3A_114 : memref<32xi32, #tpu.memory_space<vmem>>)
      tpu.yield
    }) : () -> ()
    "tpu.region"() ({
      %run_scoped3A = tpu.sem_alloc : memref<!tpu.dma_semaphore, #tpu.memory_space<semaphore_mem>>
      %dma_start3A_105 = arith.constant 0 : i32
      %dma_start3A_106 = tpu.memref_slice %arg13[%dma_start3A_105] : memref<64xi32, #tpu.memory_space<vmem>> -> memref<32xi32, #tpu.memory_space<vmem>>
      %dma_start3A_107 = tpu.memref_slice %arg3[%mul3A_6] : memref<16384xi32, #tpu.memory_space<hbm>> -> memref<32xi32, #tpu.memory_space<hbm>>
      %dma_start3A_108 = arith.constant 0 : i32
      %dma_start3A_109 = tpu.memref_slice %arg13[%dma_start3A_108] : memref<64xi32, #tpu.memory_space<vmem>> -> memref<32xi32, #tpu.memory_space<vmem>>
      %dma_start3A_110 = tpu.memref_slice %arg3[%mul3A_6] : memref<16384xi32, #tpu.memory_space<hbm>> -> memref<32xi32, #tpu.memory_space<hbm>>
      tpu.enqueue_dma source(%dma_start3A_110 : memref<32xi32, #tpu.memory_space<hbm>>) target(%dma_start3A_109 : memref<32xi32, #tpu.memory_space<vmem>>) target_semaphore(%run_scoped3A : memref<!tpu.dma_semaphore, #tpu.memory_space<semaphore_mem>>)
      %dma_wait3A = arith.constant 0 : i32
      %dma_wait3A_111 = tpu.memref_slice %arg13[%dma_wait3A] : memref<64xi32, #tpu.memory_space<vmem>> -> memref<32xi32, #tpu.memory_space<vmem>>
      %dma_wait3A_112 = tpu.memref_slice %arg3[%mul3A_6] : memref<16384xi32, #tpu.memory_space<hbm>> -> memref<32xi32, #tpu.memory_space<hbm>>
      %dma_wait3A_113 = arith.constant 0 : i32
      %dma_wait3A_114 = tpu.memref_slice %arg13[%dma_wait3A_113] : memref<64xi32, #tpu.memory_space<vmem>> -> memref<32xi32, #tpu.memory_space<vmem>>
      %dma_wait3A_115 = tpu.memref_slice %arg3[%mul3A_6] : memref<16384xi32, #tpu.memory_space<hbm>> -> memref<32xi32, #tpu.memory_space<hbm>>
      tpu.wait_dma2 semaphore(%run_scoped3A : memref<!tpu.dma_semaphore, #tpu.memory_space<semaphore_mem>>) src(%dma_wait3A_115 : memref<32xi32, #tpu.memory_space<hbm>>) dst(%dma_wait3A_114 : memref<32xi32, #tpu.memory_space<vmem>>)
      tpu.yield
    }) : () -> ()
    "tpu.region"() ({
      %run_scoped3A = tpu.sem_alloc : memref<!tpu.dma_semaphore, #tpu.memory_space<semaphore_mem>>
      %dma_start3A_105 = arith.constant 0 : i32
      %dma_start3A_106 = tpu.memref_slice %arg14[%dma_start3A_105] : memref<64xi32, #tpu.memory_space<vmem>> -> memref<32xi32, #tpu.memory_space<vmem>>
      %dma_start3A_107 = tpu.memref_slice %arg4[%mul3A_6] : memref<16384xi32, #tpu.memory_space<hbm>> -> memref<32xi32, #tpu.memory_space<hbm>>
      %dma_start3A_108 = arith.constant 0 : i32
      %dma_start3A_109 = tpu.memref_slice %arg14[%dma_start3A_108] : memref<64xi32, #tpu.memory_space<vmem>> -> memref<32xi32, #tpu.memory_space<vmem>>
      %dma_start3A_110 = tpu.memref_slice %arg4[%mul3A_6] : memref<16384xi32, #tpu.memory_space<hbm>> -> memref<32xi32, #tpu.memory_space<hbm>>
      tpu.enqueue_dma source(%dma_start3A_110 : memref<32xi32, #tpu.memory_space<hbm>>) target(%dma_start3A_109 : memref<32xi32, #tpu.memory_space<vmem>>) target_semaphore(%run_scoped3A : memref<!tpu.dma_semaphore, #tpu.memory_space<semaphore_mem>>)
      %dma_wait3A = arith.constant 0 : i32
      %dma_wait3A_111 = tpu.memref_slice %arg14[%dma_wait3A] : memref<64xi32, #tpu.memory_space<vmem>> -> memref<32xi32, #tpu.memory_space<vmem>>
      %dma_wait3A_112 = tpu.memref_slice %arg4[%mul3A_6] : memref<16384xi32, #tpu.memory_space<hbm>> -> memref<32xi32, #tpu.memory_space<hbm>>
      %dma_wait3A_113 = arith.constant 0 : i32
      %dma_wait3A_114 = tpu.memref_slice %arg14[%dma_wait3A_113] : memref<64xi32, #tpu.memory_space<vmem>> -> memref<32xi32, #tpu.memory_space<vmem>>
      %dma_wait3A_115 = tpu.memref_slice %arg4[%mul3A_6] : memref<16384xi32, #tpu.memory_space<hbm>> -> memref<32xi32, #tpu.memory_space<hbm>>
      tpu.wait_dma2 semaphore(%run_scoped3A : memref<!tpu.dma_semaphore, #tpu.memory_space<semaphore_mem>>) src(%dma_wait3A_115 : memref<32xi32, #tpu.memory_space<hbm>>) dst(%dma_wait3A_114 : memref<32xi32, #tpu.memory_space<vmem>>)
      tpu.yield
    }) : () -> ()
    "tpu.region"() ({
      %run_scoped3A = tpu.sem_alloc : memref<!tpu.dma_semaphore, #tpu.memory_space<semaphore_mem>>
      %dma_start3A_105 = arith.constant 0 : i32
      %dma_start3A_106 = tpu.memref_slice %arg15[%dma_start3A_105] : memref<64xi32, #tpu.memory_space<vmem>> -> memref<32xi32, #tpu.memory_space<vmem>>
      %dma_start3A_107 = tpu.memref_slice %arg5[%mul3A_6] : memref<16384xi32, #tpu.memory_space<hbm>> -> memref<32xi32, #tpu.memory_space<hbm>>
      %dma_start3A_108 = arith.constant 0 : i32
      %dma_start3A_109 = tpu.memref_slice %arg15[%dma_start3A_108] : memref<64xi32, #tpu.memory_space<vmem>> -> memref<32xi32, #tpu.memory_space<vmem>>
      %dma_start3A_110 = tpu.memref_slice %arg5[%mul3A_6] : memref<16384xi32, #tpu.memory_space<hbm>> -> memref<32xi32, #tpu.memory_space<hbm>>
      tpu.enqueue_dma source(%dma_start3A_110 : memref<32xi32, #tpu.memory_space<hbm>>) target(%dma_start3A_109 : memref<32xi32, #tpu.memory_space<vmem>>) target_semaphore(%run_scoped3A : memref<!tpu.dma_semaphore, #tpu.memory_space<semaphore_mem>>)
      %dma_wait3A = arith.constant 0 : i32
      %dma_wait3A_111 = tpu.memref_slice %arg15[%dma_wait3A] : memref<64xi32, #tpu.memory_space<vmem>> -> memref<32xi32, #tpu.memory_space<vmem>>
      %dma_wait3A_112 = tpu.memref_slice %arg5[%mul3A_6] : memref<16384xi32, #tpu.memory_space<hbm>> -> memref<32xi32, #tpu.memory_space<hbm>>
      %dma_wait3A_113 = arith.constant 0 : i32
      %dma_wait3A_114 = tpu.memref_slice %arg15[%dma_wait3A_113] : memref<64xi32, #tpu.memory_space<vmem>> -> memref<32xi32, #tpu.memory_space<vmem>>
      %dma_wait3A_115 = tpu.memref_slice %arg5[%mul3A_6] : memref<16384xi32, #tpu.memory_space<hbm>> -> memref<32xi32, #tpu.memory_space<hbm>>
      tpu.wait_dma2 semaphore(%run_scoped3A : memref<!tpu.dma_semaphore, #tpu.memory_space<semaphore_mem>>) src(%dma_wait3A_115 : memref<32xi32, #tpu.memory_space<hbm>>) dst(%dma_wait3A_114 : memref<32xi32, #tpu.memory_space<vmem>>)
      tpu.yield
    }) : () -> ()
    %mul3A_7 = arith.constant 10 : i32
    %mul3A_8 = arith.muli %mul3A_6, %mul3A_7 : i32
    "tpu.region"() ({
      %run_scoped3A = tpu.sem_alloc : memref<!tpu.dma_semaphore, #tpu.memory_space<semaphore_mem>>
      %dma_start3A_105 = arith.constant 0 : i32
      %dma_start3A_106 = tpu.memref_slice %arg16[%dma_start3A_105] : memref<640xi32, #tpu.memory_space<vmem>> -> memref<320xi32, #tpu.memory_space<vmem>>
      %dma_start3A_107 = tpu.memref_slice %arg6[%mul3A_8] : memref<163840xi32, #tpu.memory_space<hbm>> -> memref<320xi32, #tpu.memory_space<hbm>>
      %dma_start3A_108 = arith.constant 0 : i32
      %dma_start3A_109 = tpu.memref_slice %arg16[%dma_start3A_108] : memref<640xi32, #tpu.memory_space<vmem>> -> memref<320xi32, #tpu.memory_space<vmem>>
      %dma_start3A_110 = tpu.memref_slice %arg6[%mul3A_8] : memref<163840xi32, #tpu.memory_space<hbm>> -> memref<320xi32, #tpu.memory_space<hbm>>
      tpu.enqueue_dma source(%dma_start3A_110 : memref<320xi32, #tpu.memory_space<hbm>>) target(%dma_start3A_109 : memref<320xi32, #tpu.memory_space<vmem>>) target_semaphore(%run_scoped3A : memref<!tpu.dma_semaphore, #tpu.memory_space<semaphore_mem>>)
      %dma_wait3A = arith.constant 0 : i32
      %dma_wait3A_111 = tpu.memref_slice %arg16[%dma_wait3A] : memref<640xi32, #tpu.memory_space<vmem>> -> memref<320xi32, #tpu.memory_space<vmem>>
      %dma_wait3A_112 = tpu.memref_slice %arg6[%mul3A_8] : memref<163840xi32, #tpu.memory_space<hbm>> -> memref<320xi32, #tpu.memory_space<hbm>>
      %dma_wait3A_113 = arith.constant 0 : i32
      %dma_wait3A_114 = tpu.memref_slice %arg16[%dma_wait3A_113] : memref<640xi32, #tpu.memory_space<vmem>> -> memref<320xi32, #tpu.memory_space<vmem>>
      %dma_wait3A_115 = tpu.memref_slice %arg6[%mul3A_8] : memref<163840xi32, #tpu.memory_space<hbm>> -> memref<320xi32, #tpu.memory_space<hbm>>
      tpu.wait_dma2 semaphore(%run_scoped3A : memref<!tpu.dma_semaphore, #tpu.memory_space<semaphore_mem>>) src(%dma_wait3A_115 : memref<320xi32, #tpu.memory_space<hbm>>) dst(%dma_wait3A_114 : memref<320xi32, #tpu.memory_space<vmem>>)
      tpu.yield
    }) : () -> ()
    %mul3A_9 = arith.constant 10 : i32
    %mul3A_10 = arith.muli %mul3A_6, %mul3A_9 : i32
    "tpu.region"() ({
      %run_scoped3A = tpu.sem_alloc : memref<!tpu.dma_semaphore, #tpu.memory_space<semaphore_mem>>
      %dma_start3A_105 = arith.constant 0 : i32
      %dma_start3A_106 = tpu.memref_slice %arg17[%dma_start3A_105] : memref<640xi32, #tpu.memory_space<vmem>> -> memref<320xi32, #tpu.memory_space<vmem>>
      %dma_start3A_107 = tpu.memref_slice %arg7[%mul3A_10] : memref<163840xi32, #tpu.memory_space<hbm>> -> memref<320xi32, #tpu.memory_space<hbm>>
      %dma_start3A_108 = arith.constant 0 : i32
      %dma_start3A_109 = tpu.memref_slice %arg17[%dma_start3A_108] : memref<640xi32, #tpu.memory_space<vmem>> -> memref<320xi32, #tpu.memory_space<vmem>>
      %dma_start3A_110 = tpu.memref_slice %arg7[%mul3A_10] : memref<163840xi32, #tpu.memory_space<hbm>> -> memref<320xi32, #tpu.memory_space<hbm>>
      tpu.enqueue_dma source(%dma_start3A_110 : memref<320xi32, #tpu.memory_space<hbm>>) target(%dma_start3A_109 : memref<320xi32, #tpu.memory_space<vmem>>) target_semaphore(%run_scoped3A : memref<!tpu.dma_semaphore, #tpu.memory_space<semaphore_mem>>)
      %dma_wait3A = arith.constant 0 : i32
      %dma_wait3A_111 = tpu.memref_slice %arg17[%dma_wait3A] : memref<640xi32, #tpu.memory_space<vmem>> -> memref<320xi32, #tpu.memory_space<vmem>>
      %dma_wait3A_112 = tpu.memref_slice %arg7[%mul3A_10] : memref<163840xi32, #tpu.memory_space<hbm>> -> memref<320xi32, #tpu.memory_space<hbm>>
      %dma_wait3A_113 = arith.constant 0 : i32
      %dma_wait3A_114 = tpu.memref_slice %arg17[%dma_wait3A_113] : memref<640xi32, #tpu.memory_space<vmem>> -> memref<320xi32, #tpu.memory_space<vmem>>
      %dma_wait3A_115 = tpu.memref_slice %arg7[%mul3A_10] : memref<163840xi32, #tpu.memory_space<hbm>> -> memref<320xi32, #tpu.memory_space<hbm>>
      tpu.wait_dma2 semaphore(%run_scoped3A : memref<!tpu.dma_semaphore, #tpu.memory_space<semaphore_mem>>) src(%dma_wait3A_115 : memref<320xi32, #tpu.memory_space<hbm>>) dst(%dma_wait3A_114 : memref<320xi32, #tpu.memory_space<vmem>>)
      tpu.yield
    }) : () -> ()
    %dma_start3A = arith.constant 0 : i32
    %dma_start3A_11 = arith.constant 0 : i32
    %dma_start3A_12 = tpu.memref_slice %arg18[%dma_start3A, %dma_start3A_11] : memref<64x128xf32, #tpu.memory_space<vmem>> -> memref<32x128xf32, #tpu.memory_space<vmem>>
    %dma_start3A_13 = arith.constant 0 : i32
    %dma_start3A_14 = tpu.memref_slice %arg12[%dma_start3A_13] : memref<64xi32, #tpu.memory_space<vmem>> -> memref<32xi32, #tpu.memory_space<vmem>>
    %dma_start3A_15 = arith.constant 0 : i32
    %dma_start3A_16 = arith.constant 0 : i32
    %dma_start3A_17 = tpu.memref_slice %arg8[%dma_start3A_15, %dma_start3A_16] : memref<503808x128xf32, #tpu.memory_space<hbm>> -> memref<503808x128xf32, #tpu.memory_space<hbm>>
    tpu.enqueue_indirect_dma source(%dma_start3A_17 : memref<503808x128xf32, #tpu.memory_space<hbm>>) target(%dma_start3A_12 : memref<32x128xf32, #tpu.memory_space<vmem>>) offsets(%dma_start3A_14 : memref<32xi32, #tpu.memory_space<vmem>>) semaphore(%arg23 : memref<!tpu.dma_semaphore, #tpu.memory_space<semaphore_mem>>)
    %dma_start3A_18 = arith.constant 0 : i32
    %dma_start3A_19 = arith.constant 0 : i32
    %dma_start3A_20 = tpu.memref_slice %arg19[%dma_start3A_18, %dma_start3A_19] : memref<64x128xf32, #tpu.memory_space<vmem>> -> memref<32x128xf32, #tpu.memory_space<vmem>>
    %dma_start3A_21 = arith.constant 0 : i32
    %dma_start3A_22 = tpu.memref_slice %arg14[%dma_start3A_21] : memref<64xi32, #tpu.memory_space<vmem>> -> memref<32xi32, #tpu.memory_space<vmem>>
    %dma_start3A_23 = arith.constant 0 : i32
    %dma_start3A_24 = arith.constant 0 : i32
    %dma_start3A_25 = tpu.memref_slice %arg9[%dma_start3A_23, %dma_start3A_24] : memref<503808x128xf32, #tpu.memory_space<hbm>> -> memref<503808x128xf32, #tpu.memory_space<hbm>>
    tpu.enqueue_indirect_dma source(%dma_start3A_25 : memref<503808x128xf32, #tpu.memory_space<hbm>>) target(%dma_start3A_20 : memref<32x128xf32, #tpu.memory_space<vmem>>) offsets(%dma_start3A_22 : memref<32xi32, #tpu.memory_space<vmem>>) semaphore(%arg23 : memref<!tpu.dma_semaphore, #tpu.memory_space<semaphore_mem>>)
    %dma_start3A_26 = arith.constant 0 : i32
    %dma_start3A_27 = arith.constant 0 : i32
    %dma_start3A_28 = tpu.memref_slice %arg20[%dma_start3A_26, %dma_start3A_27] : memref<640x128xf32, #tpu.memory_space<vmem>> -> memref<128x128xf32, #tpu.memory_space<vmem>>
    %dma_start3A_29 = arith.constant 0 : i32
    %dma_start3A_30 = tpu.memref_slice %arg16[%dma_start3A_29] : memref<640xi32, #tpu.memory_space<vmem>> -> memref<128xi32, #tpu.memory_space<vmem>>
    %dma_start3A_31 = arith.constant 0 : i32
    %dma_start3A_32 = arith.constant 0 : i32
    %dma_start3A_33 = tpu.memref_slice %arg9[%dma_start3A_31, %dma_start3A_32] : memref<503808x128xf32, #tpu.memory_space<hbm>> -> memref<503808x128xf32, #tpu.memory_space<hbm>>
    tpu.enqueue_indirect_dma source(%dma_start3A_33 : memref<503808x128xf32, #tpu.memory_space<hbm>>) target(%dma_start3A_28 : memref<128x128xf32, #tpu.memory_space<vmem>>) offsets(%dma_start3A_30 : memref<128xi32, #tpu.memory_space<vmem>>) semaphore(%arg23 : memref<!tpu.dma_semaphore, #tpu.memory_space<semaphore_mem>>)
    %dma_start3A_34 = arith.constant 128 : i32
    %dma_start3A_35 = arith.constant 0 : i32
    %dma_start3A_36 = tpu.memref_slice %arg20[%dma_start3A_34, %dma_start3A_35] : memref<640x128xf32, #tpu.memory_space<vmem>> -> memref<128x128xf32, #tpu.memory_space<vmem>>
    %dma_start3A_37 = arith.constant 128 : i32
    %dma_start3A_38 = tpu.memref_slice %arg16[%dma_start3A_37] : memref<640xi32, #tpu.memory_space<vmem>> -> memref<128xi32, #tpu.memory_space<vmem>>
    %dma_start3A_39 = arith.constant 0 : i32
    %dma_start3A_40 = arith.constant 0 : i32
    %dma_start3A_41 = tpu.memref_slice %arg9[%dma_start3A_39, %dma_start3A_40] : memref<503808x128xf32, #tpu.memory_space<hbm>> -> memref<503808x128xf32, #tpu.memory_space<hbm>>
    tpu.enqueue_indirect_dma source(%dma_start3A_41 : memref<503808x128xf32, #tpu.memory_space<hbm>>) target(%dma_start3A_36 : memref<128x128xf32, #tpu.memory_space<vmem>>) offsets(%dma_start3A_38 : memref<128xi32, #tpu.memory_space<vmem>>) semaphore(%arg23 : memref<!tpu.dma_semaphore, #tpu.memory_space<semaphore_mem>>)
    %dma_start3A_42 = arith.constant 256 : i32
    %dma_start3A_43 = arith.constant 0 : i32
    %dma_start3A_44 = tpu.memref_slice %arg20[%dma_start3A_42, %dma_start3A_43] : memref<640x128xf32, #tpu.memory_space<vmem>> -> memref<64x128xf32, #tpu.memory_space<vmem>>
    %dma_start3A_45 = arith.constant 256 : i32
    %dma_start3A_46 = tpu.memref_slice %arg16[%dma_start3A_45] : memref<640xi32, #tpu.memory_space<vmem>> -> memref<64xi32, #tpu.memory_space<vmem>>
    %dma_start3A_47 = arith.constant 0 : i32
    %dma_start3A_48 = arith.constant 0 : i32
    %dma_start3A_49 = tpu.memref_slice %arg9[%dma_start3A_47, %dma_start3A_48] : memref<503808x128xf32, #tpu.memory_space<hbm>> -> memref<503808x128xf32, #tpu.memory_space<hbm>>
    tpu.enqueue_indirect_dma source(%dma_start3A_49 : memref<503808x128xf32, #tpu.memory_space<hbm>>) target(%dma_start3A_44 : memref<64x128xf32, #tpu.memory_space<vmem>>) offsets(%dma_start3A_46 : memref<64xi32, #tpu.memory_space<vmem>>) semaphore(%arg23 : memref<!tpu.dma_semaphore, #tpu.memory_space<semaphore_mem>>)
    %mul3A_50 = arith.constant 16 : i32
    %mul3A_51 = arith.muli %add3A, %mul3A_50 : i32
    %add3A_52 = arith.constant 1 : i32
    %add3A_53 = arith.addi %mul3A_51, %add3A_52 : i32
    %mul3A_54 = arith.constant 32 : i32
    %mul3A_55 = arith.muli %add3A_53, %mul3A_54 : i32
    "tpu.region"() ({
      %run_scoped3A = tpu.sem_alloc : memref<!tpu.dma_semaphore, #tpu.memory_space<semaphore_mem>>
      %dma_start3A_105 = arith.constant 32 : i32
      %dma_start3A_106 = tpu.memref_slice %arg12[%dma_start3A_105] : memref<64xi32, #tpu.memory_space<vmem>> -> memref<32xi32, #tpu.memory_space<vmem>>
      %dma_start3A_107 = tpu.memref_slice %arg2[%mul3A_55] : memref<16384xi32, #tpu.memory_space<hbm>> -> memref<32xi32, #tpu.memory_space<hbm>>
      %dma_start3A_108 = arith.constant 32 : i32
      %dma_start3A_109 = tpu.memref_slice %arg12[%dma_start3A_108] : memref<64xi32, #tpu.memory_space<vmem>> -> memref<32xi32, #tpu.memory_space<vmem>>
      %dma_start3A_110 = tpu.memref_slice %arg2[%mul3A_55] : memref<16384xi32, #tpu.memory_space<hbm>> -> memref<32xi32, #tpu.memory_space<hbm>>
      tpu.enqueue_dma source(%dma_start3A_110 : memref<32xi32, #tpu.memory_space<hbm>>) target(%dma_start3A_109 : memref<32xi32, #tpu.memory_space<vmem>>) target_semaphore(%run_scoped3A : memref<!tpu.dma_semaphore, #tpu.memory_space<semaphore_mem>>)
      %dma_wait3A = arith.constant 32 : i32
      %dma_wait3A_111 = tpu.memref_slice %arg12[%dma_wait3A] : memref<64xi32, #tpu.memory_space<vmem>> -> memref<32xi32, #tpu.memory_space<vmem>>
      %dma_wait3A_112 = tpu.memref_slice %arg2[%mul3A_55] : memref<16384xi32, #tpu.memory_space<hbm>> -> memref<32xi32, #tpu.memory_space<hbm>>
      %dma_wait3A_113 = arith.constant 32 : i32
      %dma_wait3A_114 = tpu.memref_slice %arg12[%dma_wait3A_113] : memref<64xi32, #tpu.memory_space<vmem>> -> memref<32xi32, #tpu.memory_space<vmem>>
      %dma_wait3A_115 = tpu.memref_slice %arg2[%mul3A_55] : memref<16384xi32, #tpu.memory_space<hbm>> -> memref<32xi32, #tpu.memory_space<hbm>>
      tpu.wait_dma2 semaphore(%run_scoped3A : memref<!tpu.dma_semaphore, #tpu.memory_space<semaphore_mem>>) src(%dma_wait3A_115 : memref<32xi32, #tpu.memory_space<hbm>>) dst(%dma_wait3A_114 : memref<32xi32, #tpu.memory_space<vmem>>)
      tpu.yield
    }) : () -> ()
    "tpu.region"() ({
      %run_scoped3A = tpu.sem_alloc : memref<!tpu.dma_semaphore, #tpu.memory_space<semaphore_mem>>
      %dma_start3A_105 = arith.constant 32 : i32
      %dma_start3A_106 = tpu.memref_slice %arg13[%dma_start3A_105] : memref<64xi32, #tpu.memory_space<vmem>> -> memref<32xi32, #tpu.memory_space<vmem>>
      %dma_start3A_107 = tpu.memref_slice %arg3[%mul3A_55] : memref<16384xi32, #tpu.memory_space<hbm>> -> memref<32xi32, #tpu.memory_space<hbm>>
      %dma_start3A_108 = arith.constant 32 : i32
      %dma_start3A_109 = tpu.memref_slice %arg13[%dma_start3A_108] : memref<64xi32, #tpu.memory_space<vmem>> -> memref<32xi32, #tpu.memory_space<vmem>>
      %dma_start3A_110 = tpu.memref_slice %arg3[%mul3A_55] : memref<16384xi32, #tpu.memory_space<hbm>> -> memref<32xi32, #tpu.memory_space<hbm>>
      tpu.enqueue_dma source(%dma_start3A_110 : memref<32xi32, #tpu.memory_space<hbm>>) target(%dma_start3A_109 : memref<32xi32, #tpu.memory_space<vmem>>) target_semaphore(%run_scoped3A : memref<!tpu.dma_semaphore, #tpu.memory_space<semaphore_mem>>)
      %dma_wait3A = arith.constant 32 : i32
      %dma_wait3A_111 = tpu.memref_slice %arg13[%dma_wait3A] : memref<64xi32, #tpu.memory_space<vmem>> -> memref<32xi32, #tpu.memory_space<vmem>>
      %dma_wait3A_112 = tpu.memref_slice %arg3[%mul3A_55] : memref<16384xi32, #tpu.memory_space<hbm>> -> memref<32xi32, #tpu.memory_space<hbm>>
      %dma_wait3A_113 = arith.constant 32 : i32
      %dma_wait3A_114 = tpu.memref_slice %arg13[%dma_wait3A_113] : memref<64xi32, #tpu.memory_space<vmem>> -> memref<32xi32, #tpu.memory_space<vmem>>
      %dma_wait3A_115 = tpu.memref_slice %arg3[%mul3A_55] : memref<16384xi32, #tpu.memory_space<hbm>> -> memref<32xi32, #tpu.memory_space<hbm>>
      tpu.wait_dma2 semaphore(%run_scoped3A : memref<!tpu.dma_semaphore, #tpu.memory_space<semaphore_mem>>) src(%dma_wait3A_115 : memref<32xi32, #tpu.memory_space<hbm>>) dst(%dma_wait3A_114 : memref<32xi32, #tpu.memory_space<vmem>>)
      tpu.yield
    }) : () -> ()
    "tpu.region"() ({
      %run_scoped3A = tpu.sem_alloc : memref<!tpu.dma_semaphore, #tpu.memory_space<semaphore_mem>>
      %dma_start3A_105 = arith.constant 32 : i32
      %dma_start3A_106 = tpu.memref_slice %arg14[%dma_start3A_105] : memref<64xi32, #tpu.memory_space<vmem>> -> memref<32xi32, #tpu.memory_space<vmem>>
      %dma_start3A_107 = tpu.memref_slice %arg4[%mul3A_55] : memref<16384xi32, #tpu.memory_space<hbm>> -> memref<32xi32, #tpu.memory_space<hbm>>
      %dma_start3A_108 = arith.constant 32 : i32
      %dma_start3A_109 = tpu.memref_slice %arg14[%dma_start3A_108] : memref<64xi32, #tpu.memory_space<vmem>> -> memref<32xi32, #tpu.memory_space<vmem>>
      %dma_start3A_110 = tpu.memref_slice %arg4[%mul3A_55] : memref<16384xi32, #tpu.memory_space<hbm>> -> memref<32xi32, #tpu.memory_space<hbm>>
      tpu.enqueue_dma source(%dma_start3A_110 : memref<32xi32, #tpu.memory_space<hbm>>) target(%dma_start3A_109 : memref<32xi32, #tpu.memory_space<vmem>>) target_semaphore(%run_scoped3A : memref<!tpu.dma_semaphore, #tpu.memory_space<semaphore_mem>>)
      %dma_wait3A = arith.constant 32 : i32
      %dma_wait3A_111 = tpu.memref_slice %arg14[%dma_wait3A] : memref<64xi32, #tpu.memory_space<vmem>> -> memref<32xi32, #tpu.memory_space<vmem>>
      %dma_wait3A_112 = tpu.memref_slice %arg4[%mul3A_55] : memref<16384xi32, #tpu.memory_space<hbm>> -> memref<32xi32, #tpu.memory_space<hbm>>
      %dma_wait3A_113 = arith.constant 32 : i32
      %dma_wait3A_114 = tpu.memref_slice %arg14[%dma_wait3A_113] : memref<64xi32, #tpu.memory_space<vmem>> -> memref<32xi32, #tpu.memory_space<vmem>>
      %dma_wait3A_115 = tpu.memref_slice %arg4[%mul3A_55] : memref<16384xi32, #tpu.memory_space<hbm>> -> memref<32xi32, #tpu.memory_space<hbm>>
      tpu.wait_dma2 semaphore(%run_scoped3A : memref<!tpu.dma_semaphore, #tpu.memory_space<semaphore_mem>>) src(%dma_wait3A_115 : memref<32xi32, #tpu.memory_space<hbm>>) dst(%dma_wait3A_114 : memref<32xi32, #tpu.memory_space<vmem>>)
      tpu.yield
    }) : () -> ()
    "tpu.region"() ({
      %run_scoped3A = tpu.sem_alloc : memref<!tpu.dma_semaphore, #tpu.memory_space<semaphore_mem>>
      %dma_start3A_105 = arith.constant 32 : i32
      %dma_start3A_106 = tpu.memref_slice %arg15[%dma_start3A_105] : memref<64xi32, #tpu.memory_space<vmem>> -> memref<32xi32, #tpu.memory_space<vmem>>
      %dma_start3A_107 = tpu.memref_slice %arg5[%mul3A_55] : memref<16384xi32, #tpu.memory_space<hbm>> -> memref<32xi32, #tpu.memory_space<hbm>>
      %dma_start3A_108 = arith.constant 32 : i32
      %dma_start3A_109 = tpu.memref_slice %arg15[%dma_start3A_108] : memref<64xi32, #tpu.memory_space<vmem>> -> memref<32xi32, #tpu.memory_space<vmem>>
      %dma_start3A_110 = tpu.memref_slice %arg5[%mul3A_55] : memref<16384xi32, #tpu.memory_space<hbm>> -> memref<32xi32, #tpu.memory_space<hbm>>
      tpu.enqueue_dma source(%dma_start3A_110 : memref<32xi32, #tpu.memory_space<hbm>>) target(%dma_start3A_109 : memref<32xi32, #tpu.memory_space<vmem>>) target_semaphore(%run_scoped3A : memref<!tpu.dma_semaphore, #tpu.memory_space<semaphore_mem>>)
      %dma_wait3A = arith.constant 32 : i32
      %dma_wait3A_111 = tpu.memref_slice %arg15[%dma_wait3A] : memref<64xi32, #tpu.memory_space<vmem>> -> memref<32xi32, #tpu.memory_space<vmem>>
      %dma_wait3A_112 = tpu.memref_slice %arg5[%mul3A_55] : memref<16384xi32, #tpu.memory_space<hbm>> -> memref<32xi32, #tpu.memory_space<hbm>>
      %dma_wait3A_113 = arith.constant 32 : i32
      %dma_wait3A_114 = tpu.memref_slice %arg15[%dma_wait3A_113] : memref<64xi32, #tpu.memory_space<vmem>> -> memref<32xi32, #tpu.memory_space<vmem>>
      %dma_wait3A_115 = tpu.memref_slice %arg5[%mul3A_55] : memref<16384xi32, #tpu.memory_space<hbm>> -> memref<32xi32, #tpu.memory_space<hbm>>
      tpu.wait_dma2 semaphore(%run_scoped3A : memref<!tpu.dma_semaphore, #tpu.memory_space<semaphore_mem>>) src(%dma_wait3A_115 : memref<32xi32, #tpu.memory_space<hbm>>) dst(%dma_wait3A_114 : memref<32xi32, #tpu.memory_space<vmem>>)
      tpu.yield
    }) : () -> ()
    %mul3A_56 = arith.constant 10 : i32
    %mul3A_57 = arith.muli %mul3A_55, %mul3A_56 : i32
    "tpu.region"() ({
      %run_scoped3A = tpu.sem_alloc : memref<!tpu.dma_semaphore, #tpu.memory_space<semaphore_mem>>
      %dma_start3A_105 = arith.constant 320 : i32
      %dma_start3A_106 = tpu.memref_slice %arg16[%dma_start3A_105] : memref<640xi32, #tpu.memory_space<vmem>> -> memref<320xi32, #tpu.memory_space<vmem>>
      %dma_start3A_107 = tpu.memref_slice %arg6[%mul3A_57] : memref<163840xi32, #tpu.memory_space<hbm>> -> memref<320xi32, #tpu.memory_space<hbm>>
      %dma_start3A_108 = arith.constant 320 : i32
      %dma_start3A_109 = tpu.memref_slice %arg16[%dma_start3A_108] : memref<640xi32, #tpu.memory_space<vmem>> -> memref<320xi32, #tpu.memory_space<vmem>>
      %dma_start3A_110 = tpu.memref_slice %arg6[%mul3A_57] : memref<163840xi32, #tpu.memory_space<hbm>> -> memref<320xi32, #tpu.memory_space<hbm>>
      tpu.enqueue_dma source(%dma_start3A_110 : memref<320xi32, #tpu.memory_space<hbm>>) target(%dma_start3A_109 : memref<320xi32, #tpu.memory_space<vmem>>) target_semaphore(%run_scoped3A : memref<!tpu.dma_semaphore, #tpu.memory_space<semaphore_mem>>)
      %dma_wait3A = arith.constant 320 : i32
      %dma_wait3A_111 = tpu.memref_slice %arg16[%dma_wait3A] : memref<640xi32, #tpu.memory_space<vmem>> -> memref<320xi32, #tpu.memory_space<vmem>>
      %dma_wait3A_112 = tpu.memref_slice %arg6[%mul3A_57] : memref<163840xi32, #tpu.memory_space<hbm>> -> memref<320xi32, #tpu.memory_space<hbm>>
      %dma_wait3A_113 = arith.constant 320 : i32
      %dma_wait3A_114 = tpu.memref_slice %arg16[%dma_wait3A_113] : memref<640xi32, #tpu.memory_space<vmem>> -> memref<320xi32, #tpu.memory_space<vmem>>
      %dma_wait3A_115 = tpu.memref_slice %arg6[%mul3A_57] : memref<163840xi32, #tpu.memory_space<hbm>> -> memref<320xi32, #tpu.memory_space<hbm>>
      tpu.wait_dma2 semaphore(%run_scoped3A : memref<!tpu.dma_semaphore, #tpu.memory_space<semaphore_mem>>) src(%dma_wait3A_115 : memref<320xi32, #tpu.memory_space<hbm>>) dst(%dma_wait3A_114 : memref<320xi32, #tpu.memory_space<vmem>>)
      tpu.yield
    }) : () -> ()
    %mul3A_58 = arith.constant 10 : i32
    %mul3A_59 = arith.muli %mul3A_55, %mul3A_58 : i32
    "tpu.region"() ({
      %run_scoped3A = tpu.sem_alloc : memref<!tpu.dma_semaphore, #tpu.memory_space<semaphore_mem>>
      %dma_start3A_105 = arith.constant 320 : i32
      %dma_start3A_106 = tpu.memref_slice %arg17[%dma_start3A_105] : memref<640xi32, #tpu.memory_space<vmem>> -> memref<320xi32, #tpu.memory_space<vmem>>
      %dma_start3A_107 = tpu.memref_slice %arg7[%mul3A_59] : memref<163840xi32, #tpu.memory_space<hbm>> -> memref<320xi32, #tpu.memory_space<hbm>>
      %dma_start3A_108 = arith.constant 320 : i32
      %dma_start3A_109 = tpu.memref_slice %arg17[%dma_start3A_108] : memref<640xi32, #tpu.memory_space<vmem>> -> memref<320xi32, #tpu.memory_space<vmem>>
      %dma_start3A_110 = tpu.memref_slice %arg7[%mul3A_59] : memref<163840xi32, #tpu.memory_space<hbm>> -> memref<320xi32, #tpu.memory_space<hbm>>
      tpu.enqueue_dma source(%dma_start3A_110 : memref<320xi32, #tpu.memory_space<hbm>>) target(%dma_start3A_109 : memref<320xi32, #tpu.memory_space<vmem>>) target_semaphore(%run_scoped3A : memref<!tpu.dma_semaphore, #tpu.memory_space<semaphore_mem>>)
      %dma_wait3A = arith.constant 320 : i32
      %dma_wait3A_111 = tpu.memref_slice %arg17[%dma_wait3A] : memref<640xi32, #tpu.memory_space<vmem>> -> memref<320xi32, #tpu.memory_space<vmem>>
      %dma_wait3A_112 = tpu.memref_slice %arg7[%mul3A_59] : memref<163840xi32, #tpu.memory_space<hbm>> -> memref<320xi32, #tpu.memory_space<hbm>>
      %dma_wait3A_113 = arith.constant 320 : i32
      %dma_wait3A_114 = tpu.memref_slice %arg17[%dma_wait3A_113] : memref<640xi32, #tpu.memory_space<vmem>> -> memref<320xi32, #tpu.memory_space<vmem>>
      %dma_wait3A_115 = tpu.memref_slice %arg7[%mul3A_59] : memref<163840xi32, #tpu.memory_space<hbm>> -> memref<320xi32, #tpu.memory_space<hbm>>
      tpu.wait_dma2 semaphore(%run_scoped3A : memref<!tpu.dma_semaphore, #tpu.memory_space<semaphore_mem>>) src(%dma_wait3A_115 : memref<320xi32, #tpu.memory_space<hbm>>) dst(%dma_wait3A_114 : memref<320xi32, #tpu.memory_space<vmem>>)
      tpu.yield
    }) : () -> ()
    %dma_start3A_60 = arith.constant 32 : i32
    %dma_start3A_61 = arith.constant 0 : i32
    %dma_start3A_62 = tpu.memref_slice %arg18[%dma_start3A_60, %dma_start3A_61] : memref<64x128xf32, #tpu.memory_space<vmem>> -> memref<32x128xf32, #tpu.memory_space<vmem>>
    %dma_start3A_63 = arith.constant 32 : i32
    %dma_start3A_64 = tpu.memref_slice %arg12[%dma_start3A_63] : memref<64xi32, #tpu.memory_space<vmem>> -> memref<32xi32, #tpu.memory_space<vmem>>
    %dma_start3A_65 = arith.constant 0 : i32
    %dma_start3A_66 = arith.constant 0 : i32
    %dma_start3A_67 = tpu.memref_slice %arg8[%dma_start3A_65, %dma_start3A_66] : memref<503808x128xf32, #tpu.memory_space<hbm>> -> memref<503808x128xf32, #tpu.memory_space<hbm>>
    tpu.enqueue_indirect_dma source(%dma_start3A_67 : memref<503808x128xf32, #tpu.memory_space<hbm>>) target(%dma_start3A_62 : memref<32x128xf32, #tpu.memory_space<vmem>>) offsets(%dma_start3A_64 : memref<32xi32, #tpu.memory_space<vmem>>) semaphore(%arg24 : memref<!tpu.dma_semaphore, #tpu.memory_space<semaphore_mem>>)
    %dma_start3A_68 = arith.constant 32 : i32
    %dma_start3A_69 = arith.constant 0 : i32
    %dma_start3A_70 = tpu.memref_slice %arg19[%dma_start3A_68, %dma_start3A_69] : memref<64x128xf32, #tpu.memory_space<vmem>> -> memref<32x128xf32, #tpu.memory_space<vmem>>
    %dma_start3A_71 = arith.constant 32 : i32
    %dma_start3A_72 = tpu.memref_slice %arg14[%dma_start3A_71] : memref<64xi32, #tpu.memory_space<vmem>> -> memref<32xi32, #tpu.memory_space<vmem>>
    %dma_start3A_73 = arith.constant 0 : i32
    %dma_start3A_74 = arith.constant 0 : i32
    %dma_start3A_75 = tpu.memref_slice %arg9[%dma_start3A_73, %dma_start3A_74] : memref<503808x128xf32, #tpu.memory_space<hbm>> -> memref<503808x128xf32, #tpu.memory_space<hbm>>
    tpu.enqueue_indirect_dma source(%dma_start3A_75 : memref<503808x128xf32, #tpu.memory_space<hbm>>) target(%dma_start3A_70 : memref<32x128xf32, #tpu.memory_space<vmem>>) offsets(%dma_start3A_72 : memref<32xi32, #tpu.memory_space<vmem>>) semaphore(%arg24 : memref<!tpu.dma_semaphore, #tpu.memory_space<semaphore_mem>>)
    %dma_start3A_76 = arith.constant 320 : i32
    %dma_start3A_77 = arith.constant 0 : i32
    %dma_start3A_78 = tpu.memref_slice %arg20[%dma_start3A_76, %dma_start3A_77] : memref<640x128xf32, #tpu.memory_space<vmem>> -> memref<128x128xf32, #tpu.memory_space<vmem>>
    %dma_start3A_79 = arith.constant 320 : i32
    %dma_start3A_80 = tpu.memref_slice %arg16[%dma_start3A_79] : memref<640xi32, #tpu.memory_space<vmem>> -> memref<128xi32, #tpu.memory_space<vmem>>
    %dma_start3A_81 = arith.constant 0 : i32
    %dma_start3A_82 = arith.constant 0 : i32
    %dma_start3A_83 = tpu.memref_slice %arg9[%dma_start3A_81, %dma_start3A_82] : memref<503808x128xf32, #tpu.memory_space<hbm>> -> memref<503808x128xf32, #tpu.memory_space<hbm>>
    tpu.enqueue_indirect_dma source(%dma_start3A_83 : memref<503808x128xf32, #tpu.memory_space<hbm>>) target(%dma_start3A_78 : memref<128x128xf32, #tpu.memory_space<vmem>>) offsets(%dma_start3A_80 : memref<128xi32, #tpu.memory_space<vmem>>) semaphore(%arg24 : memref<!tpu.dma_semaphore, #tpu.memory_space<semaphore_mem>>)
    %dma_start3A_84 = arith.constant 448 : i32
    %dma_start3A_85 = arith.constant 0 : i32
    %dma_start3A_86 = tpu.memref_slice %arg20[%dma_start3A_84, %dma_start3A_85] : memref<640x128xf32, #tpu.memory_space<vmem>> -> memref<128x128xf32, #tpu.memory_space<vmem>>
    %dma_start3A_87 = arith.constant 448 : i32
    %dma_start3A_88 = tpu.memref_slice %arg16[%dma_start3A_87] : memref<640xi32, #tpu.memory_space<vmem>> -> memref<128xi32, #tpu.memory_space<vmem>>
    %dma_start3A_89 = arith.constant 0 : i32
    %dma_start3A_90 = arith.constant 0 : i32
    %dma_start3A_91 = tpu.memref_slice %arg9[%dma_start3A_89, %dma_start3A_90] : memref<503808x128xf32, #tpu.memory_space<hbm>> -> memref<503808x128xf32, #tpu.memory_space<hbm>>
    tpu.enqueue_indirect_dma source(%dma_start3A_91 : memref<503808x128xf32, #tpu.memory_space<hbm>>) target(%dma_start3A_86 : memref<128x128xf32, #tpu.memory_space<vmem>>) offsets(%dma_start3A_88 : memref<128xi32, #tpu.memory_space<vmem>>) semaphore(%arg24 : memref<!tpu.dma_semaphore, #tpu.memory_space<semaphore_mem>>)
    %dma_start3A_92 = arith.constant 576 : i32
    %dma_start3A_93 = arith.constant 0 : i32
    %dma_start3A_94 = tpu.memref_slice %arg20[%dma_start3A_92, %dma_start3A_93] : memref<640x128xf32, #tpu.memory_space<vmem>> -> memref<64x128xf32, #tpu.memory_space<vmem>>
    %dma_start3A_95 = arith.constant 576 : i32
    %dma_start3A_96 = tpu.memref_slice %arg16[%dma_start3A_95] : memref<640xi32, #tpu.memory_space<vmem>> -> memref<64xi32, #tpu.memory_space<vmem>>
    %dma_start3A_97 = arith.constant 0 : i32
    %dma_start3A_98 = arith.constant 0 : i32
    %dma_start3A_99 = tpu.memref_slice %arg9[%dma_start3A_97, %dma_start3A_98] : memref<503808x128xf32, #tpu.memory_space<hbm>> -> memref<503808x128xf32, #tpu.memory_space<hbm>>
    tpu.enqueue_indirect_dma source(%dma_start3A_99 : memref<503808x128xf32, #tpu.memory_space<hbm>>) target(%dma_start3A_94 : memref<64x128xf32, #tpu.memory_space<vmem>>) offsets(%dma_start3A_96 : memref<64xi32, #tpu.memory_space<vmem>>) semaphore(%arg24 : memref<!tpu.dma_semaphore, #tpu.memory_space<semaphore_mem>>)
    %scan3A = arith.constant 0 : i32
    %scan3A_100 = arith.constant 0 : i32
    %scan3A_101 = arith.constant 8 : i32
    %scan3A_102 = arith.addi %scan3A_100, %scan3A_101 : i32
    %scan3A_103 = arith.constant 1 : i32
    scf.for %scan3A_105 = %scan3A_100 to %scan3A_102 step %scan3A_103  : i32 {
      %mul3A_106 = arith.constant 2 : i32
      %mul3A_107 = arith.muli %scan3A_105, %mul3A_106 : i32
      %add3A_108 = arith.constant 0 : i32
      %add3A_109 = arith.addi %mul3A_107, %add3A_108 : i32
      %dma_wait3A = arith.constant 0 : i32
      %dma_wait3A_110 = arith.constant 0 : i32
      %dma_wait3A_111 = tpu.memref_slice %arg18[%dma_wait3A, %dma_wait3A_110] : memref<64x128xf32, #tpu.memory_space<vmem>> -> memref<32x128xf32, #tpu.memory_space<vmem>>
      %dma_wait3A_112 = arith.constant 0 : i32
      %dma_wait3A_113 = tpu.memref_slice %arg12[%dma_wait3A_112] : memref<64xi32, #tpu.memory_space<vmem>> -> memref<32xi32, #tpu.memory_space<vmem>>
      %dma_wait3A_114 = arith.constant 0 : i32
      %dma_wait3A_115 = arith.constant 0 : i32
      %dma_wait3A_116 = tpu.memref_slice %arg8[%dma_wait3A_114, %dma_wait3A_115] : memref<503808x128xf32, #tpu.memory_space<hbm>> -> memref<503808x128xf32, #tpu.memory_space<hbm>>
      tpu.wait_indirect_dma semaphore(%arg23 : memref<!tpu.dma_semaphore, #tpu.memory_space<semaphore_mem>>) src(%dma_wait3A_116 : memref<503808x128xf32, #tpu.memory_space<hbm>>) dst(%dma_wait3A_111 : memref<32x128xf32, #tpu.memory_space<vmem>>)
      %dma_wait3A_117 = arith.constant 0 : i32
      %dma_wait3A_118 = arith.constant 0 : i32
      %dma_wait3A_119 = tpu.memref_slice %arg19[%dma_wait3A_117, %dma_wait3A_118] : memref<64x128xf32, #tpu.memory_space<vmem>> -> memref<32x128xf32, #tpu.memory_space<vmem>>
      %dma_wait3A_120 = arith.constant 0 : i32
      %dma_wait3A_121 = tpu.memref_slice %arg14[%dma_wait3A_120] : memref<64xi32, #tpu.memory_space<vmem>> -> memref<32xi32, #tpu.memory_space<vmem>>
      %dma_wait3A_122 = arith.constant 0 : i32
      %dma_wait3A_123 = arith.constant 0 : i32
      %dma_wait3A_124 = tpu.memref_slice %arg9[%dma_wait3A_122, %dma_wait3A_123] : memref<503808x128xf32, #tpu.memory_space<hbm>> -> memref<503808x128xf32, #tpu.memory_space<hbm>>
      tpu.wait_indirect_dma semaphore(%arg23 : memref<!tpu.dma_semaphore, #tpu.memory_space<semaphore_mem>>) src(%dma_wait3A_124 : memref<503808x128xf32, #tpu.memory_space<hbm>>) dst(%dma_wait3A_119 : memref<32x128xf32, #tpu.memory_space<vmem>>)
      %dma_wait3A_125 = arith.constant 0 : i32
      %dma_wait3A_126 = arith.constant 0 : i32
      %dma_wait3A_127 = tpu.memref_slice %arg20[%dma_wait3A_125, %dma_wait3A_126] : memref<640x128xf32, #tpu.memory_space<vmem>> -> memref<128x128xf32, #tpu.memory_space<vmem>>
      %dma_wait3A_128 = arith.constant 0 : i32
      %dma_wait3A_129 = tpu.memref_slice %arg16[%dma_wait3A_128] : memref<640xi32, #tpu.memory_space<vmem>> -> memref<128xi32, #tpu.memory_space<vmem>>
      %dma_wait3A_130 = arith.constant 0 : i32
      %dma_wait3A_131 = arith.constant 0 : i32
      %dma_wait3A_132 = tpu.memref_slice %arg9[%dma_wait3A_130, %dma_wait3A_131] : memref<503808x128xf32, #tpu.memory_space<hbm>> -> memref<503808x128xf32, #tpu.memory_space<hbm>>
      tpu.wait_indirect_dma semaphore(%arg23 : memref<!tpu.dma_semaphore, #tpu.memory_space<semaphore_mem>>) src(%dma_wait3A_132 : memref<503808x128xf32, #tpu.memory_space<hbm>>) dst(%dma_wait3A_127 : memref<128x128xf32, #tpu.memory_space<vmem>>)
      %dma_wait3A_133 = arith.constant 128 : i32
      %dma_wait3A_134 = arith.constant 0 : i32
      %dma_wait3A_135 = tpu.memref_slice %arg20[%dma_wait3A_133, %dma_wait3A_134] : memref<640x128xf32, #tpu.memory_space<vmem>> -> memref<128x128xf32, #tpu.memory_space<vmem>>
      %dma_wait3A_136 = arith.constant 128 : i32
      %dma_wait3A_137 = tpu.memref_slice %arg16[%dma_wait3A_136] : memref<640xi32, #tpu.memory_space<vmem>> -> memref<128xi32, #tpu.memory_space<vmem>>
      %dma_wait3A_138 = arith.constant 0 : i32
      %dma_wait3A_139 = arith.constant 0 : i32
      %dma_wait3A_140 = tpu.memref_slice %arg9[%dma_wait3A_138, %dma_wait3A_139] : memref<503808x128xf32, #tpu.memory_space<hbm>> -> memref<503808x128xf32, #tpu.memory_space<hbm>>
      tpu.wait_indirect_dma semaphore(%arg23 : memref<!tpu.dma_semaphore, #tpu.memory_space<semaphore_mem>>) src(%dma_wait3A_140 : memref<503808x128xf32, #tpu.memory_space<hbm>>) dst(%dma_wait3A_135 : memref<128x128xf32, #tpu.memory_space<vmem>>)
      %dma_wait3A_141 = arith.constant 256 : i32
      %dma_wait3A_142 = arith.constant 0 : i32
      %dma_wait3A_143 = tpu.memref_slice %arg20[%dma_wait3A_141, %dma_wait3A_142] : memref<640x128xf32, #tpu.memory_space<vmem>> -> memref<64x128xf32, #tpu.memory_space<vmem>>
      %dma_wait3A_144 = arith.constant 256 : i32
      %dma_wait3A_145 = tpu.memref_slice %arg16[%dma_wait3A_144] : memref<640xi32, #tpu.memory_space<vmem>> -> memref<64xi32, #tpu.memory_space<vmem>>
      %dma_wait3A_146 = arith.constant 0 : i32
      %dma_wait3A_147 = arith.constant 0 : i32
      %dma_wait3A_148 = tpu.memref_slice %arg9[%dma_wait3A_146, %dma_wait3A_147] : memref<503808x128xf32, #tpu.memory_space<hbm>> -> memref<503808x128xf32, #tpu.memory_space<hbm>>
      tpu.wait_indirect_dma semaphore(%arg23 : memref<!tpu.dma_semaphore, #tpu.memory_space<semaphore_mem>>) src(%dma_wait3A_148 : memref<503808x128xf32, #tpu.memory_space<hbm>>) dst(%dma_wait3A_143 : memref<64x128xf32, #tpu.memory_space<vmem>>)
      %mul3A_149 = arith.constant 16 : i32
      %mul3A_150 = arith.muli %add3A, %mul3A_149 : i32
      %add3A_151 = arith.addi %mul3A_150, %add3A_109 : i32
      %mul3A_152 = arith.constant 32 : i32
      %mul3A_153 = arith.muli %add3A_151, %mul3A_152 : i32
      %add3A_154 = arith.constant 0 : i32
      %add3A_155 = vector.broadcast %add3A_154 : i32 to vector<16xi32>
      %add3A_156 = arith.addi %iota3A, %add3A_155 : vector<16xi32>
      %add3A_157 = arith.constant 0 : i32
      %add3A_158 = vector.broadcast %add3A_157 : i32 to vector<16xi32>
      %add3A_159 = arith.addi %add3A_156, %add3A_158 : vector<16xi32>
      %add3A_160 = arith.constant 0 : i32
      %add3A_161 = vector.broadcast %add3A_160 : i32 to vector<16xi32>
      %add3A_162 = arith.addi %iota3A, %add3A_161 : vector<16xi32>
      %mul3A_163 = arith.constant 10 : i32
      %mul3A_164 = vector.broadcast %mul3A_163 : i32 to vector<16xi32>
      %mul3A_165 = arith.muli %add3A_162, %mul3A_164 : vector<16xi32>
      %add3A_166 = arith.constant 0 : i32
      %add3A_167 = vector.broadcast %add3A_166 : i32 to vector<16xi32>
      %add3A_168 = arith.addi %mul3A_165, %add3A_167 : vector<16xi32>
      %add3A_169 = arith.constant 0 : i32
      %add3A_170 = vector.broadcast %add3A_169 : i32 to vector<16xi32>
      %add3A_171 = arith.addi %add3A_168, %add3A_170 : vector<16xi32>
      %add3A_172 = arith.constant 0 : i32
      %add3A_173 = vector.broadcast %add3A_172 : i32 to vector<16xi32>
      %add3A_174 = arith.addi %iota3A, %add3A_173 : vector<16xi32>
      %mul3A_175 = arith.constant 10 : i32
      %mul3A_176 = vector.broadcast %mul3A_175 : i32 to vector<16xi32>
      %mul3A_177 = arith.muli %add3A_174, %mul3A_176 : vector<16xi32>
      %add3A_178 = arith.constant 1 : i32
      %add3A_179 = vector.broadcast %add3A_178 : i32 to vector<16xi32>
      %add3A_180 = arith.addi %mul3A_177, %add3A_179 : vector<16xi32>
      %add3A_181 = arith.constant 0 : i32
      %add3A_182 = vector.broadcast %add3A_181 : i32 to vector<16xi32>
      %add3A_183 = arith.addi %add3A_180, %add3A_182 : vector<16xi32>
      %add3A_184 = arith.constant 0 : i32
      %add3A_185 = vector.broadcast %add3A_184 : i32 to vector<16xi32>
      %add3A_186 = arith.addi %iota3A, %add3A_185 : vector<16xi32>
      %mul3A_187 = arith.constant 10 : i32
      %mul3A_188 = vector.broadcast %mul3A_187 : i32 to vector<16xi32>
      %mul3A_189 = arith.muli %add3A_186, %mul3A_188 : vector<16xi32>
      %add3A_190 = arith.constant 2 : i32
      %add3A_191 = vector.broadcast %add3A_190 : i32 to vector<16xi32>
      %add3A_192 = arith.addi %mul3A_189, %add3A_191 : vector<16xi32>
      %add3A_193 = arith.constant 0 : i32
      %add3A_194 = vector.broadcast %add3A_193 : i32 to vector<16xi32>
      %add3A_195 = arith.addi %add3A_192, %add3A_194 : vector<16xi32>
      %add3A_196 = arith.constant 0 : i32
      %add3A_197 = vector.broadcast %add3A_196 : i32 to vector<16xi32>
      %add3A_198 = arith.addi %iota3A, %add3A_197 : vector<16xi32>
      %mul3A_199 = arith.constant 10 : i32
      %mul3A_200 = vector.broadcast %mul3A_199 : i32 to vector<16xi32>
      %mul3A_201 = arith.muli %add3A_198, %mul3A_200 : vector<16xi32>
      %add3A_202 = arith.constant 3 : i32
      %add3A_203 = vector.broadcast %add3A_202 : i32 to vector<16xi32>
      %add3A_204 = arith.addi %mul3A_201, %add3A_203 : vector<16xi32>
      %add3A_205 = arith.constant 0 : i32
      %add3A_206 = vector.broadcast %add3A_205 : i32 to vector<16xi32>
      %add3A_207 = arith.addi %add3A_204, %add3A_206 : vector<16xi32>
      %add3A_208 = arith.constant 0 : i32
      %add3A_209 = vector.broadcast %add3A_208 : i32 to vector<16xi32>
      %add3A_210 = arith.addi %iota3A, %add3A_209 : vector<16xi32>
      %mul3A_211 = arith.constant 10 : i32
      %mul3A_212 = vector.broadcast %mul3A_211 : i32 to vector<16xi32>
      %mul3A_213 = arith.muli %add3A_210, %mul3A_212 : vector<16xi32>
      %add3A_214 = arith.constant 4 : i32
      %add3A_215 = vector.broadcast %add3A_214 : i32 to vector<16xi32>
      %add3A_216 = arith.addi %mul3A_213, %add3A_215 : vector<16xi32>
      %add3A_217 = arith.constant 0 : i32
      %add3A_218 = vector.broadcast %add3A_217 : i32 to vector<16xi32>
      %add3A_219 = arith.addi %add3A_216, %add3A_218 : vector<16xi32>
      %add3A_220 = arith.constant 0 : i32
      %add3A_221 = vector.broadcast %add3A_220 : i32 to vector<16xi32>
      %add3A_222 = arith.addi %iota3A, %add3A_221 : vector<16xi32>
      %mul3A_223 = arith.constant 10 : i32
      %mul3A_224 = vector.broadcast %mul3A_223 : i32 to vector<16xi32>
      %mul3A_225 = arith.muli %add3A_222, %mul3A_224 : vector<16xi32>
      %add3A_226 = arith.constant 5 : i32
      %add3A_227 = vector.broadcast %add3A_226 : i32 to vector<16xi32>
      %add3A_228 = arith.addi %mul3A_225, %add3A_227 : vector<16xi32>
      %add3A_229 = arith.constant 0 : i32
      %add3A_230 = vector.broadcast %add3A_229 : i32 to vector<16xi32>
      %add3A_231 = arith.addi %add3A_228, %add3A_230 : vector<16xi32>
      %add3A_232 = arith.constant 0 : i32
      %add3A_233 = vector.broadcast %add3A_232 : i32 to vector<16xi32>
      %add3A_234 = arith.addi %iota3A, %add3A_233 : vector<16xi32>
      %mul3A_235 = arith.constant 10 : i32
      %mul3A_236 = vector.broadcast %mul3A_235 : i32 to vector<16xi32>
      %mul3A_237 = arith.muli %add3A_234, %mul3A_236 : vector<16xi32>
      %add3A_238 = arith.constant 6 : i32
      %add3A_239 = vector.broadcast %add3A_238 : i32 to vector<16xi32>
      %add3A_240 = arith.addi %mul3A_237, %add3A_239 : vector<16xi32>
      %add3A_241 = arith.constant 0 : i32
      %add3A_242 = vector.broadcast %add3A_241 : i32 to vector<16xi32>
      %add3A_243 = arith.addi %add3A_240, %add3A_242 : vector<16xi32>
      %add3A_244 = arith.constant 0 : i32
      %add3A_245 = vector.broadcast %add3A_244 : i32 to vector<16xi32>
      %add3A_246 = arith.addi %iota3A, %add3A_245 : vector<16xi32>
      %mul3A_247 = arith.constant 10 : i32
      %mul3A_248 = vector.broadcast %mul3A_247 : i32 to vector<16xi32>
      %mul3A_249 = arith.muli %add3A_246, %mul3A_248 : vector<16xi32>
      %add3A_250 = arith.constant 7 : i32
      %add3A_251 = vector.broadcast %add3A_250 : i32 to vector<16xi32>
      %add3A_252 = arith.addi %mul3A_249, %add3A_251 : vector<16xi32>
      %add3A_253 = arith.constant 0 : i32
      %add3A_254 = vector.broadcast %add3A_253 : i32 to vector<16xi32>
      %add3A_255 = arith.addi %add3A_252, %add3A_254 : vector<16xi32>
      %add3A_256 = arith.constant 0 : i32
      %add3A_257 = vector.broadcast %add3A_256 : i32 to vector<16xi32>
      %add3A_258 = arith.addi %iota3A, %add3A_257 : vector<16xi32>
      %mul3A_259 = arith.constant 10 : i32
      %mul3A_260 = vector.broadcast %mul3A_259 : i32 to vector<16xi32>
      %mul3A_261 = arith.muli %add3A_258, %mul3A_260 : vector<16xi32>
      %add3A_262 = arith.constant 8 : i32
      %add3A_263 = vector.broadcast %add3A_262 : i32 to vector<16xi32>
      %add3A_264 = arith.addi %mul3A_261, %add3A_263 : vector<16xi32>
      %add3A_265 = arith.constant 0 : i32
      %add3A_266 = vector.broadcast %add3A_265 : i32 to vector<16xi32>
      %add3A_267 = arith.addi %add3A_264, %add3A_266 : vector<16xi32>
      %add3A_268 = arith.constant 0 : i32
      %add3A_269 = vector.broadcast %add3A_268 : i32 to vector<16xi32>
      %add3A_270 = arith.addi %iota3A, %add3A_269 : vector<16xi32>
      %mul3A_271 = arith.constant 10 : i32
      %mul3A_272 = vector.broadcast %mul3A_271 : i32 to vector<16xi32>
      %mul3A_273 = arith.muli %add3A_270, %mul3A_272 : vector<16xi32>
      %add3A_274 = arith.constant 9 : i32
      %add3A_275 = vector.broadcast %add3A_274 : i32 to vector<16xi32>
      %add3A_276 = arith.addi %mul3A_273, %add3A_275 : vector<16xi32>
      %add3A_277 = arith.constant 0 : i32
      %add3A_278 = vector.broadcast %add3A_277 : i32 to vector<16xi32>
      %add3A_279 = arith.addi %add3A_276, %add3A_278 : vector<16xi32>
      %get3A = arith.constant 0 : index
      %get3A_280 = tpu.vector_load %arg13[%get3A] {strides = array<i32>} : memref<64xi32, #tpu.memory_space<vmem>>, vector<16xi32>,
      %get3A_281 = arith.constant 0 : index
      %get3A_282 = tpu.vector_load %arg15[%get3A_281] {strides = array<i32>} : memref<64xi32, #tpu.memory_space<vmem>>, vector<16xi32>,
      %gather3A = tpu.vector_load_idx %arg17[%add3A_171] : memref<640xi32, #tpu.memory_space<vmem>>[vector<16xi32>], vector<16xi32>,
      %gather3A_283 = tpu.vector_load_idx %arg17[%add3A_183] : memref<640xi32, #tpu.memory_space<vmem>>[vector<16xi32>], vector<16xi32>,
      %gather3A_284 = tpu.vector_load_idx %arg17[%add3A_195] : memref<640xi32, #tpu.memory_space<vmem>>[vector<16xi32>], vector<16xi32>,
      %gather3A_285 = tpu.vector_load_idx %arg17[%add3A_207] : memref<640xi32, #tpu.memory_space<vmem>>[vector<16xi32>], vector<16xi32>,
      %gather3A_286 = tpu.vector_load_idx %arg17[%add3A_219] : memref<640xi32, #tpu.memory_space<vmem>>[vector<16xi32>], vector<16xi32>,
      %gather3A_287 = tpu.vector_load_idx %arg17[%add3A_231] : memref<640xi32, #tpu.memory_space<vmem>>[vector<16xi32>], vector<16xi32>,
      %gather3A_288 = tpu.vector_load_idx %arg17[%add3A_243] : memref<640xi32, #tpu.memory_space<vmem>>[vector<16xi32>], vector<16xi32>,
      %gather3A_289 = tpu.vector_load_idx %arg17[%add3A_255] : memref<640xi32, #tpu.memory_space<vmem>>[vector<16xi32>], vector<16xi32>,
      %gather3A_290 = tpu.vector_load_idx %arg17[%add3A_267] : memref<640xi32, #tpu.memory_space<vmem>>[vector<16xi32>], vector<16xi32>,
      %gather3A_291 = tpu.vector_load_idx %arg17[%add3A_279] : memref<640xi32, #tpu.memory_space<vmem>>[vector<16xi32>], vector<16xi32>,
      %mul3A_292 = arith.constant 17 : i32
      %mul3A_293 = vector.broadcast %mul3A_292 : i32 to vector<16xi32>
      %mul3A_294 = arith.muli %iota3A, %mul3A_293 : vector<16xi32>
      %broadcast_in_dim3A = arith.constant 0.000000e+00 : f32
      %broadcast_in_dim3A_295 = vector.broadcast %broadcast_in_dim3A : f32 to vector<16xf32>
      %scan3A_296 = arith.constant 0 : i32
      %scan3A_297 = arith.constant 16 : i32
      %scan3A_298 = arith.addi %scan3A_296, %scan3A_297 : i32
      %scan3A_299 = arith.constant 1 : i32
      %scan3A_300:11 = scf.for %scan3A_982 = %scan3A_296 to %scan3A_298 step %scan3A_299 iter_args(%scan3A_983 = %broadcast_in_dim3A_295, %scan3A_984 = %broadcast_in_dim3A_295, %scan3A_985 = %broadcast_in_dim3A_295, %scan3A_986 = %broadcast_in_dim3A_295, %scan3A_987 = %broadcast_in_dim3A_295, %scan3A_988 = %broadcast_in_dim3A_295, %scan3A_989 = %broadcast_in_dim3A_295, %scan3A_990 = %broadcast_in_dim3A_295, %scan3A_991 = %broadcast_in_dim3A_295, %scan3A_992 = %broadcast_in_dim3A_295, %scan3A_993 = %broadcast_in_dim3A_295) -> (vector<16xf32>, vector<16xf32>, vector<16xf32>, vector<16xf32>, vector<16xf32>, vector<16xf32>, vector<16xf32>, vector<16xf32>, vector<16xf32>, vector<16xf32>, vector<16xf32>)  : i32 {
        %mul3A_994 = arith.constant 4 : i32
        %mul3A_995 = arith.muli %scan3A_982, %mul3A_994 : i32
        %add3A_996 = arith.constant 0 : i32
        %add3A_997 = arith.addi %mul3A_995, %add3A_996 : i32
        %add3A_998 = vector.broadcast %add3A_997 : i32 to vector<16xi32>
        %add3A_999 = arith.addi %mul3A_294, %add3A_998 : vector<16xi32>
        %and3A = arith.constant 63 : i32
        %and3A_1000 = vector.broadcast %and3A : i32 to vector<16xi32>
        %and3A_1001 = arith.andi %add3A_999, %and3A_1000 : vector<16xi32>
        %add3A_1002 = arith.addi %get3A_280, %and3A_1001 : vector<16xi32>
        %gather3A_1003 = tpu.vector_load_idx %arg18[%add3A_159, %add3A_1002] : memref<64x128xf32, #tpu.memory_space<vmem>>[vector<16xi32>, vector<16xi32>], vector<16xf32>,
        %add3A_1004 = arith.addi %get3A_282, %and3A_1001 : vector<16xi32>
        %gather3A_1005 = tpu.vector_load_idx %arg19[%add3A_159, %add3A_1004] : memref<64x128xf32, #tpu.memory_space<vmem>>[vector<16xi32>, vector<16xi32>], vector<16xf32>,
        %mul3A_1006 = arith.mulf %gather3A_1003, %gather3A_1005 : vector<16xf32>
        %add3A_1007 = arith.addf %scan3A_983, %mul3A_1006 : vector<16xf32>
        %add3A_1008 = arith.addi %gather3A, %and3A_1001 : vector<16xi32>
        %gather3A_1009 = tpu.vector_load_idx %arg20[%add3A_171, %add3A_1008] : memref<640x128xf32, #tpu.memory_space<vmem>>[vector<16xi32>, vector<16xi32>], vector<16xf32>,
        %mul3A_1010 = arith.mulf %gather3A_1009, %gather3A_1003 : vector<16xf32>
        %add3A_1011 = arith.addf %scan3A_984, %mul3A_1010 : vector<16xf32>
        %add3A_1012 = arith.addi %gather3A_283, %and3A_1001 : vector<16xi32>
        %gather3A_1013 = tpu.vector_load_idx %arg20[%add3A_183, %add3A_1012] : memref<640x128xf32, #tpu.memory_space<vmem>>[vector<16xi32>, vector<16xi32>], vector<16xf32>,
        %mul3A_1014 = arith.mulf %gather3A_1013, %gather3A_1003 : vector<16xf32>
        %add3A_1015 = arith.addf %scan3A_985, %mul3A_1014 : vector<16xf32>
        %add3A_1016 = arith.addi %gather3A_284, %and3A_1001 : vector<16xi32>
        %gather3A_1017 = tpu.vector_load_idx %arg20[%add3A_195, %add3A_1016] : memref<640x128xf32, #tpu.memory_space<vmem>>[vector<16xi32>, vector<16xi32>], vector<16xf32>,
        %mul3A_1018 = arith.mulf %gather3A_1017, %gather3A_1003 : vector<16xf32>
        %add3A_1019 = arith.addf %scan3A_986, %mul3A_1018 : vector<16xf32>
        %add3A_1020 = arith.addi %gather3A_285, %and3A_1001 : vector<16xi32>
        %gather3A_1021 = tpu.vector_load_idx %arg20[%add3A_207, %add3A_1020] : memref<640x128xf32, #tpu.memory_space<vmem>>[vector<16xi32>, vector<16xi32>], vector<16xf32>,
        %mul3A_1022 = arith.mulf %gather3A_1021, %gather3A_1003 : vector<16xf32>
        %add3A_1023 = arith.addf %scan3A_987, %mul3A_1022 : vector<16xf32>
        %add3A_1024 = arith.addi %gather3A_286, %and3A_1001 : vector<16xi32>
        %gather3A_1025 = tpu.vector_load_idx %arg20[%add3A_219, %add3A_1024] : memref<640x128xf32, #tpu.memory_space<vmem>>[vector<16xi32>, vector<16xi32>], vector<16xf32>,
        %mul3A_1026 = arith.mulf %gather3A_1025, %gather3A_1003 : vector<16xf32>
        %add3A_1027 = arith.addf %scan3A_988, %mul3A_1026 : vector<16xf32>
        %add3A_1028 = arith.addi %gather3A_287, %and3A_1001 : vector<16xi32>
        %gather3A_1029 = tpu.vector_load_idx %arg20[%add3A_231, %add3A_1028] : memref<640x128xf32, #tpu.memory_space<vmem>>[vector<16xi32>, vector<16xi32>], vector<16xf32>,
        %mul3A_1030 = arith.mulf %gather3A_1029, %gather3A_1003 : vector<16xf32>
        %add3A_1031 = arith.addf %scan3A_989, %mul3A_1030 : vector<16xf32>
        %add3A_1032 = arith.addi %gather3A_288, %and3A_1001 : vector<16xi32>
        %gather3A_1033 = tpu.vector_load_idx %arg20[%add3A_243, %add3A_1032] : memref<640x128xf32, #tpu.memory_space<vmem>>[vector<16xi32>, vector<16xi32>], vector<16xf32>,
        %mul3A_1034 = arith.mulf %gather3A_1033, %gather3A_1003 : vector<16xf32>
        %add3A_1035 = arith.addf %scan3A_990, %mul3A_1034 : vector<16xf32>
        %add3A_1036 = arith.addi %gather3A_289, %and3A_1001 : vector<16xi32>
        %gather3A_1037 = tpu.vector_load_idx %arg20[%add3A_255, %add3A_1036] : memref<640x128xf32, #tpu.memory_space<vmem>>[vector<16xi32>, vector<16xi32>], vector<16xf32>,
        %mul3A_1038 = arith.mulf %gather3A_1037, %gather3A_1003 : vector<16xf32>
        %add3A_1039 = arith.addf %scan3A_991, %mul3A_1038 : vector<16xf32>
        %add3A_1040 = arith.addi %gather3A_290, %and3A_1001 : vector<16xi32>
        %gather3A_1041 = tpu.vector_load_idx %arg20[%add3A_267, %add3A_1040] : memref<640x128xf32, #tpu.memory_space<vmem>>[vector<16xi32>, vector<16xi32>], vector<16xf32>,
        %mul3A_1042 = arith.mulf %gather3A_1041, %gather3A_1003 : vector<16xf32>
        %add3A_1043 = arith.addf %scan3A_992, %mul3A_1042 : vector<16xf32>
        %add3A_1044 = arith.addi %gather3A_291, %and3A_1001 : vector<16xi32>
        %gather3A_1045 = tpu.vector_load_idx %arg20[%add3A_279, %add3A_1044] : memref<640x128xf32, #tpu.memory_space<vmem>>[vector<16xi32>, vector<16xi32>], vector<16xf32>,
        %mul3A_1046 = arith.mulf %gather3A_1045, %gather3A_1003 : vector<16xf32>
        %add3A_1047 = arith.addf %scan3A_993, %mul3A_1046 : vector<16xf32>
        %add3A_1048 = arith.constant 1 : i32
        %add3A_1049 = arith.addi %mul3A_995, %add3A_1048 : i32
        %add3A_1050 = vector.broadcast %add3A_1049 : i32 to vector<16xi32>
        %add3A_1051 = arith.addi %mul3A_294, %add3A_1050 : vector<16xi32>
        %and3A_1052 = arith.constant 63 : i32
        %and3A_1053 = vector.broadcast %and3A_1052 : i32 to vector<16xi32>
        %and3A_1054 = arith.andi %add3A_1051, %and3A_1053 : vector<16xi32>
        %add3A_1055 = arith.addi %get3A_280, %and3A_1054 : vector<16xi32>
        %gather3A_1056 = tpu.vector_load_idx %arg18[%add3A_159, %add3A_1055] : memref<64x128xf32, #tpu.memory_space<vmem>>[vector<16xi32>, vector<16xi32>], vector<16xf32>,
        %add3A_1057 = arith.addi %get3A_282, %and3A_1054 : vector<16xi32>
        %gather3A_1058 = tpu.vector_load_idx %arg19[%add3A_159, %add3A_1057] : memref<64x128xf32, #tpu.memory_space<vmem>>[vector<16xi32>, vector<16xi32>], vector<16xf32>,
        %mul3A_1059 = arith.mulf %gather3A_1056, %gather3A_1058 : vector<16xf32>
        %add3A_1060 = arith.addf %add3A_1007, %mul3A_1059 : vector<16xf32>
        %add3A_1061 = arith.addi %gather3A, %and3A_1054 : vector<16xi32>
        %gather3A_1062 = tpu.vector_load_idx %arg20[%add3A_171, %add3A_1061] : memref<640x128xf32, #tpu.memory_space<vmem>>[vector<16xi32>, vector<16xi32>], vector<16xf32>,
        %mul3A_1063 = arith.mulf %gather3A_1062, %gather3A_1056 : vector<16xf32>
        %add3A_1064 = arith.addf %add3A_1011, %mul3A_1063 : vector<16xf32>
        %add3A_1065 = arith.addi %gather3A_283, %and3A_1054 : vector<16xi32>
        %gather3A_1066 = tpu.vector_load_idx %arg20[%add3A_183, %add3A_1065] : memref<640x128xf32, #tpu.memory_space<vmem>>[vector<16xi32>, vector<16xi32>], vector<16xf32>,
        %mul3A_1067 = arith.mulf %gather3A_1066, %gather3A_1056 : vector<16xf32>
        %add3A_1068 = arith.addf %add3A_1015, %mul3A_1067 : vector<16xf32>
        %add3A_1069 = arith.addi %gather3A_284, %and3A_1054 : vector<16xi32>
        %gather3A_1070 = tpu.vector_load_idx %arg20[%add3A_195, %add3A_1069] : memref<640x128xf32, #tpu.memory_space<vmem>>[vector<16xi32>, vector<16xi32>], vector<16xf32>,
        %mul3A_1071 = arith.mulf %gather3A_1070, %gather3A_1056 : vector<16xf32>
        %add3A_1072 = arith.addf %add3A_1019, %mul3A_1071 : vector<16xf32>
        %add3A_1073 = arith.addi %gather3A_285, %and3A_1054 : vector<16xi32>
        %gather3A_1074 = tpu.vector_load_idx %arg20[%add3A_207, %add3A_1073] : memref<640x128xf32, #tpu.memory_space<vmem>>[vector<16xi32>, vector<16xi32>], vector<16xf32>,
        %mul3A_1075 = arith.mulf %gather3A_1074, %gather3A_1056 : vector<16xf32>
        %add3A_1076 = arith.addf %add3A_1023, %mul3A_1075 : vector<16xf32>
        %add3A_1077 = arith.addi %gather3A_286, %and3A_1054 : vector<16xi32>
        %gather3A_1078 = tpu.vector_load_idx %arg20[%add3A_219, %add3A_1077] : memref<640x128xf32, #tpu.memory_space<vmem>>[vector<16xi32>, vector<16xi32>], vector<16xf32>,
        %mul3A_1079 = arith.mulf %gather3A_1078, %gather3A_1056 : vector<16xf32>
        %add3A_1080 = arith.addf %add3A_1027, %mul3A_1079 : vector<16xf32>
        %add3A_1081 = arith.addi %gather3A_287, %and3A_1054 : vector<16xi32>
        %gather3A_1082 = tpu.vector_load_idx %arg20[%add3A_231, %add3A_1081] : memref<640x128xf32, #tpu.memory_space<vmem>>[vector<16xi32>, vector<16xi32>], vector<16xf32>,
        %mul3A_1083 = arith.mulf %gather3A_1082, %gather3A_1056 : vector<16xf32>
        %add3A_1084 = arith.addf %add3A_1031, %mul3A_1083 : vector<16xf32>
        %add3A_1085 = arith.addi %gather3A_288, %and3A_1054 : vector<16xi32>
        %gather3A_1086 = tpu.vector_load_idx %arg20[%add3A_243, %add3A_1085] : memref<640x128xf32, #tpu.memory_space<vmem>>[vector<16xi32>, vector<16xi32>], vector<16xf32>,
        %mul3A_1087 = arith.mulf %gather3A_1086, %gather3A_1056 : vector<16xf32>
        %add3A_1088 = arith.addf %add3A_1035, %mul3A_1087 : vector<16xf32>
        %add3A_1089 = arith.addi %gather3A_289, %and3A_1054 : vector<16xi32>
        %gather3A_1090 = tpu.vector_load_idx %arg20[%add3A_255, %add3A_1089] : memref<640x128xf32, #tpu.memory_space<vmem>>[vector<16xi32>, vector<16xi32>], vector<16xf32>,
        %mul3A_1091 = arith.mulf %gather3A_1090, %gather3A_1056 : vector<16xf32>
        %add3A_1092 = arith.addf %add3A_1039, %mul3A_1091 : vector<16xf32>
        %add3A_1093 = arith.addi %gather3A_290, %and3A_1054 : vector<16xi32>
        %gather3A_1094 = tpu.vector_load_idx %arg20[%add3A_267, %add3A_1093] : memref<640x128xf32, #tpu.memory_space<vmem>>[vector<16xi32>, vector<16xi32>], vector<16xf32>,
        %mul3A_1095 = arith.mulf %gather3A_1094, %gather3A_1056 : vector<16xf32>
        %add3A_1096 = arith.addf %add3A_1043, %mul3A_1095 : vector<16xf32>
        %add3A_1097 = arith.addi %gather3A_291, %and3A_1054 : vector<16xi32>
        %gather3A_1098 = tpu.vector_load_idx %arg20[%add3A_279, %add3A_1097] : memref<640x128xf32, #tpu.memory_space<vmem>>[vector<16xi32>, vector<16xi32>], vector<16xf32>,
        %mul3A_1099 = arith.mulf %gather3A_1098, %gather3A_1056 : vector<16xf32>
        %add3A_1100 = arith.addf %add3A_1047, %mul3A_1099 : vector<16xf32>
        %add3A_1101 = arith.constant 2 : i32
        %add3A_1102 = arith.addi %mul3A_995, %add3A_1101 : i32
        %add3A_1103 = vector.broadcast %add3A_1102 : i32 to vector<16xi32>
        %add3A_1104 = arith.addi %mul3A_294, %add3A_1103 : vector<16xi32>
        %and3A_1105 = arith.constant 63 : i32
        %and3A_1106 = vector.broadcast %and3A_1105 : i32 to vector<16xi32>
        %and3A_1107 = arith.andi %add3A_1104, %and3A_1106 : vector<16xi32>
        %add3A_1108 = arith.addi %get3A_280, %and3A_1107 : vector<16xi32>
        %gather3A_1109 = tpu.vector_load_idx %arg18[%add3A_159, %add3A_1108] : memref<64x128xf32, #tpu.memory_space<vmem>>[vector<16xi32>, vector<16xi32>], vector<16xf32>,
        %add3A_1110 = arith.addi %get3A_282, %and3A_1107 : vector<16xi32>
        %gather3A_1111 = tpu.vector_load_idx %arg19[%add3A_159, %add3A_1110] : memref<64x128xf32, #tpu.memory_space<vmem>>[vector<16xi32>, vector<16xi32>], vector<16xf32>,
        %mul3A_1112 = arith.mulf %gather3A_1109, %gather3A_1111 : vector<16xf32>
        %add3A_1113 = arith.addf %add3A_1060, %mul3A_1112 : vector<16xf32>
        %add3A_1114 = arith.addi %gather3A, %and3A_1107 : vector<16xi32>
        %gather3A_1115 = tpu.vector_load_idx %arg20[%add3A_171, %add3A_1114] : memref<640x128xf32, #tpu.memory_space<vmem>>[vector<16xi32>, vector<16xi32>], vector<16xf32>,
        %mul3A_1116 = arith.mulf %gather3A_1115, %gather3A_1109 : vector<16xf32>
        %add3A_1117 = arith.addf %add3A_1064, %mul3A_1116 : vector<16xf32>
        %add3A_1118 = arith.addi %gather3A_283, %and3A_1107 : vector<16xi32>
        %gather3A_1119 = tpu.vector_load_idx %arg20[%add3A_183, %add3A_1118] : memref<640x128xf32, #tpu.memory_space<vmem>>[vector<16xi32>, vector<16xi32>], vector<16xf32>,
        %mul3A_1120 = arith.mulf %gather3A_1119, %gather3A_1109 : vector<16xf32>
        %add3A_1121 = arith.addf %add3A_1068, %mul3A_1120 : vector<16xf32>
        %add3A_1122 = arith.addi %gather3A_284, %and3A_1107 : vector<16xi32>
        %gather3A_1123 = tpu.vector_load_idx %arg20[%add3A_195, %add3A_1122] : memref<640x128xf32, #tpu.memory_space<vmem>>[vector<16xi32>, vector<16xi32>], vector<16xf32>,
        %mul3A_1124 = arith.mulf %gather3A_1123, %gather3A_1109 : vector<16xf32>
        %add3A_1125 = arith.addf %add3A_1072, %mul3A_1124 : vector<16xf32>
        %add3A_1126 = arith.addi %gather3A_285, %and3A_1107 : vector<16xi32>
        %gather3A_1127 = tpu.vector_load_idx %arg20[%add3A_207, %add3A_1126] : memref<640x128xf32, #tpu.memory_space<vmem>>[vector<16xi32>, vector<16xi32>], vector<16xf32>,
        %mul3A_1128 = arith.mulf %gather3A_1127, %gather3A_1109 : vector<16xf32>
        %add3A_1129 = arith.addf %add3A_1076, %mul3A_1128 : vector<16xf32>
        %add3A_1130 = arith.addi %gather3A_286, %and3A_1107 : vector<16xi32>
        %gather3A_1131 = tpu.vector_load_idx %arg20[%add3A_219, %add3A_1130] : memref<640x128xf32, #tpu.memory_space<vmem>>[vector<16xi32>, vector<16xi32>], vector<16xf32>,
        %mul3A_1132 = arith.mulf %gather3A_1131, %gather3A_1109 : vector<16xf32>
        %add3A_1133 = arith.addf %add3A_1080, %mul3A_1132 : vector<16xf32>
        %add3A_1134 = arith.addi %gather3A_287, %and3A_1107 : vector<16xi32>
        %gather3A_1135 = tpu.vector_load_idx %arg20[%add3A_231, %add3A_1134] : memref<640x128xf32, #tpu.memory_space<vmem>>[vector<16xi32>, vector<16xi32>], vector<16xf32>,
        %mul3A_1136 = arith.mulf %gather3A_1135, %gather3A_1109 : vector<16xf32>
        %add3A_1137 = arith.addf %add3A_1084, %mul3A_1136 : vector<16xf32>
        %add3A_1138 = arith.addi %gather3A_288, %and3A_1107 : vector<16xi32>
        %gather3A_1139 = tpu.vector_load_idx %arg20[%add3A_243, %add3A_1138] : memref<640x128xf32, #tpu.memory_space<vmem>>[vector<16xi32>, vector<16xi32>], vector<16xf32>,
        %mul3A_1140 = arith.mulf %gather3A_1139, %gather3A_1109 : vector<16xf32>
        %add3A_1141 = arith.addf %add3A_1088, %mul3A_1140 : vector<16xf32>
        %add3A_1142 = arith.addi %gather3A_289, %and3A_1107 : vector<16xi32>
        %gather3A_1143 = tpu.vector_load_idx %arg20[%add3A_255, %add3A_1142] : memref<640x128xf32, #tpu.memory_space<vmem>>[vector<16xi32>, vector<16xi32>], vector<16xf32>,
        %mul3A_1144 = arith.mulf %gather3A_1143, %gather3A_1109 : vector<16xf32>
        %add3A_1145 = arith.addf %add3A_1092, %mul3A_1144 : vector<16xf32>
        %add3A_1146 = arith.addi %gather3A_290, %and3A_1107 : vector<16xi32>
        %gather3A_1147 = tpu.vector_load_idx %arg20[%add3A_267, %add3A_1146] : memref<640x128xf32, #tpu.memory_space<vmem>>[vector<16xi32>, vector<16xi32>], vector<16xf32>,
        %mul3A_1148 = arith.mulf %gather3A_1147, %gather3A_1109 : vector<16xf32>
        %add3A_1149 = arith.addf %add3A_1096, %mul3A_1148 : vector<16xf32>
        %add3A_1150 = arith.addi %gather3A_291, %and3A_1107 : vector<16xi32>
        %gather3A_1151 = tpu.vector_load_idx %arg20[%add3A_279, %add3A_1150] : memref<640x128xf32, #tpu.memory_space<vmem>>[vector<16xi32>, vector<16xi32>], vector<16xf32>,
        %mul3A_1152 = arith.mulf %gather3A_1151, %gather3A_1109 : vector<16xf32>
        %add3A_1153 = arith.addf %add3A_1100, %mul3A_1152 : vector<16xf32>
        %add3A_1154 = arith.constant 3 : i32
        %add3A_1155 = arith.addi %mul3A_995, %add3A_1154 : i32
        %add3A_1156 = vector.broadcast %add3A_1155 : i32 to vector<16xi32>
        %add3A_1157 = arith.addi %mul3A_294, %add3A_1156 : vector<16xi32>
        %and3A_1158 = arith.constant 63 : i32
        %and3A_1159 = vector.broadcast %and3A_1158 : i32 to vector<16xi32>
        %and3A_1160 = arith.andi %add3A_1157, %and3A_1159 : vector<16xi32>
        %add3A_1161 = arith.addi %get3A_280, %and3A_1160 : vector<16xi32>
        %gather3A_1162 = tpu.vector_load_idx %arg18[%add3A_159, %add3A_1161] : memref<64x128xf32, #tpu.memory_space<vmem>>[vector<16xi32>, vector<16xi32>], vector<16xf32>,
        %add3A_1163 = arith.addi %get3A_282, %and3A_1160 : vector<16xi32>
        %gather3A_1164 = tpu.vector_load_idx %arg19[%add3A_159, %add3A_1163] : memref<64x128xf32, #tpu.memory_space<vmem>>[vector<16xi32>, vector<16xi32>], vector<16xf32>,
        %mul3A_1165 = arith.mulf %gather3A_1162, %gather3A_1164 : vector<16xf32>
        %add3A_1166 = arith.addf %add3A_1113, %mul3A_1165 : vector<16xf32>
        %add3A_1167 = arith.addi %gather3A, %and3A_1160 : vector<16xi32>
        %gather3A_1168 = tpu.vector_load_idx %arg20[%add3A_171, %add3A_1167] : memref<640x128xf32, #tpu.memory_space<vmem>>[vector<16xi32>, vector<16xi32>], vector<16xf32>,
        %mul3A_1169 = arith.mulf %gather3A_1168, %gather3A_1162 : vector<16xf32>
        %add3A_1170 = arith.addf %add3A_1117, %mul3A_1169 : vector<16xf32>
        %add3A_1171 = arith.addi %gather3A_283, %and3A_1160 : vector<16xi32>
        %gather3A_1172 = tpu.vector_load_idx %arg20[%add3A_183, %add3A_1171] : memref<640x128xf32, #tpu.memory_space<vmem>>[vector<16xi32>, vector<16xi32>], vector<16xf32>,
        %mul3A_1173 = arith.mulf %gather3A_1172, %gather3A_1162 : vector<16xf32>
        %add3A_1174 = arith.addf %add3A_1121, %mul3A_1173 : vector<16xf32>
        %add3A_1175 = arith.addi %gather3A_284, %and3A_1160 : vector<16xi32>
        %gather3A_1176 = tpu.vector_load_idx %arg20[%add3A_195, %add3A_1175] : memref<640x128xf32, #tpu.memory_space<vmem>>[vector<16xi32>, vector<16xi32>], vector<16xf32>,
        %mul3A_1177 = arith.mulf %gather3A_1176, %gather3A_1162 : vector<16xf32>
        %add3A_1178 = arith.addf %add3A_1125, %mul3A_1177 : vector<16xf32>
        %add3A_1179 = arith.addi %gather3A_285, %and3A_1160 : vector<16xi32>
        %gather3A_1180 = tpu.vector_load_idx %arg20[%add3A_207, %add3A_1179] : memref<640x128xf32, #tpu.memory_space<vmem>>[vector<16xi32>, vector<16xi32>], vector<16xf32>,
        %mul3A_1181 = arith.mulf %gather3A_1180, %gather3A_1162 : vector<16xf32>
        %add3A_1182 = arith.addf %add3A_1129, %mul3A_1181 : vector<16xf32>
        %add3A_1183 = arith.addi %gather3A_286, %and3A_1160 : vector<16xi32>
        %gather3A_1184 = tpu.vector_load_idx %arg20[%add3A_219, %add3A_1183] : memref<640x128xf32, #tpu.memory_space<vmem>>[vector<16xi32>, vector<16xi32>], vector<16xf32>,
        %mul3A_1185 = arith.mulf %gather3A_1184, %gather3A_1162 : vector<16xf32>
        %add3A_1186 = arith.addf %add3A_1133, %mul3A_1185 : vector<16xf32>
        %add3A_1187 = arith.addi %gather3A_287, %and3A_1160 : vector<16xi32>
        %gather3A_1188 = tpu.vector_load_idx %arg20[%add3A_231, %add3A_1187] : memref<640x128xf32, #tpu.memory_space<vmem>>[vector<16xi32>, vector<16xi32>], vector<16xf32>,
        %mul3A_1189 = arith.mulf %gather3A_1188, %gather3A_1162 : vector<16xf32>
        %add3A_1190 = arith.addf %add3A_1137, %mul3A_1189 : vector<16xf32>
        %add3A_1191 = arith.addi %gather3A_288, %and3A_1160 : vector<16xi32>
        %gather3A_1192 = tpu.vector_load_idx %arg20[%add3A_243, %add3A_1191] : memref<640x128xf32, #tpu.memory_space<vmem>>[vector<16xi32>, vector<16xi32>], vector<16xf32>,
        %mul3A_1193 = arith.mulf %gather3A_1192, %gather3A_1162 : vector<16xf32>
        %add3A_1194 = arith.addf %add3A_1141, %mul3A_1193 : vector<16xf32>
        %add3A_1195 = arith.addi %gather3A_289, %and3A_1160 : vector<16xi32>
        %gather3A_1196 = tpu.vector_load_idx %arg20[%add3A_255, %add3A_1195] : memref<640x128xf32, #tpu.memory_space<vmem>>[vector<16xi32>, vector<16xi32>], vector<16xf32>,
        %mul3A_1197 = arith.mulf %gather3A_1196, %gather3A_1162 : vector<16xf32>
        %add3A_1198 = arith.addf %add3A_1145, %mul3A_1197 : vector<16xf32>
        %add3A_1199 = arith.addi %gather3A_290, %and3A_1160 : vector<16xi32>
        %gather3A_1200 = tpu.vector_load_idx %arg20[%add3A_267, %add3A_1199] : memref<640x128xf32, #tpu.memory_space<vmem>>[vector<16xi32>, vector<16xi32>], vector<16xf32>,
        %mul3A_1201 = arith.mulf %gather3A_1200, %gather3A_1162 : vector<16xf32>
        %add3A_1202 = arith.addf %add3A_1149, %mul3A_1201 : vector<16xf32>
        %add3A_1203 = arith.addi %gather3A_291, %and3A_1160 : vector<16xi32>
        %gather3A_1204 = tpu.vector_load_idx %arg20[%add3A_279, %add3A_1203] : memref<640x128xf32, #tpu.memory_space<vmem>>[vector<16xi32>, vector<16xi32>], vector<16xf32>,
        %mul3A_1205 = arith.mulf %gather3A_1204, %gather3A_1162 : vector<16xf32>
        %add3A_1206 = arith.addf %add3A_1153, %mul3A_1205 : vector<16xf32>
        scf.yield %add3A_1166, %add3A_1170, %add3A_1174, %add3A_1178, %add3A_1182, %add3A_1186, %add3A_1190, %add3A_1194, %add3A_1198, %add3A_1202, %add3A_1206 : vector<16xf32>, vector<16xf32>, vector<16xf32>, vector<16xf32>, vector<16xf32>, vector<16xf32>, vector<16xf32>, vector<16xf32>, vector<16xf32>, vector<16xf32>, vector<16xf32>
      }
      %scan3A_301 = arith.constant 16 : i32
      %swap3A = arith.constant 0 : index
      %swap3A_302 = tpu.vector_load %arg21[%swap3A] {strides = array<i32>} : memref<32xf32, #tpu.memory_space<vmem>>, vector<16xf32>,
      tpu.vector_store %arg21[%swap3A], %scan3A_300#0 {strides = array<i32>} : memref<32xf32, #tpu.memory_space<vmem>>, vector<16xf32>,
      %swap3A_303 = arith.constant 0 : i32
      %swap3A_304 = arith.index_cast %swap3A_303 : i32 to index
      %swap3A_305 = arith.constant 0 : index
      %swap3A_306 = tpu.vector_load %arg22[%swap3A_304, %swap3A_305] {strides = array<i32>} : memref<10x32xf32, #tpu.memory_space<vmem>>, vector<16xf32>,
      tpu.vector_store %arg22[%swap3A_304, %swap3A_305], %scan3A_300#1 {strides = array<i32>} : memref<10x32xf32, #tpu.memory_space<vmem>>, vector<16xf32>,
      %swap3A_307 = arith.constant 1 : i32
      %swap3A_308 = arith.index_cast %swap3A_307 : i32 to index
      %swap3A_309 = arith.constant 0 : index
      %swap3A_310 = tpu.vector_load %arg22[%swap3A_308, %swap3A_309] {strides = array<i32>} : memref<10x32xf32, #tpu.memory_space<vmem>>, vector<16xf32>,
      tpu.vector_store %arg22[%swap3A_308, %swap3A_309], %scan3A_300#2 {strides = array<i32>} : memref<10x32xf32, #tpu.memory_space<vmem>>, vector<16xf32>,
      %swap3A_311 = arith.constant 2 : i32
      %swap3A_312 = arith.index_cast %swap3A_311 : i32 to index
      %swap3A_313 = arith.constant 0 : index
      %swap3A_314 = tpu.vector_load %arg22[%swap3A_312, %swap3A_313] {strides = array<i32>} : memref<10x32xf32, #tpu.memory_space<vmem>>, vector<16xf32>,
      tpu.vector_store %arg22[%swap3A_312, %swap3A_313], %scan3A_300#3 {strides = array<i32>} : memref<10x32xf32, #tpu.memory_space<vmem>>, vector<16xf32>,
      %swap3A_315 = arith.constant 3 : i32
      %swap3A_316 = arith.index_cast %swap3A_315 : i32 to index
      %swap3A_317 = arith.constant 0 : index
      %swap3A_318 = tpu.vector_load %arg22[%swap3A_316, %swap3A_317] {strides = array<i32>} : memref<10x32xf32, #tpu.memory_space<vmem>>, vector<16xf32>,
      tpu.vector_store %arg22[%swap3A_316, %swap3A_317], %scan3A_300#4 {strides = array<i32>} : memref<10x32xf32, #tpu.memory_space<vmem>>, vector<16xf32>,
      %swap3A_319 = arith.constant 4 : i32
      %swap3A_320 = arith.index_cast %swap3A_319 : i32 to index
      %swap3A_321 = arith.constant 0 : index
      %swap3A_322 = tpu.vector_load %arg22[%swap3A_320, %swap3A_321] {strides = array<i32>} : memref<10x32xf32, #tpu.memory_space<vmem>>, vector<16xf32>,
      tpu.vector_store %arg22[%swap3A_320, %swap3A_321], %scan3A_300#5 {strides = array<i32>} : memref<10x32xf32, #tpu.memory_space<vmem>>, vector<16xf32>,
      %swap3A_323 = arith.constant 5 : i32
      %swap3A_324 = arith.index_cast %swap3A_323 : i32 to index
      %swap3A_325 = arith.constant 0 : index
      %swap3A_326 = tpu.vector_load %arg22[%swap3A_324, %swap3A_325] {strides = array<i32>} : memref<10x32xf32, #tpu.memory_space<vmem>>, vector<16xf32>,
      tpu.vector_store %arg22[%swap3A_324, %swap3A_325], %scan3A_300#6 {strides = array<i32>} : memref<10x32xf32, #tpu.memory_space<vmem>>, vector<16xf32>,
      %swap3A_327 = arith.constant 6 : i32
      %swap3A_328 = arith.index_cast %swap3A_327 : i32 to index
      %swap3A_329 = arith.constant 0 : index
      %swap3A_330 = tpu.vector_load %arg22[%swap3A_328, %swap3A_329] {strides = array<i32>} : memref<10x32xf32, #tpu.memory_space<vmem>>, vector<16xf32>,
      tpu.vector_store %arg22[%swap3A_328, %swap3A_329], %scan3A_300#7 {strides = array<i32>} : memref<10x32xf32, #tpu.memory_space<vmem>>, vector<16xf32>,
      %swap3A_331 = arith.constant 7 : i32
      %swap3A_332 = arith.index_cast %swap3A_331 : i32 to index
      %swap3A_333 = arith.constant 0 : index
      %swap3A_334 = tpu.vector_load %arg22[%swap3A_332, %swap3A_333] {strides = array<i32>} : memref<10x32xf32, #tpu.memory_space<vmem>>, vector<16xf32>,
      tpu.vector_store %arg22[%swap3A_332, %swap3A_333], %scan3A_300#8 {strides = array<i32>} : memref<10x32xf32, #tpu.memory_space<vmem>>, vector<16xf32>,
      %swap3A_335 = arith.constant 8 : i32
      %swap3A_336 = arith.index_cast %swap3A_335 : i32 to index
      %swap3A_337 = arith.constant 0 : index
      %swap3A_338 = tpu.vector_load %arg22[%swap3A_336, %swap3A_337] {strides = array<i32>} : memref<10x32xf32, #tpu.memory_space<vmem>>, vector<16xf32>,
      tpu.vector_store %arg22[%swap3A_336, %swap3A_337], %scan3A_300#9 {strides = array<i32>} : memref<10x32xf32, #tpu.memory_space<vmem>>, vector<16xf32>,
      %swap3A_339 = arith.constant 9 : i32
      %swap3A_340 = arith.index_cast %swap3A_339 : i32 to index
      %swap3A_341 = arith.constant 0 : index
      %swap3A_342 = tpu.vector_load %arg22[%swap3A_340, %swap3A_341] {strides = array<i32>} : memref<10x32xf32, #tpu.memory_space<vmem>>, vector<16xf32>,
      tpu.vector_store %arg22[%swap3A_340, %swap3A_341], %scan3A_300#10 {strides = array<i32>} : memref<10x32xf32, #tpu.memory_space<vmem>>, vector<16xf32>,
      %add3A_343 = arith.constant 16 : i32
      %add3A_344 = vector.broadcast %add3A_343 : i32 to vector<16xi32>
      %add3A_345 = arith.addi %iota3A, %add3A_344 : vector<16xi32>
      %add3A_346 = arith.constant 0 : i32
      %add3A_347 = vector.broadcast %add3A_346 : i32 to vector<16xi32>
      %add3A_348 = arith.addi %add3A_345, %add3A_347 : vector<16xi32>
      %add3A_349 = arith.constant 16 : i32
      %add3A_350 = vector.broadcast %add3A_349 : i32 to vector<16xi32>
      %add3A_351 = arith.addi %iota3A, %add3A_350 : vector<16xi32>
      %mul3A_352 = arith.constant 10 : i32
      %mul3A_353 = vector.broadcast %mul3A_352 : i32 to vector<16xi32>
      %mul3A_354 = arith.muli %add3A_351, %mul3A_353 : vector<16xi32>
      %add3A_355 = arith.constant 0 : i32
      %add3A_356 = vector.broadcast %add3A_355 : i32 to vector<16xi32>
      %add3A_357 = arith.addi %mul3A_354, %add3A_356 : vector<16xi32>
      %add3A_358 = arith.constant 0 : i32
      %add3A_359 = vector.broadcast %add3A_358 : i32 to vector<16xi32>
      %add3A_360 = arith.addi %add3A_357, %add3A_359 : vector<16xi32>
      %add3A_361 = arith.constant 16 : i32
      %add3A_362 = vector.broadcast %add3A_361 : i32 to vector<16xi32>
      %add3A_363 = arith.addi %iota3A, %add3A_362 : vector<16xi32>
      %mul3A_364 = arith.constant 10 : i32
      %mul3A_365 = vector.broadcast %mul3A_364 : i32 to vector<16xi32>
      %mul3A_366 = arith.muli %add3A_363, %mul3A_365 : vector<16xi32>
      %add3A_367 = arith.constant 1 : i32
      %add3A_368 = vector.broadcast %add3A_367 : i32 to vector<16xi32>
      %add3A_369 = arith.addi %mul3A_366, %add3A_368 : vector<16xi32>
      %add3A_370 = arith.constant 0 : i32
      %add3A_371 = vector.broadcast %add3A_370 : i32 to vector<16xi32>
      %add3A_372 = arith.addi %add3A_369, %add3A_371 : vector<16xi32>
      %add3A_373 = arith.constant 16 : i32
      %add3A_374 = vector.broadcast %add3A_373 : i32 to vector<16xi32>
      %add3A_375 = arith.addi %iota3A, %add3A_374 : vector<16xi32>
      %mul3A_376 = arith.constant 10 : i32
      %mul3A_377 = vector.broadcast %mul3A_376 : i32 to vector<16xi32>
      %mul3A_378 = arith.muli %add3A_375, %mul3A_377 : vector<16xi32>
      %add3A_379 = arith.constant 2 : i32
      %add3A_380 = vector.broadcast %add3A_379 : i32 to vector<16xi32>
      %add3A_381 = arith.addi %mul3A_378, %add3A_380 : vector<16xi32>
      %add3A_382 = arith.constant 0 : i32
      %add3A_383 = vector.broadcast %add3A_382 : i32 to vector<16xi32>
      %add3A_384 = arith.addi %add3A_381, %add3A_383 : vector<16xi32>
      %add3A_385 = arith.constant 16 : i32
      %add3A_386 = vector.broadcast %add3A_385 : i32 to vector<16xi32>
      %add3A_387 = arith.addi %iota3A, %add3A_386 : vector<16xi32>
      %mul3A_388 = arith.constant 10 : i32
      %mul3A_389 = vector.broadcast %mul3A_388 : i32 to vector<16xi32>
      %mul3A_390 = arith.muli %add3A_387, %mul3A_389 : vector<16xi32>
      %add3A_391 = arith.constant 3 : i32
      %add3A_392 = vector.broadcast %add3A_391 : i32 to vector<16xi32>
      %add3A_393 = arith.addi %mul3A_390, %add3A_392 : vector<16xi32>
      %add3A_394 = arith.constant 0 : i32
      %add3A_395 = vector.broadcast %add3A_394 : i32 to vector<16xi32>
      %add3A_396 = arith.addi %add3A_393, %add3A_395 : vector<16xi32>
      %add3A_397 = arith.constant 16 : i32
      %add3A_398 = vector.broadcast %add3A_397 : i32 to vector<16xi32>
      %add3A_399 = arith.addi %iota3A, %add3A_398 : vector<16xi32>
      %mul3A_400 = arith.constant 10 : i32
      %mul3A_401 = vector.broadcast %mul3A_400 : i32 to vector<16xi32>
      %mul3A_402 = arith.muli %add3A_399, %mul3A_401 : vector<16xi32>
      %add3A_403 = arith.constant 4 : i32
      %add3A_404 = vector.broadcast %add3A_403 : i32 to vector<16xi32>
      %add3A_405 = arith.addi %mul3A_402, %add3A_404 : vector<16xi32>
      %add3A_406 = arith.constant 0 : i32
      %add3A_407 = vector.broadcast %add3A_406 : i32 to vector<16xi32>
      %add3A_408 = arith.addi %add3A_405, %add3A_407 : vector<16xi32>
      %add3A_409 = arith.constant 16 : i32
      %add3A_410 = vector.broadcast %add3A_409 : i32 to vector<16xi32>
      %add3A_411 = arith.addi %iota3A, %add3A_410 : vector<16xi32>
      %mul3A_412 = arith.constant 10 : i32
      %mul3A_413 = vector.broadcast %mul3A_412 : i32 to vector<16xi32>
      %mul3A_414 = arith.muli %add3A_411, %mul3A_413 : vector<16xi32>
      %add3A_415 = arith.constant 5 : i32
      %add3A_416 = vector.broadcast %add3A_415 : i32 to vector<16xi32>
      %add3A_417 = arith.addi %mul3A_414, %add3A_416 : vector<16xi32>
      %add3A_418 = arith.constant 0 : i32
      %add3A_419 = vector.broadcast %add3A_418 : i32 to vector<16xi32>
      %add3A_420 = arith.addi %add3A_417, %add3A_419 : vector<16xi32>
      %add3A_421 = arith.constant 16 : i32
      %add3A_422 = vector.broadcast %add3A_421 : i32 to vector<16xi32>
      %add3A_423 = arith.addi %iota3A, %add3A_422 : vector<16xi32>
      %mul3A_424 = arith.constant 10 : i32
      %mul3A_425 = vector.broadcast %mul3A_424 : i32 to vector<16xi32>
      %mul3A_426 = arith.muli %add3A_423, %mul3A_425 : vector<16xi32>
      %add3A_427 = arith.constant 6 : i32
      %add3A_428 = vector.broadcast %add3A_427 : i32 to vector<16xi32>
      %add3A_429 = arith.addi %mul3A_426, %add3A_428 : vector<16xi32>
      %add3A_430 = arith.constant 0 : i32
      %add3A_431 = vector.broadcast %add3A_430 : i32 to vector<16xi32>
      %add3A_432 = arith.addi %add3A_429, %add3A_431 : vector<16xi32>
      %add3A_433 = arith.constant 16 : i32
      %add3A_434 = vector.broadcast %add3A_433 : i32 to vector<16xi32>
      %add3A_435 = arith.addi %iota3A, %add3A_434 : vector<16xi32>
      %mul3A_436 = arith.constant 10 : i32
      %mul3A_437 = vector.broadcast %mul3A_436 : i32 to vector<16xi32>
      %mul3A_438 = arith.muli %add3A_435, %mul3A_437 : vector<16xi32>
      %add3A_439 = arith.constant 7 : i32
      %add3A_440 = vector.broadcast %add3A_439 : i32 to vector<16xi32>
      %add3A_441 = arith.addi %mul3A_438, %add3A_440 : vector<16xi32>
      %add3A_442 = arith.constant 0 : i32
      %add3A_443 = vector.broadcast %add3A_442 : i32 to vector<16xi32>
      %add3A_444 = arith.addi %add3A_441, %add3A_443 : vector<16xi32>
      %add3A_445 = arith.constant 16 : i32
      %add3A_446 = vector.broadcast %add3A_445 : i32 to vector<16xi32>
      %add3A_447 = arith.addi %iota3A, %add3A_446 : vector<16xi32>
      %mul3A_448 = arith.constant 10 : i32
      %mul3A_449 = vector.broadcast %mul3A_448 : i32 to vector<16xi32>
      %mul3A_450 = arith.muli %add3A_447, %mul3A_449 : vector<16xi32>
      %add3A_451 = arith.constant 8 : i32
      %add3A_452 = vector.broadcast %add3A_451 : i32 to vector<16xi32>
      %add3A_453 = arith.addi %mul3A_450, %add3A_452 : vector<16xi32>
      %add3A_454 = arith.constant 0 : i32
      %add3A_455 = vector.broadcast %add3A_454 : i32 to vector<16xi32>
      %add3A_456 = arith.addi %add3A_453, %add3A_455 : vector<16xi32>
      %add3A_457 = arith.constant 16 : i32
      %add3A_458 = vector.broadcast %add3A_457 : i32 to vector<16xi32>
      %add3A_459 = arith.addi %iota3A, %add3A_458 : vector<16xi32>
      %mul3A_460 = arith.constant 10 : i32
      %mul3A_461 = vector.broadcast %mul3A_460 : i32 to vector<16xi32>
      %mul3A_462 = arith.muli %add3A_459, %mul3A_461 : vector<16xi32>
      %add3A_463 = arith.constant 9 : i32
      %add3A_464 = vector.broadcast %add3A_463 : i32 to vector<16xi32>
      %add3A_465 = arith.addi %mul3A_462, %add3A_464 : vector<16xi32>
      %add3A_466 = arith.constant 0 : i32
      %add3A_467 = vector.broadcast %add3A_466 : i32 to vector<16xi32>
      %add3A_468 = arith.addi %add3A_465, %add3A_467 : vector<16xi32>
      %get3A_469 = arith.constant 16 : index
      %get3A_470 = tpu.vector_load %arg13[%get3A_469] {strides = array<i32>} : memref<64xi32, #tpu.memory_space<vmem>>, vector<16xi32>,
      %get3A_471 = arith.constant 16 : index
      %get3A_472 = tpu.vector_load %arg15[%get3A_471] {strides = array<i32>} : memref<64xi32, #tpu.memory_space<vmem>>, vector<16xi32>,
      %gather3A_473 = tpu.vector_load_idx %arg17[%add3A_360] : memref<640xi32, #tpu.memory_space<vmem>>[vector<16xi32>], vector<16xi32>,
      %gather3A_474 = tpu.vector_load_idx %arg17[%add3A_372] : memref<640xi32, #tpu.memory_space<vmem>>[vector<16xi32>], vector<16xi32>,
      %gather3A_475 = tpu.vector_load_idx %arg17[%add3A_384] : memref<640xi32, #tpu.memory_space<vmem>>[vector<16xi32>], vector<16xi32>,
      %gather3A_476 = tpu.vector_load_idx %arg17[%add3A_396] : memref<640xi32, #tpu.memory_space<vmem>>[vector<16xi32>], vector<16xi32>,
      %gather3A_477 = tpu.vector_load_idx %arg17[%add3A_408] : memref<640xi32, #tpu.memory_space<vmem>>[vector<16xi32>], vector<16xi32>,
      %gather3A_478 = tpu.vector_load_idx %arg17[%add3A_420] : memref<640xi32, #tpu.memory_space<vmem>>[vector<16xi32>], vector<16xi32>,
      %gather3A_479 = tpu.vector_load_idx %arg17[%add3A_432] : memref<640xi32, #tpu.memory_space<vmem>>[vector<16xi32>], vector<16xi32>,
      %gather3A_480 = tpu.vector_load_idx %arg17[%add3A_444] : memref<640xi32, #tpu.memory_space<vmem>>[vector<16xi32>], vector<16xi32>,
      %gather3A_481 = tpu.vector_load_idx %arg17[%add3A_456] : memref<640xi32, #tpu.memory_space<vmem>>[vector<16xi32>], vector<16xi32>,
      %gather3A_482 = tpu.vector_load_idx %arg17[%add3A_468] : memref<640xi32, #tpu.memory_space<vmem>>[vector<16xi32>], vector<16xi32>,
      %mul3A_483 = arith.constant 17 : i32
      %mul3A_484 = vector.broadcast %mul3A_483 : i32 to vector<16xi32>
      %mul3A_485 = arith.muli %iota3A, %mul3A_484 : vector<16xi32>
      %broadcast_in_dim3A_486 = arith.constant 0.000000e+00 : f32
      %broadcast_in_dim3A_487 = vector.broadcast %broadcast_in_dim3A_486 : f32 to vector<16xf32>
      %scan3A_488 = arith.constant 0 : i32
      %scan3A_489 = arith.constant 16 : i32
      %scan3A_490 = arith.addi %scan3A_488, %scan3A_489 : i32
      %scan3A_491 = arith.constant 1 : i32
      %scan3A_492:11 = scf.for %scan3A_982 = %scan3A_488 to %scan3A_490 step %scan3A_491 iter_args(%scan3A_983 = %broadcast_in_dim3A_487, %scan3A_984 = %broadcast_in_dim3A_487, %scan3A_985 = %broadcast_in_dim3A_487, %scan3A_986 = %broadcast_in_dim3A_487, %scan3A_987 = %broadcast_in_dim3A_487, %scan3A_988 = %broadcast_in_dim3A_487, %scan3A_989 = %broadcast_in_dim3A_487, %scan3A_990 = %broadcast_in_dim3A_487, %scan3A_991 = %broadcast_in_dim3A_487, %scan3A_992 = %broadcast_in_dim3A_487, %scan3A_993 = %broadcast_in_dim3A_487) -> (vector<16xf32>, vector<16xf32>, vector<16xf32>, vector<16xf32>, vector<16xf32>, vector<16xf32>, vector<16xf32>, vector<16xf32>, vector<16xf32>, vector<16xf32>, vector<16xf32>)  : i32 {
        %mul3A_994 = arith.constant 4 : i32
        %mul3A_995 = arith.muli %scan3A_982, %mul3A_994 : i32
        %add3A_996 = arith.constant 0 : i32
        %add3A_997 = arith.addi %mul3A_995, %add3A_996 : i32
        %add3A_998 = vector.broadcast %add3A_997 : i32 to vector<16xi32>
        %add3A_999 = arith.addi %mul3A_485, %add3A_998 : vector<16xi32>
        %and3A = arith.constant 63 : i32
        %and3A_1000 = vector.broadcast %and3A : i32 to vector<16xi32>
        %and3A_1001 = arith.andi %add3A_999, %and3A_1000 : vector<16xi32>
        %add3A_1002 = arith.addi %get3A_470, %and3A_1001 : vector<16xi32>
        %gather3A_1003 = tpu.vector_load_idx %arg18[%add3A_348, %add3A_1002] : memref<64x128xf32, #tpu.memory_space<vmem>>[vector<16xi32>, vector<16xi32>], vector<16xf32>,
        %add3A_1004 = arith.addi %get3A_472, %and3A_1001 : vector<16xi32>
        %gather3A_1005 = tpu.vector_load_idx %arg19[%add3A_348, %add3A_1004] : memref<64x128xf32, #tpu.memory_space<vmem>>[vector<16xi32>, vector<16xi32>], vector<16xf32>,
        %mul3A_1006 = arith.mulf %gather3A_1003, %gather3A_1005 : vector<16xf32>
        %add3A_1007 = arith.addf %scan3A_983, %mul3A_1006 : vector<16xf32>
        %add3A_1008 = arith.addi %gather3A_473, %and3A_1001 : vector<16xi32>
        %gather3A_1009 = tpu.vector_load_idx %arg20[%add3A_360, %add3A_1008] : memref<640x128xf32, #tpu.memory_space<vmem>>[vector<16xi32>, vector<16xi32>], vector<16xf32>,
        %mul3A_1010 = arith.mulf %gather3A_1009, %gather3A_1003 : vector<16xf32>
        %add3A_1011 = arith.addf %scan3A_984, %mul3A_1010 : vector<16xf32>
        %add3A_1012 = arith.addi %gather3A_474, %and3A_1001 : vector<16xi32>
        %gather3A_1013 = tpu.vector_load_idx %arg20[%add3A_372, %add3A_1012] : memref<640x128xf32, #tpu.memory_space<vmem>>[vector<16xi32>, vector<16xi32>], vector<16xf32>,
        %mul3A_1014 = arith.mulf %gather3A_1013, %gather3A_1003 : vector<16xf32>
        %add3A_1015 = arith.addf %scan3A_985, %mul3A_1014 : vector<16xf32>
        %add3A_1016 = arith.addi %gather3A_475, %and3A_1001 : vector<16xi32>
        %gather3A_1017 = tpu.vector_load_idx %arg20[%add3A_384, %add3A_1016] : memref<640x128xf32, #tpu.memory_space<vmem>>[vector<16xi32>, vector<16xi32>], vector<16xf32>,
        %mul3A_1018 = arith.mulf %gather3A_1017, %gather3A_1003 : vector<16xf32>
        %add3A_1019 = arith.addf %scan3A_986, %mul3A_1018 : vector<16xf32>
        %add3A_1020 = arith.addi %gather3A_476, %and3A_1001 : vector<16xi32>
        %gather3A_1021 = tpu.vector_load_idx %arg20[%add3A_396, %add3A_1020] : memref<640x128xf32, #tpu.memory_space<vmem>>[vector<16xi32>, vector<16xi32>], vector<16xf32>,
        %mul3A_1022 = arith.mulf %gather3A_1021, %gather3A_1003 : vector<16xf32>
        %add3A_1023 = arith.addf %scan3A_987, %mul3A_1022 : vector<16xf32>
        %add3A_1024 = arith.addi %gather3A_477, %and3A_1001 : vector<16xi32>
        %gather3A_1025 = tpu.vector_load_idx %arg20[%add3A_408, %add3A_1024] : memref<640x128xf32, #tpu.memory_space<vmem>>[vector<16xi32>, vector<16xi32>], vector<16xf32>,
        %mul3A_1026 = arith.mulf %gather3A_1025, %gather3A_1003 : vector<16xf32>
        %add3A_1027 = arith.addf %scan3A_988, %mul3A_1026 : vector<16xf32>
        %add3A_1028 = arith.addi %gather3A_478, %and3A_1001 : vector<16xi32>
        %gather3A_1029 = tpu.vector_load_idx %arg20[%add3A_420, %add3A_1028] : memref<640x128xf32, #tpu.memory_space<vmem>>[vector<16xi32>, vector<16xi32>], vector<16xf32>,
        %mul3A_1030 = arith.mulf %gather3A_1029, %gather3A_1003 : vector<16xf32>
        %add3A_1031 = arith.addf %scan3A_989, %mul3A_1030 : vector<16xf32>
        %add3A_1032 = arith.addi %gather3A_479, %and3A_1001 : vector<16xi32>
        %gather3A_1033 = tpu.vector_load_idx %arg20[%add3A_432, %add3A_1032] : memref<640x128xf32, #tpu.memory_space<vmem>>[vector<16xi32>, vector<16xi32>], vector<16xf32>,
        %mul3A_1034 = arith.mulf %gather3A_1033, %gather3A_1003 : vector<16xf32>
        %add3A_1035 = arith.addf %scan3A_990, %mul3A_1034 : vector<16xf32>
        %add3A_1036 = arith.addi %gather3A_480, %and3A_1001 : vector<16xi32>
        %gather3A_1037 = tpu.vector_load_idx %arg20[%add3A_444, %add3A_1036] : memref<640x128xf32, #tpu.memory_space<vmem>>[vector<16xi32>, vector<16xi32>], vector<16xf32>,
        %mul3A_1038 = arith.mulf %gather3A_1037, %gather3A_1003 : vector<16xf32>
        %add3A_1039 = arith.addf %scan3A_991, %mul3A_1038 : vector<16xf32>
        %add3A_1040 = arith.addi %gather3A_481, %and3A_1001 : vector<16xi32>
        %gather3A_1041 = tpu.vector_load_idx %arg20[%add3A_456, %add3A_1040] : memref<640x128xf32, #tpu.memory_space<vmem>>[vector<16xi32>, vector<16xi32>], vector<16xf32>,
        %mul3A_1042 = arith.mulf %gather3A_1041, %gather3A_1003 : vector<16xf32>
        %add3A_1043 = arith.addf %scan3A_992, %mul3A_1042 : vector<16xf32>
        %add3A_1044 = arith.addi %gather3A_482, %and3A_1001 : vector<16xi32>
        %gather3A_1045 = tpu.vector_load_idx %arg20[%add3A_468, %add3A_1044] : memref<640x128xf32, #tpu.memory_space<vmem>>[vector<16xi32>, vector<16xi32>], vector<16xf32>,
        %mul3A_1046 = arith.mulf %gather3A_1045, %gather3A_1003 : vector<16xf32>
        %add3A_1047 = arith.addf %scan3A_993, %mul3A_1046 : vector<16xf32>
        %add3A_1048 = arith.constant 1 : i32
        %add3A_1049 = arith.addi %mul3A_995, %add3A_1048 : i32
        %add3A_1050 = vector.broadcast %add3A_1049 : i32 to vector<16xi32>
        %add3A_1051 = arith.addi %mul3A_485, %add3A_1050 : vector<16xi32>
        %and3A_1052 = arith.constant 63 : i32
        %and3A_1053 = vector.broadcast %and3A_1052 : i32 to vector<16xi32>
        %and3A_1054 = arith.andi %add3A_1051, %and3A_1053 : vector<16xi32>
        %add3A_1055 = arith.addi %get3A_470, %and3A_1054 : vector<16xi32>
        %gather3A_1056 = tpu.vector_load_idx %arg18[%add3A_348, %add3A_1055] : memref<64x128xf32, #tpu.memory_space<vmem>>[vector<16xi32>, vector<16xi32>], vector<16xf32>,
        %add3A_1057 = arith.addi %get3A_472, %and3A_1054 : vector<16xi32>
        %gather3A_1058 = tpu.vector_load_idx %arg19[%add3A_348, %add3A_1057] : memref<64x128xf32, #tpu.memory_space<vmem>>[vector<16xi32>, vector<16xi32>], vector<16xf32>,
        %mul3A_1059 = arith.mulf %gather3A_1056, %gather3A_1058 : vector<16xf32>
        %add3A_1060 = arith.addf %add3A_1007, %mul3A_1059 : vector<16xf32>
        %add3A_1061 = arith.addi %gather3A_473, %and3A_1054 : vector<16xi32>
        %gather3A_1062 = tpu.vector_load_idx %arg20[%add3A_360, %add3A_1061] : memref<640x128xf32, #tpu.memory_space<vmem>>[vector<16xi32>, vector<16xi32>], vector<16xf32>,
        %mul3A_1063 = arith.mulf %gather3A_1062, %gather3A_1056 : vector<16xf32>
        %add3A_1064 = arith.addf %add3A_1011, %mul3A_1063 : vector<16xf32>
        %add3A_1065 = arith.addi %gather3A_474, %and3A_1054 : vector<16xi32>
        %gather3A_1066 = tpu.vector_load_idx %arg20[%add3A_372, %add3A_1065] : memref<640x128xf32, #tpu.memory_space<vmem>>[vector<16xi32>, vector<16xi32>], vector<16xf32>,
        %mul3A_1067 = arith.mulf %gather3A_1066, %gather3A_1056 : vector<16xf32>
        %add3A_1068 = arith.addf %add3A_1015, %mul3A_1067 : vector<16xf32>
        %add3A_1069 = arith.addi %gather3A_475, %and3A_1054 : vector<16xi32>
        %gather3A_1070 = tpu.vector_load_idx %arg20[%add3A_384, %add3A_1069] : memref<640x128xf32, #tpu.memory_space<vmem>>[vector<16xi32>, vector<16xi32>], vector<16xf32>,
        %mul3A_1071 = arith.mulf %gather3A_1070, %gather3A_1056 : vector<16xf32>
        %add3A_1072 = arith.addf %add3A_1019, %mul3A_1071 : vector<16xf32>
        %add3A_1073 = arith.addi %gather3A_476, %and3A_1054 : vector<16xi32>
        %gather3A_1074 = tpu.vector_load_idx %arg20[%add3A_396, %add3A_1073] : memref<640x128xf32, #tpu.memory_space<vmem>>[vector<16xi32>, vector<16xi32>], vector<16xf32>,
        %mul3A_1075 = arith.mulf %gather3A_1074, %gather3A_1056 : vector<16xf32>
        %add3A_1076 = arith.addf %add3A_1023, %mul3A_1075 : vector<16xf32>
        %add3A_1077 = arith.addi %gather3A_477, %and3A_1054 : vector<16xi32>
        %gather3A_1078 = tpu.vector_load_idx %arg20[%add3A_408, %add3A_1077] : memref<640x128xf32, #tpu.memory_space<vmem>>[vector<16xi32>, vector<16xi32>], vector<16xf32>,
        %mul3A_1079 = arith.mulf %gather3A_1078, %gather3A_1056 : vector<16xf32>
        %add3A_1080 = arith.addf %add3A_1027, %mul3A_1079 : vector<16xf32>
        %add3A_1081 = arith.addi %gather3A_478, %and3A_1054 : vector<16xi32>
        %gather3A_1082 = tpu.vector_load_idx %arg20[%add3A_420, %add3A_1081] : memref<640x128xf32, #tpu.memory_space<vmem>>[vector<16xi32>, vector<16xi32>], vector<16xf32>,
        %mul3A_1083 = arith.mulf %gather3A_1082, %gather3A_1056 : vector<16xf32>
        %add3A_1084 = arith.addf %add3A_1031, %mul3A_1083 : vector<16xf32>
        %add3A_1085 = arith.addi %gather3A_479, %and3A_1054 : vector<16xi32>
        %gather3A_1086 = tpu.vector_load_idx %arg20[%add3A_432, %add3A_1085] : memref<640x128xf32, #tpu.memory_space<vmem>>[vector<16xi32>, vector<16xi32>], vector<16xf32>,
        %mul3A_1087 = arith.mulf %gather3A_1086, %gather3A_1056 : vector<16xf32>
        %add3A_1088 = arith.addf %add3A_1035, %mul3A_1087 : vector<16xf32>
        %add3A_1089 = arith.addi %gather3A_480, %and3A_1054 : vector<16xi32>
        %gather3A_1090 = tpu.vector_load_idx %arg20[%add3A_444, %add3A_1089] : memref<640x128xf32, #tpu.memory_space<vmem>>[vector<16xi32>, vector<16xi32>], vector<16xf32>,
        %mul3A_1091 = arith.mulf %gather3A_1090, %gather3A_1056 : vector<16xf32>
        %add3A_1092 = arith.addf %add3A_1039, %mul3A_1091 : vector<16xf32>
        %add3A_1093 = arith.addi %gather3A_481, %and3A_1054 : vector<16xi32>
        %gather3A_1094 = tpu.vector_load_idx %arg20[%add3A_456, %add3A_1093] : memref<640x128xf32, #tpu.memory_space<vmem>>[vector<16xi32>, vector<16xi32>], vector<16xf32>,
        %mul3A_1095 = arith.mulf %gather3A_1094, %gather3A_1056 : vector<16xf32>
        %add3A_1096 = arith.addf %add3A_1043, %mul3A_1095 : vector<16xf32>
        %add3A_1097 = arith.addi %gather3A_482, %and3A_1054 : vector<16xi32>
        %gather3A_1098 = tpu.vector_load_idx %arg20[%add3A_468, %add3A_1097] : memref<640x128xf32, #tpu.memory_space<vmem>>[vector<16xi32>, vector<16xi32>], vector<16xf32>,
        %mul3A_1099 = arith.mulf %gather3A_1098, %gather3A_1056 : vector<16xf32>
        %add3A_1100 = arith.addf %add3A_1047, %mul3A_1099 : vector<16xf32>
        %add3A_1101 = arith.constant 2 : i32
        %add3A_1102 = arith.addi %mul3A_995, %add3A_1101 : i32
        %add3A_1103 = vector.broadcast %add3A_1102 : i32 to vector<16xi32>
        %add3A_1104 = arith.addi %mul3A_485, %add3A_1103 : vector<16xi32>
        %and3A_1105 = arith.constant 63 : i32
        %and3A_1106 = vector.broadcast %and3A_1105 : i32 to vector<16xi32>
        %and3A_1107 = arith.andi %add3A_1104, %and3A_1106 : vector<16xi32>
        %add3A_1108 = arith.addi %get3A_470, %and3A_1107 : vector<16xi32>
        %gather3A_1109 = tpu.vector_load_idx %arg18[%add3A_348, %add3A_1108] : memref<64x128xf32, #tpu.memory_space<vmem>>[vector<16xi32>, vector<16xi32>], vector<16xf32>,
        %add3A_1110 = arith.addi %get3A_472, %and3A_1107 : vector<16xi32>
        %gather3A_1111 = tpu.vector_load_idx %arg19[%add3A_348, %add3A_1110] : memref<64x128xf32, #tpu.memory_space<vmem>>[vector<16xi32>, vector<16xi32>], vector<16xf32>,
        %mul3A_1112 = arith.mulf %gather3A_1109, %gather3A_1111 : vector<16xf32>
        %add3A_1113 = arith.addf %add3A_1060, %mul3A_1112 : vector<16xf32>
        %add3A_1114 = arith.addi %gather3A_473, %and3A_1107 : vector<16xi32>
        %gather3A_1115 = tpu.vector_load_idx %arg20[%add3A_360, %add3A_1114] : memref<640x128xf32, #tpu.memory_space<vmem>>[vector<16xi32>, vector<16xi32>], vector<16xf32>,
        %mul3A_1116 = arith.mulf %gather3A_1115, %gather3A_1109 : vector<16xf32>
        %add3A_1117 = arith.addf %add3A_1064, %mul3A_1116 : vector<16xf32>
        %add3A_1118 = arith.addi %gather3A_474, %and3A_1107 : vector<16xi32>
        %gather3A_1119 = tpu.vector_load_idx %arg20[%add3A_372, %add3A_1118] : memref<640x128xf32, #tpu.memory_space<vmem>>[vector<16xi32>, vector<16xi32>], vector<16xf32>,
        %mul3A_1120 = arith.mulf %gather3A_1119, %gather3A_1109 : vector<16xf32>
        %add3A_1121 = arith.addf %add3A_1068, %mul3A_1120 : vector<16xf32>
        %add3A_1122 = arith.addi %gather3A_475, %and3A_1107 : vector<16xi32>
        %gather3A_1123 = tpu.vector_load_idx %arg20[%add3A_384, %add3A_1122] : memref<640x128xf32, #tpu.memory_space<vmem>>[vector<16xi32>, vector<16xi32>], vector<16xf32>,
        %mul3A_1124 = arith.mulf %gather3A_1123, %gather3A_1109 : vector<16xf32>
        %add3A_1125 = arith.addf %add3A_1072, %mul3A_1124 : vector<16xf32>
        %add3A_1126 = arith.addi %gather3A_476, %and3A_1107 : vector<16xi32>
        %gather3A_1127 = tpu.vector_load_idx %arg20[%add3A_396, %add3A_1126] : memref<640x128xf32, #tpu.memory_space<vmem>>[vector<16xi32>, vector<16xi32>], vector<16xf32>,
        %mul3A_1128 = arith.mulf %gather3A_1127, %gather3A_1109 : vector<16xf32>
        %add3A_1129 = arith.addf %add3A_1076, %mul3A_1128 : vector<16xf32>
        %add3A_1130 = arith.addi %gather3A_477, %and3A_1107 : vector<16xi32>
        %gather3A_1131 = tpu.vector_load_idx %arg20[%add3A_408, %add3A_1130] : memref<640x128xf32, #tpu.memory_space<vmem>>[vector<16xi32>, vector<16xi32>], vector<16xf32>,
        %mul3A_1132 = arith.mulf %gather3A_1131, %gather3A_1109 : vector<16xf32>
        %add3A_1133 = arith.addf %add3A_1080, %mul3A_1132 : vector<16xf32>
        %add3A_1134 = arith.addi %gather3A_478, %and3A_1107 : vector<16xi32>
        %gather3A_1135 = tpu.vector_load_idx %arg20[%add3A_420, %add3A_1134] : memref<640x128xf32, #tpu.memory_space<vmem>>[vector<16xi32>, vector<16xi32>], vector<16xf32>,
        %mul3A_1136 = arith.mulf %gather3A_1135, %gather3A_1109 : vector<16xf32>
        %add3A_1137 = arith.addf %add3A_1084, %mul3A_1136 : vector<16xf32>
        %add3A_1138 = arith.addi %gather3A_479, %and3A_1107 : vector<16xi32>
        %gather3A_1139 = tpu.vector_load_idx %arg20[%add3A_432, %add3A_1138] : memref<640x128xf32, #tpu.memory_space<vmem>>[vector<16xi32>, vector<16xi32>], vector<16xf32>,
        %mul3A_1140 = arith.mulf %gather3A_1139, %gather3A_1109 : vector<16xf32>
        %add3A_1141 = arith.addf %add3A_1088, %mul3A_1140 : vector<16xf32>
        %add3A_1142 = arith.addi %gather3A_480, %and3A_1107 : vector<16xi32>
        %gather3A_1143 = tpu.vector_load_idx %arg20[%add3A_444, %add3A_1142] : memref<640x128xf32, #tpu.memory_space<vmem>>[vector<16xi32>, vector<16xi32>], vector<16xf32>,
        %mul3A_1144 = arith.mulf %gather3A_1143, %gather3A_1109 : vector<16xf32>
        %add3A_1145 = arith.addf %add3A_1092, %mul3A_1144 : vector<16xf32>
        %add3A_1146 = arith.addi %gather3A_481, %and3A_1107 : vector<16xi32>
        %gather3A_1147 = tpu.vector_load_idx %arg20[%add3A_456, %add3A_1146] : memref<640x128xf32, #tpu.memory_space<vmem>>[vector<16xi32>, vector<16xi32>], vector<16xf32>,
        %mul3A_1148 = arith.mulf %gather3A_1147, %gather3A_1109 : vector<16xf32>
        %add3A_1149 = arith.addf %add3A_1096, %mul3A_1148 : vector<16xf32>
        %add3A_1150 = arith.addi %gather3A_482, %and3A_1107 : vector<16xi32>
        %gather3A_1151 = tpu.vector_load_idx %arg20[%add3A_468, %add3A_1150] : memref<640x128xf32, #tpu.memory_space<vmem>>[vector<16xi32>, vector<16xi32>], vector<16xf32>,
        %mul3A_1152 = arith.mulf %gather3A_1151, %gather3A_1109 : vector<16xf32>
        %add3A_1153 = arith.addf %add3A_1100, %mul3A_1152 : vector<16xf32>
        %add3A_1154 = arith.constant 3 : i32
        %add3A_1155 = arith.addi %mul3A_995, %add3A_1154 : i32
        %add3A_1156 = vector.broadcast %add3A_1155 : i32 to vector<16xi32>
        %add3A_1157 = arith.addi %mul3A_485, %add3A_1156 : vector<16xi32>
        %and3A_1158 = arith.constant 63 : i32
        %and3A_1159 = vector.broadcast %and3A_1158 : i32 to vector<16xi32>
        %and3A_1160 = arith.andi %add3A_1157, %and3A_1159 : vector<16xi32>
        %add3A_1161 = arith.addi %get3A_470, %and3A_1160 : vector<16xi32>
        %gather3A_1162 = tpu.vector_load_idx %arg18[%add3A_348, %add3A_1161] : memref<64x128xf32, #tpu.memory_space<vmem>>[vector<16xi32>, vector<16xi32>], vector<16xf32>,
        %add3A_1163 = arith.addi %get3A_472, %and3A_1160 : vector<16xi32>
        %gather3A_1164 = tpu.vector_load_idx %arg19[%add3A_348, %add3A_1163] : memref<64x128xf32, #tpu.memory_space<vmem>>[vector<16xi32>, vector<16xi32>], vector<16xf32>,
        %mul3A_1165 = arith.mulf %gather3A_1162, %gather3A_1164 : vector<16xf32>
        %add3A_1166 = arith.addf %add3A_1113, %mul3A_1165 : vector<16xf32>
        %add3A_1167 = arith.addi %gather3A_473, %and3A_1160 : vector<16xi32>
        %gather3A_1168 = tpu.vector_load_idx %arg20[%add3A_360, %add3A_1167] : memref<640x128xf32, #tpu.memory_space<vmem>>[vector<16xi32>, vector<16xi32>], vector<16xf32>,
        %mul3A_1169 = arith.mulf %gather3A_1168, %gather3A_1162 : vector<16xf32>
        %add3A_1170 = arith.addf %add3A_1117, %mul3A_1169 : vector<16xf32>
        %add3A_1171 = arith.addi %gather3A_474, %and3A_1160 : vector<16xi32>
        %gather3A_1172 = tpu.vector_load_idx %arg20[%add3A_372, %add3A_1171] : memref<640x128xf32, #tpu.memory_space<vmem>>[vector<16xi32>, vector<16xi32>], vector<16xf32>,
        %mul3A_1173 = arith.mulf %gather3A_1172, %gather3A_1162 : vector<16xf32>
        %add3A_1174 = arith.addf %add3A_1121, %mul3A_1173 : vector<16xf32>
        %add3A_1175 = arith.addi %gather3A_475, %and3A_1160 : vector<16xi32>
        %gather3A_1176 = tpu.vector_load_idx %arg20[%add3A_384, %add3A_1175] : memref<640x128xf32, #tpu.memory_space<vmem>>[vector<16xi32>, vector<16xi32>], vector<16xf32>,
        %mul3A_1177 = arith.mulf %gather3A_1176, %gather3A_1162 : vector<16xf32>
        %add3A_1178 = arith.addf %add3A_1125, %mul3A_1177 : vector<16xf32>
        %add3A_1179 = arith.addi %gather3A_476, %and3A_1160 : vector<16xi32>
        %gather3A_1180 = tpu.vector_load_idx %arg20[%add3A_396, %add3A_1179] : memref<640x128xf32, #tpu.memory_space<vmem>>[vector<16xi32>, vector<16xi32>], vector<16xf32>,
        %mul3A_1181 = arith.mulf %gather3A_1180, %gather3A_1162 : vector<16xf32>
        %add3A_1182 = arith.addf %add3A_1129, %mul3A_1181 : vector<16xf32>
        %add3A_1183 = arith.addi %gather3A_477, %and3A_1160 : vector<16xi32>
        %gather3A_1184 = tpu.vector_load_idx %arg20[%add3A_408, %add3A_1183] : memref<640x128xf32, #tpu.memory_space<vmem>>[vector<16xi32>, vector<16xi32>], vector<16xf32>,
        %mul3A_1185 = arith.mulf %gather3A_1184, %gather3A_1162 : vector<16xf32>
        %add3A_1186 = arith.addf %add3A_1133, %mul3A_1185 : vector<16xf32>
        %add3A_1187 = arith.addi %gather3A_478, %and3A_1160 : vector<16xi32>
        %gather3A_1188 = tpu.vector_load_idx %arg20[%add3A_420, %add3A_1187] : memref<640x128xf32, #tpu.memory_space<vmem>>[vector<16xi32>, vector<16xi32>], vector<16xf32>,
        %mul3A_1189 = arith.mulf %gather3A_1188, %gather3A_1162 : vector<16xf32>
        %add3A_1190 = arith.addf %add3A_1137, %mul3A_1189 : vector<16xf32>
        %add3A_1191 = arith.addi %gather3A_479, %and3A_1160 : vector<16xi32>
        %gather3A_1192 = tpu.vector_load_idx %arg20[%add3A_432, %add3A_1191] : memref<640x128xf32, #tpu.memory_space<vmem>>[vector<16xi32>, vector<16xi32>], vector<16xf32>,
        %mul3A_1193 = arith.mulf %gather3A_1192, %gather3A_1162 : vector<16xf32>
        %add3A_1194 = arith.addf %add3A_1141, %mul3A_1193 : vector<16xf32>
        %add3A_1195 = arith.addi %gather3A_480, %and3A_1160 : vector<16xi32>
        %gather3A_1196 = tpu.vector_load_idx %arg20[%add3A_444, %add3A_1195] : memref<640x128xf32, #tpu.memory_space<vmem>>[vector<16xi32>, vector<16xi32>], vector<16xf32>,
        %mul3A_1197 = arith.mulf %gather3A_1196, %gather3A_1162 : vector<16xf32>
        %add3A_1198 = arith.addf %add3A_1145, %mul3A_1197 : vector<16xf32>
        %add3A_1199 = arith.addi %gather3A_481, %and3A_1160 : vector<16xi32>
        %gather3A_1200 = tpu.vector_load_idx %arg20[%add3A_456, %add3A_1199] : memref<640x128xf32, #tpu.memory_space<vmem>>[vector<16xi32>, vector<16xi32>], vector<16xf32>,
        %mul3A_1201 = arith.mulf %gather3A_1200, %gather3A_1162 : vector<16xf32>
        %add3A_1202 = arith.addf %add3A_1149, %mul3A_1201 : vector<16xf32>
        %add3A_1203 = arith.addi %gather3A_482, %and3A_1160 : vector<16xi32>
        %gather3A_1204 = tpu.vector_load_idx %arg20[%add3A_468, %add3A_1203] : memref<640x128xf32, #tpu.memory_space<vmem>>[vector<16xi32>, vector<16xi32>], vector<16xf32>,
        %mul3A_1205 = arith.mulf %gather3A_1204, %gather3A_1162 : vector<16xf32>
        %add3A_1206 = arith.addf %add3A_1153, %mul3A_1205 : vector<16xf32>
        scf.yield %add3A_1166, %add3A_1170, %add3A_1174, %add3A_1178, %add3A_1182, %add3A_1186, %add3A_1190, %add3A_1194, %add3A_1198, %add3A_1202, %add3A_1206 : vector<16xf32>, vector<16xf32>, vector<16xf32>, vector<16xf32>, vector<16xf32>, vector<16xf32>, vector<16xf32>, vector<16xf32>, vector<16xf32>, vector<16xf32>, vector<16xf32>
      }
      %scan3A_493 = arith.constant 16 : i32
      %swap3A_494 = arith.constant 16 : index
      %swap3A_495 = tpu.vector_load %arg21[%swap3A_494] {strides = array<i32>} : memref<32xf32, #tpu.memory_space<vmem>>, vector<16xf32>,
      tpu.vector_store %arg21[%swap3A_494], %scan3A_492#0 {strides = array<i32>} : memref<32xf32, #tpu.memory_space<vmem>>, vector<16xf32>,
      %swap3A_496 = arith.constant 0 : i32
      %swap3A_497 = arith.index_cast %swap3A_496 : i32 to index
      %swap3A_498 = arith.constant 16 : index
      %swap3A_499 = tpu.vector_load %arg22[%swap3A_497, %swap3A_498] {strides = array<i32>} : memref<10x32xf32, #tpu.memory_space<vmem>>, vector<16xf32>,
      tpu.vector_store %arg22[%swap3A_497, %swap3A_498], %scan3A_492#1 {strides = array<i32>} : memref<10x32xf32, #tpu.memory_space<vmem>>, vector<16xf32>,
      %swap3A_500 = arith.constant 1 : i32
      %swap3A_501 = arith.index_cast %swap3A_500 : i32 to index
      %swap3A_502 = arith.constant 16 : index
      %swap3A_503 = tpu.vector_load %arg22[%swap3A_501, %swap3A_502] {strides = array<i32>} : memref<10x32xf32, #tpu.memory_space<vmem>>, vector<16xf32>,
      tpu.vector_store %arg22[%swap3A_501, %swap3A_502], %scan3A_492#2 {strides = array<i32>} : memref<10x32xf32, #tpu.memory_space<vmem>>, vector<16xf32>,
      %swap3A_504 = arith.constant 2 : i32
      %swap3A_505 = arith.index_cast %swap3A_504 : i32 to index
      %swap3A_506 = arith.constant 16 : index
      %swap3A_507 = tpu.vector_load %arg22[%swap3A_505, %swap3A_506] {strides = array<i32>} : memref<10x32xf32, #tpu.memory_space<vmem>>, vector<16xf32>,
      tpu.vector_store %arg22[%swap3A_505, %swap3A_506], %scan3A_492#3 {strides = array<i32>} : memref<10x32xf32, #tpu.memory_space<vmem>>, vector<16xf32>,
      %swap3A_508 = arith.constant 3 : i32
      %swap3A_509 = arith.index_cast %swap3A_508 : i32 to index
      %swap3A_510 = arith.constant 16 : index
      %swap3A_511 = tpu.vector_load %arg22[%swap3A_509, %swap3A_510] {strides = array<i32>} : memref<10x32xf32, #tpu.memory_space<vmem>>, vector<16xf32>,
      tpu.vector_store %arg22[%swap3A_509, %swap3A_510], %scan3A_492#4 {strides = array<i32>} : memref<10x32xf32, #tpu.memory_space<vmem>>, vector<16xf32>,
      %swap3A_512 = arith.constant 4 : i32
      %swap3A_513 = arith.index_cast %swap3A_512 : i32 to index
      %swap3A_514 = arith.constant 16 : index
      %swap3A_515 = tpu.vector_load %arg22[%swap3A_513, %swap3A_514] {strides = array<i32>} : memref<10x32xf32, #tpu.memory_space<vmem>>, vector<16xf32>,
      tpu.vector_store %arg22[%swap3A_513, %swap3A_514], %scan3A_492#5 {strides = array<i32>} : memref<10x32xf32, #tpu.memory_space<vmem>>, vector<16xf32>,
      %swap3A_516 = arith.constant 5 : i32
      %swap3A_517 = arith.index_cast %swap3A_516 : i32 to index
      %swap3A_518 = arith.constant 16 : index
      %swap3A_519 = tpu.vector_load %arg22[%swap3A_517, %swap3A_518] {strides = array<i32>} : memref<10x32xf32, #tpu.memory_space<vmem>>, vector<16xf32>,
      tpu.vector_store %arg22[%swap3A_517, %swap3A_518], %scan3A_492#6 {strides = array<i32>} : memref<10x32xf32, #tpu.memory_space<vmem>>, vector<16xf32>,
      %swap3A_520 = arith.constant 6 : i32
      %swap3A_521 = arith.index_cast %swap3A_520 : i32 to index
      %swap3A_522 = arith.constant 16 : index
      %swap3A_523 = tpu.vector_load %arg22[%swap3A_521, %swap3A_522] {strides = array<i32>} : memref<10x32xf32, #tpu.memory_space<vmem>>, vector<16xf32>,
      tpu.vector_store %arg22[%swap3A_521, %swap3A_522], %scan3A_492#7 {strides = array<i32>} : memref<10x32xf32, #tpu.memory_space<vmem>>, vector<16xf32>,
      %swap3A_524 = arith.constant 7 : i32
      %swap3A_525 = arith.index_cast %swap3A_524 : i32 to index
      %swap3A_526 = arith.constant 16 : index
      %swap3A_527 = tpu.vector_load %arg22[%swap3A_525, %swap3A_526] {strides = array<i32>} : memref<10x32xf32, #tpu.memory_space<vmem>>, vector<16xf32>,
      tpu.vector_store %arg22[%swap3A_525, %swap3A_526], %scan3A_492#8 {strides = array<i32>} : memref<10x32xf32, #tpu.memory_space<vmem>>, vector<16xf32>,
      %swap3A_528 = arith.constant 8 : i32
      %swap3A_529 = arith.index_cast %swap3A_528 : i32 to index
      %swap3A_530 = arith.constant 16 : index
      %swap3A_531 = tpu.vector_load %arg22[%swap3A_529, %swap3A_530] {strides = array<i32>} : memref<10x32xf32, #tpu.memory_space<vmem>>, vector<16xf32>,
      tpu.vector_store %arg22[%swap3A_529, %swap3A_530], %scan3A_492#9 {strides = array<i32>} : memref<10x32xf32, #tpu.memory_space<vmem>>, vector<16xf32>,
      %swap3A_532 = arith.constant 9 : i32
      %swap3A_533 = arith.index_cast %swap3A_532 : i32 to index
      %swap3A_534 = arith.constant 16 : index
      %swap3A_535 = tpu.vector_load %arg22[%swap3A_533, %swap3A_534] {strides = array<i32>} : memref<10x32xf32, #tpu.memory_space<vmem>>, vector<16xf32>,
      tpu.vector_store %arg22[%swap3A_533, %swap3A_534], %scan3A_492#10 {strides = array<i32>} : memref<10x32xf32, #tpu.memory_space<vmem>>, vector<16xf32>,
      "tpu.region"() ({
        %run_scoped3A = tpu.sem_alloc : memref<!tpu.dma_semaphore, #tpu.memory_space<semaphore_mem>>
        %dma_start3A_982 = tpu.memref_slice %arg10[%mul3A_153] : memref<16384xf32, #tpu.memory_space<hbm>> -> memref<32xf32, #tpu.memory_space<hbm>>
        %dma_start3A_983 = tpu.memref_slice %arg10[%mul3A_153] : memref<16384xf32, #tpu.memory_space<hbm>> -> memref<32xf32, #tpu.memory_space<hbm>>
        tpu.enqueue_dma source(%arg21 : memref<32xf32, #tpu.memory_space<vmem>>) target(%dma_start3A_983 : memref<32xf32, #tpu.memory_space<hbm>>) target_semaphore(%run_scoped3A : memref<!tpu.dma_semaphore, #tpu.memory_space<semaphore_mem>>)
        %dma_wait3A_984 = tpu.memref_slice %arg10[%mul3A_153] : memref<16384xf32, #tpu.memory_space<hbm>> -> memref<32xf32, #tpu.memory_space<hbm>>
        %dma_wait3A_985 = tpu.memref_slice %arg10[%mul3A_153] : memref<16384xf32, #tpu.memory_space<hbm>> -> memref<32xf32, #tpu.memory_space<hbm>>
        tpu.wait_dma2 semaphore(%run_scoped3A : memref<!tpu.dma_semaphore, #tpu.memory_space<semaphore_mem>>) src(%arg21 : memref<32xf32, #tpu.memory_space<vmem>>) dst(%dma_wait3A_985 : memref<32xf32, #tpu.memory_space<hbm>>)
        tpu.yield
      }) : () -> ()
      "tpu.region"() ({
        %run_scoped3A = tpu.sem_alloc : memref<!tpu.dma_semaphore, #tpu.memory_space<semaphore_mem>>
        %dma_start3A_982 = arith.constant 0 : i32
        %dma_start3A_983 = arith.constant 0 : i32
        %dma_start3A_984 = tpu.memref_slice %arg11[%add3A, %add3A_109, %dma_start3A_982, %dma_start3A_983] : memref<32x16x10x32xf32, #tpu.memory_space<hbm>> -> memref<1x1x10x32xf32, #tpu.memory_space<hbm>>
        %dma_start3A_985 = tpu.memref_squeeze %dma_start3A_984 : memref<1x1x10x32xf32, #tpu.memory_space<hbm>> -> memref<10x32xf32, #tpu.memory_space<hbm>>
        %dma_start3A_986 = arith.constant 0 : i32
        %dma_start3A_987 = arith.constant 0 : i32
        %dma_start3A_988 = tpu.memref_slice %arg11[%add3A, %add3A_109, %dma_start3A_986, %dma_start3A_987] : memref<32x16x10x32xf32, #tpu.memory_space<hbm>> -> memref<1x1x10x32xf32, #tpu.memory_space<hbm>>
        %dma_start3A_989 = tpu.memref_squeeze %dma_start3A_988 : memref<1x1x10x32xf32, #tpu.memory_space<hbm>> -> memref<10x32xf32, #tpu.memory_space<hbm>>
        tpu.enqueue_dma source(%arg22 : memref<10x32xf32, #tpu.memory_space<vmem>>) target(%dma_start3A_989 : memref<10x32xf32, #tpu.memory_space<hbm>>) target_semaphore(%run_scoped3A : memref<!tpu.dma_semaphore, #tpu.memory_space<semaphore_mem>>)
        %dma_wait3A_990 = arith.constant 0 : i32
        %dma_wait3A_991 = arith.constant 0 : i32
        %dma_wait3A_992 = tpu.memref_slice %arg11[%add3A, %add3A_109, %dma_wait3A_990, %dma_wait3A_991] : memref<32x16x10x32xf32, #tpu.memory_space<hbm>> -> memref<1x1x10x32xf32, #tpu.memory_space<hbm>>
        %dma_wait3A_993 = tpu.memref_squeeze %dma_wait3A_992 : memref<1x1x10x32xf32, #tpu.memory_space<hbm>> -> memref<10x32xf32, #tpu.memory_space<hbm>>
        %dma_wait3A_994 = arith.constant 0 : i32
        %dma_wait3A_995 = arith.constant 0 : i32
        %dma_wait3A_996 = tpu.memref_slice %arg11[%add3A, %add3A_109, %dma_wait3A_994, %dma_wait3A_995] : memref<32x16x10x32xf32, #tpu.memory_space<hbm>> -> memref<1x1x10x32xf32, #tpu.memory_space<hbm>>
        %dma_wait3A_997 = tpu.memref_squeeze %dma_wait3A_996 : memref<1x1x10x32xf32, #tpu.memory_space<hbm>> -> memref<10x32xf32, #tpu.memory_space<hbm>>
        tpu.wait_dma2 semaphore(%run_scoped3A : memref<!tpu.dma_semaphore, #tpu.memory_space<semaphore_mem>>) src(%arg22 : memref<10x32xf32, #tpu.memory_space<vmem>>) dst(%dma_wait3A_997 : memref<10x32xf32, #tpu.memory_space<hbm>>)
        tpu.yield
      }) : () -> ()
      %add3A_536 = arith.constant 2 : i32
      %add3A_537 = arith.addi %add3A_109, %add3A_536 : i32
      %lt3A = arith.constant 16 : i32
      %lt3A_538 = arith.cmpi slt, %add3A_537, %lt3A : i32
      %convert_element_type3A = arith.extui %lt3A_538 : i1 to i32
      %cond3A = arith.constant 0 : i32
      %cond3A_539 = arith.cmpi ne, %convert_element_type3A, %cond3A : i32
      scf.if %cond3A_539 {
        %add3A_982 = arith.constant 2 : i32
        %add3A_983 = arith.addi %add3A_109, %add3A_982 : i32
        %mul3A_984 = arith.constant 16 : i32
        %mul3A_985 = arith.muli %add3A, %mul3A_984 : i32
        %add3A_986 = arith.addi %mul3A_985, %add3A_983 : i32
        %mul3A_987 = arith.constant 32 : i32
        %mul3A_988 = arith.muli %add3A_986, %mul3A_987 : i32
        "tpu.region"() ({
          %run_scoped3A = tpu.sem_alloc : memref<!tpu.dma_semaphore, #tpu.memory_space<semaphore_mem>>
          %dma_start3A_1033 = arith.constant 0 : i32
          %dma_start3A_1034 = tpu.memref_slice %arg12[%dma_start3A_1033] : memref<64xi32, #tpu.memory_space<vmem>> -> memref<32xi32, #tpu.memory_space<vmem>>
          %dma_start3A_1035 = tpu.memref_slice %arg2[%mul3A_988] : memref<16384xi32, #tpu.memory_space<hbm>> -> memref<32xi32, #tpu.memory_space<hbm>>
          %dma_start3A_1036 = arith.constant 0 : i32
          %dma_start3A_1037 = tpu.memref_slice %arg12[%dma_start3A_1036] : memref<64xi32, #tpu.memory_space<vmem>> -> memref<32xi32, #tpu.memory_space<vmem>>
          %dma_start3A_1038 = tpu.memref_slice %arg2[%mul3A_988] : memref<16384xi32, #tpu.memory_space<hbm>> -> memref<32xi32, #tpu.memory_space<hbm>>
          tpu.enqueue_dma source(%dma_start3A_1038 : memref<32xi32, #tpu.memory_space<hbm>>) target(%dma_start3A_1037 : memref<32xi32, #tpu.memory_space<vmem>>) target_semaphore(%run_scoped3A : memref<!tpu.dma_semaphore, #tpu.memory_space<semaphore_mem>>)
          %dma_wait3A_1039 = arith.constant 0 : i32
          %dma_wait3A_1040 = tpu.memref_slice %arg12[%dma_wait3A_1039] : memref<64xi32, #tpu.memory_space<vmem>> -> memref<32xi32, #tpu.memory_space<vmem>>
          %dma_wait3A_1041 = tpu.memref_slice %arg2[%mul3A_988] : memref<16384xi32, #tpu.memory_space<hbm>> -> memref<32xi32, #tpu.memory_space<hbm>>
          %dma_wait3A_1042 = arith.constant 0 : i32
          %dma_wait3A_1043 = tpu.memref_slice %arg12[%dma_wait3A_1042] : memref<64xi32, #tpu.memory_space<vmem>> -> memref<32xi32, #tpu.memory_space<vmem>>
          %dma_wait3A_1044 = tpu.memref_slice %arg2[%mul3A_988] : memref<16384xi32, #tpu.memory_space<hbm>> -> memref<32xi32, #tpu.memory_space<hbm>>
          tpu.wait_dma2 semaphore(%run_scoped3A : memref<!tpu.dma_semaphore, #tpu.memory_space<semaphore_mem>>) src(%dma_wait3A_1044 : memref<32xi32, #tpu.memory_space<hbm>>) dst(%dma_wait3A_1043 : memref<32xi32, #tpu.memory_space<vmem>>)
          tpu.yield
        }) : () -> ()
        "tpu.region"() ({
          %run_scoped3A = tpu.sem_alloc : memref<!tpu.dma_semaphore, #tpu.memory_space<semaphore_mem>>
          %dma_start3A_1033 = arith.constant 0 : i32
          %dma_start3A_1034 = tpu.memref_slice %arg13[%dma_start3A_1033] : memref<64xi32, #tpu.memory_space<vmem>> -> memref<32xi32, #tpu.memory_space<vmem>>
          %dma_start3A_1035 = tpu.memref_slice %arg3[%mul3A_988] : memref<16384xi32, #tpu.memory_space<hbm>> -> memref<32xi32, #tpu.memory_space<hbm>>
          %dma_start3A_1036 = arith.constant 0 : i32
          %dma_start3A_1037 = tpu.memref_slice %arg13[%dma_start3A_1036] : memref<64xi32, #tpu.memory_space<vmem>> -> memref<32xi32, #tpu.memory_space<vmem>>
          %dma_start3A_1038 = tpu.memref_slice %arg3[%mul3A_988] : memref<16384xi32, #tpu.memory_space<hbm>> -> memref<32xi32, #tpu.memory_space<hbm>>
          tpu.enqueue_dma source(%dma_start3A_1038 : memref<32xi32, #tpu.memory_space<hbm>>) target(%dma_start3A_1037 : memref<32xi32, #tpu.memory_space<vmem>>) target_semaphore(%run_scoped3A : memref<!tpu.dma_semaphore, #tpu.memory_space<semaphore_mem>>)
          %dma_wait3A_1039 = arith.constant 0 : i32
          %dma_wait3A_1040 = tpu.memref_slice %arg13[%dma_wait3A_1039] : memref<64xi32, #tpu.memory_space<vmem>> -> memref<32xi32, #tpu.memory_space<vmem>>
          %dma_wait3A_1041 = tpu.memref_slice %arg3[%mul3A_988] : memref<16384xi32, #tpu.memory_space<hbm>> -> memref<32xi32, #tpu.memory_space<hbm>>
          %dma_wait3A_1042 = arith.constant 0 : i32
          %dma_wait3A_1043 = tpu.memref_slice %arg13[%dma_wait3A_1042] : memref<64xi32, #tpu.memory_space<vmem>> -> memref<32xi32, #tpu.memory_space<vmem>>
          %dma_wait3A_1044 = tpu.memref_slice %arg3[%mul3A_988] : memref<16384xi32, #tpu.memory_space<hbm>> -> memref<32xi32, #tpu.memory_space<hbm>>
          tpu.wait_dma2 semaphore(%run_scoped3A : memref<!tpu.dma_semaphore, #tpu.memory_space<semaphore_mem>>) src(%dma_wait3A_1044 : memref<32xi32, #tpu.memory_space<hbm>>) dst(%dma_wait3A_1043 : memref<32xi32, #tpu.memory_space<vmem>>)
          tpu.yield
        }) : () -> ()
        "tpu.region"() ({
          %run_scoped3A = tpu.sem_alloc : memref<!tpu.dma_semaphore, #tpu.memory_space<semaphore_mem>>
          %dma_start3A_1033 = arith.constant 0 : i32
          %dma_start3A_1034 = tpu.memref_slice %arg14[%dma_start3A_1033] : memref<64xi32, #tpu.memory_space<vmem>> -> memref<32xi32, #tpu.memory_space<vmem>>
          %dma_start3A_1035 = tpu.memref_slice %arg4[%mul3A_988] : memref<16384xi32, #tpu.memory_space<hbm>> -> memref<32xi32, #tpu.memory_space<hbm>>
          %dma_start3A_1036 = arith.constant 0 : i32
          %dma_start3A_1037 = tpu.memref_slice %arg14[%dma_start3A_1036] : memref<64xi32, #tpu.memory_space<vmem>> -> memref<32xi32, #tpu.memory_space<vmem>>
          %dma_start3A_1038 = tpu.memref_slice %arg4[%mul3A_988] : memref<16384xi32, #tpu.memory_space<hbm>> -> memref<32xi32, #tpu.memory_space<hbm>>
          tpu.enqueue_dma source(%dma_start3A_1038 : memref<32xi32, #tpu.memory_space<hbm>>) target(%dma_start3A_1037 : memref<32xi32, #tpu.memory_space<vmem>>) target_semaphore(%run_scoped3A : memref<!tpu.dma_semaphore, #tpu.memory_space<semaphore_mem>>)
          %dma_wait3A_1039 = arith.constant 0 : i32
          %dma_wait3A_1040 = tpu.memref_slice %arg14[%dma_wait3A_1039] : memref<64xi32, #tpu.memory_space<vmem>> -> memref<32xi32, #tpu.memory_space<vmem>>
          %dma_wait3A_1041 = tpu.memref_slice %arg4[%mul3A_988] : memref<16384xi32, #tpu.memory_space<hbm>> -> memref<32xi32, #tpu.memory_space<hbm>>
          %dma_wait3A_1042 = arith.constant 0 : i32
          %dma_wait3A_1043 = tpu.memref_slice %arg14[%dma_wait3A_1042] : memref<64xi32, #tpu.memory_space<vmem>> -> memref<32xi32, #tpu.memory_space<vmem>>
          %dma_wait3A_1044 = tpu.memref_slice %arg4[%mul3A_988] : memref<16384xi32, #tpu.memory_space<hbm>> -> memref<32xi32, #tpu.memory_space<hbm>>
          tpu.wait_dma2 semaphore(%run_scoped3A : memref<!tpu.dma_semaphore, #tpu.memory_space<semaphore_mem>>) src(%dma_wait3A_1044 : memref<32xi32, #tpu.memory_space<hbm>>) dst(%dma_wait3A_1043 : memref<32xi32, #tpu.memory_space<vmem>>)
          tpu.yield
        }) : () -> ()
        "tpu.region"() ({
          %run_scoped3A = tpu.sem_alloc : memref<!tpu.dma_semaphore, #tpu.memory_space<semaphore_mem>>
          %dma_start3A_1033 = arith.constant 0 : i32
          %dma_start3A_1034 = tpu.memref_slice %arg15[%dma_start3A_1033] : memref<64xi32, #tpu.memory_space<vmem>> -> memref<32xi32, #tpu.memory_space<vmem>>
          %dma_start3A_1035 = tpu.memref_slice %arg5[%mul3A_988] : memref<16384xi32, #tpu.memory_space<hbm>> -> memref<32xi32, #tpu.memory_space<hbm>>
          %dma_start3A_1036 = arith.constant 0 : i32
          %dma_start3A_1037 = tpu.memref_slice %arg15[%dma_start3A_1036] : memref<64xi32, #tpu.memory_space<vmem>> -> memref<32xi32, #tpu.memory_space<vmem>>
          %dma_start3A_1038 = tpu.memref_slice %arg5[%mul3A_988] : memref<16384xi32, #tpu.memory_space<hbm>> -> memref<32xi32, #tpu.memory_space<hbm>>
          tpu.enqueue_dma source(%dma_start3A_1038 : memref<32xi32, #tpu.memory_space<hbm>>) target(%dma_start3A_1037 : memref<32xi32, #tpu.memory_space<vmem>>) target_semaphore(%run_scoped3A : memref<!tpu.dma_semaphore, #tpu.memory_space<semaphore_mem>>)
          %dma_wait3A_1039 = arith.constant 0 : i32
          %dma_wait3A_1040 = tpu.memref_slice %arg15[%dma_wait3A_1039] : memref<64xi32, #tpu.memory_space<vmem>> -> memref<32xi32, #tpu.memory_space<vmem>>
          %dma_wait3A_1041 = tpu.memref_slice %arg5[%mul3A_988] : memref<16384xi32, #tpu.memory_space<hbm>> -> memref<32xi32, #tpu.memory_space<hbm>>
          %dma_wait3A_1042 = arith.constant 0 : i32
          %dma_wait3A_1043 = tpu.memref_slice %arg15[%dma_wait3A_1042] : memref<64xi32, #tpu.memory_space<vmem>> -> memref<32xi32, #tpu.memory_space<vmem>>
          %dma_wait3A_1044 = tpu.memref_slice %arg5[%mul3A_988] : memref<16384xi32, #tpu.memory_space<hbm>> -> memref<32xi32, #tpu.memory_space<hbm>>
          tpu.wait_dma2 semaphore(%run_scoped3A : memref<!tpu.dma_semaphore, #tpu.memory_space<semaphore_mem>>) src(%dma_wait3A_1044 : memref<32xi32, #tpu.memory_space<hbm>>) dst(%dma_wait3A_1043 : memref<32xi32, #tpu.memory_space<vmem>>)
          tpu.yield
        }) : () -> ()
        %mul3A_989 = arith.constant 10 : i32
        %mul3A_990 = arith.muli %mul3A_988, %mul3A_989 : i32
        "tpu.region"() ({
          %run_scoped3A = tpu.sem_alloc : memref<!tpu.dma_semaphore, #tpu.memory_space<semaphore_mem>>
          %dma_start3A_1033 = arith.constant 0 : i32
          %dma_start3A_1034 = tpu.memref_slice %arg16[%dma_start3A_1033] : memref<640xi32, #tpu.memory_space<vmem>> -> memref<320xi32, #tpu.memory_space<vmem>>
          %dma_start3A_1035 = tpu.memref_slice %arg6[%mul3A_990] : memref<163840xi32, #tpu.memory_space<hbm>> -> memref<320xi32, #tpu.memory_space<hbm>>
          %dma_start3A_1036 = arith.constant 0 : i32
          %dma_start3A_1037 = tpu.memref_slice %arg16[%dma_start3A_1036] : memref<640xi32, #tpu.memory_space<vmem>> -> memref<320xi32, #tpu.memory_space<vmem>>
          %dma_start3A_1038 = tpu.memref_slice %arg6[%mul3A_990] : memref<163840xi32, #tpu.memory_space<hbm>> -> memref<320xi32, #tpu.memory_space<hbm>>
          tpu.enqueue_dma source(%dma_start3A_1038 : memref<320xi32, #tpu.memory_space<hbm>>) target(%dma_start3A_1037 : memref<320xi32, #tpu.memory_space<vmem>>) target_semaphore(%run_scoped3A : memref<!tpu.dma_semaphore, #tpu.memory_space<semaphore_mem>>)
          %dma_wait3A_1039 = arith.constant 0 : i32
          %dma_wait3A_1040 = tpu.memref_slice %arg16[%dma_wait3A_1039] : memref<640xi32, #tpu.memory_space<vmem>> -> memref<320xi32, #tpu.memory_space<vmem>>
          %dma_wait3A_1041 = tpu.memref_slice %arg6[%mul3A_990] : memref<163840xi32, #tpu.memory_space<hbm>> -> memref<320xi32, #tpu.memory_space<hbm>>
          %dma_wait3A_1042 = arith.constant 0 : i32
          %dma_wait3A_1043 = tpu.memref_slice %arg16[%dma_wait3A_1042] : memref<640xi32, #tpu.memory_space<vmem>> -> memref<320xi32, #tpu.memory_space<vmem>>
          %dma_wait3A_1044 = tpu.memref_slice %arg6[%mul3A_990] : memref<163840xi32, #tpu.memory_space<hbm>> -> memref<320xi32, #tpu.memory_space<hbm>>
          tpu.wait_dma2 semaphore(%run_scoped3A : memref<!tpu.dma_semaphore, #tpu.memory_space<semaphore_mem>>) src(%dma_wait3A_1044 : memref<320xi32, #tpu.memory_space<hbm>>) dst(%dma_wait3A_1043 : memref<320xi32, #tpu.memory_space<vmem>>)
          tpu.yield
        }) : () -> ()
        %mul3A_991 = arith.constant 10 : i32
        %mul3A_992 = arith.muli %mul3A_988, %mul3A_991 : i32
        "tpu.region"() ({
          %run_scoped3A = tpu.sem_alloc : memref<!tpu.dma_semaphore, #tpu.memory_space<semaphore_mem>>
          %dma_start3A_1033 = arith.constant 0 : i32
          %dma_start3A_1034 = tpu.memref_slice %arg17[%dma_start3A_1033] : memref<640xi32, #tpu.memory_space<vmem>> -> memref<320xi32, #tpu.memory_space<vmem>>
          %dma_start3A_1035 = tpu.memref_slice %arg7[%mul3A_992] : memref<163840xi32, #tpu.memory_space<hbm>> -> memref<320xi32, #tpu.memory_space<hbm>>
          %dma_start3A_1036 = arith.constant 0 : i32
          %dma_start3A_1037 = tpu.memref_slice %arg17[%dma_start3A_1036] : memref<640xi32, #tpu.memory_space<vmem>> -> memref<320xi32, #tpu.memory_space<vmem>>
          %dma_start3A_1038 = tpu.memref_slice %arg7[%mul3A_992] : memref<163840xi32, #tpu.memory_space<hbm>> -> memref<320xi32, #tpu.memory_space<hbm>>
          tpu.enqueue_dma source(%dma_start3A_1038 : memref<320xi32, #tpu.memory_space<hbm>>) target(%dma_start3A_1037 : memref<320xi32, #tpu.memory_space<vmem>>) target_semaphore(%run_scoped3A : memref<!tpu.dma_semaphore, #tpu.memory_space<semaphore_mem>>)
          %dma_wait3A_1039 = arith.constant 0 : i32
          %dma_wait3A_1040 = tpu.memref_slice %arg17[%dma_wait3A_1039] : memref<640xi32, #tpu.memory_space<vmem>> -> memref<320xi32, #tpu.memory_space<vmem>>
          %dma_wait3A_1041 = tpu.memref_slice %arg7[%mul3A_992] : memref<163840xi32, #tpu.memory_space<hbm>> -> memref<320xi32, #tpu.memory_space<hbm>>
          %dma_wait3A_1042 = arith.constant 0 : i32
          %dma_wait3A_1043 = tpu.memref_slice %arg17[%dma_wait3A_1042] : memref<640xi32, #tpu.memory_space<vmem>> -> memref<320xi32, #tpu.memory_space<vmem>>
          %dma_wait3A_1044 = tpu.memref_slice %arg7[%mul3A_992] : memref<163840xi32, #tpu.memory_space<hbm>> -> memref<320xi32, #tpu.memory_space<hbm>>
          tpu.wait_dma2 semaphore(%run_scoped3A : memref<!tpu.dma_semaphore, #tpu.memory_space<semaphore_mem>>) src(%dma_wait3A_1044 : memref<320xi32, #tpu.memory_space<hbm>>) dst(%dma_wait3A_1043 : memref<320xi32, #tpu.memory_space<vmem>>)
          tpu.yield
        }) : () -> ()
        %dma_start3A_993 = arith.constant 0 : i32
        %dma_start3A_994 = arith.constant 0 : i32
        %dma_start3A_995 = tpu.memref_slice %arg18[%dma_start3A_993, %dma_start3A_994] : memref<64x128xf32, #tpu.memory_space<vmem>> -> memref<32x128xf32, #tpu.memory_space<vmem>>
        %dma_start3A_996 = arith.constant 0 : i32
        %dma_start3A_997 = tpu.memref_slice %arg12[%dma_start3A_996] : memref<64xi32, #tpu.memory_space<vmem>> -> memref<32xi32, #tpu.memory_space<vmem>>
        %dma_start3A_998 = arith.constant 0 : i32
        %dma_start3A_999 = arith.constant 0 : i32
        %dma_start3A_1000 = tpu.memref_slice %arg8[%dma_start3A_998, %dma_start3A_999] : memref<503808x128xf32, #tpu.memory_space<hbm>> -> memref<503808x128xf32, #tpu.memory_space<hbm>>
        tpu.enqueue_indirect_dma source(%dma_start3A_1000 : memref<503808x128xf32, #tpu.memory_space<hbm>>) target(%dma_start3A_995 : memref<32x128xf32, #tpu.memory_space<vmem>>) offsets(%dma_start3A_997 : memref<32xi32, #tpu.memory_space<vmem>>) semaphore(%arg23 : memref<!tpu.dma_semaphore, #tpu.memory_space<semaphore_mem>>)
        %dma_start3A_1001 = arith.constant 0 : i32
        %dma_start3A_1002 = arith.constant 0 : i32
        %dma_start3A_1003 = tpu.memref_slice %arg19[%dma_start3A_1001, %dma_start3A_1002] : memref<64x128xf32, #tpu.memory_space<vmem>> -> memref<32x128xf32, #tpu.memory_space<vmem>>
        %dma_start3A_1004 = arith.constant 0 : i32
        %dma_start3A_1005 = tpu.memref_slice %arg14[%dma_start3A_1004] : memref<64xi32, #tpu.memory_space<vmem>> -> memref<32xi32, #tpu.memory_space<vmem>>
        %dma_start3A_1006 = arith.constant 0 : i32
        %dma_start3A_1007 = arith.constant 0 : i32
        %dma_start3A_1008 = tpu.memref_slice %arg9[%dma_start3A_1006, %dma_start3A_1007] : memref<503808x128xf32, #tpu.memory_space<hbm>> -> memref<503808x128xf32, #tpu.memory_space<hbm>>
        tpu.enqueue_indirect_dma source(%dma_start3A_1008 : memref<503808x128xf32, #tpu.memory_space<hbm>>) target(%dma_start3A_1003 : memref<32x128xf32, #tpu.memory_space<vmem>>) offsets(%dma_start3A_1005 : memref<32xi32, #tpu.memory_space<vmem>>) semaphore(%arg23 : memref<!tpu.dma_semaphore, #tpu.memory_space<semaphore_mem>>)
        %dma_start3A_1009 = arith.constant 0 : i32
        %dma_start3A_1010 = arith.constant 0 : i32
        %dma_start3A_1011 = tpu.memref_slice %arg20[%dma_start3A_1009, %dma_start3A_1010] : memref<640x128xf32, #tpu.memory_space<vmem>> -> memref<128x128xf32, #tpu.memory_space<vmem>>
        %dma_start3A_1012 = arith.constant 0 : i32
        %dma_start3A_1013 = tpu.memref_slice %arg16[%dma_start3A_1012] : memref<640xi32, #tpu.memory_space<vmem>> -> memref<128xi32, #tpu.memory_space<vmem>>
        %dma_start3A_1014 = arith.constant 0 : i32
        %dma_start3A_1015 = arith.constant 0 : i32
        %dma_start3A_1016 = tpu.memref_slice %arg9[%dma_start3A_1014, %dma_start3A_1015] : memref<503808x128xf32, #tpu.memory_space<hbm>> -> memref<503808x128xf32, #tpu.memory_space<hbm>>
        tpu.enqueue_indirect_dma source(%dma_start3A_1016 : memref<503808x128xf32, #tpu.memory_space<hbm>>) target(%dma_start3A_1011 : memref<128x128xf32, #tpu.memory_space<vmem>>) offsets(%dma_start3A_1013 : memref<128xi32, #tpu.memory_space<vmem>>) semaphore(%arg23 : memref<!tpu.dma_semaphore, #tpu.memory_space<semaphore_mem>>)
        %dma_start3A_1017 = arith.constant 128 : i32
        %dma_start3A_1018 = arith.constant 0 : i32
        %dma_start3A_1019 = tpu.memref_slice %arg20[%dma_start3A_1017, %dma_start3A_1018] : memref<640x128xf32, #tpu.memory_space<vmem>> -> memref<128x128xf32, #tpu.memory_space<vmem>>
        %dma_start3A_1020 = arith.constant 128 : i32
        %dma_start3A_1021 = tpu.memref_slice %arg16[%dma_start3A_1020] : memref<640xi32, #tpu.memory_space<vmem>> -> memref<128xi32, #tpu.memory_space<vmem>>
        %dma_start3A_1022 = arith.constant 0 : i32
        %dma_start3A_1023 = arith.constant 0 : i32
        %dma_start3A_1024 = tpu.memref_slice %arg9[%dma_start3A_1022, %dma_start3A_1023] : memref<503808x128xf32, #tpu.memory_space<hbm>> -> memref<503808x128xf32, #tpu.memory_space<hbm>>
        tpu.enqueue_indirect_dma source(%dma_start3A_1024 : memref<503808x128xf32, #tpu.memory_space<hbm>>) target(%dma_start3A_1019 : memref<128x128xf32, #tpu.memory_space<vmem>>) offsets(%dma_start3A_1021 : memref<128xi32, #tpu.memory_space<vmem>>) semaphore(%arg23 : memref<!tpu.dma_semaphore, #tpu.memory_space<semaphore_mem>>)
        %dma_start3A_1025 = arith.constant 256 : i32
        %dma_start3A_1026 = arith.constant 0 : i32
        %dma_start3A_1027 = tpu.memref_slice %arg20[%dma_start3A_1025, %dma_start3A_1026] : memref<640x128xf32, #tpu.memory_space<vmem>> -> memref<64x128xf32, #tpu.memory_space<vmem>>
        %dma_start3A_1028 = arith.constant 256 : i32
        %dma_start3A_1029 = tpu.memref_slice %arg16[%dma_start3A_1028] : memref<640xi32, #tpu.memory_space<vmem>> -> memref<64xi32, #tpu.memory_space<vmem>>
        %dma_start3A_1030 = arith.constant 0 : i32
        %dma_start3A_1031 = arith.constant 0 : i32
        %dma_start3A_1032 = tpu.memref_slice %arg9[%dma_start3A_1030, %dma_start3A_1031] : memref<503808x128xf32, #tpu.memory_space<hbm>> -> memref<503808x128xf32, #tpu.memory_space<hbm>>
        tpu.enqueue_indirect_dma source(%dma_start3A_1032 : memref<503808x128xf32, #tpu.memory_space<hbm>>) target(%dma_start3A_1027 : memref<64x128xf32, #tpu.memory_space<vmem>>) offsets(%dma_start3A_1029 : memref<64xi32, #tpu.memory_space<vmem>>) semaphore(%arg23 : memref<!tpu.dma_semaphore, #tpu.memory_space<semaphore_mem>>)
      } else {
      }
      %mul3A_540 = arith.constant 2 : i32
      %mul3A_541 = arith.muli %scan3A_105, %mul3A_540 : i32
      %add3A_542 = arith.constant 1 : i32
      %add3A_543 = arith.addi %mul3A_541, %add3A_542 : i32
      %dma_wait3A_544 = arith.constant 32 : i32
      %dma_wait3A_545 = arith.constant 0 : i32
      %dma_wait3A_546 = tpu.memref_slice %arg18[%dma_wait3A_544, %dma_wait3A_545] : memref<64x128xf32, #tpu.memory_space<vmem>> -> memref<32x128xf32, #tpu.memory_space<vmem>>
      %dma_wait3A_547 = arith.constant 32 : i32
      %dma_wait3A_548 = tpu.memref_slice %arg12[%dma_wait3A_547] : memref<64xi32, #tpu.memory_space<vmem>> -> memref<32xi32, #tpu.memory_space<vmem>>
      %dma_wait3A_549 = arith.constant 0 : i32
      %dma_wait3A_550 = arith.constant 0 : i32
      %dma_wait3A_551 = tpu.memref_slice %arg8[%dma_wait3A_549, %dma_wait3A_550] : memref<503808x128xf32, #tpu.memory_space<hbm>> -> memref<503808x128xf32, #tpu.memory_space<hbm>>
      tpu.wait_indirect_dma semaphore(%arg24 : memref<!tpu.dma_semaphore, #tpu.memory_space<semaphore_mem>>) src(%dma_wait3A_551 : memref<503808x128xf32, #tpu.memory_space<hbm>>) dst(%dma_wait3A_546 : memref<32x128xf32, #tpu.memory_space<vmem>>)
      %dma_wait3A_552 = arith.constant 32 : i32
      %dma_wait3A_553 = arith.constant 0 : i32
      %dma_wait3A_554 = tpu.memref_slice %arg19[%dma_wait3A_552, %dma_wait3A_553] : memref<64x128xf32, #tpu.memory_space<vmem>> -> memref<32x128xf32, #tpu.memory_space<vmem>>
      %dma_wait3A_555 = arith.constant 32 : i32
      %dma_wait3A_556 = tpu.memref_slice %arg14[%dma_wait3A_555] : memref<64xi32, #tpu.memory_space<vmem>> -> memref<32xi32, #tpu.memory_space<vmem>>
      %dma_wait3A_557 = arith.constant 0 : i32
      %dma_wait3A_558 = arith.constant 0 : i32
      %dma_wait3A_559 = tpu.memref_slice %arg9[%dma_wait3A_557, %dma_wait3A_558] : memref<503808x128xf32, #tpu.memory_space<hbm>> -> memref<503808x128xf32, #tpu.memory_space<hbm>>
      tpu.wait_indirect_dma semaphore(%arg24 : memref<!tpu.dma_semaphore, #tpu.memory_space<semaphore_mem>>) src(%dma_wait3A_559 : memref<503808x128xf32, #tpu.memory_space<hbm>>) dst(%dma_wait3A_554 : memref<32x128xf32, #tpu.memory_space<vmem>>)
      %dma_wait3A_560 = arith.constant 320 : i32
      %dma_wait3A_561 = arith.constant 0 : i32
      %dma_wait3A_562 = tpu.memref_slice %arg20[%dma_wait3A_560, %dma_wait3A_561] : memref<640x128xf32, #tpu.memory_space<vmem>> -> memref<128x128xf32, #tpu.memory_space<vmem>>
      %dma_wait3A_563 = arith.constant 320 : i32
      %dma_wait3A_564 = tpu.memref_slice %arg16[%dma_wait3A_563] : memref<640xi32, #tpu.memory_space<vmem>> -> memref<128xi32, #tpu.memory_space<vmem>>
      %dma_wait3A_565 = arith.constant 0 : i32
      %dma_wait3A_566 = arith.constant 0 : i32
      %dma_wait3A_567 = tpu.memref_slice %arg9[%dma_wait3A_565, %dma_wait3A_566] : memref<503808x128xf32, #tpu.memory_space<hbm>> -> memref<503808x128xf32, #tpu.memory_space<hbm>>
      tpu.wait_indirect_dma semaphore(%arg24 : memref<!tpu.dma_semaphore, #tpu.memory_space<semaphore_mem>>) src(%dma_wait3A_567 : memref<503808x128xf32, #tpu.memory_space<hbm>>) dst(%dma_wait3A_562 : memref<128x128xf32, #tpu.memory_space<vmem>>)
      %dma_wait3A_568 = arith.constant 448 : i32
      %dma_wait3A_569 = arith.constant 0 : i32
      %dma_wait3A_570 = tpu.memref_slice %arg20[%dma_wait3A_568, %dma_wait3A_569] : memref<640x128xf32, #tpu.memory_space<vmem>> -> memref<128x128xf32, #tpu.memory_space<vmem>>
      %dma_wait3A_571 = arith.constant 448 : i32
      %dma_wait3A_572 = tpu.memref_slice %arg16[%dma_wait3A_571] : memref<640xi32, #tpu.memory_space<vmem>> -> memref<128xi32, #tpu.memory_space<vmem>>
      %dma_wait3A_573 = arith.constant 0 : i32
      %dma_wait3A_574 = arith.constant 0 : i32
      %dma_wait3A_575 = tpu.memref_slice %arg9[%dma_wait3A_573, %dma_wait3A_574] : memref<503808x128xf32, #tpu.memory_space<hbm>> -> memref<503808x128xf32, #tpu.memory_space<hbm>>
      tpu.wait_indirect_dma semaphore(%arg24 : memref<!tpu.dma_semaphore, #tpu.memory_space<semaphore_mem>>) src(%dma_wait3A_575 : memref<503808x128xf32, #tpu.memory_space<hbm>>) dst(%dma_wait3A_570 : memref<128x128xf32, #tpu.memory_space<vmem>>)
      %dma_wait3A_576 = arith.constant 576 : i32
      %dma_wait3A_577 = arith.constant 0 : i32
      %dma_wait3A_578 = tpu.memref_slice %arg20[%dma_wait3A_576, %dma_wait3A_577] : memref<640x128xf32, #tpu.memory_space<vmem>> -> memref<64x128xf32, #tpu.memory_space<vmem>>
      %dma_wait3A_579 = arith.constant 576 : i32
      %dma_wait3A_580 = tpu.memref_slice %arg16[%dma_wait3A_579] : memref<640xi32, #tpu.memory_space<vmem>> -> memref<64xi32, #tpu.memory_space<vmem>>
      %dma_wait3A_581 = arith.constant 0 : i32
      %dma_wait3A_582 = arith.constant 0 : i32
      %dma_wait3A_583 = tpu.memref_slice %arg9[%dma_wait3A_581, %dma_wait3A_582] : memref<503808x128xf32, #tpu.memory_space<hbm>> -> memref<503808x128xf32, #tpu.memory_space<hbm>>
      tpu.wait_indirect_dma semaphore(%arg24 : memref<!tpu.dma_semaphore, #tpu.memory_space<semaphore_mem>>) src(%dma_wait3A_583 : memref<503808x128xf32, #tpu.memory_space<hbm>>) dst(%dma_wait3A_578 : memref<64x128xf32, #tpu.memory_space<vmem>>)
      %mul3A_584 = arith.constant 16 : i32
      %mul3A_585 = arith.muli %add3A, %mul3A_584 : i32
      %add3A_586 = arith.addi %mul3A_585, %add3A_543 : i32
      %mul3A_587 = arith.constant 32 : i32
      %mul3A_588 = arith.muli %add3A_586, %mul3A_587 : i32
      %add3A_589 = arith.constant 0 : i32
      %add3A_590 = vector.broadcast %add3A_589 : i32 to vector<16xi32>
      %add3A_591 = arith.addi %iota3A, %add3A_590 : vector<16xi32>
      %add3A_592 = arith.constant 32 : i32
      %add3A_593 = vector.broadcast %add3A_592 : i32 to vector<16xi32>
      %add3A_594 = arith.addi %add3A_591, %add3A_593 : vector<16xi32>
      %add3A_595 = arith.constant 0 : i32
      %add3A_596 = vector.broadcast %add3A_595 : i32 to vector<16xi32>
      %add3A_597 = arith.addi %iota3A, %add3A_596 : vector<16xi32>
      %mul3A_598 = arith.constant 10 : i32
      %mul3A_599 = vector.broadcast %mul3A_598 : i32 to vector<16xi32>
      %mul3A_600 = arith.muli %add3A_597, %mul3A_599 : vector<16xi32>
      %add3A_601 = arith.constant 0 : i32
      %add3A_602 = vector.broadcast %add3A_601 : i32 to vector<16xi32>
      %add3A_603 = arith.addi %mul3A_600, %add3A_602 : vector<16xi32>
      %add3A_604 = arith.constant 320 : i32
      %add3A_605 = vector.broadcast %add3A_604 : i32 to vector<16xi32>
      %add3A_606 = arith.addi %add3A_603, %add3A_605 : vector<16xi32>
      %add3A_607 = arith.constant 0 : i32
      %add3A_608 = vector.broadcast %add3A_607 : i32 to vector<16xi32>
      %add3A_609 = arith.addi %iota3A, %add3A_608 : vector<16xi32>
      %mul3A_610 = arith.constant 10 : i32
      %mul3A_611 = vector.broadcast %mul3A_610 : i32 to vector<16xi32>
      %mul3A_612 = arith.muli %add3A_609, %mul3A_611 : vector<16xi32>
      %add3A_613 = arith.constant 1 : i32
      %add3A_614 = vector.broadcast %add3A_613 : i32 to vector<16xi32>
      %add3A_615 = arith.addi %mul3A_612, %add3A_614 : vector<16xi32>
      %add3A_616 = arith.constant 320 : i32
      %add3A_617 = vector.broadcast %add3A_616 : i32 to vector<16xi32>
      %add3A_618 = arith.addi %add3A_615, %add3A_617 : vector<16xi32>
      %add3A_619 = arith.constant 0 : i32
      %add3A_620 = vector.broadcast %add3A_619 : i32 to vector<16xi32>
      %add3A_621 = arith.addi %iota3A, %add3A_620 : vector<16xi32>
      %mul3A_622 = arith.constant 10 : i32
      %mul3A_623 = vector.broadcast %mul3A_622 : i32 to vector<16xi32>
      %mul3A_624 = arith.muli %add3A_621, %mul3A_623 : vector<16xi32>
      %add3A_625 = arith.constant 2 : i32
      %add3A_626 = vector.broadcast %add3A_625 : i32 to vector<16xi32>
      %add3A_627 = arith.addi %mul3A_624, %add3A_626 : vector<16xi32>
      %add3A_628 = arith.constant 320 : i32
      %add3A_629 = vector.broadcast %add3A_628 : i32 to vector<16xi32>
      %add3A_630 = arith.addi %add3A_627, %add3A_629 : vector<16xi32>
      %add3A_631 = arith.constant 0 : i32
      %add3A_632 = vector.broadcast %add3A_631 : i32 to vector<16xi32>
      %add3A_633 = arith.addi %iota3A, %add3A_632 : vector<16xi32>
      %mul3A_634 = arith.constant 10 : i32
      %mul3A_635 = vector.broadcast %mul3A_634 : i32 to vector<16xi32>
      %mul3A_636 = arith.muli %add3A_633, %mul3A_635 : vector<16xi32>
      %add3A_637 = arith.constant 3 : i32
      %add3A_638 = vector.broadcast %add3A_637 : i32 to vector<16xi32>
      %add3A_639 = arith.addi %mul3A_636, %add3A_638 : vector<16xi32>
      %add3A_640 = arith.constant 320 : i32
      %add3A_641 = vector.broadcast %add3A_640 : i32 to vector<16xi32>
      %add3A_642 = arith.addi %add3A_639, %add3A_641 : vector<16xi32>
      %add3A_643 = arith.constant 0 : i32
      %add3A_644 = vector.broadcast %add3A_643 : i32 to vector<16xi32>
      %add3A_645 = arith.addi %iota3A, %add3A_644 : vector<16xi32>
      %mul3A_646 = arith.constant 10 : i32
      %mul3A_647 = vector.broadcast %mul3A_646 : i32 to vector<16xi32>
      %mul3A_648 = arith.muli %add3A_645, %mul3A_647 : vector<16xi32>
      %add3A_649 = arith.constant 4 : i32
      %add3A_650 = vector.broadcast %add3A_649 : i32 to vector<16xi32>
      %add3A_651 = arith.addi %mul3A_648, %add3A_650 : vector<16xi32>
      %add3A_652 = arith.constant 320 : i32
      %add3A_653 = vector.broadcast %add3A_652 : i32 to vector<16xi32>
      %add3A_654 = arith.addi %add3A_651, %add3A_653 : vector<16xi32>
      %add3A_655 = arith.constant 0 : i32
      %add3A_656 = vector.broadcast %add3A_655 : i32 to vector<16xi32>
      %add3A_657 = arith.addi %iota3A, %add3A_656 : vector<16xi32>
      %mul3A_658 = arith.constant 10 : i32
      %mul3A_659 = vector.broadcast %mul3A_658 : i32 to vector<16xi32>
      %mul3A_660 = arith.muli %add3A_657, %mul3A_659 : vector<16xi32>
      %add3A_661 = arith.constant 5 : i32
      %add3A_662 = vector.broadcast %add3A_661 : i32 to vector<16xi32>
      %add3A_663 = arith.addi %mul3A_660, %add3A_662 : vector<16xi32>
      %add3A_664 = arith.constant 320 : i32
      %add3A_665 = vector.broadcast %add3A_664 : i32 to vector<16xi32>
      %add3A_666 = arith.addi %add3A_663, %add3A_665 : vector<16xi32>
      %add3A_667 = arith.constant 0 : i32
      %add3A_668 = vector.broadcast %add3A_667 : i32 to vector<16xi32>
      %add3A_669 = arith.addi %iota3A, %add3A_668 : vector<16xi32>
      %mul3A_670 = arith.constant 10 : i32
      %mul3A_671 = vector.broadcast %mul3A_670 : i32 to vector<16xi32>
      %mul3A_672 = arith.muli %add3A_669, %mul3A_671 : vector<16xi32>
      %add3A_673 = arith.constant 6 : i32
      %add3A_674 = vector.broadcast %add3A_673 : i32 to vector<16xi32>
      %add3A_675 = arith.addi %mul3A_672, %add3A_674 : vector<16xi32>
      %add3A_676 = arith.constant 320 : i32
      %add3A_677 = vector.broadcast %add3A_676 : i32 to vector<16xi32>
      %add3A_678 = arith.addi %add3A_675, %add3A_677 : vector<16xi32>
      %add3A_679 = arith.constant 0 : i32
      %add3A_680 = vector.broadcast %add3A_679 : i32 to vector<16xi32>
      %add3A_681 = arith.addi %iota3A, %add3A_680 : vector<16xi32>
      %mul3A_682 = arith.constant 10 : i32
      %mul3A_683 = vector.broadcast %mul3A_682 : i32 to vector<16xi32>
      %mul3A_684 = arith.muli %add3A_681, %mul3A_683 : vector<16xi32>
      %add3A_685 = arith.constant 7 : i32
      %add3A_686 = vector.broadcast %add3A_685 : i32 to vector<16xi32>
      %add3A_687 = arith.addi %mul3A_684, %add3A_686 : vector<16xi32>
      %add3A_688 = arith.constant 320 : i32
      %add3A_689 = vector.broadcast %add3A_688 : i32 to vector<16xi32>
      %add3A_690 = arith.addi %add3A_687, %add3A_689 : vector<16xi32>
      %add3A_691 = arith.constant 0 : i32
      %add3A_692 = vector.broadcast %add3A_691 : i32 to vector<16xi32>
      %add3A_693 = arith.addi %iota3A, %add3A_692 : vector<16xi32>
      %mul3A_694 = arith.constant 10 : i32
      %mul3A_695 = vector.broadcast %mul3A_694 : i32 to vector<16xi32>
      %mul3A_696 = arith.muli %add3A_693, %mul3A_695 : vector<16xi32>
      %add3A_697 = arith.constant 8 : i32
      %add3A_698 = vector.broadcast %add3A_697 : i32 to vector<16xi32>
      %add3A_699 = arith.addi %mul3A_696, %add3A_698 : vector<16xi32>
      %add3A_700 = arith.constant 320 : i32
      %add3A_701 = vector.broadcast %add3A_700 : i32 to vector<16xi32>
      %add3A_702 = arith.addi %add3A_699, %add3A_701 : vector<16xi32>
      %add3A_703 = arith.constant 0 : i32
      %add3A_704 = vector.broadcast %add3A_703 : i32 to vector<16xi32>
      %add3A_705 = arith.addi %iota3A, %add3A_704 : vector<16xi32>
      %mul3A_706 = arith.constant 10 : i32
      %mul3A_707 = vector.broadcast %mul3A_706 : i32 to vector<16xi32>
      %mul3A_708 = arith.muli %add3A_705, %mul3A_707 : vector<16xi32>
      %add3A_709 = arith.constant 9 : i32
      %add3A_710 = vector.broadcast %add3A_709 : i32 to vector<16xi32>
      %add3A_711 = arith.addi %mul3A_708, %add3A_710 : vector<16xi32>
      %add3A_712 = arith.constant 320 : i32
      %add3A_713 = vector.broadcast %add3A_712 : i32 to vector<16xi32>
      %add3A_714 = arith.addi %add3A_711, %add3A_713 : vector<16xi32>
      %get3A_715 = arith.constant 32 : index
      %get3A_716 = tpu.vector_load %arg13[%get3A_715] {strides = array<i32>} : memref<64xi32, #tpu.memory_space<vmem>>, vector<16xi32>,
      %get3A_717 = arith.constant 32 : index
      %get3A_718 = tpu.vector_load %arg15[%get3A_717] {strides = array<i32>} : memref<64xi32, #tpu.memory_space<vmem>>, vector<16xi32>,
      %gather3A_719 = tpu.vector_load_idx %arg17[%add3A_606] : memref<640xi32, #tpu.memory_space<vmem>>[vector<16xi32>], vector<16xi32>,
      %gather3A_720 = tpu.vector_load_idx %arg17[%add3A_618] : memref<640xi32, #tpu.memory_space<vmem>>[vector<16xi32>], vector<16xi32>,
      %gather3A_721 = tpu.vector_load_idx %arg17[%add3A_630] : memref<640xi32, #tpu.memory_space<vmem>>[vector<16xi32>], vector<16xi32>,
      %gather3A_722 = tpu.vector_load_idx %arg17[%add3A_642] : memref<640xi32, #tpu.memory_space<vmem>>[vector<16xi32>], vector<16xi32>,
      %gather3A_723 = tpu.vector_load_idx %arg17[%add3A_654] : memref<640xi32, #tpu.memory_space<vmem>>[vector<16xi32>], vector<16xi32>,
      %gather3A_724 = tpu.vector_load_idx %arg17[%add3A_666] : memref<640xi32, #tpu.memory_space<vmem>>[vector<16xi32>], vector<16xi32>,
      %gather3A_725 = tpu.vector_load_idx %arg17[%add3A_678] : memref<640xi32, #tpu.memory_space<vmem>>[vector<16xi32>], vector<16xi32>,
      %gather3A_726 = tpu.vector_load_idx %arg17[%add3A_690] : memref<640xi32, #tpu.memory_space<vmem>>[vector<16xi32>], vector<16xi32>,
      %gather3A_727 = tpu.vector_load_idx %arg17[%add3A_702] : memref<640xi32, #tpu.memory_space<vmem>>[vector<16xi32>], vector<16xi32>,
      %gather3A_728 = tpu.vector_load_idx %arg17[%add3A_714] : memref<640xi32, #tpu.memory_space<vmem>>[vector<16xi32>], vector<16xi32>,
      %mul3A_729 = arith.constant 17 : i32
      %mul3A_730 = vector.broadcast %mul3A_729 : i32 to vector<16xi32>
      %mul3A_731 = arith.muli %iota3A, %mul3A_730 : vector<16xi32>
      %broadcast_in_dim3A_732 = arith.constant 0.000000e+00 : f32
      %broadcast_in_dim3A_733 = vector.broadcast %broadcast_in_dim3A_732 : f32 to vector<16xf32>
      %scan3A_734 = arith.constant 0 : i32
      %scan3A_735 = arith.constant 16 : i32
      %scan3A_736 = arith.addi %scan3A_734, %scan3A_735 : i32
      %scan3A_737 = arith.constant 1 : i32
      %scan3A_738:11 = scf.for %scan3A_982 = %scan3A_734 to %scan3A_736 step %scan3A_737 iter_args(%scan3A_983 = %broadcast_in_dim3A_733, %scan3A_984 = %broadcast_in_dim3A_733, %scan3A_985 = %broadcast_in_dim3A_733, %scan3A_986 = %broadcast_in_dim3A_733, %scan3A_987 = %broadcast_in_dim3A_733, %scan3A_988 = %broadcast_in_dim3A_733, %scan3A_989 = %broadcast_in_dim3A_733, %scan3A_990 = %broadcast_in_dim3A_733, %scan3A_991 = %broadcast_in_dim3A_733, %scan3A_992 = %broadcast_in_dim3A_733, %scan3A_993 = %broadcast_in_dim3A_733) -> (vector<16xf32>, vector<16xf32>, vector<16xf32>, vector<16xf32>, vector<16xf32>, vector<16xf32>, vector<16xf32>, vector<16xf32>, vector<16xf32>, vector<16xf32>, vector<16xf32>)  : i32 {
        %mul3A_994 = arith.constant 4 : i32
        %mul3A_995 = arith.muli %scan3A_982, %mul3A_994 : i32
        %add3A_996 = arith.constant 0 : i32
        %add3A_997 = arith.addi %mul3A_995, %add3A_996 : i32
        %add3A_998 = vector.broadcast %add3A_997 : i32 to vector<16xi32>
        %add3A_999 = arith.addi %mul3A_731, %add3A_998 : vector<16xi32>
        %and3A = arith.constant 63 : i32
        %and3A_1000 = vector.broadcast %and3A : i32 to vector<16xi32>
        %and3A_1001 = arith.andi %add3A_999, %and3A_1000 : vector<16xi32>
        %add3A_1002 = arith.addi %get3A_716, %and3A_1001 : vector<16xi32>
        %gather3A_1003 = tpu.vector_load_idx %arg18[%add3A_594, %add3A_1002] : memref<64x128xf32, #tpu.memory_space<vmem>>[vector<16xi32>, vector<16xi32>], vector<16xf32>,
        %add3A_1004 = arith.addi %get3A_718, %and3A_1001 : vector<16xi32>
        %gather3A_1005 = tpu.vector_load_idx %arg19[%add3A_594, %add3A_1004] : memref<64x128xf32, #tpu.memory_space<vmem>>[vector<16xi32>, vector<16xi32>], vector<16xf32>,
        %mul3A_1006 = arith.mulf %gather3A_1003, %gather3A_1005 : vector<16xf32>
        %add3A_1007 = arith.addf %scan3A_983, %mul3A_1006 : vector<16xf32>
        %add3A_1008 = arith.addi %gather3A_719, %and3A_1001 : vector<16xi32>
        %gather3A_1009 = tpu.vector_load_idx %arg20[%add3A_606, %add3A_1008] : memref<640x128xf32, #tpu.memory_space<vmem>>[vector<16xi32>, vector<16xi32>], vector<16xf32>,
        %mul3A_1010 = arith.mulf %gather3A_1009, %gather3A_1003 : vector<16xf32>
        %add3A_1011 = arith.addf %scan3A_984, %mul3A_1010 : vector<16xf32>
        %add3A_1012 = arith.addi %gather3A_720, %and3A_1001 : vector<16xi32>
        %gather3A_1013 = tpu.vector_load_idx %arg20[%add3A_618, %add3A_1012] : memref<640x128xf32, #tpu.memory_space<vmem>>[vector<16xi32>, vector<16xi32>], vector<16xf32>,
        %mul3A_1014 = arith.mulf %gather3A_1013, %gather3A_1003 : vector<16xf32>
        %add3A_1015 = arith.addf %scan3A_985, %mul3A_1014 : vector<16xf32>
        %add3A_1016 = arith.addi %gather3A_721, %and3A_1001 : vector<16xi32>
        %gather3A_1017 = tpu.vector_load_idx %arg20[%add3A_630, %add3A_1016] : memref<640x128xf32, #tpu.memory_space<vmem>>[vector<16xi32>, vector<16xi32>], vector<16xf32>,
        %mul3A_1018 = arith.mulf %gather3A_1017, %gather3A_1003 : vector<16xf32>
        %add3A_1019 = arith.addf %scan3A_986, %mul3A_1018 : vector<16xf32>
        %add3A_1020 = arith.addi %gather3A_722, %and3A_1001 : vector<16xi32>
        %gather3A_1021 = tpu.vector_load_idx %arg20[%add3A_642, %add3A_1020] : memref<640x128xf32, #tpu.memory_space<vmem>>[vector<16xi32>, vector<16xi32>], vector<16xf32>,
        %mul3A_1022 = arith.mulf %gather3A_1021, %gather3A_1003 : vector<16xf32>
        %add3A_1023 = arith.addf %scan3A_987, %mul3A_1022 : vector<16xf32>
        %add3A_1024 = arith.addi %gather3A_723, %and3A_1001 : vector<16xi32>
        %gather3A_1025 = tpu.vector_load_idx %arg20[%add3A_654, %add3A_1024] : memref<640x128xf32, #tpu.memory_space<vmem>>[vector<16xi32>, vector<16xi32>], vector<16xf32>,
        %mul3A_1026 = arith.mulf %gather3A_1025, %gather3A_1003 : vector<16xf32>
        %add3A_1027 = arith.addf %scan3A_988, %mul3A_1026 : vector<16xf32>
        %add3A_1028 = arith.addi %gather3A_724, %and3A_1001 : vector<16xi32>
        %gather3A_1029 = tpu.vector_load_idx %arg20[%add3A_666, %add3A_1028] : memref<640x128xf32, #tpu.memory_space<vmem>>[vector<16xi32>, vector<16xi32>], vector<16xf32>,
        %mul3A_1030 = arith.mulf %gather3A_1029, %gather3A_1003 : vector<16xf32>
        %add3A_1031 = arith.addf %scan3A_989, %mul3A_1030 : vector<16xf32>
        %add3A_1032 = arith.addi %gather3A_725, %and3A_1001 : vector<16xi32>
        %gather3A_1033 = tpu.vector_load_idx %arg20[%add3A_678, %add3A_1032] : memref<640x128xf32, #tpu.memory_space<vmem>>[vector<16xi32>, vector<16xi32>], vector<16xf32>,
        %mul3A_1034 = arith.mulf %gather3A_1033, %gather3A_1003 : vector<16xf32>
        %add3A_1035 = arith.addf %scan3A_990, %mul3A_1034 : vector<16xf32>
        %add3A_1036 = arith.addi %gather3A_726, %and3A_1001 : vector<16xi32>
        %gather3A_1037 = tpu.vector_load_idx %arg20[%add3A_690, %add3A_1036] : memref<640x128xf32, #tpu.memory_space<vmem>>[vector<16xi32>, vector<16xi32>], vector<16xf32>,
        %mul3A_1038 = arith.mulf %gather3A_1037, %gather3A_1003 : vector<16xf32>
        %add3A_1039 = arith.addf %scan3A_991, %mul3A_1038 : vector<16xf32>
        %add3A_1040 = arith.addi %gather3A_727, %and3A_1001 : vector<16xi32>
        %gather3A_1041 = tpu.vector_load_idx %arg20[%add3A_702, %add3A_1040] : memref<640x128xf32, #tpu.memory_space<vmem>>[vector<16xi32>, vector<16xi32>], vector<16xf32>,
        %mul3A_1042 = arith.mulf %gather3A_1041, %gather3A_1003 : vector<16xf32>
        %add3A_1043 = arith.addf %scan3A_992, %mul3A_1042 : vector<16xf32>
        %add3A_1044 = arith.addi %gather3A_728, %and3A_1001 : vector<16xi32>
        %gather3A_1045 = tpu.vector_load_idx %arg20[%add3A_714, %add3A_1044] : memref<640x128xf32, #tpu.memory_space<vmem>>[vector<16xi32>, vector<16xi32>], vector<16xf32>,
        %mul3A_1046 = arith.mulf %gather3A_1045, %gather3A_1003 : vector<16xf32>
        %add3A_1047 = arith.addf %scan3A_993, %mul3A_1046 : vector<16xf32>
        %add3A_1048 = arith.constant 1 : i32
        %add3A_1049 = arith.addi %mul3A_995, %add3A_1048 : i32
        %add3A_1050 = vector.broadcast %add3A_1049 : i32 to vector<16xi32>
        %add3A_1051 = arith.addi %mul3A_731, %add3A_1050 : vector<16xi32>
        %and3A_1052 = arith.constant 63 : i32
        %and3A_1053 = vector.broadcast %and3A_1052 : i32 to vector<16xi32>
        %and3A_1054 = arith.andi %add3A_1051, %and3A_1053 : vector<16xi32>
        %add3A_1055 = arith.addi %get3A_716, %and3A_1054 : vector<16xi32>
        %gather3A_1056 = tpu.vector_load_idx %arg18[%add3A_594, %add3A_1055] : memref<64x128xf32, #tpu.memory_space<vmem>>[vector<16xi32>, vector<16xi32>], vector<16xf32>,
        %add3A_1057 = arith.addi %get3A_718, %and3A_1054 : vector<16xi32>
        %gather3A_1058 = tpu.vector_load_idx %arg19[%add3A_594, %add3A_1057] : memref<64x128xf32, #tpu.memory_space<vmem>>[vector<16xi32>, vector<16xi32>], vector<16xf32>,
        %mul3A_1059 = arith.mulf %gather3A_1056, %gather3A_1058 : vector<16xf32>
        %add3A_1060 = arith.addf %add3A_1007, %mul3A_1059 : vector<16xf32>
        %add3A_1061 = arith.addi %gather3A_719, %and3A_1054 : vector<16xi32>
        %gather3A_1062 = tpu.vector_load_idx %arg20[%add3A_606, %add3A_1061] : memref<640x128xf32, #tpu.memory_space<vmem>>[vector<16xi32>, vector<16xi32>], vector<16xf32>,
        %mul3A_1063 = arith.mulf %gather3A_1062, %gather3A_1056 : vector<16xf32>
        %add3A_1064 = arith.addf %add3A_1011, %mul3A_1063 : vector<16xf32>
        %add3A_1065 = arith.addi %gather3A_720, %and3A_1054 : vector<16xi32>
        %gather3A_1066 = tpu.vector_load_idx %arg20[%add3A_618, %add3A_1065] : memref<640x128xf32, #tpu.memory_space<vmem>>[vector<16xi32>, vector<16xi32>], vector<16xf32>,
        %mul3A_1067 = arith.mulf %gather3A_1066, %gather3A_1056 : vector<16xf32>
        %add3A_1068 = arith.addf %add3A_1015, %mul3A_1067 : vector<16xf32>
        %add3A_1069 = arith.addi %gather3A_721, %and3A_1054 : vector<16xi32>
        %gather3A_1070 = tpu.vector_load_idx %arg20[%add3A_630, %add3A_1069] : memref<640x128xf32, #tpu.memory_space<vmem>>[vector<16xi32>, vector<16xi32>], vector<16xf32>,
        %mul3A_1071 = arith.mulf %gather3A_1070, %gather3A_1056 : vector<16xf32>
        %add3A_1072 = arith.addf %add3A_1019, %mul3A_1071 : vector<16xf32>
        %add3A_1073 = arith.addi %gather3A_722, %and3A_1054 : vector<16xi32>
        %gather3A_1074 = tpu.vector_load_idx %arg20[%add3A_642, %add3A_1073] : memref<640x128xf32, #tpu.memory_space<vmem>>[vector<16xi32>, vector<16xi32>], vector<16xf32>,
        %mul3A_1075 = arith.mulf %gather3A_1074, %gather3A_1056 : vector<16xf32>
        %add3A_1076 = arith.addf %add3A_1023, %mul3A_1075 : vector<16xf32>
        %add3A_1077 = arith.addi %gather3A_723, %and3A_1054 : vector<16xi32>
        %gather3A_1078 = tpu.vector_load_idx %arg20[%add3A_654, %add3A_1077] : memref<640x128xf32, #tpu.memory_space<vmem>>[vector<16xi32>, vector<16xi32>], vector<16xf32>,
        %mul3A_1079 = arith.mulf %gather3A_1078, %gather3A_1056 : vector<16xf32>
        %add3A_1080 = arith.addf %add3A_1027, %mul3A_1079 : vector<16xf32>
        %add3A_1081 = arith.addi %gather3A_724, %and3A_1054 : vector<16xi32>
        %gather3A_1082 = tpu.vector_load_idx %arg20[%add3A_666, %add3A_1081] : memref<640x128xf32, #tpu.memory_space<vmem>>[vector<16xi32>, vector<16xi32>], vector<16xf32>,
        %mul3A_1083 = arith.mulf %gather3A_1082, %gather3A_1056 : vector<16xf32>
        %add3A_1084 = arith.addf %add3A_1031, %mul3A_1083 : vector<16xf32>
        %add3A_1085 = arith.addi %gather3A_725, %and3A_1054 : vector<16xi32>
        %gather3A_1086 = tpu.vector_load_idx %arg20[%add3A_678, %add3A_1085] : memref<640x128xf32, #tpu.memory_space<vmem>>[vector<16xi32>, vector<16xi32>], vector<16xf32>,
        %mul3A_1087 = arith.mulf %gather3A_1086, %gather3A_1056 : vector<16xf32>
        %add3A_1088 = arith.addf %add3A_1035, %mul3A_1087 : vector<16xf32>
        %add3A_1089 = arith.addi %gather3A_726, %and3A_1054 : vector<16xi32>
        %gather3A_1090 = tpu.vector_load_idx %arg20[%add3A_690, %add3A_1089] : memref<640x128xf32, #tpu.memory_space<vmem>>[vector<16xi32>, vector<16xi32>], vector<16xf32>,
        %mul3A_1091 = arith.mulf %gather3A_1090, %gather3A_1056 : vector<16xf32>
        %add3A_1092 = arith.addf %add3A_1039, %mul3A_1091 : vector<16xf32>
        %add3A_1093 = arith.addi %gather3A_727, %and3A_1054 : vector<16xi32>
        %gather3A_1094 = tpu.vector_load_idx %arg20[%add3A_702, %add3A_1093] : memref<640x128xf32, #tpu.memory_space<vmem>>[vector<16xi32>, vector<16xi32>], vector<16xf32>,
        %mul3A_1095 = arith.mulf %gather3A_1094, %gather3A_1056 : vector<16xf32>
        %add3A_1096 = arith.addf %add3A_1043, %mul3A_1095 : vector<16xf32>
        %add3A_1097 = arith.addi %gather3A_728, %and3A_1054 : vector<16xi32>
        %gather3A_1098 = tpu.vector_load_idx %arg20[%add3A_714, %add3A_1097] : memref<640x128xf32, #tpu.memory_space<vmem>>[vector<16xi32>, vector<16xi32>], vector<16xf32>,
        %mul3A_1099 = arith.mulf %gather3A_1098, %gather3A_1056 : vector<16xf32>
        %add3A_1100 = arith.addf %add3A_1047, %mul3A_1099 : vector<16xf32>
        %add3A_1101 = arith.constant 2 : i32
        %add3A_1102 = arith.addi %mul3A_995, %add3A_1101 : i32
        %add3A_1103 = vector.broadcast %add3A_1102 : i32 to vector<16xi32>
        %add3A_1104 = arith.addi %mul3A_731, %add3A_1103 : vector<16xi32>
        %and3A_1105 = arith.constant 63 : i32
        %and3A_1106 = vector.broadcast %and3A_1105 : i32 to vector<16xi32>
        %and3A_1107 = arith.andi %add3A_1104, %and3A_1106 : vector<16xi32>
        %add3A_1108 = arith.addi %get3A_716, %and3A_1107 : vector<16xi32>
        %gather3A_1109 = tpu.vector_load_idx %arg18[%add3A_594, %add3A_1108] : memref<64x128xf32, #tpu.memory_space<vmem>>[vector<16xi32>, vector<16xi32>], vector<16xf32>,
        %add3A_1110 = arith.addi %get3A_718, %and3A_1107 : vector<16xi32>
        %gather3A_1111 = tpu.vector_load_idx %arg19[%add3A_594, %add3A_1110] : memref<64x128xf32, #tpu.memory_space<vmem>>[vector<16xi32>, vector<16xi32>], vector<16xf32>,
        %mul3A_1112 = arith.mulf %gather3A_1109, %gather3A_1111 : vector<16xf32>
        %add3A_1113 = arith.addf %add3A_1060, %mul3A_1112 : vector<16xf32>
        %add3A_1114 = arith.addi %gather3A_719, %and3A_1107 : vector<16xi32>
        %gather3A_1115 = tpu.vector_load_idx %arg20[%add3A_606, %add3A_1114] : memref<640x128xf32, #tpu.memory_space<vmem>>[vector<16xi32>, vector<16xi32>], vector<16xf32>,
        %mul3A_1116 = arith.mulf %gather3A_1115, %gather3A_1109 : vector<16xf32>
        %add3A_1117 = arith.addf %add3A_1064, %mul3A_1116 : vector<16xf32>
        %add3A_1118 = arith.addi %gather3A_720, %and3A_1107 : vector<16xi32>
        %gather3A_1119 = tpu.vector_load_idx %arg20[%add3A_618, %add3A_1118] : memref<640x128xf32, #tpu.memory_space<vmem>>[vector<16xi32>, vector<16xi32>], vector<16xf32>,
        %mul3A_1120 = arith.mulf %gather3A_1119, %gather3A_1109 : vector<16xf32>
        %add3A_1121 = arith.addf %add3A_1068, %mul3A_1120 : vector<16xf32>
        %add3A_1122 = arith.addi %gather3A_721, %and3A_1107 : vector<16xi32>
        %gather3A_1123 = tpu.vector_load_idx %arg20[%add3A_630, %add3A_1122] : memref<640x128xf32, #tpu.memory_space<vmem>>[vector<16xi32>, vector<16xi32>], vector<16xf32>,
        %mul3A_1124 = arith.mulf %gather3A_1123, %gather3A_1109 : vector<16xf32>
        %add3A_1125 = arith.addf %add3A_1072, %mul3A_1124 : vector<16xf32>
        %add3A_1126 = arith.addi %gather3A_722, %and3A_1107 : vector<16xi32>
        %gather3A_1127 = tpu.vector_load_idx %arg20[%add3A_642, %add3A_1126] : memref<640x128xf32, #tpu.memory_space<vmem>>[vector<16xi32>, vector<16xi32>], vector<16xf32>,
        %mul3A_1128 = arith.mulf %gather3A_1127, %gather3A_1109 : vector<16xf32>
        %add3A_1129 = arith.addf %add3A_1076, %mul3A_1128 : vector<16xf32>
        %add3A_1130 = arith.addi %gather3A_723, %and3A_1107 : vector<16xi32>
        %gather3A_1131 = tpu.vector_load_idx %arg20[%add3A_654, %add3A_1130] : memref<640x128xf32, #tpu.memory_space<vmem>>[vector<16xi32>, vector<16xi32>], vector<16xf32>,
        %mul3A_1132 = arith.mulf %gather3A_1131, %gather3A_1109 : vector<16xf32>
        %add3A_1133 = arith.addf %add3A_1080, %mul3A_1132 : vector<16xf32>
        %add3A_1134 = arith.addi %gather3A_724, %and3A_1107 : vector<16xi32>
        %gather3A_1135 = tpu.vector_load_idx %arg20[%add3A_666, %add3A_1134] : memref<640x128xf32, #tpu.memory_space<vmem>>[vector<16xi32>, vector<16xi32>], vector<16xf32>,
        %mul3A_1136 = arith.mulf %gather3A_1135, %gather3A_1109 : vector<16xf32>
        %add3A_1137 = arith.addf %add3A_1084, %mul3A_1136 : vector<16xf32>
        %add3A_1138 = arith.addi %gather3A_725, %and3A_1107 : vector<16xi32>
        %gather3A_1139 = tpu.vector_load_idx %arg20[%add3A_678, %add3A_1138] : memref<640x128xf32, #tpu.memory_space<vmem>>[vector<16xi32>, vector<16xi32>], vector<16xf32>,
        %mul3A_1140 = arith.mulf %gather3A_1139, %gather3A_1109 : vector<16xf32>
        %add3A_1141 = arith.addf %add3A_1088, %mul3A_1140 : vector<16xf32>
        %add3A_1142 = arith.addi %gather3A_726, %and3A_1107 : vector<16xi32>
        %gather3A_1143 = tpu.vector_load_idx %arg20[%add3A_690, %add3A_1142] : memref<640x128xf32, #tpu.memory_space<vmem>>[vector<16xi32>, vector<16xi32>], vector<16xf32>,
        %mul3A_1144 = arith.mulf %gather3A_1143, %gather3A_1109 : vector<16xf32>
        %add3A_1145 = arith.addf %add3A_1092, %mul3A_1144 : vector<16xf32>
        %add3A_1146 = arith.addi %gather3A_727, %and3A_1107 : vector<16xi32>
        %gather3A_1147 = tpu.vector_load_idx %arg20[%add3A_702, %add3A_1146] : memref<640x128xf32, #tpu.memory_space<vmem>>[vector<16xi32>, vector<16xi32>], vector<16xf32>,
        %mul3A_1148 = arith.mulf %gather3A_1147, %gather3A_1109 : vector<16xf32>
        %add3A_1149 = arith.addf %add3A_1096, %mul3A_1148 : vector<16xf32>
        %add3A_1150 = arith.addi %gather3A_728, %and3A_1107 : vector<16xi32>
        %gather3A_1151 = tpu.vector_load_idx %arg20[%add3A_714, %add3A_1150] : memref<640x128xf32, #tpu.memory_space<vmem>>[vector<16xi32>, vector<16xi32>], vector<16xf32>,
        %mul3A_1152 = arith.mulf %gather3A_1151, %gather3A_1109 : vector<16xf32>
        %add3A_1153 = arith.addf %add3A_1100, %mul3A_1152 : vector<16xf32>
        %add3A_1154 = arith.constant 3 : i32
        %add3A_1155 = arith.addi %mul3A_995, %add3A_1154 : i32
        %add3A_1156 = vector.broadcast %add3A_1155 : i32 to vector<16xi32>
        %add3A_1157 = arith.addi %mul3A_731, %add3A_1156 : vector<16xi32>
        %and3A_1158 = arith.constant 63 : i32
        %and3A_1159 = vector.broadcast %and3A_1158 : i32 to vector<16xi32>
        %and3A_1160 = arith.andi %add3A_1157, %and3A_1159 : vector<16xi32>
        %add3A_1161 = arith.addi %get3A_716, %and3A_1160 : vector<16xi32>
        %gather3A_1162 = tpu.vector_load_idx %arg18[%add3A_594, %add3A_1161] : memref<64x128xf32, #tpu.memory_space<vmem>>[vector<16xi32>, vector<16xi32>], vector<16xf32>,
        %add3A_1163 = arith.addi %get3A_718, %and3A_1160 : vector<16xi32>
        %gather3A_1164 = tpu.vector_load_idx %arg19[%add3A_594, %add3A_1163] : memref<64x128xf32, #tpu.memory_space<vmem>>[vector<16xi32>, vector<16xi32>], vector<16xf32>,
        %mul3A_1165 = arith.mulf %gather3A_1162, %gather3A_1164 : vector<16xf32>
        %add3A_1166 = arith.addf %add3A_1113, %mul3A_1165 : vector<16xf32>
        %add3A_1167 = arith.addi %gather3A_719, %and3A_1160 : vector<16xi32>
        %gather3A_1168 = tpu.vector_load_idx %arg20[%add3A_606, %add3A_1167] : memref<640x128xf32, #tpu.memory_space<vmem>>[vector<16xi32>, vector<16xi32>], vector<16xf32>,
        %mul3A_1169 = arith.mulf %gather3A_1168, %gather3A_1162 : vector<16xf32>
        %add3A_1170 = arith.addf %add3A_1117, %mul3A_1169 : vector<16xf32>
        %add3A_1171 = arith.addi %gather3A_720, %and3A_1160 : vector<16xi32>
        %gather3A_1172 = tpu.vector_load_idx %arg20[%add3A_618, %add3A_1171] : memref<640x128xf32, #tpu.memory_space<vmem>>[vector<16xi32>, vector<16xi32>], vector<16xf32>,
        %mul3A_1173 = arith.mulf %gather3A_1172, %gather3A_1162 : vector<16xf32>
        %add3A_1174 = arith.addf %add3A_1121, %mul3A_1173 : vector<16xf32>
        %add3A_1175 = arith.addi %gather3A_721, %and3A_1160 : vector<16xi32>
        %gather3A_1176 = tpu.vector_load_idx %arg20[%add3A_630, %add3A_1175] : memref<640x128xf32, #tpu.memory_space<vmem>>[vector<16xi32>, vector<16xi32>], vector<16xf32>,
        %mul3A_1177 = arith.mulf %gather3A_1176, %gather3A_1162 : vector<16xf32>
        %add3A_1178 = arith.addf %add3A_1125, %mul3A_1177 : vector<16xf32>
        %add3A_1179 = arith.addi %gather3A_722, %and3A_1160 : vector<16xi32>
        %gather3A_1180 = tpu.vector_load_idx %arg20[%add3A_642, %add3A_1179] : memref<640x128xf32, #tpu.memory_space<vmem>>[vector<16xi32>, vector<16xi32>], vector<16xf32>,
        %mul3A_1181 = arith.mulf %gather3A_1180, %gather3A_1162 : vector<16xf32>
        %add3A_1182 = arith.addf %add3A_1129, %mul3A_1181 : vector<16xf32>
        %add3A_1183 = arith.addi %gather3A_723, %and3A_1160 : vector<16xi32>
        %gather3A_1184 = tpu.vector_load_idx %arg20[%add3A_654, %add3A_1183] : memref<640x128xf32, #tpu.memory_space<vmem>>[vector<16xi32>, vector<16xi32>], vector<16xf32>,
        %mul3A_1185 = arith.mulf %gather3A_1184, %gather3A_1162 : vector<16xf32>
        %add3A_1186 = arith.addf %add3A_1133, %mul3A_1185 : vector<16xf32>
        %add3A_1187 = arith.addi %gather3A_724, %and3A_1160 : vector<16xi32>
        %gather3A_1188 = tpu.vector_load_idx %arg20[%add3A_666, %add3A_1187] : memref<640x128xf32, #tpu.memory_space<vmem>>[vector<16xi32>, vector<16xi32>], vector<16xf32>,
        %mul3A_1189 = arith.mulf %gather3A_1188, %gather3A_1162 : vector<16xf32>
        %add3A_1190 = arith.addf %add3A_1137, %mul3A_1189 : vector<16xf32>
        %add3A_1191 = arith.addi %gather3A_725, %and3A_1160 : vector<16xi32>
        %gather3A_1192 = tpu.vector_load_idx %arg20[%add3A_678, %add3A_1191] : memref<640x128xf32, #tpu.memory_space<vmem>>[vector<16xi32>, vector<16xi32>], vector<16xf32>,
        %mul3A_1193 = arith.mulf %gather3A_1192, %gather3A_1162 : vector<16xf32>
        %add3A_1194 = arith.addf %add3A_1141, %mul3A_1193 : vector<16xf32>
        %add3A_1195 = arith.addi %gather3A_726, %and3A_1160 : vector<16xi32>
        %gather3A_1196 = tpu.vector_load_idx %arg20[%add3A_690, %add3A_1195] : memref<640x128xf32, #tpu.memory_space<vmem>>[vector<16xi32>, vector<16xi32>], vector<16xf32>,
        %mul3A_1197 = arith.mulf %gather3A_1196, %gather3A_1162 : vector<16xf32>
        %add3A_1198 = arith.addf %add3A_1145, %mul3A_1197 : vector<16xf32>
        %add3A_1199 = arith.addi %gather3A_727, %and3A_1160 : vector<16xi32>
        %gather3A_1200 = tpu.vector_load_idx %arg20[%add3A_702, %add3A_1199] : memref<640x128xf32, #tpu.memory_space<vmem>>[vector<16xi32>, vector<16xi32>], vector<16xf32>,
        %mul3A_1201 = arith.mulf %gather3A_1200, %gather3A_1162 : vector<16xf32>
        %add3A_1202 = arith.addf %add3A_1149, %mul3A_1201 : vector<16xf32>
        %add3A_1203 = arith.addi %gather3A_728, %and3A_1160 : vector<16xi32>
        %gather3A_1204 = tpu.vector_load_idx %arg20[%add3A_714, %add3A_1203] : memref<640x128xf32, #tpu.memory_space<vmem>>[vector<16xi32>, vector<16xi32>], vector<16xf32>,
        %mul3A_1205 = arith.mulf %gather3A_1204, %gather3A_1162 : vector<16xf32>
        %add3A_1206 = arith.addf %add3A_1153, %mul3A_1205 : vector<16xf32>
        scf.yield %add3A_1166, %add3A_1170, %add3A_1174, %add3A_1178, %add3A_1182, %add3A_1186, %add3A_1190, %add3A_1194, %add3A_1198, %add3A_1202, %add3A_1206 : vector<16xf32>, vector<16xf32>, vector<16xf32>, vector<16xf32>, vector<16xf32>, vector<16xf32>, vector<16xf32>, vector<16xf32>, vector<16xf32>, vector<16xf32>, vector<16xf32>
      }
      %scan3A_739 = arith.constant 16 : i32
      %swap3A_740 = arith.constant 0 : index
      %swap3A_741 = tpu.vector_load %arg21[%swap3A_740] {strides = array<i32>} : memref<32xf32, #tpu.memory_space<vmem>>, vector<16xf32>,
      tpu.vector_store %arg21[%swap3A_740], %scan3A_738#0 {strides = array<i32>} : memref<32xf32, #tpu.memory_space<vmem>>, vector<16xf32>,
      %swap3A_742 = arith.constant 0 : i32
      %swap3A_743 = arith.index_cast %swap3A_742 : i32 to index
      %swap3A_744 = arith.constant 0 : index
      %swap3A_745 = tpu.vector_load %arg22[%swap3A_743, %swap3A_744] {strides = array<i32>} : memref<10x32xf32, #tpu.memory_space<vmem>>, vector<16xf32>,
      tpu.vector_store %arg22[%swap3A_743, %swap3A_744], %scan3A_738#1 {strides = array<i32>} : memref<10x32xf32, #tpu.memory_space<vmem>>, vector<16xf32>,
      %swap3A_746 = arith.constant 1 : i32
      %swap3A_747 = arith.index_cast %swap3A_746 : i32 to index
      %swap3A_748 = arith.constant 0 : index
      %swap3A_749 = tpu.vector_load %arg22[%swap3A_747, %swap3A_748] {strides = array<i32>} : memref<10x32xf32, #tpu.memory_space<vmem>>, vector<16xf32>,
      tpu.vector_store %arg22[%swap3A_747, %swap3A_748], %scan3A_738#2 {strides = array<i32>} : memref<10x32xf32, #tpu.memory_space<vmem>>, vector<16xf32>,
      %swap3A_750 = arith.constant 2 : i32
      %swap3A_751 = arith.index_cast %swap3A_750 : i32 to index
      %swap3A_752 = arith.constant 0 : index
      %swap3A_753 = tpu.vector_load %arg22[%swap3A_751, %swap3A_752] {strides = array<i32>} : memref<10x32xf32, #tpu.memory_space<vmem>>, vector<16xf32>,
      tpu.vector_store %arg22[%swap3A_751, %swap3A_752], %scan3A_738#3 {strides = array<i32>} : memref<10x32xf32, #tpu.memory_space<vmem>>, vector<16xf32>,
      %swap3A_754 = arith.constant 3 : i32
      %swap3A_755 = arith.index_cast %swap3A_754 : i32 to index
      %swap3A_756 = arith.constant 0 : index
      %swap3A_757 = tpu.vector_load %arg22[%swap3A_755, %swap3A_756] {strides = array<i32>} : memref<10x32xf32, #tpu.memory_space<vmem>>, vector<16xf32>,
      tpu.vector_store %arg22[%swap3A_755, %swap3A_756], %scan3A_738#4 {strides = array<i32>} : memref<10x32xf32, #tpu.memory_space<vmem>>, vector<16xf32>,
      %swap3A_758 = arith.constant 4 : i32
      %swap3A_759 = arith.index_cast %swap3A_758 : i32 to index
      %swap3A_760 = arith.constant 0 : index
      %swap3A_761 = tpu.vector_load %arg22[%swap3A_759, %swap3A_760] {strides = array<i32>} : memref<10x32xf32, #tpu.memory_space<vmem>>, vector<16xf32>,
      tpu.vector_store %arg22[%swap3A_759, %swap3A_760], %scan3A_738#5 {strides = array<i32>} : memref<10x32xf32, #tpu.memory_space<vmem>>, vector<16xf32>,
      %swap3A_762 = arith.constant 5 : i32
      %swap3A_763 = arith.index_cast %swap3A_762 : i32 to index
      %swap3A_764 = arith.constant 0 : index
      %swap3A_765 = tpu.vector_load %arg22[%swap3A_763, %swap3A_764] {strides = array<i32>} : memref<10x32xf32, #tpu.memory_space<vmem>>, vector<16xf32>,
      tpu.vector_store %arg22[%swap3A_763, %swap3A_764], %scan3A_738#6 {strides = array<i32>} : memref<10x32xf32, #tpu.memory_space<vmem>>, vector<16xf32>,
      %swap3A_766 = arith.constant 6 : i32
      %swap3A_767 = arith.index_cast %swap3A_766 : i32 to index
      %swap3A_768 = arith.constant 0 : index
      %swap3A_769 = tpu.vector_load %arg22[%swap3A_767, %swap3A_768] {strides = array<i32>} : memref<10x32xf32, #tpu.memory_space<vmem>>, vector<16xf32>,
      tpu.vector_store %arg22[%swap3A_767, %swap3A_768], %scan3A_738#7 {strides = array<i32>} : memref<10x32xf32, #tpu.memory_space<vmem>>, vector<16xf32>,
      %swap3A_770 = arith.constant 7 : i32
      %swap3A_771 = arith.index_cast %swap3A_770 : i32 to index
      %swap3A_772 = arith.constant 0 : index
      %swap3A_773 = tpu.vector_load %arg22[%swap3A_771, %swap3A_772] {strides = array<i32>} : memref<10x32xf32, #tpu.memory_space<vmem>>, vector<16xf32>,
      tpu.vector_store %arg22[%swap3A_771, %swap3A_772], %scan3A_738#8 {strides = array<i32>} : memref<10x32xf32, #tpu.memory_space<vmem>>, vector<16xf32>,
      %swap3A_774 = arith.constant 8 : i32
      %swap3A_775 = arith.index_cast %swap3A_774 : i32 to index
      %swap3A_776 = arith.constant 0 : index
      %swap3A_777 = tpu.vector_load %arg22[%swap3A_775, %swap3A_776] {strides = array<i32>} : memref<10x32xf32, #tpu.memory_space<vmem>>, vector<16xf32>,
      tpu.vector_store %arg22[%swap3A_775, %swap3A_776], %scan3A_738#9 {strides = array<i32>} : memref<10x32xf32, #tpu.memory_space<vmem>>, vector<16xf32>,
      %swap3A_778 = arith.constant 9 : i32
      %swap3A_779 = arith.index_cast %swap3A_778 : i32 to index
      %swap3A_780 = arith.constant 0 : index
      %swap3A_781 = tpu.vector_load %arg22[%swap3A_779, %swap3A_780] {strides = array<i32>} : memref<10x32xf32, #tpu.memory_space<vmem>>, vector<16xf32>,
      tpu.vector_store %arg22[%swap3A_779, %swap3A_780], %scan3A_738#10 {strides = array<i32>} : memref<10x32xf32, #tpu.memory_space<vmem>>, vector<16xf32>,
      %add3A_782 = arith.constant 16 : i32
      %add3A_783 = vector.broadcast %add3A_782 : i32 to vector<16xi32>
      %add3A_784 = arith.addi %iota3A, %add3A_783 : vector<16xi32>
      %add3A_785 = arith.constant 32 : i32
      %add3A_786 = vector.broadcast %add3A_785 : i32 to vector<16xi32>
      %add3A_787 = arith.addi %add3A_784, %add3A_786 : vector<16xi32>
      %add3A_788 = arith.constant 16 : i32
      %add3A_789 = vector.broadcast %add3A_788 : i32 to vector<16xi32>
      %add3A_790 = arith.addi %iota3A, %add3A_789 : vector<16xi32>
      %mul3A_791 = arith.constant 10 : i32
      %mul3A_792 = vector.broadcast %mul3A_791 : i32 to vector<16xi32>
      %mul3A_793 = arith.muli %add3A_790, %mul3A_792 : vector<16xi32>
      %add3A_794 = arith.constant 0 : i32
      %add3A_795 = vector.broadcast %add3A_794 : i32 to vector<16xi32>
      %add3A_796 = arith.addi %mul3A_793, %add3A_795 : vector<16xi32>
      %add3A_797 = arith.constant 320 : i32
      %add3A_798 = vector.broadcast %add3A_797 : i32 to vector<16xi32>
      %add3A_799 = arith.addi %add3A_796, %add3A_798 : vector<16xi32>
      %add3A_800 = arith.constant 16 : i32
      %add3A_801 = vector.broadcast %add3A_800 : i32 to vector<16xi32>
      %add3A_802 = arith.addi %iota3A, %add3A_801 : vector<16xi32>
      %mul3A_803 = arith.constant 10 : i32
      %mul3A_804 = vector.broadcast %mul3A_803 : i32 to vector<16xi32>
      %mul3A_805 = arith.muli %add3A_802, %mul3A_804 : vector<16xi32>
      %add3A_806 = arith.constant 1 : i32
      %add3A_807 = vector.broadcast %add3A_806 : i32 to vector<16xi32>
      %add3A_808 = arith.addi %mul3A_805, %add3A_807 : vector<16xi32>
      %add3A_809 = arith.constant 320 : i32
      %add3A_810 = vector.broadcast %add3A_809 : i32 to vector<16xi32>
      %add3A_811 = arith.addi %add3A_808, %add3A_810 : vector<16xi32>
      %add3A_812 = arith.constant 16 : i32
      %add3A_813 = vector.broadcast %add3A_812 : i32 to vector<16xi32>
      %add3A_814 = arith.addi %iota3A, %add3A_813 : vector<16xi32>
      %mul3A_815 = arith.constant 10 : i32
      %mul3A_816 = vector.broadcast %mul3A_815 : i32 to vector<16xi32>
      %mul3A_817 = arith.muli %add3A_814, %mul3A_816 : vector<16xi32>
      %add3A_818 = arith.constant 2 : i32
      %add3A_819 = vector.broadcast %add3A_818 : i32 to vector<16xi32>
      %add3A_820 = arith.addi %mul3A_817, %add3A_819 : vector<16xi32>
      %add3A_821 = arith.constant 320 : i32
      %add3A_822 = vector.broadcast %add3A_821 : i32 to vector<16xi32>
      %add3A_823 = arith.addi %add3A_820, %add3A_822 : vector<16xi32>
      %add3A_824 = arith.constant 16 : i32
      %add3A_825 = vector.broadcast %add3A_824 : i32 to vector<16xi32>
      %add3A_826 = arith.addi %iota3A, %add3A_825 : vector<16xi32>
      %mul3A_827 = arith.constant 10 : i32
      %mul3A_828 = vector.broadcast %mul3A_827 : i32 to vector<16xi32>
      %mul3A_829 = arith.muli %add3A_826, %mul3A_828 : vector<16xi32>
      %add3A_830 = arith.constant 3 : i32
      %add3A_831 = vector.broadcast %add3A_830 : i32 to vector<16xi32>
      %add3A_832 = arith.addi %mul3A_829, %add3A_831 : vector<16xi32>
      %add3A_833 = arith.constant 320 : i32
      %add3A_834 = vector.broadcast %add3A_833 : i32 to vector<16xi32>
      %add3A_835 = arith.addi %add3A_832, %add3A_834 : vector<16xi32>
      %add3A_836 = arith.constant 16 : i32
      %add3A_837 = vector.broadcast %add3A_836 : i32 to vector<16xi32>
      %add3A_838 = arith.addi %iota3A, %add3A_837 : vector<16xi32>
      %mul3A_839 = arith.constant 10 : i32
      %mul3A_840 = vector.broadcast %mul3A_839 : i32 to vector<16xi32>
      %mul3A_841 = arith.muli %add3A_838, %mul3A_840 : vector<16xi32>
      %add3A_842 = arith.constant 4 : i32
      %add3A_843 = vector.broadcast %add3A_842 : i32 to vector<16xi32>
      %add3A_844 = arith.addi %mul3A_841, %add3A_843 : vector<16xi32>
      %add3A_845 = arith.constant 320 : i32
      %add3A_846 = vector.broadcast %add3A_845 : i32 to vector<16xi32>
      %add3A_847 = arith.addi %add3A_844, %add3A_846 : vector<16xi32>
      %add3A_848 = arith.constant 16 : i32
      %add3A_849 = vector.broadcast %add3A_848 : i32 to vector<16xi32>
      %add3A_850 = arith.addi %iota3A, %add3A_849 : vector<16xi32>
      %mul3A_851 = arith.constant 10 : i32
      %mul3A_852 = vector.broadcast %mul3A_851 : i32 to vector<16xi32>
      %mul3A_853 = arith.muli %add3A_850, %mul3A_852 : vector<16xi32>
      %add3A_854 = arith.constant 5 : i32
      %add3A_855 = vector.broadcast %add3A_854 : i32 to vector<16xi32>
      %add3A_856 = arith.addi %mul3A_853, %add3A_855 : vector<16xi32>
      %add3A_857 = arith.constant 320 : i32
      %add3A_858 = vector.broadcast %add3A_857 : i32 to vector<16xi32>
      %add3A_859 = arith.addi %add3A_856, %add3A_858 : vector<16xi32>
      %add3A_860 = arith.constant 16 : i32
      %add3A_861 = vector.broadcast %add3A_860 : i32 to vector<16xi32>
      %add3A_862 = arith.addi %iota3A, %add3A_861 : vector<16xi32>
      %mul3A_863 = arith.constant 10 : i32
      %mul3A_864 = vector.broadcast %mul3A_863 : i32 to vector<16xi32>
      %mul3A_865 = arith.muli %add3A_862, %mul3A_864 : vector<16xi32>
      %add3A_866 = arith.constant 6 : i32
      %add3A_867 = vector.broadcast %add3A_866 : i32 to vector<16xi32>
      %add3A_868 = arith.addi %mul3A_865, %add3A_867 : vector<16xi32>
      %add3A_869 = arith.constant 320 : i32
      %add3A_870 = vector.broadcast %add3A_869 : i32 to vector<16xi32>
      %add3A_871 = arith.addi %add3A_868, %add3A_870 : vector<16xi32>
      %add3A_872 = arith.constant 16 : i32
      %add3A_873 = vector.broadcast %add3A_872 : i32 to vector<16xi32>
      %add3A_874 = arith.addi %iota3A, %add3A_873 : vector<16xi32>
      %mul3A_875 = arith.constant 10 : i32
      %mul3A_876 = vector.broadcast %mul3A_875 : i32 to vector<16xi32>
      %mul3A_877 = arith.muli %add3A_874, %mul3A_876 : vector<16xi32>
      %add3A_878 = arith.constant 7 : i32
      %add3A_879 = vector.broadcast %add3A_878 : i32 to vector<16xi32>
      %add3A_880 = arith.addi %mul3A_877, %add3A_879 : vector<16xi32>
      %add3A_881 = arith.constant 320 : i32
      %add3A_882 = vector.broadcast %add3A_881 : i32 to vector<16xi32>
      %add3A_883 = arith.addi %add3A_880, %add3A_882 : vector<16xi32>
      %add3A_884 = arith.constant 16 : i32
      %add3A_885 = vector.broadcast %add3A_884 : i32 to vector<16xi32>
      %add3A_886 = arith.addi %iota3A, %add3A_885 : vector<16xi32>
      %mul3A_887 = arith.constant 10 : i32
      %mul3A_888 = vector.broadcast %mul3A_887 : i32 to vector<16xi32>
      %mul3A_889 = arith.muli %add3A_886, %mul3A_888 : vector<16xi32>
      %add3A_890 = arith.constant 8 : i32
      %add3A_891 = vector.broadcast %add3A_890 : i32 to vector<16xi32>
      %add3A_892 = arith.addi %mul3A_889, %add3A_891 : vector<16xi32>
      %add3A_893 = arith.constant 320 : i32
      %add3A_894 = vector.broadcast %add3A_893 : i32 to vector<16xi32>
      %add3A_895 = arith.addi %add3A_892, %add3A_894 : vector<16xi32>
      %add3A_896 = arith.constant 16 : i32
      %add3A_897 = vector.broadcast %add3A_896 : i32 to vector<16xi32>
      %add3A_898 = arith.addi %iota3A, %add3A_897 : vector<16xi32>
      %mul3A_899 = arith.constant 10 : i32
      %mul3A_900 = vector.broadcast %mul3A_899 : i32 to vector<16xi32>
      %mul3A_901 = arith.muli %add3A_898, %mul3A_900 : vector<16xi32>
      %add3A_902 = arith.constant 9 : i32
      %add3A_903 = vector.broadcast %add3A_902 : i32 to vector<16xi32>
      %add3A_904 = arith.addi %mul3A_901, %add3A_903 : vector<16xi32>
      %add3A_905 = arith.constant 320 : i32
      %add3A_906 = vector.broadcast %add3A_905 : i32 to vector<16xi32>
      %add3A_907 = arith.addi %add3A_904, %add3A_906 : vector<16xi32>
      %get3A_908 = arith.constant 48 : index
      %get3A_909 = tpu.vector_load %arg13[%get3A_908] {strides = array<i32>} : memref<64xi32, #tpu.memory_space<vmem>>, vector<16xi32>,
      %get3A_910 = arith.constant 48 : index
      %get3A_911 = tpu.vector_load %arg15[%get3A_910] {strides = array<i32>} : memref<64xi32, #tpu.memory_space<vmem>>, vector<16xi32>,
      %gather3A_912 = tpu.vector_load_idx %arg17[%add3A_799] : memref<640xi32, #tpu.memory_space<vmem>>[vector<16xi32>], vector<16xi32>,
      %gather3A_913 = tpu.vector_load_idx %arg17[%add3A_811] : memref<640xi32, #tpu.memory_space<vmem>>[vector<16xi32>], vector<16xi32>,
      %gather3A_914 = tpu.vector_load_idx %arg17[%add3A_823] : memref<640xi32, #tpu.memory_space<vmem>>[vector<16xi32>], vector<16xi32>,
      %gather3A_915 = tpu.vector_load_idx %arg17[%add3A_835] : memref<640xi32, #tpu.memory_space<vmem>>[vector<16xi32>], vector<16xi32>,
      %gather3A_916 = tpu.vector_load_idx %arg17[%add3A_847] : memref<640xi32, #tpu.memory_space<vmem>>[vector<16xi32>], vector<16xi32>,
      %gather3A_917 = tpu.vector_load_idx %arg17[%add3A_859] : memref<640xi32, #tpu.memory_space<vmem>>[vector<16xi32>], vector<16xi32>,
      %gather3A_918 = tpu.vector_load_idx %arg17[%add3A_871] : memref<640xi32, #tpu.memory_space<vmem>>[vector<16xi32>], vector<16xi32>,
      %gather3A_919 = tpu.vector_load_idx %arg17[%add3A_883] : memref<640xi32, #tpu.memory_space<vmem>>[vector<16xi32>], vector<16xi32>,
      %gather3A_920 = tpu.vector_load_idx %arg17[%add3A_895] : memref<640xi32, #tpu.memory_space<vmem>>[vector<16xi32>], vector<16xi32>,
      %gather3A_921 = tpu.vector_load_idx %arg17[%add3A_907] : memref<640xi32, #tpu.memory_space<vmem>>[vector<16xi32>], vector<16xi32>,
      %mul3A_922 = arith.constant 17 : i32
      %mul3A_923 = vector.broadcast %mul3A_922 : i32 to vector<16xi32>
      %mul3A_924 = arith.muli %iota3A, %mul3A_923 : vector<16xi32>
      %broadcast_in_dim3A_925 = arith.constant 0.000000e+00 : f32
      %broadcast_in_dim3A_926 = vector.broadcast %broadcast_in_dim3A_925 : f32 to vector<16xf32>
      %scan3A_927 = arith.constant 0 : i32
      %scan3A_928 = arith.constant 16 : i32
      %scan3A_929 = arith.addi %scan3A_927, %scan3A_928 : i32
      %scan3A_930 = arith.constant 1 : i32
      %scan3A_931:11 = scf.for %scan3A_982 = %scan3A_927 to %scan3A_929 step %scan3A_930 iter_args(%scan3A_983 = %broadcast_in_dim3A_926, %scan3A_984 = %broadcast_in_dim3A_926, %scan3A_985 = %broadcast_in_dim3A_926, %scan3A_986 = %broadcast_in_dim3A_926, %scan3A_987 = %broadcast_in_dim3A_926, %scan3A_988 = %broadcast_in_dim3A_926, %scan3A_989 = %broadcast_in_dim3A_926, %scan3A_990 = %broadcast_in_dim3A_926, %scan3A_991 = %broadcast_in_dim3A_926, %scan3A_992 = %broadcast_in_dim3A_926, %scan3A_993 = %broadcast_in_dim3A_926) -> (vector<16xf32>, vector<16xf32>, vector<16xf32>, vector<16xf32>, vector<16xf32>, vector<16xf32>, vector<16xf32>, vector<16xf32>, vector<16xf32>, vector<16xf32>, vector<16xf32>)  : i32 {
        %mul3A_994 = arith.constant 4 : i32
        %mul3A_995 = arith.muli %scan3A_982, %mul3A_994 : i32
        %add3A_996 = arith.constant 0 : i32
        %add3A_997 = arith.addi %mul3A_995, %add3A_996 : i32
        %add3A_998 = vector.broadcast %add3A_997 : i32 to vector<16xi32>
        %add3A_999 = arith.addi %mul3A_924, %add3A_998 : vector<16xi32>
        %and3A = arith.constant 63 : i32
        %and3A_1000 = vector.broadcast %and3A : i32 to vector<16xi32>
        %and3A_1001 = arith.andi %add3A_999, %and3A_1000 : vector<16xi32>
        %add3A_1002 = arith.addi %get3A_909, %and3A_1001 : vector<16xi32>
        %gather3A_1003 = tpu.vector_load_idx %arg18[%add3A_787, %add3A_1002] : memref<64x128xf32, #tpu.memory_space<vmem>>[vector<16xi32>, vector<16xi32>], vector<16xf32>,
        %add3A_1004 = arith.addi %get3A_911, %and3A_1001 : vector<16xi32>
        %gather3A_1005 = tpu.vector_load_idx %arg19[%add3A_787, %add3A_1004] : memref<64x128xf32, #tpu.memory_space<vmem>>[vector<16xi32>, vector<16xi32>], vector<16xf32>,
        %mul3A_1006 = arith.mulf %gather3A_1003, %gather3A_1005 : vector<16xf32>
        %add3A_1007 = arith.addf %scan3A_983, %mul3A_1006 : vector<16xf32>
        %add3A_1008 = arith.addi %gather3A_912, %and3A_1001 : vector<16xi32>
        %gather3A_1009 = tpu.vector_load_idx %arg20[%add3A_799, %add3A_1008] : memref<640x128xf32, #tpu.memory_space<vmem>>[vector<16xi32>, vector<16xi32>], vector<16xf32>,
        %mul3A_1010 = arith.mulf %gather3A_1009, %gather3A_1003 : vector<16xf32>
        %add3A_1011 = arith.addf %scan3A_984, %mul3A_1010 : vector<16xf32>
        %add3A_1012 = arith.addi %gather3A_913, %and3A_1001 : vector<16xi32>
        %gather3A_1013 = tpu.vector_load_idx %arg20[%add3A_811, %add3A_1012] : memref<640x128xf32, #tpu.memory_space<vmem>>[vector<16xi32>, vector<16xi32>], vector<16xf32>,
        %mul3A_1014 = arith.mulf %gather3A_1013, %gather3A_1003 : vector<16xf32>
        %add3A_1015 = arith.addf %scan3A_985, %mul3A_1014 : vector<16xf32>
        %add3A_1016 = arith.addi %gather3A_914, %and3A_1001 : vector<16xi32>
        %gather3A_1017 = tpu.vector_load_idx %arg20[%add3A_823, %add3A_1016] : memref<640x128xf32, #tpu.memory_space<vmem>>[vector<16xi32>, vector<16xi32>], vector<16xf32>,
        %mul3A_1018 = arith.mulf %gather3A_1017, %gather3A_1003 : vector<16xf32>
        %add3A_1019 = arith.addf %scan3A_986, %mul3A_1018 : vector<16xf32>
        %add3A_1020 = arith.addi %gather3A_915, %and3A_1001 : vector<16xi32>
        %gather3A_1021 = tpu.vector_load_idx %arg20[%add3A_835, %add3A_1020] : memref<640x128xf32, #tpu.memory_space<vmem>>[vector<16xi32>, vector<16xi32>], vector<16xf32>,
        %mul3A_1022 = arith.mulf %gather3A_1021, %gather3A_1003 : vector<16xf32>
        %add3A_1023 = arith.addf %scan3A_987, %mul3A_1022 : vector<16xf32>
        %add3A_1024 = arith.addi %gather3A_916, %and3A_1001 : vector<16xi32>
        %gather3A_1025 = tpu.vector_load_idx %arg20[%add3A_847, %add3A_1024] : memref<640x128xf32, #tpu.memory_space<vmem>>[vector<16xi32>, vector<16xi32>], vector<16xf32>,
        %mul3A_1026 = arith.mulf %gather3A_1025, %gather3A_1003 : vector<16xf32>
        %add3A_1027 = arith.addf %scan3A_988, %mul3A_1026 : vector<16xf32>
        %add3A_1028 = arith.addi %gather3A_917, %and3A_1001 : vector<16xi32>
        %gather3A_1029 = tpu.vector_load_idx %arg20[%add3A_859, %add3A_1028] : memref<640x128xf32, #tpu.memory_space<vmem>>[vector<16xi32>, vector<16xi32>], vector<16xf32>,
        %mul3A_1030 = arith.mulf %gather3A_1029, %gather3A_1003 : vector<16xf32>
        %add3A_1031 = arith.addf %scan3A_989, %mul3A_1030 : vector<16xf32>
        %add3A_1032 = arith.addi %gather3A_918, %and3A_1001 : vector<16xi32>
        %gather3A_1033 = tpu.vector_load_idx %arg20[%add3A_871, %add3A_1032] : memref<640x128xf32, #tpu.memory_space<vmem>>[vector<16xi32>, vector<16xi32>], vector<16xf32>,
        %mul3A_1034 = arith.mulf %gather3A_1033, %gather3A_1003 : vector<16xf32>
        %add3A_1035 = arith.addf %scan3A_990, %mul3A_1034 : vector<16xf32>
        %add3A_1036 = arith.addi %gather3A_919, %and3A_1001 : vector<16xi32>
        %gather3A_1037 = tpu.vector_load_idx %arg20[%add3A_883, %add3A_1036] : memref<640x128xf32, #tpu.memory_space<vmem>>[vector<16xi32>, vector<16xi32>], vector<16xf32>,
        %mul3A_1038 = arith.mulf %gather3A_1037, %gather3A_1003 : vector<16xf32>
        %add3A_1039 = arith.addf %scan3A_991, %mul3A_1038 : vector<16xf32>
        %add3A_1040 = arith.addi %gather3A_920, %and3A_1001 : vector<16xi32>
        %gather3A_1041 = tpu.vector_load_idx %arg20[%add3A_895, %add3A_1040] : memref<640x128xf32, #tpu.memory_space<vmem>>[vector<16xi32>, vector<16xi32>], vector<16xf32>,
        %mul3A_1042 = arith.mulf %gather3A_1041, %gather3A_1003 : vector<16xf32>
        %add3A_1043 = arith.addf %scan3A_992, %mul3A_1042 : vector<16xf32>
        %add3A_1044 = arith.addi %gather3A_921, %and3A_1001 : vector<16xi32>
        %gather3A_1045 = tpu.vector_load_idx %arg20[%add3A_907, %add3A_1044] : memref<640x128xf32, #tpu.memory_space<vmem>>[vector<16xi32>, vector<16xi32>], vector<16xf32>,
        %mul3A_1046 = arith.mulf %gather3A_1045, %gather3A_1003 : vector<16xf32>
        %add3A_1047 = arith.addf %scan3A_993, %mul3A_1046 : vector<16xf32>
        %add3A_1048 = arith.constant 1 : i32
        %add3A_1049 = arith.addi %mul3A_995, %add3A_1048 : i32
        %add3A_1050 = vector.broadcast %add3A_1049 : i32 to vector<16xi32>
        %add3A_1051 = arith.addi %mul3A_924, %add3A_1050 : vector<16xi32>
        %and3A_1052 = arith.constant 63 : i32
        %and3A_1053 = vector.broadcast %and3A_1052 : i32 to vector<16xi32>
        %and3A_1054 = arith.andi %add3A_1051, %and3A_1053 : vector<16xi32>
        %add3A_1055 = arith.addi %get3A_909, %and3A_1054 : vector<16xi32>
        %gather3A_1056 = tpu.vector_load_idx %arg18[%add3A_787, %add3A_1055] : memref<64x128xf32, #tpu.memory_space<vmem>>[vector<16xi32>, vector<16xi32>], vector<16xf32>,
        %add3A_1057 = arith.addi %get3A_911, %and3A_1054 : vector<16xi32>
        %gather3A_1058 = tpu.vector_load_idx %arg19[%add3A_787, %add3A_1057] : memref<64x128xf32, #tpu.memory_space<vmem>>[vector<16xi32>, vector<16xi32>], vector<16xf32>,
        %mul3A_1059 = arith.mulf %gather3A_1056, %gather3A_1058 : vector<16xf32>
        %add3A_1060 = arith.addf %add3A_1007, %mul3A_1059 : vector<16xf32>
        %add3A_1061 = arith.addi %gather3A_912, %and3A_1054 : vector<16xi32>
        %gather3A_1062 = tpu.vector_load_idx %arg20[%add3A_799, %add3A_1061] : memref<640x128xf32, #tpu.memory_space<vmem>>[vector<16xi32>, vector<16xi32>], vector<16xf32>,
        %mul3A_1063 = arith.mulf %gather3A_1062, %gather3A_1056 : vector<16xf32>
        %add3A_1064 = arith.addf %add3A_1011, %mul3A_1063 : vector<16xf32>
        %add3A_1065 = arith.addi %gather3A_913, %and3A_1054 : vector<16xi32>
        %gather3A_1066 = tpu.vector_load_idx %arg20[%add3A_811, %add3A_1065] : memref<640x128xf32, #tpu.memory_space<vmem>>[vector<16xi32>, vector<16xi32>], vector<16xf32>,
        %mul3A_1067 = arith.mulf %gather3A_1066, %gather3A_1056 : vector<16xf32>
        %add3A_1068 = arith.addf %add3A_1015, %mul3A_1067 : vector<16xf32>
        %add3A_1069 = arith.addi %gather3A_914, %and3A_1054 : vector<16xi32>
        %gather3A_1070 = tpu.vector_load_idx %arg20[%add3A_823, %add3A_1069] : memref<640x128xf32, #tpu.memory_space<vmem>>[vector<16xi32>, vector<16xi32>], vector<16xf32>,
        %mul3A_1071 = arith.mulf %gather3A_1070, %gather3A_1056 : vector<16xf32>
        %add3A_1072 = arith.addf %add3A_1019, %mul3A_1071 : vector<16xf32>
        %add3A_1073 = arith.addi %gather3A_915, %and3A_1054 : vector<16xi32>
        %gather3A_1074 = tpu.vector_load_idx %arg20[%add3A_835, %add3A_1073] : memref<640x128xf32, #tpu.memory_space<vmem>>[vector<16xi32>, vector<16xi32>], vector<16xf32>,
        %mul3A_1075 = arith.mulf %gather3A_1074, %gather3A_1056 : vector<16xf32>
        %add3A_1076 = arith.addf %add3A_1023, %mul3A_1075 : vector<16xf32>
        %add3A_1077 = arith.addi %gather3A_916, %and3A_1054 : vector<16xi32>
        %gather3A_1078 = tpu.vector_load_idx %arg20[%add3A_847, %add3A_1077] : memref<640x128xf32, #tpu.memory_space<vmem>>[vector<16xi32>, vector<16xi32>], vector<16xf32>,
        %mul3A_1079 = arith.mulf %gather3A_1078, %gather3A_1056 : vector<16xf32>
        %add3A_1080 = arith.addf %add3A_1027, %mul3A_1079 : vector<16xf32>
        %add3A_1081 = arith.addi %gather3A_917, %and3A_1054 : vector<16xi32>
        %gather3A_1082 = tpu.vector_load_idx %arg20[%add3A_859, %add3A_1081] : memref<640x128xf32, #tpu.memory_space<vmem>>[vector<16xi32>, vector<16xi32>], vector<16xf32>,
        %mul3A_1083 = arith.mulf %gather3A_1082, %gather3A_1056 : vector<16xf32>
        %add3A_1084 = arith.addf %add3A_1031, %mul3A_1083 : vector<16xf32>
        %add3A_1085 = arith.addi %gather3A_918, %and3A_1054 : vector<16xi32>
        %gather3A_1086 = tpu.vector_load_idx %arg20[%add3A_871, %add3A_1085] : memref<640x128xf32, #tpu.memory_space<vmem>>[vector<16xi32>, vector<16xi32>], vector<16xf32>,
        %mul3A_1087 = arith.mulf %gather3A_1086, %gather3A_1056 : vector<16xf32>
        %add3A_1088 = arith.addf %add3A_1035, %mul3A_1087 : vector<16xf32>
        %add3A_1089 = arith.addi %gather3A_919, %and3A_1054 : vector<16xi32>
        %gather3A_1090 = tpu.vector_load_idx %arg20[%add3A_883, %add3A_1089] : memref<640x128xf32, #tpu.memory_space<vmem>>[vector<16xi32>, vector<16xi32>], vector<16xf32>,
        %mul3A_1091 = arith.mulf %gather3A_1090, %gather3A_1056 : vector<16xf32>
        %add3A_1092 = arith.addf %add3A_1039, %mul3A_1091 : vector<16xf32>
        %add3A_1093 = arith.addi %gather3A_920, %and3A_1054 : vector<16xi32>
        %gather3A_1094 = tpu.vector_load_idx %arg20[%add3A_895, %add3A_1093] : memref<640x128xf32, #tpu.memory_space<vmem>>[vector<16xi32>, vector<16xi32>], vector<16xf32>,
        %mul3A_1095 = arith.mulf %gather3A_1094, %gather3A_1056 : vector<16xf32>
        %add3A_1096 = arith.addf %add3A_1043, %mul3A_1095 : vector<16xf32>
        %add3A_1097 = arith.addi %gather3A_921, %and3A_1054 : vector<16xi32>
        %gather3A_1098 = tpu.vector_load_idx %arg20[%add3A_907, %add3A_1097] : memref<640x128xf32, #tpu.memory_space<vmem>>[vector<16xi32>, vector<16xi32>], vector<16xf32>,
        %mul3A_1099 = arith.mulf %gather3A_1098, %gather3A_1056 : vector<16xf32>
        %add3A_1100 = arith.addf %add3A_1047, %mul3A_1099 : vector<16xf32>
        %add3A_1101 = arith.constant 2 : i32
        %add3A_1102 = arith.addi %mul3A_995, %add3A_1101 : i32
        %add3A_1103 = vector.broadcast %add3A_1102 : i32 to vector<16xi32>
        %add3A_1104 = arith.addi %mul3A_924, %add3A_1103 : vector<16xi32>
        %and3A_1105 = arith.constant 63 : i32
        %and3A_1106 = vector.broadcast %and3A_1105 : i32 to vector<16xi32>
        %and3A_1107 = arith.andi %add3A_1104, %and3A_1106 : vector<16xi32>
        %add3A_1108 = arith.addi %get3A_909, %and3A_1107 : vector<16xi32>
        %gather3A_1109 = tpu.vector_load_idx %arg18[%add3A_787, %add3A_1108] : memref<64x128xf32, #tpu.memory_space<vmem>>[vector<16xi32>, vector<16xi32>], vector<16xf32>,
        %add3A_1110 = arith.addi %get3A_911, %and3A_1107 : vector<16xi32>
        %gather3A_1111 = tpu.vector_load_idx %arg19[%add3A_787, %add3A_1110] : memref<64x128xf32, #tpu.memory_space<vmem>>[vector<16xi32>, vector<16xi32>], vector<16xf32>,
        %mul3A_1112 = arith.mulf %gather3A_1109, %gather3A_1111 : vector<16xf32>
        %add3A_1113 = arith.addf %add3A_1060, %mul3A_1112 : vector<16xf32>
        %add3A_1114 = arith.addi %gather3A_912, %and3A_1107 : vector<16xi32>
        %gather3A_1115 = tpu.vector_load_idx %arg20[%add3A_799, %add3A_1114] : memref<640x128xf32, #tpu.memory_space<vmem>>[vector<16xi32>, vector<16xi32>], vector<16xf32>,
        %mul3A_1116 = arith.mulf %gather3A_1115, %gather3A_1109 : vector<16xf32>
        %add3A_1117 = arith.addf %add3A_1064, %mul3A_1116 : vector<16xf32>
        %add3A_1118 = arith.addi %gather3A_913, %and3A_1107 : vector<16xi32>
        %gather3A_1119 = tpu.vector_load_idx %arg20[%add3A_811, %add3A_1118] : memref<640x128xf32, #tpu.memory_space<vmem>>[vector<16xi32>, vector<16xi32>], vector<16xf32>,
        %mul3A_1120 = arith.mulf %gather3A_1119, %gather3A_1109 : vector<16xf32>
        %add3A_1121 = arith.addf %add3A_1068, %mul3A_1120 : vector<16xf32>
        %add3A_1122 = arith.addi %gather3A_914, %and3A_1107 : vector<16xi32>
        %gather3A_1123 = tpu.vector_load_idx %arg20[%add3A_823, %add3A_1122] : memref<640x128xf32, #tpu.memory_space<vmem>>[vector<16xi32>, vector<16xi32>], vector<16xf32>,
        %mul3A_1124 = arith.mulf %gather3A_1123, %gather3A_1109 : vector<16xf32>
        %add3A_1125 = arith.addf %add3A_1072, %mul3A_1124 : vector<16xf32>
        %add3A_1126 = arith.addi %gather3A_915, %and3A_1107 : vector<16xi32>
        %gather3A_1127 = tpu.vector_load_idx %arg20[%add3A_835, %add3A_1126] : memref<640x128xf32, #tpu.memory_space<vmem>>[vector<16xi32>, vector<16xi32>], vector<16xf32>,
        %mul3A_1128 = arith.mulf %gather3A_1127, %gather3A_1109 : vector<16xf32>
        %add3A_1129 = arith.addf %add3A_1076, %mul3A_1128 : vector<16xf32>
        %add3A_1130 = arith.addi %gather3A_916, %and3A_1107 : vector<16xi32>
        %gather3A_1131 = tpu.vector_load_idx %arg20[%add3A_847, %add3A_1130] : memref<640x128xf32, #tpu.memory_space<vmem>>[vector<16xi32>, vector<16xi32>], vector<16xf32>,
        %mul3A_1132 = arith.mulf %gather3A_1131, %gather3A_1109 : vector<16xf32>
        %add3A_1133 = arith.addf %add3A_1080, %mul3A_1132 : vector<16xf32>
        %add3A_1134 = arith.addi %gather3A_917, %and3A_1107 : vector<16xi32>
        %gather3A_1135 = tpu.vector_load_idx %arg20[%add3A_859, %add3A_1134] : memref<640x128xf32, #tpu.memory_space<vmem>>[vector<16xi32>, vector<16xi32>], vector<16xf32>,
        %mul3A_1136 = arith.mulf %gather3A_1135, %gather3A_1109 : vector<16xf32>
        %add3A_1137 = arith.addf %add3A_1084, %mul3A_1136 : vector<16xf32>
        %add3A_1138 = arith.addi %gather3A_918, %and3A_1107 : vector<16xi32>
        %gather3A_1139 = tpu.vector_load_idx %arg20[%add3A_871, %add3A_1138] : memref<640x128xf32, #tpu.memory_space<vmem>>[vector<16xi32>, vector<16xi32>], vector<16xf32>,
        %mul3A_1140 = arith.mulf %gather3A_1139, %gather3A_1109 : vector<16xf32>
        %add3A_1141 = arith.addf %add3A_1088, %mul3A_1140 : vector<16xf32>
        %add3A_1142 = arith.addi %gather3A_919, %and3A_1107 : vector<16xi32>
        %gather3A_1143 = tpu.vector_load_idx %arg20[%add3A_883, %add3A_1142] : memref<640x128xf32, #tpu.memory_space<vmem>>[vector<16xi32>, vector<16xi32>], vector<16xf32>,
        %mul3A_1144 = arith.mulf %gather3A_1143, %gather3A_1109 : vector<16xf32>
        %add3A_1145 = arith.addf %add3A_1092, %mul3A_1144 : vector<16xf32>
        %add3A_1146 = arith.addi %gather3A_920, %and3A_1107 : vector<16xi32>
        %gather3A_1147 = tpu.vector_load_idx %arg20[%add3A_895, %add3A_1146] : memref<640x128xf32, #tpu.memory_space<vmem>>[vector<16xi32>, vector<16xi32>], vector<16xf32>,
        %mul3A_1148 = arith.mulf %gather3A_1147, %gather3A_1109 : vector<16xf32>
        %add3A_1149 = arith.addf %add3A_1096, %mul3A_1148 : vector<16xf32>
        %add3A_1150 = arith.addi %gather3A_921, %and3A_1107 : vector<16xi32>
        %gather3A_1151 = tpu.vector_load_idx %arg20[%add3A_907, %add3A_1150] : memref<640x128xf32, #tpu.memory_space<vmem>>[vector<16xi32>, vector<16xi32>], vector<16xf32>,
        %mul3A_1152 = arith.mulf %gather3A_1151, %gather3A_1109 : vector<16xf32>
        %add3A_1153 = arith.addf %add3A_1100, %mul3A_1152 : vector<16xf32>
        %add3A_1154 = arith.constant 3 : i32
        %add3A_1155 = arith.addi %mul3A_995, %add3A_1154 : i32
        %add3A_1156 = vector.broadcast %add3A_1155 : i32 to vector<16xi32>
        %add3A_1157 = arith.addi %mul3A_924, %add3A_1156 : vector<16xi32>
        %and3A_1158 = arith.constant 63 : i32
        %and3A_1159 = vector.broadcast %and3A_1158 : i32 to vector<16xi32>
        %and3A_1160 = arith.andi %add3A_1157, %and3A_1159 : vector<16xi32>
        %add3A_1161 = arith.addi %get3A_909, %and3A_1160 : vector<16xi32>
        %gather3A_1162 = tpu.vector_load_idx %arg18[%add3A_787, %add3A_1161] : memref<64x128xf32, #tpu.memory_space<vmem>>[vector<16xi32>, vector<16xi32>], vector<16xf32>,
        %add3A_1163 = arith.addi %get3A_911, %and3A_1160 : vector<16xi32>
        %gather3A_1164 = tpu.vector_load_idx %arg19[%add3A_787, %add3A_1163] : memref<64x128xf32, #tpu.memory_space<vmem>>[vector<16xi32>, vector<16xi32>], vector<16xf32>,
        %mul3A_1165 = arith.mulf %gather3A_1162, %gather3A_1164 : vector<16xf32>
        %add3A_1166 = arith.addf %add3A_1113, %mul3A_1165 : vector<16xf32>
        %add3A_1167 = arith.addi %gather3A_912, %and3A_1160 : vector<16xi32>
        %gather3A_1168 = tpu.vector_load_idx %arg20[%add3A_799, %add3A_1167] : memref<640x128xf32, #tpu.memory_space<vmem>>[vector<16xi32>, vector<16xi32>], vector<16xf32>,
        %mul3A_1169 = arith.mulf %gather3A_1168, %gather3A_1162 : vector<16xf32>
        %add3A_1170 = arith.addf %add3A_1117, %mul3A_1169 : vector<16xf32>
        %add3A_1171 = arith.addi %gather3A_913, %and3A_1160 : vector<16xi32>
        %gather3A_1172 = tpu.vector_load_idx %arg20[%add3A_811, %add3A_1171] : memref<640x128xf32, #tpu.memory_space<vmem>>[vector<16xi32>, vector<16xi32>], vector<16xf32>,
        %mul3A_1173 = arith.mulf %gather3A_1172, %gather3A_1162 : vector<16xf32>
        %add3A_1174 = arith.addf %add3A_1121, %mul3A_1173 : vector<16xf32>
        %add3A_1175 = arith.addi %gather3A_914, %and3A_1160 : vector<16xi32>
        %gather3A_1176 = tpu.vector_load_idx %arg20[%add3A_823, %add3A_1175] : memref<640x128xf32, #tpu.memory_space<vmem>>[vector<16xi32>, vector<16xi32>], vector<16xf32>,
        %mul3A_1177 = arith.mulf %gather3A_1176, %gather3A_1162 : vector<16xf32>
        %add3A_1178 = arith.addf %add3A_1125, %mul3A_1177 : vector<16xf32>
        %add3A_1179 = arith.addi %gather3A_915, %and3A_1160 : vector<16xi32>
        %gather3A_1180 = tpu.vector_load_idx %arg20[%add3A_835, %add3A_1179] : memref<640x128xf32, #tpu.memory_space<vmem>>[vector<16xi32>, vector<16xi32>], vector<16xf32>,
        %mul3A_1181 = arith.mulf %gather3A_1180, %gather3A_1162 : vector<16xf32>
        %add3A_1182 = arith.addf %add3A_1129, %mul3A_1181 : vector<16xf32>
        %add3A_1183 = arith.addi %gather3A_916, %and3A_1160 : vector<16xi32>
        %gather3A_1184 = tpu.vector_load_idx %arg20[%add3A_847, %add3A_1183] : memref<640x128xf32, #tpu.memory_space<vmem>>[vector<16xi32>, vector<16xi32>], vector<16xf32>,
        %mul3A_1185 = arith.mulf %gather3A_1184, %gather3A_1162 : vector<16xf32>
        %add3A_1186 = arith.addf %add3A_1133, %mul3A_1185 : vector<16xf32>
        %add3A_1187 = arith.addi %gather3A_917, %and3A_1160 : vector<16xi32>
        %gather3A_1188 = tpu.vector_load_idx %arg20[%add3A_859, %add3A_1187] : memref<640x128xf32, #tpu.memory_space<vmem>>[vector<16xi32>, vector<16xi32>], vector<16xf32>,
        %mul3A_1189 = arith.mulf %gather3A_1188, %gather3A_1162 : vector<16xf32>
        %add3A_1190 = arith.addf %add3A_1137, %mul3A_1189 : vector<16xf32>
        %add3A_1191 = arith.addi %gather3A_918, %and3A_1160 : vector<16xi32>
        %gather3A_1192 = tpu.vector_load_idx %arg20[%add3A_871, %add3A_1191] : memref<640x128xf32, #tpu.memory_space<vmem>>[vector<16xi32>, vector<16xi32>], vector<16xf32>,
        %mul3A_1193 = arith.mulf %gather3A_1192, %gather3A_1162 : vector<16xf32>
        %add3A_1194 = arith.addf %add3A_1141, %mul3A_1193 : vector<16xf32>
        %add3A_1195 = arith.addi %gather3A_919, %and3A_1160 : vector<16xi32>
        %gather3A_1196 = tpu.vector_load_idx %arg20[%add3A_883, %add3A_1195] : memref<640x128xf32, #tpu.memory_space<vmem>>[vector<16xi32>, vector<16xi32>], vector<16xf32>,
        %mul3A_1197 = arith.mulf %gather3A_1196, %gather3A_1162 : vector<16xf32>
        %add3A_1198 = arith.addf %add3A_1145, %mul3A_1197 : vector<16xf32>
        %add3A_1199 = arith.addi %gather3A_920, %and3A_1160 : vector<16xi32>
        %gather3A_1200 = tpu.vector_load_idx %arg20[%add3A_895, %add3A_1199] : memref<640x128xf32, #tpu.memory_space<vmem>>[vector<16xi32>, vector<16xi32>], vector<16xf32>,
        %mul3A_1201 = arith.mulf %gather3A_1200, %gather3A_1162 : vector<16xf32>
        %add3A_1202 = arith.addf %add3A_1149, %mul3A_1201 : vector<16xf32>
        %add3A_1203 = arith.addi %gather3A_921, %and3A_1160 : vector<16xi32>
        %gather3A_1204 = tpu.vector_load_idx %arg20[%add3A_907, %add3A_1203] : memref<640x128xf32, #tpu.memory_space<vmem>>[vector<16xi32>, vector<16xi32>], vector<16xf32>,
        %mul3A_1205 = arith.mulf %gather3A_1204, %gather3A_1162 : vector<16xf32>
        %add3A_1206 = arith.addf %add3A_1153, %mul3A_1205 : vector<16xf32>
        scf.yield %add3A_1166, %add3A_1170, %add3A_1174, %add3A_1178, %add3A_1182, %add3A_1186, %add3A_1190, %add3A_1194, %add3A_1198, %add3A_1202, %add3A_1206 : vector<16xf32>, vector<16xf32>, vector<16xf32>, vector<16xf32>, vector<16xf32>, vector<16xf32>, vector<16xf32>, vector<16xf32>, vector<16xf32>, vector<16xf32>, vector<16xf32>
      }
      %scan3A_932 = arith.constant 16 : i32
      %swap3A_933 = arith.constant 16 : index
      %swap3A_934 = tpu.vector_load %arg21[%swap3A_933] {strides = array<i32>} : memref<32xf32, #tpu.memory_space<vmem>>, vector<16xf32>,
      tpu.vector_store %arg21[%swap3A_933], %scan3A_931#0 {strides = array<i32>} : memref<32xf32, #tpu.memory_space<vmem>>, vector<16xf32>,
      %swap3A_935 = arith.constant 0 : i32
      %swap3A_936 = arith.index_cast %swap3A_935 : i32 to index
      %swap3A_937 = arith.constant 16 : index
      %swap3A_938 = tpu.vector_load %arg22[%swap3A_936, %swap3A_937] {strides = array<i32>} : memref<10x32xf32, #tpu.memory_space<vmem>>, vector<16xf32>,
      tpu.vector_store %arg22[%swap3A_936, %swap3A_937], %scan3A_931#1 {strides = array<i32>} : memref<10x32xf32, #tpu.memory_space<vmem>>, vector<16xf32>,
      %swap3A_939 = arith.constant 1 : i32
      %swap3A_940 = arith.index_cast %swap3A_939 : i32 to index
      %swap3A_941 = arith.constant 16 : index
      %swap3A_942 = tpu.vector_load %arg22[%swap3A_940, %swap3A_941] {strides = array<i32>} : memref<10x32xf32, #tpu.memory_space<vmem>>, vector<16xf32>,
      tpu.vector_store %arg22[%swap3A_940, %swap3A_941], %scan3A_931#2 {strides = array<i32>} : memref<10x32xf32, #tpu.memory_space<vmem>>, vector<16xf32>,
      %swap3A_943 = arith.constant 2 : i32
      %swap3A_944 = arith.index_cast %swap3A_943 : i32 to index
      %swap3A_945 = arith.constant 16 : index
      %swap3A_946 = tpu.vector_load %arg22[%swap3A_944, %swap3A_945] {strides = array<i32>} : memref<10x32xf32, #tpu.memory_space<vmem>>, vector<16xf32>,
      tpu.vector_store %arg22[%swap3A_944, %swap3A_945], %scan3A_931#3 {strides = array<i32>} : memref<10x32xf32, #tpu.memory_space<vmem>>, vector<16xf32>,
      %swap3A_947 = arith.constant 3 : i32
      %swap3A_948 = arith.index_cast %swap3A_947 : i32 to index
      %swap3A_949 = arith.constant 16 : index
      %swap3A_950 = tpu.vector_load %arg22[%swap3A_948, %swap3A_949] {strides = array<i32>} : memref<10x32xf32, #tpu.memory_space<vmem>>, vector<16xf32>,
      tpu.vector_store %arg22[%swap3A_948, %swap3A_949], %scan3A_931#4 {strides = array<i32>} : memref<10x32xf32, #tpu.memory_space<vmem>>, vector<16xf32>,
      %swap3A_951 = arith.constant 4 : i32
      %swap3A_952 = arith.index_cast %swap3A_951 : i32 to index
      %swap3A_953 = arith.constant 16 : index
      %swap3A_954 = tpu.vector_load %arg22[%swap3A_952, %swap3A_953] {strides = array<i32>} : memref<10x32xf32, #tpu.memory_space<vmem>>, vector<16xf32>,
      tpu.vector_store %arg22[%swap3A_952, %swap3A_953], %scan3A_931#5 {strides = array<i32>} : memref<10x32xf32, #tpu.memory_space<vmem>>, vector<16xf32>,
      %swap3A_955 = arith.constant 5 : i32
      %swap3A_956 = arith.index_cast %swap3A_955 : i32 to index
      %swap3A_957 = arith.constant 16 : index
      %swap3A_958 = tpu.vector_load %arg22[%swap3A_956, %swap3A_957] {strides = array<i32>} : memref<10x32xf32, #tpu.memory_space<vmem>>, vector<16xf32>,
      tpu.vector_store %arg22[%swap3A_956, %swap3A_957], %scan3A_931#6 {strides = array<i32>} : memref<10x32xf32, #tpu.memory_space<vmem>>, vector<16xf32>,
      %swap3A_959 = arith.constant 6 : i32
      %swap3A_960 = arith.index_cast %swap3A_959 : i32 to index
      %swap3A_961 = arith.constant 16 : index
      %swap3A_962 = tpu.vector_load %arg22[%swap3A_960, %swap3A_961] {strides = array<i32>} : memref<10x32xf32, #tpu.memory_space<vmem>>, vector<16xf32>,
      tpu.vector_store %arg22[%swap3A_960, %swap3A_961], %scan3A_931#7 {strides = array<i32>} : memref<10x32xf32, #tpu.memory_space<vmem>>, vector<16xf32>,
      %swap3A_963 = arith.constant 7 : i32
      %swap3A_964 = arith.index_cast %swap3A_963 : i32 to index
      %swap3A_965 = arith.constant 16 : index
      %swap3A_966 = tpu.vector_load %arg22[%swap3A_964, %swap3A_965] {strides = array<i32>} : memref<10x32xf32, #tpu.memory_space<vmem>>, vector<16xf32>,
      tpu.vector_store %arg22[%swap3A_964, %swap3A_965], %scan3A_931#8 {strides = array<i32>} : memref<10x32xf32, #tpu.memory_space<vmem>>, vector<16xf32>,
      %swap3A_967 = arith.constant 8 : i32
      %swap3A_968 = arith.index_cast %swap3A_967 : i32 to index
      %swap3A_969 = arith.constant 16 : index
      %swap3A_970 = tpu.vector_load %arg22[%swap3A_968, %swap3A_969] {strides = array<i32>} : memref<10x32xf32, #tpu.memory_space<vmem>>, vector<16xf32>,
      tpu.vector_store %arg22[%swap3A_968, %swap3A_969], %scan3A_931#9 {strides = array<i32>} : memref<10x32xf32, #tpu.memory_space<vmem>>, vector<16xf32>,
      %swap3A_971 = arith.constant 9 : i32
      %swap3A_972 = arith.index_cast %swap3A_971 : i32 to index
      %swap3A_973 = arith.constant 16 : index
      %swap3A_974 = tpu.vector_load %arg22[%swap3A_972, %swap3A_973] {strides = array<i32>} : memref<10x32xf32, #tpu.memory_space<vmem>>, vector<16xf32>,
      tpu.vector_store %arg22[%swap3A_972, %swap3A_973], %scan3A_931#10 {strides = array<i32>} : memref<10x32xf32, #tpu.memory_space<vmem>>, vector<16xf32>,
      "tpu.region"() ({
        %run_scoped3A = tpu.sem_alloc : memref<!tpu.dma_semaphore, #tpu.memory_space<semaphore_mem>>
        %dma_start3A_982 = tpu.memref_slice %arg10[%mul3A_588] : memref<16384xf32, #tpu.memory_space<hbm>> -> memref<32xf32, #tpu.memory_space<hbm>>
        %dma_start3A_983 = tpu.memref_slice %arg10[%mul3A_588] : memref<16384xf32, #tpu.memory_space<hbm>> -> memref<32xf32, #tpu.memory_space<hbm>>
        tpu.enqueue_dma source(%arg21 : memref<32xf32, #tpu.memory_space<vmem>>) target(%dma_start3A_983 : memref<32xf32, #tpu.memory_space<hbm>>) target_semaphore(%run_scoped3A : memref<!tpu.dma_semaphore, #tpu.memory_space<semaphore_mem>>)
        %dma_wait3A_984 = tpu.memref_slice %arg10[%mul3A_588] : memref<16384xf32, #tpu.memory_space<hbm>> -> memref<32xf32, #tpu.memory_space<hbm>>
        %dma_wait3A_985 = tpu.memref_slice %arg10[%mul3A_588] : memref<16384xf32, #tpu.memory_space<hbm>> -> memref<32xf32, #tpu.memory_space<hbm>>
        tpu.wait_dma2 semaphore(%run_scoped3A : memref<!tpu.dma_semaphore, #tpu.memory_space<semaphore_mem>>) src(%arg21 : memref<32xf32, #tpu.memory_space<vmem>>) dst(%dma_wait3A_985 : memref<32xf32, #tpu.memory_space<hbm>>)
        tpu.yield
      }) : () -> ()
      "tpu.region"() ({
        %run_scoped3A = tpu.sem_alloc : memref<!tpu.dma_semaphore, #tpu.memory_space<semaphore_mem>>
        %dma_start3A_982 = arith.constant 0 : i32
        %dma_start3A_983 = arith.constant 0 : i32
        %dma_start3A_984 = tpu.memref_slice %arg11[%add3A, %add3A_543, %dma_start3A_982, %dma_start3A_983] : memref<32x16x10x32xf32, #tpu.memory_space<hbm>> -> memref<1x1x10x32xf32, #tpu.memory_space<hbm>>
        %dma_start3A_985 = tpu.memref_squeeze %dma_start3A_984 : memref<1x1x10x32xf32, #tpu.memory_space<hbm>> -> memref<10x32xf32, #tpu.memory_space<hbm>>
        %dma_start3A_986 = arith.constant 0 : i32
        %dma_start3A_987 = arith.constant 0 : i32
        %dma_start3A_988 = tpu.memref_slice %arg11[%add3A, %add3A_543, %dma_start3A_986, %dma_start3A_987] : memref<32x16x10x32xf32, #tpu.memory_space<hbm>> -> memref<1x1x10x32xf32, #tpu.memory_space<hbm>>
        %dma_start3A_989 = tpu.memref_squeeze %dma_start3A_988 : memref<1x1x10x32xf32, #tpu.memory_space<hbm>> -> memref<10x32xf32, #tpu.memory_space<hbm>>
        tpu.enqueue_dma source(%arg22 : memref<10x32xf32, #tpu.memory_space<vmem>>) target(%dma_start3A_989 : memref<10x32xf32, #tpu.memory_space<hbm>>) target_semaphore(%run_scoped3A : memref<!tpu.dma_semaphore, #tpu.memory_space<semaphore_mem>>)
        %dma_wait3A_990 = arith.constant 0 : i32
        %dma_wait3A_991 = arith.constant 0 : i32
        %dma_wait3A_992 = tpu.memref_slice %arg11[%add3A, %add3A_543, %dma_wait3A_990, %dma_wait3A_991] : memref<32x16x10x32xf32, #tpu.memory_space<hbm>> -> memref<1x1x10x32xf32, #tpu.memory_space<hbm>>
        %dma_wait3A_993 = tpu.memref_squeeze %dma_wait3A_992 : memref<1x1x10x32xf32, #tpu.memory_space<hbm>> -> memref<10x32xf32, #tpu.memory_space<hbm>>
        %dma_wait3A_994 = arith.constant 0 : i32
        %dma_wait3A_995 = arith.constant 0 : i32
        %dma_wait3A_996 = tpu.memref_slice %arg11[%add3A, %add3A_543, %dma_wait3A_994, %dma_wait3A_995] : memref<32x16x10x32xf32, #tpu.memory_space<hbm>> -> memref<1x1x10x32xf32, #tpu.memory_space<hbm>>
        %dma_wait3A_997 = tpu.memref_squeeze %dma_wait3A_996 : memref<1x1x10x32xf32, #tpu.memory_space<hbm>> -> memref<10x32xf32, #tpu.memory_space<hbm>>
        tpu.wait_dma2 semaphore(%run_scoped3A : memref<!tpu.dma_semaphore, #tpu.memory_space<semaphore_mem>>) src(%arg22 : memref<10x32xf32, #tpu.memory_space<vmem>>) dst(%dma_wait3A_997 : memref<10x32xf32, #tpu.memory_space<hbm>>)
        tpu.yield
      }) : () -> ()
      %add3A_975 = arith.constant 2 : i32
      %add3A_976 = arith.addi %add3A_543, %add3A_975 : i32
      %lt3A_977 = arith.constant 16 : i32
      %lt3A_978 = arith.cmpi slt, %add3A_976, %lt3A_977 : i32
      %convert_element_type3A_979 = arith.extui %lt3A_978 : i1 to i32
      %cond3A_980 = arith.constant 0 : i32
      %cond3A_981 = arith.cmpi ne, %convert_element_type3A_979, %cond3A_980 : i32
      scf.if %cond3A_981 {
        %add3A_982 = arith.constant 2 : i32
        %add3A_983 = arith.addi %add3A_543, %add3A_982 : i32
        %mul3A_984 = arith.constant 16 : i32
        %mul3A_985 = arith.muli %add3A, %mul3A_984 : i32
        %add3A_986 = arith.addi %mul3A_985, %add3A_983 : i32
        %mul3A_987 = arith.constant 32 : i32
        %mul3A_988 = arith.muli %add3A_986, %mul3A_987 : i32
        "tpu.region"() ({
          %run_scoped3A = tpu.sem_alloc : memref<!tpu.dma_semaphore, #tpu.memory_space<semaphore_mem>>
          %dma_start3A_1033 = arith.constant 32 : i32
          %dma_start3A_1034 = tpu.memref_slice %arg12[%dma_start3A_1033] : memref<64xi32, #tpu.memory_space<vmem>> -> memref<32xi32, #tpu.memory_space<vmem>>
          %dma_start3A_1035 = tpu.memref_slice %arg2[%mul3A_988] : memref<16384xi32, #tpu.memory_space<hbm>> -> memref<32xi32, #tpu.memory_space<hbm>>
          %dma_start3A_1036 = arith.constant 32 : i32
          %dma_start3A_1037 = tpu.memref_slice %arg12[%dma_start3A_1036] : memref<64xi32, #tpu.memory_space<vmem>> -> memref<32xi32, #tpu.memory_space<vmem>>
          %dma_start3A_1038 = tpu.memref_slice %arg2[%mul3A_988] : memref<16384xi32, #tpu.memory_space<hbm>> -> memref<32xi32, #tpu.memory_space<hbm>>
          tpu.enqueue_dma source(%dma_start3A_1038 : memref<32xi32, #tpu.memory_space<hbm>>) target(%dma_start3A_1037 : memref<32xi32, #tpu.memory_space<vmem>>) target_semaphore(%run_scoped3A : memref<!tpu.dma_semaphore, #tpu.memory_space<semaphore_mem>>)
          %dma_wait3A_1039 = arith.constant 32 : i32
          %dma_wait3A_1040 = tpu.memref_slice %arg12[%dma_wait3A_1039] : memref<64xi32, #tpu.memory_space<vmem>> -> memref<32xi32, #tpu.memory_space<vmem>>
          %dma_wait3A_1041 = tpu.memref_slice %arg2[%mul3A_988] : memref<16384xi32, #tpu.memory_space<hbm>> -> memref<32xi32, #tpu.memory_space<hbm>>
          %dma_wait3A_1042 = arith.constant 32 : i32
          %dma_wait3A_1043 = tpu.memref_slice %arg12[%dma_wait3A_1042] : memref<64xi32, #tpu.memory_space<vmem>> -> memref<32xi32, #tpu.memory_space<vmem>>
          %dma_wait3A_1044 = tpu.memref_slice %arg2[%mul3A_988] : memref<16384xi32, #tpu.memory_space<hbm>> -> memref<32xi32, #tpu.memory_space<hbm>>
          tpu.wait_dma2 semaphore(%run_scoped3A : memref<!tpu.dma_semaphore, #tpu.memory_space<semaphore_mem>>) src(%dma_wait3A_1044 : memref<32xi32, #tpu.memory_space<hbm>>) dst(%dma_wait3A_1043 : memref<32xi32, #tpu.memory_space<vmem>>)
          tpu.yield
        }) : () -> ()
        "tpu.region"() ({
          %run_scoped3A = tpu.sem_alloc : memref<!tpu.dma_semaphore, #tpu.memory_space<semaphore_mem>>
          %dma_start3A_1033 = arith.constant 32 : i32
          %dma_start3A_1034 = tpu.memref_slice %arg13[%dma_start3A_1033] : memref<64xi32, #tpu.memory_space<vmem>> -> memref<32xi32, #tpu.memory_space<vmem>>
          %dma_start3A_1035 = tpu.memref_slice %arg3[%mul3A_988] : memref<16384xi32, #tpu.memory_space<hbm>> -> memref<32xi32, #tpu.memory_space<hbm>>
          %dma_start3A_1036 = arith.constant 32 : i32
          %dma_start3A_1037 = tpu.memref_slice %arg13[%dma_start3A_1036] : memref<64xi32, #tpu.memory_space<vmem>> -> memref<32xi32, #tpu.memory_space<vmem>>
          %dma_start3A_1038 = tpu.memref_slice %arg3[%mul3A_988] : memref<16384xi32, #tpu.memory_space<hbm>> -> memref<32xi32, #tpu.memory_space<hbm>>
          tpu.enqueue_dma source(%dma_start3A_1038 : memref<32xi32, #tpu.memory_space<hbm>>) target(%dma_start3A_1037 : memref<32xi32, #tpu.memory_space<vmem>>) target_semaphore(%run_scoped3A : memref<!tpu.dma_semaphore, #tpu.memory_space<semaphore_mem>>)
          %dma_wait3A_1039 = arith.constant 32 : i32
          %dma_wait3A_1040 = tpu.memref_slice %arg13[%dma_wait3A_1039] : memref<64xi32, #tpu.memory_space<vmem>> -> memref<32xi32, #tpu.memory_space<vmem>>
          %dma_wait3A_1041 = tpu.memref_slice %arg3[%mul3A_988] : memref<16384xi32, #tpu.memory_space<hbm>> -> memref<32xi32, #tpu.memory_space<hbm>>
          %dma_wait3A_1042 = arith.constant 32 : i32
          %dma_wait3A_1043 = tpu.memref_slice %arg13[%dma_wait3A_1042] : memref<64xi32, #tpu.memory_space<vmem>> -> memref<32xi32, #tpu.memory_space<vmem>>
          %dma_wait3A_1044 = tpu.memref_slice %arg3[%mul3A_988] : memref<16384xi32, #tpu.memory_space<hbm>> -> memref<32xi32, #tpu.memory_space<hbm>>
          tpu.wait_dma2 semaphore(%run_scoped3A : memref<!tpu.dma_semaphore, #tpu.memory_space<semaphore_mem>>) src(%dma_wait3A_1044 : memref<32xi32, #tpu.memory_space<hbm>>) dst(%dma_wait3A_1043 : memref<32xi32, #tpu.memory_space<vmem>>)
          tpu.yield
        }) : () -> ()
        "tpu.region"() ({
          %run_scoped3A = tpu.sem_alloc : memref<!tpu.dma_semaphore, #tpu.memory_space<semaphore_mem>>
          %dma_start3A_1033 = arith.constant 32 : i32
          %dma_start3A_1034 = tpu.memref_slice %arg14[%dma_start3A_1033] : memref<64xi32, #tpu.memory_space<vmem>> -> memref<32xi32, #tpu.memory_space<vmem>>
          %dma_start3A_1035 = tpu.memref_slice %arg4[%mul3A_988] : memref<16384xi32, #tpu.memory_space<hbm>> -> memref<32xi32, #tpu.memory_space<hbm>>
          %dma_start3A_1036 = arith.constant 32 : i32
          %dma_start3A_1037 = tpu.memref_slice %arg14[%dma_start3A_1036] : memref<64xi32, #tpu.memory_space<vmem>> -> memref<32xi32, #tpu.memory_space<vmem>>
          %dma_start3A_1038 = tpu.memref_slice %arg4[%mul3A_988] : memref<16384xi32, #tpu.memory_space<hbm>> -> memref<32xi32, #tpu.memory_space<hbm>>
          tpu.enqueue_dma source(%dma_start3A_1038 : memref<32xi32, #tpu.memory_space<hbm>>) target(%dma_start3A_1037 : memref<32xi32, #tpu.memory_space<vmem>>) target_semaphore(%run_scoped3A : memref<!tpu.dma_semaphore, #tpu.memory_space<semaphore_mem>>)
          %dma_wait3A_1039 = arith.constant 32 : i32
          %dma_wait3A_1040 = tpu.memref_slice %arg14[%dma_wait3A_1039] : memref<64xi32, #tpu.memory_space<vmem>> -> memref<32xi32, #tpu.memory_space<vmem>>
          %dma_wait3A_1041 = tpu.memref_slice %arg4[%mul3A_988] : memref<16384xi32, #tpu.memory_space<hbm>> -> memref<32xi32, #tpu.memory_space<hbm>>
          %dma_wait3A_1042 = arith.constant 32 : i32
          %dma_wait3A_1043 = tpu.memref_slice %arg14[%dma_wait3A_1042] : memref<64xi32, #tpu.memory_space<vmem>> -> memref<32xi32, #tpu.memory_space<vmem>>
          %dma_wait3A_1044 = tpu.memref_slice %arg4[%mul3A_988] : memref<16384xi32, #tpu.memory_space<hbm>> -> memref<32xi32, #tpu.memory_space<hbm>>
          tpu.wait_dma2 semaphore(%run_scoped3A : memref<!tpu.dma_semaphore, #tpu.memory_space<semaphore_mem>>) src(%dma_wait3A_1044 : memref<32xi32, #tpu.memory_space<hbm>>) dst(%dma_wait3A_1043 : memref<32xi32, #tpu.memory_space<vmem>>)
          tpu.yield
        }) : () -> ()
        "tpu.region"() ({
          %run_scoped3A = tpu.sem_alloc : memref<!tpu.dma_semaphore, #tpu.memory_space<semaphore_mem>>
          %dma_start3A_1033 = arith.constant 32 : i32
          %dma_start3A_1034 = tpu.memref_slice %arg15[%dma_start3A_1033] : memref<64xi32, #tpu.memory_space<vmem>> -> memref<32xi32, #tpu.memory_space<vmem>>
          %dma_start3A_1035 = tpu.memref_slice %arg5[%mul3A_988] : memref<16384xi32, #tpu.memory_space<hbm>> -> memref<32xi32, #tpu.memory_space<hbm>>
          %dma_start3A_1036 = arith.constant 32 : i32
          %dma_start3A_1037 = tpu.memref_slice %arg15[%dma_start3A_1036] : memref<64xi32, #tpu.memory_space<vmem>> -> memref<32xi32, #tpu.memory_space<vmem>>
          %dma_start3A_1038 = tpu.memref_slice %arg5[%mul3A_988] : memref<16384xi32, #tpu.memory_space<hbm>> -> memref<32xi32, #tpu.memory_space<hbm>>
          tpu.enqueue_dma source(%dma_start3A_1038 : memref<32xi32, #tpu.memory_space<hbm>>) target(%dma_start3A_1037 : memref<32xi32, #tpu.memory_space<vmem>>) target_semaphore(%run_scoped3A : memref<!tpu.dma_semaphore, #tpu.memory_space<semaphore_mem>>)
          %dma_wait3A_1039 = arith.constant 32 : i32
          %dma_wait3A_1040 = tpu.memref_slice %arg15[%dma_wait3A_1039] : memref<64xi32, #tpu.memory_space<vmem>> -> memref<32xi32, #tpu.memory_space<vmem>>
          %dma_wait3A_1041 = tpu.memref_slice %arg5[%mul3A_988] : memref<16384xi32, #tpu.memory_space<hbm>> -> memref<32xi32, #tpu.memory_space<hbm>>
          %dma_wait3A_1042 = arith.constant 32 : i32
          %dma_wait3A_1043 = tpu.memref_slice %arg15[%dma_wait3A_1042] : memref<64xi32, #tpu.memory_space<vmem>> -> memref<32xi32, #tpu.memory_space<vmem>>
          %dma_wait3A_1044 = tpu.memref_slice %arg5[%mul3A_988] : memref<16384xi32, #tpu.memory_space<hbm>> -> memref<32xi32, #tpu.memory_space<hbm>>
          tpu.wait_dma2 semaphore(%run_scoped3A : memref<!tpu.dma_semaphore, #tpu.memory_space<semaphore_mem>>) src(%dma_wait3A_1044 : memref<32xi32, #tpu.memory_space<hbm>>) dst(%dma_wait3A_1043 : memref<32xi32, #tpu.memory_space<vmem>>)
          tpu.yield
        }) : () -> ()
        %mul3A_989 = arith.constant 10 : i32
        %mul3A_990 = arith.muli %mul3A_988, %mul3A_989 : i32
        "tpu.region"() ({
          %run_scoped3A = tpu.sem_alloc : memref<!tpu.dma_semaphore, #tpu.memory_space<semaphore_mem>>
          %dma_start3A_1033 = arith.constant 320 : i32
          %dma_start3A_1034 = tpu.memref_slice %arg16[%dma_start3A_1033] : memref<640xi32, #tpu.memory_space<vmem>> -> memref<320xi32, #tpu.memory_space<vmem>>
          %dma_start3A_1035 = tpu.memref_slice %arg6[%mul3A_990] : memref<163840xi32, #tpu.memory_space<hbm>> -> memref<320xi32, #tpu.memory_space<hbm>>
          %dma_start3A_1036 = arith.constant 320 : i32
          %dma_start3A_1037 = tpu.memref_slice %arg16[%dma_start3A_1036] : memref<640xi32, #tpu.memory_space<vmem>> -> memref<320xi32, #tpu.memory_space<vmem>>
          %dma_start3A_1038 = tpu.memref_slice %arg6[%mul3A_990] : memref<163840xi32, #tpu.memory_space<hbm>> -> memref<320xi32, #tpu.memory_space<hbm>>
          tpu.enqueue_dma source(%dma_start3A_1038 : memref<320xi32, #tpu.memory_space<hbm>>) target(%dma_start3A_1037 : memref<320xi32, #tpu.memory_space<vmem>>) target_semaphore(%run_scoped3A : memref<!tpu.dma_semaphore, #tpu.memory_space<semaphore_mem>>)
          %dma_wait3A_1039 = arith.constant 320 : i32
          %dma_wait3A_1040 = tpu.memref_slice %arg16[%dma_wait3A_1039] : memref<640xi32, #tpu.memory_space<vmem>> -> memref<320xi32, #tpu.memory_space<vmem>>
          %dma_wait3A_1041 = tpu.memref_slice %arg6[%mul3A_990] : memref<163840xi32, #tpu.memory_space<hbm>> -> memref<320xi32, #tpu.memory_space<hbm>>
          %dma_wait3A_1042 = arith.constant 320 : i32
          %dma_wait3A_1043 = tpu.memref_slice %arg16[%dma_wait3A_1042] : memref<640xi32, #tpu.memory_space<vmem>> -> memref<320xi32, #tpu.memory_space<vmem>>
          %dma_wait3A_1044 = tpu.memref_slice %arg6[%mul3A_990] : memref<163840xi32, #tpu.memory_space<hbm>> -> memref<320xi32, #tpu.memory_space<hbm>>
          tpu.wait_dma2 semaphore(%run_scoped3A : memref<!tpu.dma_semaphore, #tpu.memory_space<semaphore_mem>>) src(%dma_wait3A_1044 : memref<320xi32, #tpu.memory_space<hbm>>) dst(%dma_wait3A_1043 : memref<320xi32, #tpu.memory_space<vmem>>)
          tpu.yield
        }) : () -> ()
        %mul3A_991 = arith.constant 10 : i32
        %mul3A_992 = arith.muli %mul3A_988, %mul3A_991 : i32
        "tpu.region"() ({
          %run_scoped3A = tpu.sem_alloc : memref<!tpu.dma_semaphore, #tpu.memory_space<semaphore_mem>>
          %dma_start3A_1033 = arith.constant 320 : i32
          %dma_start3A_1034 = tpu.memref_slice %arg17[%dma_start3A_1033] : memref<640xi32, #tpu.memory_space<vmem>> -> memref<320xi32, #tpu.memory_space<vmem>>
          %dma_start3A_1035 = tpu.memref_slice %arg7[%mul3A_992] : memref<163840xi32, #tpu.memory_space<hbm>> -> memref<320xi32, #tpu.memory_space<hbm>>
          %dma_start3A_1036 = arith.constant 320 : i32
          %dma_start3A_1037 = tpu.memref_slice %arg17[%dma_start3A_1036] : memref<640xi32, #tpu.memory_space<vmem>> -> memref<320xi32, #tpu.memory_space<vmem>>
          %dma_start3A_1038 = tpu.memref_slice %arg7[%mul3A_992] : memref<163840xi32, #tpu.memory_space<hbm>> -> memref<320xi32, #tpu.memory_space<hbm>>
          tpu.enqueue_dma source(%dma_start3A_1038 : memref<320xi32, #tpu.memory_space<hbm>>) target(%dma_start3A_1037 : memref<320xi32, #tpu.memory_space<vmem>>) target_semaphore(%run_scoped3A : memref<!tpu.dma_semaphore, #tpu.memory_space<semaphore_mem>>)
          %dma_wait3A_1039 = arith.constant 320 : i32
          %dma_wait3A_1040 = tpu.memref_slice %arg17[%dma_wait3A_1039] : memref<640xi32, #tpu.memory_space<vmem>> -> memref<320xi32, #tpu.memory_space<vmem>>
          %dma_wait3A_1041 = tpu.memref_slice %arg7[%mul3A_992] : memref<163840xi32, #tpu.memory_space<hbm>> -> memref<320xi32, #tpu.memory_space<hbm>>
          %dma_wait3A_1042 = arith.constant 320 : i32
          %dma_wait3A_1043 = tpu.memref_slice %arg17[%dma_wait3A_1042] : memref<640xi32, #tpu.memory_space<vmem>> -> memref<320xi32, #tpu.memory_space<vmem>>
          %dma_wait3A_1044 = tpu.memref_slice %arg7[%mul3A_992] : memref<163840xi32, #tpu.memory_space<hbm>> -> memref<320xi32, #tpu.memory_space<hbm>>
          tpu.wait_dma2 semaphore(%run_scoped3A : memref<!tpu.dma_semaphore, #tpu.memory_space<semaphore_mem>>) src(%dma_wait3A_1044 : memref<320xi32, #tpu.memory_space<hbm>>) dst(%dma_wait3A_1043 : memref<320xi32, #tpu.memory_space<vmem>>)
          tpu.yield
        }) : () -> ()
        %dma_start3A_993 = arith.constant 32 : i32
        %dma_start3A_994 = arith.constant 0 : i32
        %dma_start3A_995 = tpu.memref_slice %arg18[%dma_start3A_993, %dma_start3A_994] : memref<64x128xf32, #tpu.memory_space<vmem>> -> memref<32x128xf32, #tpu.memory_space<vmem>>
        %dma_start3A_996 = arith.constant 32 : i32
        %dma_start3A_997 = tpu.memref_slice %arg12[%dma_start3A_996] : memref<64xi32, #tpu.memory_space<vmem>> -> memref<32xi32, #tpu.memory_space<vmem>>
        %dma_start3A_998 = arith.constant 0 : i32
        %dma_start3A_999 = arith.constant 0 : i32
        %dma_start3A_1000 = tpu.memref_slice %arg8[%dma_start3A_998, %dma_start3A_999] : memref<503808x128xf32, #tpu.memory_space<hbm>> -> memref<503808x128xf32, #tpu.memory_space<hbm>>
        tpu.enqueue_indirect_dma source(%dma_start3A_1000 : memref<503808x128xf32, #tpu.memory_space<hbm>>) target(%dma_start3A_995 : memref<32x128xf32, #tpu.memory_space<vmem>>) offsets(%dma_start3A_997 : memref<32xi32, #tpu.memory_space<vmem>>) semaphore(%arg24 : memref<!tpu.dma_semaphore, #tpu.memory_space<semaphore_mem>>)
        %dma_start3A_1001 = arith.constant 32 : i32
        %dma_start3A_1002 = arith.constant 0 : i32
        %dma_start3A_1003 = tpu.memref_slice %arg19[%dma_start3A_1001, %dma_start3A_1002] : memref<64x128xf32, #tpu.memory_space<vmem>> -> memref<32x128xf32, #tpu.memory_space<vmem>>
        %dma_start3A_1004 = arith.constant 32 : i32
        %dma_start3A_1005 = tpu.memref_slice %arg14[%dma_start3A_1004] : memref<64xi32, #tpu.memory_space<vmem>> -> memref<32xi32, #tpu.memory_space<vmem>>
        %dma_start3A_1006 = arith.constant 0 : i32
        %dma_start3A_1007 = arith.constant 0 : i32
        %dma_start3A_1008 = tpu.memref_slice %arg9[%dma_start3A_1006, %dma_start3A_1007] : memref<503808x128xf32, #tpu.memory_space<hbm>> -> memref<503808x128xf32, #tpu.memory_space<hbm>>
        tpu.enqueue_indirect_dma source(%dma_start3A_1008 : memref<503808x128xf32, #tpu.memory_space<hbm>>) target(%dma_start3A_1003 : memref<32x128xf32, #tpu.memory_space<vmem>>) offsets(%dma_start3A_1005 : memref<32xi32, #tpu.memory_space<vmem>>) semaphore(%arg24 : memref<!tpu.dma_semaphore, #tpu.memory_space<semaphore_mem>>)
        %dma_start3A_1009 = arith.constant 320 : i32
        %dma_start3A_1010 = arith.constant 0 : i32
        %dma_start3A_1011 = tpu.memref_slice %arg20[%dma_start3A_1009, %dma_start3A_1010] : memref<640x128xf32, #tpu.memory_space<vmem>> -> memref<128x128xf32, #tpu.memory_space<vmem>>
        %dma_start3A_1012 = arith.constant 320 : i32
        %dma_start3A_1013 = tpu.memref_slice %arg16[%dma_start3A_1012] : memref<640xi32, #tpu.memory_space<vmem>> -> memref<128xi32, #tpu.memory_space<vmem>>
        %dma_start3A_1014 = arith.constant 0 : i32
        %dma_start3A_1015 = arith.constant 0 : i32
        %dma_start3A_1016 = tpu.memref_slice %arg9[%dma_start3A_1014, %dma_start3A_1015] : memref<503808x128xf32, #tpu.memory_space<hbm>> -> memref<503808x128xf32, #tpu.memory_space<hbm>>
        tpu.enqueue_indirect_dma source(%dma_start3A_1016 : memref<503808x128xf32, #tpu.memory_space<hbm>>) target(%dma_start3A_1011 : memref<128x128xf32, #tpu.memory_space<vmem>>) offsets(%dma_start3A_1013 : memref<128xi32, #tpu.memory_space<vmem>>) semaphore(%arg24 : memref<!tpu.dma_semaphore, #tpu.memory_space<semaphore_mem>>)
        %dma_start3A_1017 = arith.constant 448 : i32
        %dma_start3A_1018 = arith.constant 0 : i32
        %dma_start3A_1019 = tpu.memref_slice %arg20[%dma_start3A_1017, %dma_start3A_1018] : memref<640x128xf32, #tpu.memory_space<vmem>> -> memref<128x128xf32, #tpu.memory_space<vmem>>
        %dma_start3A_1020 = arith.constant 448 : i32
        %dma_start3A_1021 = tpu.memref_slice %arg16[%dma_start3A_1020] : memref<640xi32, #tpu.memory_space<vmem>> -> memref<128xi32, #tpu.memory_space<vmem>>
        %dma_start3A_1022 = arith.constant 0 : i32
        %dma_start3A_1023 = arith.constant 0 : i32
        %dma_start3A_1024 = tpu.memref_slice %arg9[%dma_start3A_1022, %dma_start3A_1023] : memref<503808x128xf32, #tpu.memory_space<hbm>> -> memref<503808x128xf32, #tpu.memory_space<hbm>>
        tpu.enqueue_indirect_dma source(%dma_start3A_1024 : memref<503808x128xf32, #tpu.memory_space<hbm>>) target(%dma_start3A_1019 : memref<128x128xf32, #tpu.memory_space<vmem>>) offsets(%dma_start3A_1021 : memref<128xi32, #tpu.memory_space<vmem>>) semaphore(%arg24 : memref<!tpu.dma_semaphore, #tpu.memory_space<semaphore_mem>>)
        %dma_start3A_1025 = arith.constant 576 : i32
        %dma_start3A_1026 = arith.constant 0 : i32
        %dma_start3A_1027 = tpu.memref_slice %arg20[%dma_start3A_1025, %dma_start3A_1026] : memref<640x128xf32, #tpu.memory_space<vmem>> -> memref<64x128xf32, #tpu.memory_space<vmem>>
        %dma_start3A_1028 = arith.constant 576 : i32
        %dma_start3A_1029 = tpu.memref_slice %arg16[%dma_start3A_1028] : memref<640xi32, #tpu.memory_space<vmem>> -> memref<64xi32, #tpu.memory_space<vmem>>
        %dma_start3A_1030 = arith.constant 0 : i32
        %dma_start3A_1031 = arith.constant 0 : i32
        %dma_start3A_1032 = tpu.memref_slice %arg9[%dma_start3A_1030, %dma_start3A_1031] : memref<503808x128xf32, #tpu.memory_space<hbm>> -> memref<503808x128xf32, #tpu.memory_space<hbm>>
        tpu.enqueue_indirect_dma source(%dma_start3A_1032 : memref<503808x128xf32, #tpu.memory_space<hbm>>) target(%dma_start3A_1027 : memref<64x128xf32, #tpu.memory_space<vmem>>) offsets(%dma_start3A_1029 : memref<64xi32, #tpu.memory_space<vmem>>) semaphore(%arg24 : memref<!tpu.dma_semaphore, #tpu.memory_space<semaphore_mem>>)
      } else {
      }
    }
    %scan3A_104 = arith.constant 8 : i32
    return
  }
}

module attributes {stable_mosaic.version = 14 : i64} {
  func.func @_transpose_body(%arg0: i32, %arg1: memref<64x8192xf32, #tpu.memory_space<vmem>>, %arg2: memref<4096x128xf32, #tpu.memory_space<vmem>>) attributes {dimension_semantics = [#tpu.dimension_semantics<arbitrary>], iteration_bounds = array<i64: 123>, scalar_prefetch = 0 : i64, scratch_operands = 0 : i64, tpu.core_type = #tpu.core_type<tc>, window_params = [{transform_indices = @transform_0, window_bounds = array<i64: 64, 8192>}, {transform_indices = @transform_1, window_bounds = array<i64: 4096, 128>}]} {
    %get3A = arith.constant 0 : index
    %get3A_0 = arith.constant 0 : index
    %get3A_1 = vector.load %arg1[%get3A, %get3A_0] : memref<64x8192xf32, #tpu.memory_space<vmem>>, vector<64x8192xf32>
    %slice3A = vector.extract_strided_slice %get3A_1 {offsets = [0, 0], sizes = [64, 4096], strides = [1, 1]} : vector<64x8192xf32> to vector<64x4096xf32>
    %transpose3A = tpu.transpose %slice3A, [1, 0] : vector<64x4096xf32> -> vector<4096x64xf32>
    %swap3A = arith.constant 0 : index
    %swap3A_2 = arith.constant 0 : index
    %swap3A_3 = vector.load %arg2[%swap3A, %swap3A_2] : memref<4096x128xf32, #tpu.memory_space<vmem>>, vector<4096x64xf32>
    tpu.vector_store %arg2[%swap3A, %swap3A_2], %transpose3A {strides = array<i32>} : memref<4096x128xf32, #tpu.memory_space<vmem>>, vector<4096x64xf32>,
    %slice3A_4 = vector.extract_strided_slice %get3A_1 {offsets = [0, 4096], sizes = [64, 4096], strides = [1, 1]} : vector<64x8192xf32> to vector<64x4096xf32>
    %transpose3A_5 = tpu.transpose %slice3A_4, [1, 0] : vector<64x4096xf32> -> vector<4096x64xf32>
    %swap3A_6 = arith.constant 0 : index
    %swap3A_7 = arith.constant 64 : index
    %swap3A_8 = vector.load %arg2[%swap3A_6, %swap3A_7] : memref<4096x128xf32, #tpu.memory_space<vmem>>, vector<4096x64xf32>
    tpu.vector_store %arg2[%swap3A_6, %swap3A_7], %transpose3A_5 {strides = array<i32>} : memref<4096x128xf32, #tpu.memory_space<vmem>>, vector<4096x64xf32>,
    return
  }
  func.func @transform_0(%arg0: i32) -> (i32, i32) {
    %c0_i32 = arith.constant 0 : i32
    %c0_i32_0 = arith.constant 0 : i32
    return %c0_i32, %arg0 : i32, i32
  }
  func.func @transform_1(%arg0: i32) -> (i32, i32) {
    %c0_i32 = arith.constant 0 : i32
    %c0_i32_0 = arith.constant 0 : i32
    return %arg0, %c0_i32 : i32, i32
  }
}

module attributes {stable_mosaic.version = 14 : i64} {
  func.func @_tc_finish(%arg0: memref<128x128xf32, #tpu.memory_space<vmem>>, %arg1: memref<1280x128xf32, #tpu.memory_space<vmem>>, %arg2: memref<1x1xf32, #tpu.memory_space<smem>>) attributes {dimension_semantics = [], scalar_prefetch = 0 : i64, scratch_operands = 0 : i64, tpu.core_type = #tpu.core_type<tc>} {
    %get3A = arith.constant 0 : index
    %get3A_0 = arith.constant 0 : index
    %get3A_1 = vector.load %arg0[%get3A, %get3A_0] : memref<128x128xf32, #tpu.memory_space<vmem>>, vector<128x128xf32>
    %jit3A = arith.constant -1.000000e+01 : f32
    %jit3A_2 = arith.constant 1.000000e+01 : f32
    %max3A = vector.broadcast %jit3A : f32 to vector<128x128xf32>
    %max3A_3 = arith.maximumf %max3A, %get3A_1 : vector<128x128xf32>
    %min3A = vector.broadcast %jit3A_2 : f32 to vector<128x128xf32>
    %min3A_4 = arith.minimumf %min3A, %max3A_3 : vector<128x128xf32>
    %get3A_5 = arith.constant 0 : index
    %get3A_6 = arith.constant 0 : index
    %get3A_7 = vector.load %arg1[%get3A_5, %get3A_6] : memref<1280x128xf32, #tpu.memory_space<vmem>>, vector<1280x128xf32>
    %jit3A_8 = arith.constant -1.000000e+01 : f32
    %jit3A_9 = arith.constant 1.000000e+01 : f32
    %max3A_10 = vector.broadcast %jit3A_8 : f32 to vector<1280x128xf32>
    %max3A_11 = arith.maximumf %max3A_10, %get3A_7 : vector<1280x128xf32>
    %min3A_12 = vector.broadcast %jit3A_9 : f32 to vector<1280x128xf32>
    %min3A_13 = arith.minimumf %min3A_12, %max3A_11 : vector<1280x128xf32>
    %neg3A = arith.constant 0.000000e+00 : f32
    %neg3A_14 = vector.broadcast %neg3A : f32 to vector<128x128xf32>
    %neg3A_15 = arith.subf %neg3A_14, %min3A_4 : vector<128x128xf32>
    %custom_jvp_call3A = arith.constant 0.000000e+00 : f32
    %max3A_16 = vector.broadcast %custom_jvp_call3A : f32 to vector<128x128xf32>
    %max3A_17 = arith.maximumf %neg3A_15, %max3A_16 : vector<128x128xf32>
    %sub3A = vector.broadcast %custom_jvp_call3A : f32 to vector<128x128xf32>
    %sub3A_18 = arith.subf %neg3A_15, %sub3A : vector<128x128xf32>
    %ne3A = arith.cmpf one, %sub3A_18, %sub3A_18 : vector<128x128xf32>
    %add3A = vector.broadcast %custom_jvp_call3A : f32 to vector<128x128xf32>
    %add3A_19 = arith.addf %neg3A_15, %add3A : vector<128x128xf32>
    %abs3A = math.absf %sub3A_18 : vector<128x128xf32>
    %neg3A_20 = arith.constant 0.000000e+00 : f32
    %neg3A_21 = vector.broadcast %neg3A_20 : f32 to vector<128x128xf32>
    %neg3A_22 = arith.subf %neg3A_21, %abs3A : vector<128x128xf32>
    %exp3A = math.exp %neg3A_22 : vector<128x128xf32>
    %log1p3A = math.log1p %exp3A : vector<128x128xf32>
    %add3A_23 = arith.addf %max3A_17, %log1p3A : vector<128x128xf32>
    %select_n3A = arith.select %ne3A, %add3A_19, %add3A_23 : vector<128x128xi1>, vector<128x128xf32>
    %reduce_sum3A = vector.shape_cast %select_n3A : vector<128x128xf32> to vector<1x128x128xf32>
    %reduce_sum3A_24 = arith.constant dense<0.000000e+00> : vector<1xf32>
    %reduce_sum3A_25 = vector.multi_reduction <add>, %reduce_sum3A, %reduce_sum3A_24 [1, 2] : vector<1x128x128xf32> to vector<1xf32>
    %reduce_sum3A_26 = vector.shape_cast %reduce_sum3A_25 : vector<1xf32> to vector<1x1x1xf32>
    %reduce_sum3A_27 = vector.extract %reduce_sum3A_26[0, 0, 0] : f32 from vector<1x1x1xf32>
    %custom_jvp_call3A_28 = arith.constant 0.000000e+00 : f32
    %max3A_29 = vector.broadcast %custom_jvp_call3A_28 : f32 to vector<1280x128xf32>
    %max3A_30 = arith.maximumf %min3A_13, %max3A_29 : vector<1280x128xf32>
    %sub3A_31 = vector.broadcast %custom_jvp_call3A_28 : f32 to vector<1280x128xf32>
    %sub3A_32 = arith.subf %min3A_13, %sub3A_31 : vector<1280x128xf32>
    %ne3A_33 = arith.cmpf one, %sub3A_32, %sub3A_32 : vector<1280x128xf32>
    %add3A_34 = vector.broadcast %custom_jvp_call3A_28 : f32 to vector<1280x128xf32>
    %add3A_35 = arith.addf %min3A_13, %add3A_34 : vector<1280x128xf32>
    %abs3A_36 = math.absf %sub3A_32 : vector<1280x128xf32>
    %neg3A_37 = arith.constant 0.000000e+00 : f32
    %neg3A_38 = vector.broadcast %neg3A_37 : f32 to vector<1280x128xf32>
    %neg3A_39 = arith.subf %neg3A_38, %abs3A_36 : vector<1280x128xf32>
    %exp3A_40 = math.exp %neg3A_39 : vector<1280x128xf32>
    %log1p3A_41 = math.log1p %exp3A_40 : vector<1280x128xf32>
    %add3A_42 = arith.addf %max3A_30, %log1p3A_41 : vector<1280x128xf32>
    %select_n3A_43 = arith.select %ne3A_33, %add3A_35, %add3A_42 : vector<1280x128xi1>, vector<1280x128xf32>
    %reduce_sum3A_44 = vector.shape_cast %select_n3A_43 : vector<1280x128xf32> to vector<1x1280x128xf32>
    %reduce_sum3A_45 = arith.constant dense<0.000000e+00> : vector<1xf32>
    %reduce_sum3A_46 = vector.multi_reduction <add>, %reduce_sum3A_44, %reduce_sum3A_45 [1, 2] : vector<1x1280x128xf32> to vector<1xf32>
    %reduce_sum3A_47 = vector.shape_cast %reduce_sum3A_46 : vector<1xf32> to vector<1x1x1xf32>
    %reduce_sum3A_48 = vector.extract %reduce_sum3A_47[0, 0, 0] : f32 from vector<1x1x1xf32>
    %add3A_49 = arith.addf %reduce_sum3A_27, %reduce_sum3A_48 : f32
    %mul3A = arith.constant 6.10351563E-5 : f32
    %mul3A_50 = arith.mulf %add3A_49, %mul3A : f32
    %swap3A = arith.constant 0 : index
    %swap3A_51 = arith.constant 0 : index
    %swap3A_52 = memref.load %arg2[%swap3A, %swap3A_51] : memref<1x1xf32, #tpu.memory_space<smem>>
    memref.store %mul3A_50, %arg2[%swap3A, %swap3A_51] : memref<1x1xf32, #tpu.memory_space<smem>>
    return
  }
}

</mosaic_0001>

<sc_bundles>
// kernel: kernel.6.cloned.1.call-start
scs
__scs_entry_jumppad:
0x0: {  	(pc) =	sbr.rel $0x88, $3  }
0x1: {  	(tag) =	ssettag $0x0;
	lr =	simm.s32 $0x1  }
0x2: {  	[smem:$0x3F9C] =	sst lr;
	_ =	strace $0xD0000000  }
0x3: {  	_ = 	snop  }
0x4: {  	_ = 	snop  }
0x5: {  	_ = 	snop  }
0x6: {  	_ = 	snop  }
0x7: {  	_ = 	snop  }
__scs_overlays_trampoline_lowered:
0x8: {  	[smem:$0x3FAB] =	sst s0  }
0x9: {  	[smem:$0x3FAC] =	sst s1  }
0xa: {  	[smem:$0x3FAD] =	sst s2  }
0xb: {  	[smem:$0x3FAE] =	sst s3  }
0xc: {  	[smem:$0x3FAF] =	sst s4  }
0xd: {  	[smem:$0x3FB0] =	sst s5  }
0xe: {  	[smem:$0x3FB1] =	sst s6  }
0xf: {  	[smem:$0x3FB2] =	sst s7  }
0x10: {  	[smem:$0x3FB3] =	sst s8  }
0x11: {  	[smem:$0x3FB4] =	sst s9;
	s0 =	simm.s32 @!p0 $0x0  }
0x12: {  	s1 =	sld [smem:$0x3F9A];
	s0 =	simm.s32 @p0 $0x1  }
0x13: {  	[smem:$0x3FB5] =	sst s0;
	s0 =	simm.s32 @!p1 $0x0  }
0x14: {  	s2 =	sld [smem:$0x3F99];
	s0 =	simm.s32 @p1 $0x1  }
0x15: {  	[smem:$0x3FB6] =	sst s0;
	s0 =	simm.s32 @!p2 $0x0  }
0x16: {  	s3 =	sld [smem:$0x3FDB];
	s0 =	simm.s32 @p2 $0x1  }
0x17: {  	s4 =	simm.s32 $0x1BF5;
	[smem:$0x3FB8] =	sst s0  }
0x18: {  	s0 =	sld [smem:$0x3F9B];
	_ =	swait.ge [sflag:s4], $0x0  }
0x19: {  	s7 =	sld [smem:$0x3F9C]  }
0x1a: {  	s8 =	sadd.s32 $0xFFFFE003, lr  }
0x1b: {  	s9 =	sadd.s32 $0xFFFFFEF7, lr;
	s5 =	simm.s32 $0xFFFFFFFF;
	p2 =	slt.u32 s8, $0xFFFFF086  }
0x1c: {  	p1 =	slt.u32 s9, $0xF7A;
	s5 =	simm.s32 @!p2 $0x0  }
0x1d: {  	s5 =	simm.s32 @p1 $0x1;
	p0 =	seq.s32 s7, s2  }
0x1e: {  	s7 =	smul.u32 @!p0 $0xF7A, s2;
	p2 =	seq.s32 @!p0 s5, $0x0  }
0x1f: {  	s9 =	smul.u32 $0xF7A, s1;
	s8 =	simm.s32 @!p0 $0x1BF5;
	p2 =	por !p2, p0  }
0x20: {  	[sflag:s8] =	ssyncset.s32 @!p0 $0xFFFFF086;
	s6 =	sadd.s32 @!p0 s3, s7;
	s7 =	simm.s32 @!p0 $0x108  }
0x21: {  	s3 =	sadd.s32 s3, s9;
	s6 =	sadd.s32 @!p0 $0x88, s6;
	s7 =	simm.s32 @p2 $0x1082  }
0x22: {  	[simem:s7], [sflag:s8] =	dma.local @!p0 [hbm:s6], $0xF7A  }
0x23: {  	s9 =	sor.u32 $0xD0000000, s2;
	s6 =	simm.s32 $0x108;
	_ =	swait.ge @!p0 [sflag:s8], $0x0  }
0x24: {  	s3 =	sadd.s32 $0x88, s3;
	s6 =	simm.s32 @!p1 $0x1082;
	[sflag:s4] =	ssyncset.s32 $0xFFFFF086  }
0x25: {  	[simem:s6], [sflag:s4] =	dma.local [hbm:s3], $0xF7A  }
0x26: {  	[smem:$0x3F9C] =	sst s1;
	(tag) =	ssettag s2;
	_ =	strace s9  }
0x27: {  	s1 =	sld [smem:$0x3FAC]  }
0x28: {  	s2 =	sld [smem:$0x3FAD]  }
0x29: {  	s4 =	sld [smem:$0x3FAF]  }
0x2a: {  	p0 =	seq.s32 s5, $0x0;
	s5 =	sld [smem:$0x3FB0]  }
0x2b: {  	s6 =	sld [smem:$0x3FB1]  }
0x2c: {  	s7 =	sld [smem:$0x3FB2]  }
0x2d: {  	s3 =	simm.s32 $0x108;
	s8 =	sld [smem:$0x3FB3]  }
0x2e: {  	s3 =	simm.s32 @!p0 $0x1082;
	s9 =	sld [smem:$0x3FB4]  }
0x2f: {  	lr =	sadd.s32 s0, s3;
	s0 =	sld [smem:$0x3FAB]  }
0x30: {  	s3 =	sld [smem:$0x3FAE]  }
0x31: {  	[smem:$0x3FB7] =	sst s10  }
0x32: {  	s10 =	sld [smem:$0x3FB5];
	_ =	sdelay $0x3  }
0x33: {  	p0 =	seq.s32 s10, $0x1;
	s10 =	sld [smem:$0x3FB7];
	_ =	sdelay $0x3  }
0x34: {  	[smem:$0x3FB7] =	sst s10  }
0x35: {  	s10 =	sld [smem:$0x3FB6];
	_ =	sdelay $0x3  }
0x36: {  	p1 =	seq.s32 s10, $0x1;
	s10 =	sld [smem:$0x3FB7];
	_ =	sdelay $0x3  }
0x37: {  	[smem:$0x3FB7] =	sst s10  }
0x38: {  	s10 =	sld [smem:$0x3FB8]  }
0x39: {  	_ = 	snop;
	(pc) =	sbr.ind lr, $3  }
0x3a: {  	_ = 	snop  }
0x3b: {  	_ = 	snop  }
0x3c: {  	p2 =	seq.s32 s10, $0x1;
	s10 =	sld [smem:$0x3FB7]  }
0x3d: {  	_ =	shalt  }
0x3e: {  	_ =	shalt  }
0x3f: {  	_ =	shalt  }
0x40: {  	_ =	shalt  }
0x41: {  	_ =	shalt  }
0x42: {  	_ =	shalt  }
0x43: {  	_ =	shalt  }
0x44: {  	_ =	shalt  }
0x45: {  	_ =	shalt  }
0x46: {  	_ =	shalt  }
0x47: {  	_ =	shalt  }
0x48: {  	_ =	shalt  }
0x49: {  	_ =	shalt  }
0x4a: {  	_ =	shalt  }
0x4b: {  	_ =	shalt  }
0x4c: {  	_ =	shalt  }
0x4d: {  	_ =	shalt  }
0x4e: {  	_ =	shalt  }
0x4f: {  	_ =	shalt  }
0x50: {  	_ =	shalt  }
0x51: {  	_ =	shalt  }
0x52: {  	_ =	shalt  }
0x53: {  	_ =	shalt  }
0x54: {  	_ =	shalt  }
0x55: {  	_ =	shalt  }
0x56: {  	_ =	shalt  }
0x57: {  	_ =	shalt  }
0x58: {  	_ =	shalt  }
0x59: {  	_ =	shalt  }
0x5a: {  	_ =	shalt  }
0x5b: {  	_ =	shalt  }
0x5c: {  	_ =	shalt  }
0x5d: {  	_ =	shalt  }
0x5e: {  	_ =	shalt  }
0x5f: {  	_ =	shalt  }
0x60: {  	_ =	shalt  }
0x61: {  	_ =	shalt  }
0x62: {  	_ =	shalt  }
0x63: {  	_ =	shalt  }
0x64: {  	_ =	shalt  }
0x65: {  	_ =	shalt  }
0x66: {  	_ =	shalt  }
0x67: {  	_ =	shalt  }
0x68: {  	_ =	shalt  }
0x69: {  	_ =	shalt  }
0x6a: {  	_ =	shalt  }
0x6b: {  	_ =	shalt  }
0x6c: {  	_ =	shalt  }
0x6d: {  	_ =	shalt  }
0x6e: {  	_ =	shalt  }
0x6f: {  	_ =	shalt  }
0x70: {  	_ =	shalt  }
0x71: {  	_ =	shalt  }
0x72: {  	_ =	shalt  }
0x73: {  	_ =	shalt  }
0x74: {  	_ =	shalt  }
0x75: {  	_ =	shalt  }
0x76: {  	_ =	shalt  }
0x77: {  	_ =	shalt  }
0x78: {  	_ =	shalt  }
0x79: {  	_ =	shalt  }
0x7a: {  	_ =	shalt  }
0x7b: {  	_ =	shalt  }
0x7c: {  	_ =	shalt  }
0x7d: {  	_ =	shalt  }
0x7e: {  	_ =	shalt  }
0x7f: {  	_ =	shalt  }
0x80: {  	_ =	shalt  }
0x81: {  	_ =	shalt  }
0x82: {  	_ =	shalt  }
0x83: {  	_ =	shalt  }
0x84: {  	_ =	shalt  }
0x85: {  	_ =	shalt  }
0x86: {  	_ =	shalt  }
0x87: {  	_ =	shalt  }
.Lfunc_end0:
.L_simem_size_0:
called_computation_lowered:
.L_overlay_start_0:
0x88: {  	s2 =	sld [smem:$0x3FD9]  }
0x89: {  	s3 =	sld [smem:$0x3FFE];
	_ =	sdelay $0x1  }
0x8a: {  	s1 =	srdreg.scid  }
0x8b: {  	s0 =	sand.u32 $0x1, s1  }
0x8c: {  	s16 =	sshll.u32 s0, $0xA;
	s2 =	sadd.s32 s3, s2  }
0x8d: {  	s2 =	sadd.s32 s2, s16  }
0x8e: {  	[smem:$0x3FC3] =	sst s2  }
0x8f: {  	_ = 	snop  }
0x90: {  	(tm) =	ssettm $0x1  }
0x91: {  	s17 =	sld [smem:$0x3FFB];
	_ =	sdelay $0x3  }
0x92: {  	_ =	strace s17  }
0x93: {  	s2 =	sld [smem:$0x3FFC];
	_ =	sdelay $0x3  }
0x94: {  	_ =	strace s2  }
0x95: {  	s2 =	sld [smem:$0x3FFD];
	_ =	sdelay $0x3  }
0x96: {  	_ =	strace s2  }
0x97: {  	_ =	strace $0x8FFFFFFF  }
0x98: {  	s18 =	sld [smem:$0x3FDB];
	_ =	sdelay $0x1  }
0x99: {  	s19 =	simm.s32 $_scs_section_size  }
0x9a: {  	s4 =	simm.s32 $_size__tile_overlayer_lowered;
	s5 =	simm.s32 $_tile_overlayer_lowered  }
0x9b: {  	s22 =	simm.s32 $0x1BFF;
	s21 =	sshll.u32 s5, $0x1;
	s2 =	sadd.s32 s19, s18  }
0x9c: {  	s6 =	simm.s32 $0x0;
	s20 =	sshll.u32 s4, $0x1;
	s4 =	sadd.s32 s21, s2  }
0x9d: {  	[timem:s6], [sflag:s22] =	dma.local [hbm:s4], s20  }
0x9e: {  	_ =	swait.ge [sflag:s22], s20  }
0x9f: {  	s3 =	ssub.s32 $0x0, s20;
	[sflag:s22] =	ssyncset.done $0x0  }
0xa0: {  	[sflag:s22] =	ssyncadd.s32 s3;
	_ =	sdelay $0x1  }
0xa1: {  	s23 =	simm.s32 $0x1B8B  }
0xa2: {  	_ =	swait.ge [sflag:s23], $0x1  }
0xa3: {  	[sflag:s23] =	ssyncset.done $0x0  }
0xa4: {  	s25 =	simm.s32 $0x1B8E;
	s24 =	sld [smem:$0x3FFE];
	[sflag:s23] =	ssyncadd.s32 $0xFFFFFFFF  }
0xa5: {  	s26 =	simm.s32 $execute0_lowered;
	[smem:$0x3FD2] =	sst s25  }
0xa6: {  	s4 =	sshll.u32 s26, $0x1;
	_ =	strace $0x80000046;
	[dreg:$0x1] =	wrdreg $0xFFFFFFFF  }
0xa7: {  	s28 =	simm.s32 $_size_execute0_lowered;
	s2 =	sadd.s32 s2, s4;
	[dreg:$0x0] =	wrdreg $0x0  }
0xa8: {  	s4 =	sshll.u32 s28, $0x1;
	[dreg:$0x2] =	wrdreg s2  }
0xa9: {  	[dreg:$0x3] =	wrdreg s4  }
0xaa: {  	[dreg:$0x4] =	wrdreg $0xC0  }
0xab: {  	_ =	task [dreg:s6], $0x5FFFF  }
0xac: {  	[dreg:$0x1] =	wrdreg $0xFFFFFFFF  }
0xad: {  	[dreg:$0x0] =	wrdreg $0x60  }
0xae: {  	[dreg:$0x2] =	wrdreg s24  }
0xaf: {  	[dreg:$0x3] =	wrdreg $0x9  }
0xb0: {  	_ =	task.clear_ibuf [dreg:s6], $0x4FFFF;
	_ =	strace $0x90000046  }
0xb1: {  	s29 =	simm.s32 $0x9;
	_ =	strace $0x80000048  }
0xb2: {  	_ =	swait.ge [sflag:s29], $0x1  }
0xb3: {  	[sflag:s29] =	ssyncadd.s32 $0xFFFFFFFF  }
0xb4: {  	_ =	strace $0x90000048  }
0xb5: {  	_ =	sfence  }
0xb6: {  	s30 =	sld [smem:$0x0];
	_ =	sdelay $0x2  }
0xb7: {  	s31 =	sshll.u32 s1, $0xD;
	s1 =	sshrl.u32 s1, $0x2  }
0xb8: {  	s3 =	sand.u32 $0x4000, s31;
	s1 =	sadd.s32 s1, s30  }
0xb9: {  	s0 =	sor.u32 s3, s0;
	s1 =	sshll.u32 s1, $0x11  }
0xba: {  	s0 =	sor.u32 s1, s0  }
0xbb: {  	s0 =	sadd.s32 $0x8F2B, s0  }
0xbc: {  	[sflag:s0] =	ssyncadd.remote.s32 $0x1  }
0xbd: {  	_ =	sfence.sel $0xFFFF  }
0xbe: {  	[dreg:$0x0] =	wrdreg $0xFFFFFFFF;
	(pc) =	sbr.abs _section_cstart, $3  }
0xbf: {  	[dreg:$0x1] =	wrdreg $0xFFFFFFFF  }
0xc0: {  	_ =	task.clear_ibuf [dreg:s6], $0x2FFFF;
	_ =	strace $0x9FFFFFFF  }
0xc1: {  	(tm) =	ssettm $0x7FFFFFFF  }
tec
execute0_lowered:
.L_overlay_start_1:
0x0: {  	(tag) =	ssettag $0x1  }
0x1: {  	v0 =	vlaneseq.u32  }
0x2: {  	s1 =	simm.s32 $0x0;
	v1 =	vmul.u32 $0xA, v0  }
0x3: {  	[smem:$0x7FF] =	sst s1;
	v11 =	vmul.u32 $0x500, v0  }
0x4: {  	s0 =	rddreg [dreg:$0x0];
	v53 =	vmul.u32 $0x11, v0;
	_ =	strace $0x80000047;
	[tilespmem:$0x1FEC0] =	vst v1  }
0x5: {  	[tilespmem:$0x1FEE0] =	vst v11  }
0x6: {  	v2 =	vor.u32 $0x1, v1;
	[tilespmem:$0x1FEF0] =	vst v53  }
0x7: {  	v39 =	vadd.s32 $0x2, v1;
	[tilespmem:$0x1FDA0] =	vst v2  }
0x8: {  	v40 =	vadd.s32 $0x3, v1;
	[tilespmem:$0x1FDB0] =	vst v39  }
0x9: {  	v41 =	vadd.s32 $0x4, v1;
	[tilespmem:$0x1FDC0] =	vst v40  }
0xa: {  	v42 =	vadd.s32 $0x5, v1;
	[tilespmem:$0x1FDD0] =	vst v41  }
0xb: {  	v43 =	vadd.s32 $0x6, v1;
	[tilespmem:$0x1FDE0] =	vst v42  }
0xc: {  	v44 =	vadd.s32 $0x7, v1;
	[tilespmem:$0x1FDF0] =	vst v43  }
0xd: {  	v45 =	vadd.s32 $0x8, v1;
	[tilespmem:$0x1FE00] =	vst v44  }
0xe: {  	v46 =	vadd.s32 $0x9, v1;
	[tilespmem:$0x1FE10] =	vst v45  }
0xf: {  	v47 =	vadd.s32 $0xA0, v1;
	[tilespmem:$0x1FE20] =	vst v46  }
0x10: {  	v48 =	vadd.s32 $0xA1, v1;
	[tilespmem:$0x1FE30] =	vst v47  }
0x11: {  	v49 =	vadd.s32 $0xA2, v1;
	[tilespmem:$0x1FE40] =	vst v48  }
0x12: {  	v50 =	vadd.s32 $0xA3, v1;
	[tilespmem:$0x1FE50] =	vst v49  }
0x13: {  	s2 =	sadd.s32 $0xF6C200, s0;
	v51 =	vadd.s32 $0xA4, v1;
	[tilespmem:$0x1FE60] =	vst v50  }
0x14: {  	s6 =	srdreg.scid;
	s3 =	sadd.s32 $0xF6CA00, s0;
	s4 =	sadd.s32 $0xF6BA00, s0;
	v52 =	vadd.s32 $0xA5, v1;
	[tilespmem:$0x1FE70] =	vst v51  }
0x15: {  	s11 =	stileid.u32;
	s5 =	sadd.s32 $0xF6B200, s0;
	s7 =	sadd.s32 $0x6200, s0;
	v54 =	vadd.s32 $0xA6, v1;
	[tilespmem:$0x1FE80] =	vst v52  }
0x16: {  	s8 =	sadd.s32 $0x1200, s0;
	s6 =	sand.u32 $0x1, s6;
	s12 =	sshll.u32 s11, $0x1;
	v55 =	vadd.s32 $0xA7, v1;
	[tilespmem:$0x1FE90] =	vst v54  }
0x17: {  	s9 =	sadd.s32 $0xB200, s0;
	s13 =	ssub.s32 $0x2, s6;
	s6 =	sor.u32 s6, s12;
	v56 =	vadd.s32 $0xA8, v1;
	[tilespmem:$0x1FEA0] =	vst v55  }
0x18: {  	s10 =	sadd.s32 $0x7BB200, s0;
	s11 =	sadd.s32 $0xF8D200, s0;
	s14 =	sshll.u32 s6, $0x6;
	v57 =	vadd.s32 $0xA9, v1;
	[tilespmem:$0x1FEB0] =	vst v56  }
0x19: {  	s12 =	sadd.s32 $0xF6D200, s0;
	s15 =	sshrl.u32 s13, $0x1;
	v58 =	vor.u32 $0x80, v11;
	s16 =	sadd.s32 s2, s14;
	[tilespmem:$0x1FED0] =	vst v57  }
0x1a: {  	v15 =	vadd.s32 $0x100, v11;
	s0 =	ssub.s32 s13, s15;
	s15 =	sadd.s32 s3, s14;
	[tilespmem:$0x1FF10] =	vst v58;
	[dreg:$0x2] =	wrdreg s16  }
0x1b: {  	s17 =	smul.u32 $0x280, s6;
	v62 =	vadd.s32 $0x180, v11;
	s18 =	sadd.s32 s4, s14;
	[tilespmem:$0x1FF20] =	vst v15;
	[dreg:$0x3] =	wrdreg s15  }
0x1c: {  	s31 =	simm.s32 $0x3;
	v18 =	vadd.s32 $0x200, v11;
	s14 =	sadd.s32 s5, s14;
	[tilespmem:$0x1FF30] =	vst v62;
	[dreg:$0x4] =	wrdreg s18  }
0x1d: {  	s28 =	simm.s32 $0x18700;
	v61 =	vadd.s32 $0x280, v11;
	[tilespmem:$0x1FF40] =	vst v18;
	[dreg:$0x5] =	wrdreg s14;
	s19 =	sadd.s32 s7, s17  }
0x1e: {  	v24 =	vadd.s32 $0x380, v11;
	[tilespmem:$0x1FF50] =	vst v61;
	s16 =	sshll.u32 s6, $0x4;
	s13 =	sadd.s32 s8, s17;
	[dreg:$0x6] =	wrdreg s19  }
0x1f: {  	v60 =	vadd.s32 $0x5000, v11;
	[tilespmem:$0x1FF70] =	vst v24;
	s0 =	smax.u32 s0, $0x1;
	s15 =	simm.s32 $0x2700;
	[dreg:$0x7] =	wrdreg s13  }
0x20: {  	v63 =	vadd.s32 $0x5080, v11;
	[tilespmem:$0x1FFB0] =	vst v60;
	s20 =	sor.u32 $0x1, s16;
	[dreg:$0xe] =	wrdreg s0;
	s29 =	sor.u32 $0x2, s16  }
0x21: {  	v3 =	vadd.s32 $0x5100, v11;
	[tilespmem:$0x1FFC0] =	vst v63;
	s30 =	sor.u32 $0x3, s16;
	s21 =	sshll.u32 s20, $0x2;
	[dreg:$0xf] =	wrdreg s29  }
0x22: {  	v4 =	vadd.s32 $0x5180, v11;
	[tilespmem:$0x1FFD0] =	vst v3;
	s17 =	simm.s32 $0x4700;
	[dreg:$0x10] =	wrdreg s30;
	s22 =	sadd.s32 s2, s21  }
0x23: {  	v5 =	vadd.s32 $0x5200, v11;
	[tilespmem:$0x1FFE0] =	vst v4;
	s0 =	simm.s32 $0x80;
	s23 =	sadd.s32 s3, s21;
	[dreg:$0x8] =	wrdreg s22  }
0x24: {  	v42 =	vadd.s32 $0x300, v11;
	[tilespmem:$0x1FFF0] =	vst v5;
	s14 =	smul.u32 $0x28, s20;
	s24 =	sadd.s32 s4, s21;
	[dreg:$0x9] =	wrdreg s23  }
.Ltmp0:
0x25: {  	v43 =	vadd.s32 $0x400, v11;
	[tilespmem:$0x1FF60] =	vst v42;
	s13 =	sadd.s32 s5, s21;
	[dreg:$0xa] =	wrdreg s24;
	(pc) =	sbr.rel .LBB2_1-.Ltmp0, $4  }
0x26: {  	v41 =	vmul.u32 $0x80, v0;
	v44 =	vadd.s32 $0x480, v11;
	[tilespmem:$0x1FF80] =	vst v43;
	s19 =	simm.s32 $0x0;
	[dreg:$0xb] =	wrdreg s13;
	s25 =	sadd.s32 s7, s14  }
0x27: {  	[tilespmem:$0x1FF90] =	vst v44;
	s21 =	simm.s32 $0x2;
	s26 =	sadd.s32 s8, s14;
	[dreg:$0xc] =	wrdreg s25  }
0x28: {  	v59 =	vor.u32 $0x800, v41;
	[tilespmem:$0x1FF00] =	vst v41;
	s13 =	simm.s32 $0x20;
	s14 =	simm.s32 $0x700;
	[dreg:$0xd] =	wrdreg s26  }
0x29: {  	[tilespmem:$0x1FFA0] =	vst v59;
	s26 =	sshll.u32 s6, $0xF;
	s6 =	simm.s32 $0x480;
	s25 =	simm.s32 $0x1  }
.LBB2_12:
0x2a: {  	v11 =	vld [tilespmem:$0x1FEE0]  }
0x2b: {  	v41 =	vld [tilespmem:$0x1FF00]  }
0x2c: {  	v58 =	vld [tilespmem:$0x1FF10]  }
0x2d: {  	s19 =	rddreg [dreg:$0x11];
	v15 =	vld [tilespmem:$0x1FF20]  }
0x2e: {  	s18 =	rddreg [dreg:$0xe];
	v62 =	vld [tilespmem:$0x1FF30];
	s19 =	sadd.s32 $0x1, s19  }
0x2f: {  	v18 =	vld [tilespmem:$0x1FF40];
	p0 =	sne.s32 s19, s18  }
.Ltmp1:
0x30: {  	v61 =	vld [tilespmem:$0x1FF50];
	(pc) =	sbr.rel @!p0 .LBB2_13-.Ltmp1, $4  }
0x31: {  	v42 =	vld [tilespmem:$0x1FF60]  }
0x32: {  	v24 =	vld [tilespmem:$0x1FF70]  }
0x33: {  	v43 =	vld [tilespmem:$0x1FF80]  }
0x34: {  	v44 =	vld [tilespmem:$0x1FF90]  }
.LBB2_1:
0x35: {  	[dreg:$0x11] =	wrdreg s19  }
0x36: {  	s18 =	rddreg [dreg:$0x2]  }
0x37: {  	[tilespmem:s1], [sflag:$0x3] =	stream.linear.gather [hbm4b:s18+s1], $0x20, $0x38;
	[tilespmem:$0x18F80] =	vst v63  }
0x38: {  	_ =	swait.ge [sflag:s31], $0x20  }
0x39: {  	[sflag:s31] =	ssyncset.done $0x0  }
0x3a: {  	s20 =	rddreg [dreg:$0x3];
	[sflag:s31] =	ssyncadd.s32 $0xFFFFFFE0  }
0x3b: {  	[tilespmem:s0], [sflag:$0x3] =	stream.linear.gather [hbm4b:s20+s1], $0x20, $0x38;
	[tilespmem:$0x18F80] =	vst v63  }
0x3c: {  	_ =	swait.ge [sflag:s31], $0x20  }
0x3d: {  	[sflag:s31] =	ssyncset.done $0x0  }
0x3e: {  	s23 =	simm.s32 $0x100;
	s22 =	rddreg [dreg:$0x4];
	[sflag:s31] =	ssyncadd.s32 $0xFFFFFFE0  }
0x3f: {  	[tilespmem:s23], [sflag:$0x3] =	stream.linear.gather [hbm4b:s22+s1], $0x20, $0x38;
	[tilespmem:$0x18F80] =	vst v63  }
0x40: {  	_ =	swait.ge [sflag:s31], $0x20  }
0x41: {  	[sflag:s31] =	ssyncset.done $0x0  }
0x42: {  	s20 =	simm.s32 $0x180;
	s24 =	rddreg [dreg:$0x5];
	[sflag:s31] =	ssyncadd.s32 $0xFFFFFFE0  }
0x43: {  	[tilespmem:s20], [sflag:$0x3] =	stream.linear.gather [hbm4b:s24+s1], $0x20, $0x38;
	[tilespmem:$0x18F80] =	vst v63  }
0x44: {  	_ =	swait.ge [sflag:s31], $0x20  }
0x45: {  	[sflag:s31] =	ssyncset.done $0x0  }
0x46: {  	s30 =	simm.s32 $0x200;
	s29 =	rddreg [dreg:$0x6];
	[sflag:s31] =	ssyncadd.s32 $0xFFFFFFE0  }
0x47: {  	[tilespmem:s30], [sflag:$0x3] =	stream.linear.gather [hbm4b:s29+s1], $0x140, $0x38;
	[tilespmem:$0x18F80] =	vst v63  }
0x48: {  	_ =	swait.ge [sflag:s31], $0x140  }
0x49: {  	[sflag:s31] =	ssyncset.done $0x0  }
0x4a: {  	s22 =	rddreg [dreg:$0x7];
	[sflag:s31] =	ssyncadd.s32 $0xFFFFFEC0  }
0x4b: {  	[tilespmem:s6], [sflag:$0x3] =	stream.linear.gather [hbm4b:s22+s1], $0x140, $0x38;
	[tilespmem:$0x18F80] =	vst v63  }
0x4c: {  	_ =	swait.ge [sflag:s31], $0x140  }
0x4d: {  	[sflag:s31] =	ssyncset.done $0x0  }
0x4e: {  	[sflag:s31] =	ssyncadd.s32 $0xFFFFFEC0  }
0x4f: {  	[tilespmem:s14], [sflag:$0x1] =	stream.indirect.gather [hbm4b:s9+s13], $0x80, s1, s13, $0xb8;
	[tilespmem:$0x18F80] =	vst v63  }
0x50: {  	_ = 	snop  }
0x51: {  	[tilespmem:s15], [sflag:$0x1] =	stream.indirect.gather [hbm4b:s10+s13], $0x80, s23, s13, $0xb8;
	[tilespmem:$0x18F80] =	vst v63  }
0x52: {  	_ = 	snop  }
0x53: {  	[tilespmem:s17], [sflag:$0x1] =	stream.indirect.gather [hbm4b:s10+s0], $0x80, s30, s0, $0xb8;
	[tilespmem:$0x18F80] =	vst v63  }
0x54: {  	s24 =	simm.s32 $0x8700;
	s23 =	simm.s32 $0x280  }
0x55: {  	[tilespmem:s24], [sflag:$0x1] =	stream.indirect.gather [hbm4b:s10+s0], $0x80, s23, s0, $0xb8;
	[tilespmem:$0x18F80] =	vst v63  }
0x56: {  	s19 =	simm.s32 $0x40;
	s29 =	simm.s32 $0x300;
	s30 =	simm.s32 $0xC700  }
0x57: {  	[tilespmem:s30], [sflag:$0x1] =	stream.indirect.gather [hbm4b:s10+s19], $0x80, s29, s19, $0xb8;
	[tilespmem:$0x18F80] =	vst v63  }
0x58: {  	s22 =	rddreg [dreg:$0x8]  }
0x59: {  	[tilespmem:s13], [sflag:$0x3] =	stream.linear.gather [hbm4b:s22+s1], $0x20, $0x38;
	[tilespmem:$0x18F80] =	vst v63  }
0x5a: {  	_ =	swait.ge [sflag:s31], $0x20  }
0x5b: {  	[sflag:s31] =	ssyncset.done $0x0  }
0x5c: {  	s24 =	simm.s32 $0xA0;
	s23 =	rddreg [dreg:$0x9];
	[sflag:s31] =	ssyncadd.s32 $0xFFFFFFE0  }
0x5d: {  	[tilespmem:s24], [sflag:$0x3] =	stream.linear.gather [hbm4b:s23+s1], $0x20, $0x38;
	[tilespmem:$0x18F80] =	vst v63  }
0x5e: {  	_ =	swait.ge [sflag:s31], $0x20  }
0x5f: {  	[sflag:s31] =	ssyncset.done $0x0  }
0x60: {  	s20 =	simm.s32 $0x120;
	s29 =	rddreg [dreg:$0xa];
	[sflag:s31] =	ssyncadd.s32 $0xFFFFFFE0  }
0x61: {  	[tilespmem:s20], [sflag:$0x3] =	stream.linear.gather [hbm4b:s29+s1], $0x20, $0x38;
	[tilespmem:$0x18F80] =	vst v63  }
0x62: {  	_ =	swait.ge [sflag:s31], $0x20  }
0x63: {  	[sflag:s31] =	ssyncset.done $0x0  }
0x64: {  	s22 =	simm.s32 $0x1A0;
	s30 =	rddreg [dreg:$0xb];
	[sflag:s31] =	ssyncadd.s32 $0xFFFFFFE0  }
0x65: {  	[tilespmem:s22], [sflag:$0x3] =	stream.linear.gather [hbm4b:s30+s1], $0x20, $0x38;
	[tilespmem:$0x18F80] =	vst v63  }
0x66: {  	_ =	swait.ge [sflag:s31], $0x20  }
0x67: {  	[sflag:s31] =	ssyncset.done $0x0  }
0x68: {  	s22 =	simm.s32 $0x340;
	s23 =	rddreg [dreg:$0xc];
	[sflag:s31] =	ssyncadd.s32 $0xFFFFFFE0  }
0x69: {  	[tilespmem:s22], [sflag:$0x3] =	stream.linear.gather [hbm4b:s23+s1], $0x140, $0x38;
	[tilespmem:$0x18F80] =	vst v63  }
0x6a: {  	_ =	swait.ge [sflag:s31], $0x140  }
0x6b: {  	[sflag:s31] =	ssyncset.done $0x0  }
0x6c: {  	s23 =	simm.s32 $0x5C0;
	s24 =	rddreg [dreg:$0xd];
	[sflag:s31] =	ssyncadd.s32 $0xFFFFFEC0  }
0x6d: {  	[tilespmem:s23], [sflag:$0x3] =	stream.linear.gather [hbm4b:s24+s1], $0x140, $0x38;
	[tilespmem:$0x18F80] =	vst v63  }
0x6e: {  	_ =	swait.ge [sflag:s31], $0x140  }
0x6f: {  	[sflag:s31] =	ssyncset.done $0x0  }
0x70: {  	s29 =	simm.s32 $0x1700;
	[sflag:s31] =	ssyncadd.s32 $0xFFFFFEC0  }
0x71: {  	[tilespmem:s29], [sflag:$0x2] =	stream.indirect.gather [hbm4b:s9+s13], $0x80, s13, s13, $0xb8;
	[tilespmem:$0x18F80] =	vst v63  }
0x72: {  	s30 =	simm.s32 $0x3700  }
0x73: {  	[tilespmem:s30], [sflag:$0x2] =	stream.indirect.gather [hbm4b:s10+s13], $0x80, s20, s13, $0xb8;
	[tilespmem:$0x18F80] =	vst v63  }
0x74: {  	s20 =	simm.s32 $0xE700  }
0x75: {  	[tilespmem:s20], [sflag:$0x2] =	stream.indirect.gather [hbm4b:s10+s0], $0x80, s22, s0, $0xb8;
	[tilespmem:$0x18F80] =	vst v63  }
0x76: {  	s23 =	simm.s32 $0x3C0;
	s24 =	simm.s32 $0x12700  }
0x77: {  	[tilespmem:s24], [sflag:$0x2] =	stream.indirect.gather [hbm4b:s10+s0], $0x80, s23, s0, $0xb8;
	[tilespmem:$0x18F80] =	vst v63  }
0x78: {  	s29 =	simm.s32 $0x440;
	s30 =	simm.s32 $0x16700;
	s23 =	simm.s32 $0x0  }
0x79: {  	[tilespmem:s30], [sflag:$0x2] =	stream.indirect.gather [hbm4b:s10+s19], $0x80, s29, s19, $0xb8;
	[tilespmem:$0x18F80] =	vst v63  }
.LBB2_2:
0x7a: {  	_ =	swait.ge [sflag:s25], $0x1000  }
0x7b: {  	[sflag:s25] =	ssyncset.done $0x0  }
0x7c: {  	[sflag:s25] =	ssyncadd.s32 $0xFFFFF000  }
0x7d: {  	_ =	swait.ge [sflag:s25], $0x1000  }
0x7e: {  	[sflag:s25] =	ssyncset.done $0x0  }
0x7f: {  	[sflag:s25] =	ssyncadd.s32 $0xFFFFF000  }
0x80: {  	_ =	swait.ge [sflag:s25], $0x4000  }
0x81: {  	[sflag:s25] =	ssyncset.done $0x0  }
0x82: {  	[sflag:s25] =	ssyncadd.s32 $0xFFFFC000  }
0x83: {  	_ =	swait.ge [sflag:s25], $0x4000  }
0x84: {  	[sflag:s25] =	ssyncset.done $0x0  }
0x85: {  	[sflag:s25] =	ssyncadd.s32 $0xFFFFC000  }
0x86: {  	_ =	swait.ge [sflag:s25], $0x2000  }
0x87: {  	v0 =	vld [tilespmem:$0x1FEC0];
	_ =	sdelay $0x5  }
0x88: {  	[sflag:s25] =	ssyncset.done $0x0  }
0x89: {  	[sflag:s25] =	ssyncadd.s32 $0xFFFFE000  }
0x8a: {  	v39 =	vld.idx.msk [tilespmem:v0+s6+$0x0], $0xffff  }
0x8b: {  	v0 =	vld [tilespmem:$0x1FDA0];
	_ =	sdelay $0x7  }
0x8c: {  	v40 =	vld.idx.msk [tilespmem:v0+s6+$0x0], $0xffff  }
0x8d: {  	v0 =	vld [tilespmem:$0x1FDB0];
	_ =	sdelay $0x7  }
0x8e: {  	v46 =	vld.idx.msk [tilespmem:v0+s6+$0x0], $0xffff  }
0x8f: {  	v0 =	vld [tilespmem:$0x1FDC0];
	_ =	sdelay $0x7  }
0x90: {  	v47 =	vld.idx.msk [tilespmem:v0+s6+$0x0], $0xffff  }
0x91: {  	v0 =	vld [tilespmem:$0x1FDD0];
	_ =	sdelay $0x7  }
0x92: {  	v48 =	vld.idx.msk [tilespmem:v0+s6+$0x0], $0xffff  }
0x93: {  	v0 =	vld [tilespmem:$0x1FDE0];
	_ =	sdelay $0x7  }
0x94: {  	v49 =	vld.idx.msk [tilespmem:v0+s6+$0x0], $0xffff  }
0x95: {  	v0 =	vld [tilespmem:$0x1FDF0];
	_ =	sdelay $0x1  }
0x96: {  	v5 =	vld [tilespmem:$0x1FE20];
	_ =	sdelay $0x2  }
0x97: {  	v38 =	vld [tilespmem:$0x180];
	_ =	sdelay $0x1  }
0x98: {  	s18 =	simm.s32 $0x0  }
0x99: {  	v50 =	vld.idx.msk [tilespmem:v0+s6+$0x0], $0xffff;
	v0 =	vadd.s32 s18, v53  }
0x9a: {  	v4 =	vld [tilespmem:$0x1FE10];
	v0 =	vand.u32 $0x3F, v0  }
0x9b: {  	v57 =	vld.idx.msk [tilespmem:v5+s6+$0x0], $0xffff;
	v5 =	vadd.s32 v38, v0  }
0x9c: {  	v3 =	vld [tilespmem:$0x1FE00];
	v5 =	vadd.s32 v41, v5;
	_ =	sdelay $0x2  }
0x9d: {  	v32 =	vld [tilespmem:$0x80]  }
0x9e: {  	v7 =	vadd.s32 v40, v0  }
0x9f: {  	s24 =	simm.s32 $0x3;
	v7 =	vadd.s32 v58, v7;
	v5 =	vld.idx.msk [tilespmem:v5+s15+$0x0], $0xffff  }
0xa0: {  	v1 =	vadd.s32 s24, v53;
	v54 =	vld.idx.msk [tilespmem:v4+s6+$0x0], $0xffff  }
0xa1: {  	v1 =	vand.u32 $0x3F, v1  }
0xa2: {  	v26 =	vadd.s32 v32, v1;
	v52 =	vld.idx.msk [tilespmem:v3+s6+$0x0], $0xffff;
	v6 =	vadd.s32 v39, v0  }
0xa3: {  	v16 =	vadd.s32 v38, v1;
	v8 =	vadd.s32 v46, v0;
	v6 =	vadd.s32 v11, v6  }
0xa4: {  	v17 =	vadd.s32 v39, v1;
	v8 =	vadd.s32 v15, v8;
	[tilespmem:$0x1FD10] =	vst v5;
	v5 =	vld.idx.msk [tilespmem:v7+s17+$0x0], $0xffff  }
0xa5: {  	v25 =	vadd.s32 v54, v1;
	v37 =	vadd.s32 v40, v1;
	v9 =	vadd.s32 v47, v0  }
0xa6: {  	v19 =	vadd.s32 v46, v1;
	v20 =	vadd.s32 v47, v1;
	v21 =	vadd.s32 v48, v1  }
0xa7: {  	v22 =	vadd.s32 v49, v1;
	v13 =	vadd.s32 v52, v0;
	v30 =	vadd.s32 v62, v9  }
0xa8: {  	v13 =	vadd.s32 v24, v13;
	v23 =	vadd.s32 v50, v1;
	v9 =	vmov v24;
	v24 =	vld.idx.msk [tilespmem:v6+s17+$0x0], $0xffff  }
0xa9: {  	v6 =	vadd.s32 v52, v1;
	[tilespmem:$0x1FD20] =	vst v5;
	v5 =	vadd.s32 v57, v1;
	v1 =	vld.idx.msk [tilespmem:v8+s17+$0x0], $0xffff;
	_ =	sdelay $0x3  }
0xaa: {  	v10 =	vadd.s32 v48, v0  }
0xab: {  	v10 =	vadd.s32 v18, v10;
	[tilespmem:$0x1FD30] =	vst v1;
	v1 =	vld.idx.msk [tilespmem:v30+s17+$0x0], $0xffff;
	_ =	sdelay $0x1  }
0xac: {  	s30 =	simm.s32 $0x1  }
0xad: {  	s29 =	simm.s32 $0x2;
	v2 =	vadd.s32 s30, v53  }
0xae: {  	v45 =	vmovc v11;
	v2 =	vand.u32 $0x3F, v2;
	v3 =	vadd.s32 s29, v53;
	v11 =	vadd.s32 v49, v0  }
0xaf: {  	v51 =	vadd.s32 v41, v26;
	v3 =	vand.u32 $0x3F, v3;
	v11 =	vadd.s32 v61, v11;
	[tilespmem:$0x1FD40] =	vst v1;
	v1 =	vld.idx.msk [tilespmem:v10+s17+$0x0], $0xffff  }
0xb0: {  	v27 =	vadd.s32 v38, v3;
	v28 =	vadd.s32 v39, v3;
	v4 =	vadd.s32 v32, v0  }
0xb1: {  	v36 =	vadd.s32 v54, v3;
	v4 =	vadd.s32 v41, v4;
	v12 =	vadd.s32 v50, v0  }
0xb2: {  	v14 =	vadd.s32 v54, v0;
	v0 =	vadd.s32 v57, v0;
	v12 =	vadd.s32 v42, v12  }
0xb3: {  	v60 =	vadd.s32 v52, v2;
	[tilespmem:$0x1FC60] =	vst v40;
	v0 =	vadd.s32 v44, v0;
	v8 =	vld.idx.msk [tilespmem:v13+s17+$0x0], $0xffff  }
0xb4: {  	v29 =	vadd.s32 v40, v3;
	v13 =	vadd.s32 v15, v19;
	[tilespmem:$0x1FD50] =	vst v1;
	v1 =	vld.idx.msk [tilespmem:v11+s17+$0x0], $0xffff  }
0xb5: {  	v31 =	vadd.s32 v47, v3;
	v33 =	vadd.s32 v48, v3;
	[tilespmem:$0x1FC90] =	vst v48;
	v34 =	vadd.s32 v49, v3  }
0xb6: {  	[tilespmem:$0x1FCA0] =	vst v49;
	v56 =	vadd.s32 v49, v2;
	v53 =	vadd.s32 v46, v2;
	v4 =	vld.idx.msk [tilespmem:v4+s14+$0x0], $0xffff  }
0xb7: {  	v40 =	vadd.s32 v40, v2;
	v14 =	vadd.s32 v43, v14;
	v35 =	vadd.s32 v50, v3;
	v26 =	vld.idx.msk [tilespmem:v12+s17+$0x0], $0xffff  }
0xb8: {  	v59 =	vadd.s32 v50, v2;
	v0 =	vld.idx.msk [tilespmem:v0+s17+$0x0], $0xffff;
	v12 =	vadd.s32 v48, v2;
	v48 =	vadd.s32 v54, v2  }
0xb9: {  	v7 =	vadd.s32 v32, v3;
	v49 =	vld.idx.msk [tilespmem:v13+s17+$0x0], $0xffff;
	[tilespmem:$0x1FD60] =	vst v1;
	v1 =	vadd.s32 v52, v3  }
0xba: {  	v19 =	vadd.s32 v38, v2;
	v30 =	vadd.s32 v46, v3;
	v13 =	vadd.s32 v9, v1;
	v1 =	vld [tilespmem:$0x1FD20]  }
0xbb: {  	[tilespmem:$0x1FD70] =	vst v8;
	v8 =	vadd.s32 v47, v2;
	v10 =	vadd.s32 v41, v16;
	v16 =	vadd.s32 v45, v17  }
0xbc: {  	[tilespmem:$0x1FC50] =	vst v39;
	v17 =	vadd.s32 v58, v37;
	v37 =	vadd.s32 v32, v2;
	v11 =	vadd.s32 v57, v3  }
0xbd: {  	v3 =	vld.idx.msk [tilespmem:v14+s17+$0x0], $0xffff;
	v14 =	vadd.s32 v39, v2;
	v39 =	vadd.s32 v57, v2;
	v2 =	vadd.s32 v43, v25  }
0xbe: {  	[tilespmem:$0x1FCF0] =	vst v2;
	v2 =	vadd.s32 v44, v5  }
0xbf: {  	[tilespmem:$0x1FD00] =	vst v2;
	v2 =	vmul.f32 v1, v4;
	v1 =	vld [tilespmem:$0x1FD30]  }
0xc0: {  	[tilespmem:$0x1FD90] =	vst v0;
	v0 =	vadd.s32 v18, v21;
	_ =	sdelay $0x2  }
0xc1: {  	v51 =	vld.idx.msk [tilespmem:v51+s14+$0x0], $0xffff;
	v21 =	vadd.s32 v61, v22  }
0xc2: {  	v25 =	vadd.s32 v41, v19;
	v19 =	vmul.f32 v1, v4;
	v1 =	vld [tilespmem:$0x1FD40]  }
0xc3: {  	[tilespmem:$0x1FCD0] =	vst v54;
	v20 =	vadd.s32 v62, v20;
	v54 =	vld.idx.msk [tilespmem:v0+s17+$0x0], $0xffff  }
0xc4: {  	v22 =	vadd.s32 v42, v23;
	v0 =	vld [tilespmem:$0x1FD10]  }
0xc5: {  	[tilespmem:$0x1FC30] =	vst v32;
	v32 =	vld.idx.msk [tilespmem:v17+s17+$0x0], $0xffff  }
0xc6: {  	v17 =	vadd.s32 v45, v28;
	v28 =	vld.idx.msk [tilespmem:v21+s17+$0x0], $0xffff  }
0xc7: {  	v21 =	vmul.f32 v1, v4;
	v1 =	vld [tilespmem:$0x1FD50]  }
0xc8: {  	[tilespmem:$0x1FC80] =	vst v47;
	v47 =	vld.idx.msk [tilespmem:v20+s17+$0x0], $0xffff  }
0xc9: {  	[tilespmem:$0x1FC40] =	vst v38;
	v29 =	vadd.s32 v58, v29;
	v20 =	vld.idx.msk [tilespmem:v22+s17+$0x0], $0xffff  }
0xca: {  	[tilespmem:$0x1FC70] =	vst v46;
	v46 =	vld.idx.msk [tilespmem:v10+s15+$0x0], $0xffff;
	v5 =	vadd.s32 v41, v37  }
0xcb: {  	[tilespmem:$0x1FCB0] =	vst v50;
	v50 =	vld.idx.msk [tilespmem:v16+s17+$0x0], $0xffff  }
0xcc: {  	v38 =	vadd.s32 v15, v30;
	[tilespmem:$0x1FD80] =	vst v3;
	v30 =	vmul.f32 v1, v4;
	v1 =	vld [tilespmem:$0x1FD60]  }
0xcd: {  	v63 =	vadd.s32 v41, v27;
	[tilespmem:$0x1FCE0] =	vst v57;
	v10 =	vadd.s32 v44, v11;
	v11 =	vld [tilespmem:$0x1FD80]  }
0xce: {  	v55 =	vadd.s32 v9, v6;
	v16 =	vadd.s32 v18, v33;
	v33 =	vadd.s32 v9, v60;
	v60 =	vld.idx.msk [tilespmem:v29+s17+$0x0], $0xffff  }
0xcf: {  	v56 =	vadd.s32 v61, v56;
	v53 =	vadd.s32 v15, v53;
	v6 =	vadd.s32 v43, v36;
	v22 =	vld.idx.msk [tilespmem:v5+s14+$0x0], $0xffff  }
0xd0: {  	v26 =	vmul.f32 v26, v4;
	v8 =	vadd.s32 v62, v8;
	v57 =	vadd.s32 v41, v7;
	v5 =	vld.idx.msk [tilespmem:v25+s15+$0x0], $0xffff  }
0xd1: {  	[tilespmem:$0x1FCC0] =	vst v52;
	v52 =	vadd.s32 v62, v31;
	v27 =	vadd.s32 v45, v14;
	v31 =	vmul.f32 v1, v4;
	v1 =	vld [tilespmem:$0x1FD70]  }
0xd2: {  	v29 =	vmul.f32 v54, v51;
	v37 =	vadd.s32 v58, v40;
	v25 =	vmul.f32 v11, v4;
	v11 =	vld [tilespmem:$0x1FD90]  }
0xd3: {  	v7 =	vadd.s32 v42, v35;
	v35 =	vmul.f32 v50, v51;
	v45 =	vmul.f32 v0, v4;
	v0 =	vld.idx.msk [tilespmem:v55+s17+$0x0], $0xffff  }
0xd4: {  	v36 =	vmul.f32 v32, v51;
	v15 =	vmul.f32 v28, v51;
	v14 =	vadd.s32 v61, v34;
	v61 =	vld.idx.msk [tilespmem:v17+s17+$0x0], $0xffff  }
0xd5: {  	v28 =	vimm.f32 $0.0e+00;
	v41 =	vimm.f32 $0.0e+00;
	v34 =	vadd.s32 v42, v59;
	v55 =	vld.idx.msk [tilespmem:v57+s14+$0x0], $0xffff  }
0xd6: {  	v17 =	vmul.f32 v49, v51;
	v32 =	vadd.s32 v44, v39;
	v23 =	vmul.f32 v1, v4;
	v1 =	vld.idx.msk [tilespmem:v27+s17+$0x0], $0xffff  }
0xd7: {  	v3 =	vmul.f32 v24, v4;
	v57 =	vadd.s32 v18, v12;
	v27 =	vmul.f32 v11, v4;
	v4 =	vld.idx.msk [tilespmem:v37+s17+$0x0], $0xffff  }
0xd8: {  	v12 =	vadd.s32 v43, v48;
	v18 =	vmul.f32 v47, v51;
	v47 =	vimm.f32 $0.0e+00;
	v37 =	vld.idx.msk [tilespmem:v63+s15+$0x0], $0xffff  }
0xd9: {  	v8 =	vld.idx.msk [tilespmem:v8+s17+$0x0], $0xffff;
	v48 =	vimm.f32 $0.0e+00;
	v24 =	vimm.f32 $0.0e+00;
	v9 =	vadd.f32 v3, v41  }
0xda: {  	v58 =	vld.idx.msk [tilespmem:v38+s17+$0x0], $0xffff;
	v38 =	vadd.f32 v2, v41;
	v39 =	vmul.f32 v5, v22;
	v5 =	vimm.f32 $0.0e+00  }
0xdb: {  	v54 =	vld.idx.msk [tilespmem:v53+s17+$0x0], $0xffff;
	v11 =	vmul.f32 v46, v51;
	v63 =	vadd.f32 v45, v41;
	v45 =	vimm.f32 $0.0e+00  }
0xdc: {  	s18 =	simm.s32 $0x4;
	v59 =	vld.idx.msk [tilespmem:v52+s17+$0x0], $0xffff;
	v46 =	vimm.f32 $0.0e+00;
	v62 =	vmul.f32 v1, v22;
	v40 =	vmul.f32 v4, v22  }
.LBB2_3:
0xdd: {  	v37 =	vmul.f32 v37, v55;
	v39 =	vadd.f32 v39, v63;
	_ =	sdelay $0x1  }
0xde: {  	v9 =	vadd.f32 v62, v9;
	v37 =	vadd.f32 v37, v39;
	v61 =	vmul.f32 v61, v55;
	_ =	sdelay $0x1  }
0xdf: {  	v1 =	vadd.f32 v11, v37;
	v9 =	vadd.f32 v61, v9  }
0xe0: {  	v50 =	vmul.f32 v60, v55;
	v38 =	vadd.f32 v40, v38  }
0xe1: {  	v53 =	vmul.f32 v54, v22;
	[tilespmem:$0x1FBF0] =	vst v1;
	v1 =	vadd.f32 v35, v9;
	v9 =	vadd.f32 v19, v41  }
0xe2: {  	v5 =	vadd.f32 v21, v5;
	v11 =	vmul.f32 v8, v22  }
0xe3: {  	v38 =	vadd.f32 v50, v38;
	v52 =	vmul.f32 v58, v55;
	v9 =	vadd.f32 v53, v9  }
0xe4: {  	v5 =	vadd.f32 v11, v5  }
0xe5: {  	v54 =	vmul.f32 v59, v55;
	[tilespmem:$0x1FC00] =	vst v1;
	v1 =	vadd.f32 v36, v38;
	v9 =	vadd.f32 v52, v9;
	_ =	sdelay $0x1  }
0xe6: {  	v5 =	vadd.f32 v54, v5;
	[tilespmem:$0x1FC20] =	vst v1;
	v1 =	vadd.f32 v17, v9  }
0xe7: {  	v57 =	vld.idx.msk [tilespmem:v57+s17+$0x0], $0xffff  }
0xe8: {  	v49 =	vld.idx.msk [tilespmem:v56+s17+$0x0], $0xffff;
	[tilespmem:$0x1FBB0] =	vst v1;
	v1 =	vadd.f32 v18, v5  }
0xe9: {  	v16 =	vld.idx.msk [tilespmem:v16+s17+$0x0], $0xffff  }
0xea: {  	[tilespmem:$0x1FB50] =	vst v1;
	v1 =	vld [tilespmem:$0x1FCF0]  }
0xeb: {  	v14 =	vld.idx.msk [tilespmem:v14+s17+$0x0], $0xffff  }
0xec: {  	v7 =	vld.idx.msk [tilespmem:v7+s17+$0x0], $0xffff;
	v3 =	vadd.f32 v30, v47;
	v19 =	vmul.f32 v57, v22  }
0xed: {  	v21 =	vld.idx.msk [tilespmem:v34+s17+$0x0], $0xffff;
	v4 =	vadd.f32 v31, v48  }
0xee: {  	v30 =	vmul.f32 v49, v22;
	v11 =	vld.idx.msk [tilespmem:v12+s17+$0x0], $0xffff;
	v12 =	vmul.f32 v16, v55;
	v3 =	vadd.f32 v19, v3  }
0xef: {  	v13 =	vld.idx.msk [tilespmem:v13+s17+$0x0], $0xffff  }
0xf0: {  	v31 =	vld.idx.msk [tilespmem:v33+s17+$0x0], $0xffff;
	v14 =	vmul.f32 v14, v55;
	v4 =	vadd.f32 v30, v4;
	v3 =	vadd.f32 v12, v3  }
0xf1: {  	v2 =	vadd.f32 v26, v28;
	v19 =	vld.idx.msk [tilespmem:v6+s17+$0x0], $0xffff  }
0xf2: {  	v4 =	vadd.f32 v14, v4;
	v14 =	vmul.f32 v21, v22;
	v6 =	vld.idx.msk [tilespmem:v1+s17+$0x0], $0xffff;
	v1 =	vadd.f32 v29, v3  }
0xf3: {  	v7 =	vmul.f32 v7, v55  }
0xf4: {  	v60 =	vld [tilespmem:$0x1FC60];
	v2 =	vadd.f32 v14, v2;
	v11 =	vmul.f32 v11, v22;
	[tilespmem:$0x1FBE0] =	vst v1;
	v1 =	vadd.f32 v15, v4  }
0xf5: {  	v50 =	vld [tilespmem:$0x1FCB0];
	v9 =	vmul.f32 v31, v22;
	v17 =	vadd.f32 v25, v46;
	v15 =	vadd.f32 v23, v45  }
0xf6: {  	v20 =	vmul.f32 v20, v51;
	v12 =	vmul.f32 v13, v55;
	v2 =	vadd.f32 v7, v2;
	[tilespmem:$0x1FBD0] =	vst v1;
	v1 =	vld [tilespmem:$0x1FD00]  }
0xf7: {  	v47 =	vld [tilespmem:$0x1FC80];
	v14 =	vmul.f32 v19, v55;
	v11 =	vadd.f32 v11, v17;
	v9 =	vadd.f32 v9, v15  }
0xf8: {  	v48 =	vld [tilespmem:$0x1FC90];
	v2 =	vadd.f32 v20, v2  }
0xf9: {  	v16 =	vld.idx.msk [tilespmem:v32+s17+$0x0], $0xffff;
	v6 =	vmul.f32 v6, v51;
	v7 =	vadd.f32 v12, v9;
	v9 =	vadd.f32 v14, v11  }
0xfa: {  	v13 =	vld.idx.msk [tilespmem:v10+s17+$0x0], $0xffff  }
0xfb: {  	[tilespmem:$0x1FBA0] =	vst v2;
	v3 =	vld [tilespmem:$0x1FEF0];
	v2 =	vadd.f32 v6, v9  }
0xfc: {  	v25 =	vld [tilespmem:$0x1FF00]  }
0xfd: {  	[tilespmem:$0x1FC10] =	vst v2;
	v2 =	vld [tilespmem:$0x1FC40]  }
0xfe: {  	v10 =	vld.idx.msk [tilespmem:v1+s17+$0x0], $0xffff  }
0xff: {  	v49 =	vld [tilespmem:$0x1FCA0];
	v16 =	vmul.f32 v16, v22;
	v1 =	vadd.f32 v27, v24  }
0x100: {  	v0 =	vmul.f32 v0, v51;
	v61 =	vld [tilespmem:$0x1FC70];
	v11 =	vadd.s32 s18, v3  }
0x101: {  	v41 =	vld [tilespmem:$0x1FC50];
	v13 =	vmul.f32 v13, v55;
	v6 =	vand.u32 $0x3F, v11;
	v1 =	vadd.f32 v16, v1  }
0x102: {  	v53 =	vld [tilespmem:$0x1FCD0];
	v0 =	vadd.f32 v0, v7;
	v11 =	vadd.s32 v2, v6  }
0x103: {  	s30 =	sadd.s32 $0x1, s18;
	v4 =	vld [tilespmem:$0x1FEE0];
	v1 =	vadd.f32 v13, v1;
	v11 =	vadd.s32 v25, v11;
	v10 =	vmul.f32 v10, v51  }
0x104: {  	s24 =	sadd.s32 $0x3, s18;
	s29 =	sadd.s32 $0x2, s18;
	v52 =	vld [tilespmem:$0x1FCC0];
	v7 =	vadd.s32 s30, v3  }
0x105: {  	v9 =	vadd.s32 s29, v3;
	[tilespmem:$0x1FBC0] =	vst v0;
	v0 =	vadd.s32 s24, v3;
	v3 =	vld [tilespmem:$0x1FF10];
	v1 =	vadd.f32 v10, v1  }
0x106: {  	v24 =	vld [tilespmem:$0x1FF20]  }
0x107: {  	v12 =	vadd.s32 v41, v6;
	[tilespmem:$0x1FB90] =	vst v1;
	v1 =	vld [tilespmem:$0x1FC30]  }
0x108: {  	v12 =	vadd.s32 v4, v12;
	v8 =	vld.idx.msk [tilespmem:v11+s15+$0x0], $0xffff  }
0x109: {  	v11 =	vld [tilespmem:$0x1FF40]  }
0x10a: {  	v5 =	vld [tilespmem:$0x1FCE0];
	v14 =	vadd.s32 v61, v6  }
0x10b: {  	v17 =	vadd.s32 v48, v6;
	v18 =	vadd.s32 v49, v6;
	v19 =	vadd.s32 v50, v6  }
0x10c: {  	v20 =	vadd.s32 v52, v6;
	v13 =	vadd.s32 v60, v6;
	v14 =	vadd.s32 v24, v14  }
0x10d: {  	v21 =	vadd.s32 v53, v6;
	v13 =	vadd.s32 v3, v13;
	[tilespmem:$0x1FB60] =	vst v8;
	v8 =	vld.idx.msk [tilespmem:v12+s17+$0x0], $0xffff  }
0x10e: {  	v0 =	vand.u32 $0x3F, v0;
	v10 =	vadd.s32 v1, v6;
	v17 =	vadd.s32 v11, v17  }
0x10f: {  	v16 =	vadd.s32 v47, v6;
	v6 =	vadd.s32 v5, v6;
	v12 =	vld [tilespmem:$0x1FF50];
	v10 =	vadd.s32 v25, v10  }
0x110: {  	v28 =	vld [tilespmem:$0x1FF30];
	v22 =	vadd.s32 v1, v0;
	v6 =	vadd.s32 v44, v6  }
0x111: {  	v23 =	vadd.s32 v41, v0;
	v54 =	vld.idx.msk [tilespmem:v14+s17+$0x0], $0xffff;
	v22 =	vadd.s32 v25, v22  }
0x112: {  	v23 =	vadd.s32 v4, v23;
	[tilespmem:$0x1FB70] =	vst v8;
	v8 =	vld.idx.msk [tilespmem:v13+s17+$0x0], $0xffff  }
0x113: {  	v17 =	vld.idx.msk [tilespmem:v17+s17+$0x0], $0xffff  }
0x114: {  	v18 =	vadd.s32 v12, v18;
	v15 =	vld.idx.msk [tilespmem:v10+s14+$0x0], $0xffff  }
0x115: {  	v7 =	vand.u32 $0x3F, v7;
	v9 =	vand.u32 $0x3F, v9;
	v13 =	vadd.s32 v42, v19;
	v59 =	vld.idx.msk [tilespmem:v6+s17+$0x0], $0xffff  }
0x116: {  	v34 =	vadd.s32 v41, v9;
	v63 =	vadd.s32 v61, v0;
	v10 =	vadd.s32 v28, v16;
	v51 =	vld.idx.msk [tilespmem:v22+s14+$0x0], $0xffff  }
0x117: {  	v35 =	vadd.s32 v60, v9;
	v26 =	vadd.s32 v47, v0;
	v6 =	vadd.s32 v24, v63;
	v63 =	vld.idx.msk [tilespmem:v23+s17+$0x0], $0xffff  }
0x118: {  	v36 =	vadd.s32 v61, v9;
	v37 =	vadd.s32 v48, v9;
	v22 =	vadd.s32 v28, v26;
	[tilespmem:$0x1FB80] =	vst v8;
	v8 =	vld [tilespmem:$0x1FF70]  }
0x119: {  	v55 =	vadd.s32 v41, v7;
	v62 =	vadd.s32 v60, v0;
	v27 =	vadd.s32 v48, v0;
	v18 =	vld.idx.msk [tilespmem:v18+s17+$0x0], $0xffff  }
0x11a: {  	v29 =	vadd.s32 v50, v0;
	v31 =	vadd.s32 v53, v0;
	v30 =	vadd.s32 v5, v0;
	v38 =	vld.idx.msk [tilespmem:v13+s17+$0x0], $0xffff  }
0x11b: {  	v33 =	vadd.s32 v2, v9;
	v16 =	vadd.s32 v2, v0;
	v32 =	vld.idx.msk [tilespmem:v10+s17+$0x0], $0xffff;
	v10 =	vadd.s32 v43, v21  }
0x11c: {  	v19 =	vadd.s32 v49, v0;
	v26 =	vadd.s32 v60, v7;
	v16 =	vadd.s32 v25, v16;
	v45 =	vld.idx.msk [tilespmem:v6+s17+$0x0], $0xffff  }
0x11d: {  	v60 =	vadd.s32 v61, v7;
	v61 =	vadd.s32 v48, v7;
	v21 =	vadd.s32 v1, v9;
	v48 =	vld.idx.msk [tilespmem:v22+s17+$0x0], $0xffff  }
0x11e: {  	v22 =	vadd.s32 v25, v33;
	v33 =	vadd.s32 v4, v34;
	v34 =	vadd.s32 v4, v55;
	v4 =	vld [tilespmem:$0x1FF80]  }
0x11f: {  	v14 =	vadd.s32 v8, v20;
	v20 =	vadd.s32 v52, v0;
	v0 =	vadd.s32 v1, v7;
	v1 =	vld [tilespmem:$0x1FF60]  }
0x120: {  	v40 =	vadd.s32 v50, v9;
	v58 =	vadd.s32 v53, v9;
	v56 =	vld.idx.msk [tilespmem:v10+s17+$0x0], $0xffff  }
0x121: {  	v42 =	vadd.s32 v50, v7;
	v50 =	vadd.s32 v24, v36;
	v10 =	vadd.s32 v3, v62;
	v62 =	vld.idx.msk [tilespmem:v16+s15+$0x0], $0xffff  }
0x122: {  	v35 =	vadd.s32 v3, v35;
	v36 =	vadd.s32 v3, v26;
	v21 =	vadd.s32 v25, v21;
	v3 =	vld [tilespmem:$0x1FB60]  }
0x123: {  	v6 =	vadd.s32 v4, v58;
	v4 =	vld [tilespmem:$0x1FF90]  }
0x124: {  	v26 =	vmul.f32 v38, v15;
	v38 =	vld.idx.msk [tilespmem:v34+s17+$0x0], $0xffff  }
0x125: {  	v23 =	vadd.s32 v1, v29;
	v1 =	vld [tilespmem:$0x1FF80]  }
0x126: {  	v58 =	vld.idx.msk [tilespmem:v50+s17+$0x0], $0xffff  }
0x127: {  	v16 =	vadd.s32 v11, v27;
	v55 =	vld.idx.msk [tilespmem:v21+s14+$0x0], $0xffff  }
0x128: {  	v57 =	vadd.s32 v52, v9;
	v13 =	vadd.s32 v47, v9;
	v27 =	vadd.s32 v47, v7;
	v39 =	vld.idx.msk [tilespmem:v14+s17+$0x0], $0xffff  }
0x129: {  	v47 =	vadd.s32 v5, v7;
	v14 =	vadd.s32 v49, v9;
	v9 =	vadd.s32 v5, v9;
	v5 =	vld [tilespmem:$0x1FB50]  }
0x12a: {  	v1 =	vadd.s32 v1, v31;
	v31 =	vadd.s32 v25, v0;
	v0 =	vld [tilespmem:$0x1FF60]  }
0x12b: {  	v43 =	vld.idx.msk [tilespmem:v10+s17+$0x0], $0xffff  }
0x12c: {  	v41 =	vadd.s32 v49, v7;
	v49 =	vld.idx.msk [tilespmem:v16+s17+$0x0], $0xffff  }
0x12d: {  	v16 =	vadd.s32 v11, v37;
	v37 =	vld.idx.msk [tilespmem:v22+s15+$0x0], $0xffff  }
0x12e: {  	v44 =	vadd.s32 v53, v7;
	v2 =	vadd.s32 v2, v7;
	[tilespmem:$0x1FCF0] =	vst v1;
	v1 =	vld [tilespmem:$0x1FF90]  }
0x12f: {  	v29 =	vadd.s32 v52, v7;
	v7 =	vadd.s32 v0, v40;
	v40 =	vmul.f32 v3, v15;
	v3 =	vld [tilespmem:$0x1FB70]  }
0x130: {  	v19 =	vadd.s32 v12, v19;
	v10 =	vadd.s32 v4, v9;
	v9 =	vadd.s32 v24, v60;
	v24 =	vld [tilespmem:$0x1FB90]  }
0x131: {  	v53 =	vadd.s32 v8, v20;
	v4 =	vld.idx.msk [tilespmem:v36+s17+$0x0], $0xffff  }
0x132: {  	v60 =	vld.idx.msk [tilespmem:v35+s17+$0x0], $0xffff  }
0x133: {  	v25 =	vadd.s32 v25, v2;
	v20 =	vld.idx.msk [tilespmem:v23+s17+$0x0], $0xffff  }
0x134: {  	v1 =	vadd.s32 v1, v30;
	v46 =	vmul.f32 v3, v15;
	v3 =	vld [tilespmem:$0x1FB80]  }
0x135: {  	[tilespmem:$0x1FD00] =	vst v1;
	v1 =	vld.idx.msk [tilespmem:v19+s17+$0x0], $0xffff  }
0x136: {  	v21 =	vmul.f32 v32, v15;
	v0 =	vld.idx.msk [tilespmem:v53+s17+$0x0], $0xffff  }
0x137: {  	v2 =	vadd.s32 v28, v13;
	v23 =	vmul.f32 v39, v15;
	v22 =	vld.idx.msk [tilespmem:v31+s14+$0x0], $0xffff;
	v31 =	vmul.f32 v18, v15  }
0x138: {  	v13 =	vadd.s32 v8, v57;
	v53 =	vld.idx.msk [tilespmem:v25+s15+$0x0], $0xffff;
	v25 =	vmul.f32 v56, v15;
	v30 =	vmul.f32 v17, v15  }
0x139: {  	v57 =	vadd.s32 v11, v61;
	v11 =	vld [tilespmem:$0x1FF60];
	v19 =	vmul.f32 v54, v15;
	v52 =	vmul.f32 v3, v15  }
0x13a: {  	v3 =	vadd.s32 v28, v27;
	v27 =	vmul.f32 v59, v15;
	v15 =	vmul.f32 v1, v51;
	v1 =	vld [tilespmem:$0x1FBF0]  }
0x13b: {  	v36 =	vmul.f32 v43, v51;
	v43 =	vld [tilespmem:$0x1FF80]  }
0x13c: {  	v61 =	vld.idx.msk [tilespmem:v33+s17+$0x0], $0xffff  }
0x13d: {  	v56 =	vadd.s32 v12, v41;
	v41 =	vld [tilespmem:$0x1FBB0]  }
0x13e: {  	v34 =	vadd.s32 v11, v42;
	v42 =	vld [tilespmem:$0x1FF60]  }
0x13f: {  	v35 =	vmul.f32 v63, v51;
	v63 =	vadd.f32 v40, v1;
	v1 =	vld [tilespmem:$0x1FC00]  }
0x140: {  	v14 =	vadd.s32 v12, v14;
	v12 =	vadd.s32 v43, v44;
	v44 =	vld [tilespmem:$0x1FF90]  }
0x141: {  	v18 =	vmul.f32 v48, v51;
	v48 =	vld [tilespmem:$0x1FBD0]  }
0x142: {  	v17 =	vmul.f32 v45, v51;
	v45 =	vld [tilespmem:$0x1FBC0]  }
0x143: {  	v54 =	vld.idx.msk [tilespmem:v9+s17+$0x0], $0xffff  }
0x144: {  	p0 =	sne.s32 s18, $0x3C;
	v9 =	vadd.f32 v46, v1;
	v1 =	vld [tilespmem:$0x1FC20]  }
.Ltmp2:
0x145: {  	v32 =	vadd.s32 v44, v47;
	v47 =	vld [tilespmem:$0x1FBE0];
	(pc) =	sbr.rel @p0 .LBB2_3-.Ltmp2, $4  }
0x146: {  	v28 =	vld [tilespmem:$0x1FBA0]  }
0x147: {  	v33 =	vadd.s32 v8, v29;
	v29 =	vmul.f32 v49, v51;
	v59 =	vld.idx.msk [tilespmem:v2+s17+$0x0], $0xffff  }
0x148: {  	v11 =	vmul.f32 v62, v51;
	v39 =	vmul.f32 v53, v22;
	v8 =	vld.idx.msk [tilespmem:v3+s17+$0x0], $0xffff  }
0x149: {  	s18 =	sadd.s32 $0x4, s18;
	v62 =	vmul.f32 v38, v22;
	v40 =	vmul.f32 v4, v22;
	v46 =	vld [tilespmem:$0x1FC10];
	v38 =	vadd.f32 v52, v1  }
0x14a: {  	_ =	sdelay $0x3  }
0x14b: {  	v1 =	vadd.f32 v39, v63;
	v2 =	vld.idx.msk [tilespmem:v57+s17+$0x0], $0xffff;
	v3 =	vmul.f32 v37, v55  }
0x14c: {  	v42 =	vld.idx.msk [tilespmem:v56+s17+$0x0], $0xffff  }
0x14d: {  	v14 =	vld.idx.msk [tilespmem:v14+s17+$0x0], $0xffff;
	v1 =	vadd.f32 v3, v1  }
0x14e: {  	v44 =	vmul.f32 v54, v22;
	v5 =	vadd.f32 v21, v5;
	v21 =	vadd.f32 v30, v47;
	v3 =	vld.idx.msk [tilespmem:v16+s17+$0x0], $0xffff  }
0x14f: {  	v16 =	vmul.f32 v20, v51;
	v1 =	vadd.f32 v11, v1;
	v11 =	vld.idx.msk [tilespmem:v13+s17+$0x0], $0xffff;
	v13 =	vadd.f32 v19, v41  }
0x150: {  	v30 =	vadd.f32 v31, v48;
	v8 =	vmul.f32 v8, v22;
	v2 =	vmul.f32 v2, v22  }
0x151: {  	v33 =	vld.idx.msk [tilespmem:v33+s17+$0x0], $0xffff;
	v20 =	vmul.f32 v58, v55;
	v31 =	vmul.f32 v42, v22;
	v13 =	vadd.f32 v44, v13  }
0x152: {  	v5 =	vadd.f32 v8, v5;
	v8 =	vld.idx.msk [tilespmem:v12+s17+$0x0], $0xffff;
	v14 =	vmul.f32 v14, v55;
	v2 =	vadd.f32 v2, v21  }
0x153: {  	v3 =	vmul.f32 v3, v55;
	v12 =	vadd.f32 v31, v30;
	v13 =	vadd.f32 v20, v13;
	v20 =	vld.idx.msk [tilespmem:v6+s17+$0x0], $0xffff  }
0x154: {  	v49 =	vmul.f32 v59, v55;
	v6 =	vld [tilespmem:$0x1FCF0]  }
0x155: {  	v2 =	vadd.f32 v3, v2;
	v3 =	vadd.f32 v14, v12;
	v12 =	vld.idx.msk [tilespmem:v10+s17+$0x0], $0xffff  }
0x156: {  	v5 =	vadd.f32 v49, v5;
	v10 =	vld [tilespmem:$0x1FD00]  }
0x157: {  	v4 =	vmul.f32 v61, v55;
	v7 =	vld.idx.msk [tilespmem:v7+s17+$0x0], $0xffff;
	v9 =	vadd.f32 v62, v9  }
0x158: {  	v43 =	vmul.f32 v60, v55;
	v63 =	vadd.f32 v40, v38;
	v19 =	vld.idx.msk [tilespmem:v34+s17+$0x0], $0xffff;
	v5 =	vadd.f32 v18, v5  }
0x159: {  	v18 =	vmul.f32 v33, v22;
	v3 =	vadd.f32 v15, v3;
	v15 =	vadd.f32 v23, v45  }
0x15a: {  	v4 =	vadd.f32 v4, v9;
	v9 =	vadd.f32 v43, v63  }
0x15b: {  	v21 =	vld.idx.msk [tilespmem:v32+s17+$0x0], $0xffff;
	v11 =	vmul.f32 v11, v55;
	v15 =	vadd.f32 v18, v15  }
0x15c: {  	v0 =	vmul.f32 v0, v51;
	v4 =	vadd.f32 v35, v4;
	v9 =	vadd.f32 v36, v9  }
0x15d: {  	v7 =	vmul.f32 v7, v55;
	v14 =	vmul.f32 v19, v22;
	v11 =	vadd.f32 v11, v15;
	v6 =	vld.idx.msk [tilespmem:v6+s17+$0x0], $0xffff  }
0x15e: {  	v13 =	vadd.f32 v17, v13;
	v17 =	vadd.f32 v26, v28;
	v10 =	vld.idx.msk [tilespmem:v10+s17+$0x0], $0xffff;
	[tilespmem:$0x18700] =	vst v1  }
0x15f: {  	v1 =	vmul.f32 v8, v22;
	v8 =	vadd.f32 v25, v46;
	[tilespmem:$0x18780] =	vst v4;
	v0 =	vadd.f32 v0, v11  }
0x160: {  	v14 =	vadd.f32 v14, v17;
	v17 =	vmul.f32 v21, v22;
	v4 =	vadd.f32 v27, v24;
	[tilespmem:$0x18800] =	vst v9  }
0x161: {  	v2 =	vadd.f32 v29, v2;
	v9 =	vmul.f32 v20, v55;
	v1 =	vadd.f32 v1, v8;
	[tilespmem:$0x18B00] =	vst v0;
	v0 =	vld [tilespmem:$0x1FE30]  }
0x162: {  	v7 =	vadd.f32 v7, v14;
	[tilespmem:$0x18880] =	vst v13;
	v4 =	vadd.f32 v17, v4;
	v8 =	vmul.f32 v12, v55  }
0x163: {  	[tilespmem:$0x18900] =	vst v5;
	v5 =	vmul.f32 v6, v51;
	v1 =	vadd.f32 v9, v1  }
0x164: {  	[tilespmem:$0x18980] =	vst v2;
	v6 =	vadd.f32 v16, v7;
	v2 =	vadd.f32 v8, v4;
	v4 =	vmul.f32 v10, v51  }
0x165: {  	[tilespmem:$0x18A00] =	vst v3;
	v1 =	vadd.f32 v5, v1  }
0x166: {  	[tilespmem:$0x18A80] =	vst v6;
	v2 =	vadd.f32 v4, v2  }
0x167: {  	[tilespmem:$0x18B80] =	vst v1  }
0x168: {  	[tilespmem:$0x18C00] =	vst v2  }
0x169: {  	v41 =	vld.idx.msk [tilespmem:v0+s6+$0x0], $0xffff  }
0x16a: {  	v0 =	vld [tilespmem:$0x1FE40];
	_ =	sdelay $0x7  }
0x16b: {  	v43 =	vld.idx.msk [tilespmem:v0+s6+$0x0], $0xffff  }
0x16c: {  	v0 =	vld [tilespmem:$0x1FE50];
	_ =	sdelay $0x7  }
0x16d: {  	v44 =	vld.idx.msk [tilespmem:v0+s6+$0x0], $0xffff  }
0x16e: {  	v0 =	vld [tilespmem:$0x1FE60];
	_ =	sdelay $0x7  }
0x16f: {  	v46 =	vld.idx.msk [tilespmem:v0+s6+$0x0], $0xffff  }
0x170: {  	v0 =	vld [tilespmem:$0x1FE70];
	_ =	sdelay $0x6  }
0x171: {  	v1 =	vld [tilespmem:$0x1FEE0]  }
0x172: {  	v47 =	vld.idx.msk [tilespmem:v0+s6+$0x0], $0xffff  }
0x173: {  	v0 =	vld [tilespmem:$0x1FE80];
	_ =	sdelay $0x1  }
0x174: {  	v4 =	vld [tilespmem:$0x1FEB0];
	_ =	sdelay $0x1  }
0x175: {  	v53 =	vld [tilespmem:$0x1FEF0]  }
0x176: {  	v38 =	vld [tilespmem:$0x190];
	v49 =	vadd.s32 $0x5280, v1;
	v50 =	vadd.s32 $0x5300, v1  }
0x177: {  	v51 =	vadd.s32 $0x5380, v1;
	v54 =	vadd.s32 $0x5400, v1;
	v60 =	vadd.s32 $0x5480, v1;
	v1 =	vld [tilespmem:$0x1FEA0]  }
0x178: {  	v59 =	vld [tilespmem:$0x1FFA0]  }
0x179: {  	v48 =	vld.idx.msk [tilespmem:v0+s6+$0x0], $0xffff  }
0x17a: {  	v0 =	vld [tilespmem:$0x1FE90]  }
0x17b: {  	v57 =	vld.idx.msk [tilespmem:v4+s6+$0x0], $0xffff  }
0x17c: {  	v4 =	vld [tilespmem:$0x1FED0]  }
0x17d: {  	s30 =	simm.s32 $0x1;
	v42 =	vld [tilespmem:$0x1FFB0]  }
0x17e: {  	s24 =	simm.s32 $0x3;
	s29 =	simm.s32 $0x2;
	v25 =	vld [tilespmem:$0x90];
	v2 =	vadd.s32 s30, v53  }
0x17f: {  	v3 =	vadd.s32 s29, v53;
	v2 =	vand.u32 $0x3F, v2;
	v63 =	vld.idx.msk [tilespmem:v1+s6+$0x0], $0xffff;
	v1 =	vadd.s32 s24, v53  }
0x180: {  	v3 =	vand.u32 $0x3F, v3;
	v40 =	vadd.s32 v38, v2;
	v1 =	vand.u32 $0x3F, v1  }
0x181: {  	s18 =	simm.s32 $0x0;
	v20 =	vld [tilespmem:$0x1FFC0];
	v31 =	vadd.s32 v38, v3;
	v40 =	vadd.s32 v59, v40;
	v17 =	vadd.s32 v41, v1  }
0x182: {  	v32 =	vadd.s32 v41, v3;
	v17 =	vadd.s32 v42, v17;
	v52 =	vld.idx.msk [tilespmem:v0+s6+$0x0], $0xffff;
	v0 =	vadd.s32 s18, v53  }
0x183: {  	[tilespmem:$0x1F9E0] =	vst v38;
	v16 =	vld [tilespmem:$0x1FFD0];
	v62 =	vadd.s32 v57, v3;
	v15 =	vadd.s32 v25, v1;
	v0 =	vand.u32 $0x3F, v0  }
0x184: {  	v23 =	vld.idx.msk [tilespmem:v4+s6+$0x0], $0xffff;
	v27 =	vadd.s32 v38, v1;
	v18 =	vadd.s32 v43, v1;
	v4 =	vadd.s32 v25, v0  }
0x185: {  	[tilespmem:$0x1F9D0] =	vst v25;
	v61 =	vadd.s32 v43, v3;
	v5 =	vadd.s32 v38, v0;
	v4 =	vadd.s32 v59, v4  }
0x186: {  	v40 =	vld.idx.msk [tilespmem:v40+s15+$0x0], $0xffff;
	v15 =	vadd.s32 v59, v15;
	v6 =	vadd.s32 v41, v0;
	v24 =	vadd.s32 v59, v5  }
0x187: {  	v29 =	vadd.s32 v63, v1;
	v17 =	vld.idx.msk [tilespmem:v17+s17+$0x0], $0xffff;
	v7 =	vadd.s32 v43, v0;
	v26 =	vadd.s32 v42, v6  }
0x188: {  	[tilespmem:$0x1F9F0] =	vst v41;
	v8 =	vadd.s32 v44, v0;
	v9 =	vadd.s32 v46, v0;
	v7 =	vadd.s32 v20, v7;
	v6 =	vld [tilespmem:$0x1FFE0]  }
0x189: {  	[tilespmem:$0x1FA00] =	vst v43;
	v10 =	vadd.s32 v47, v0;
	v11 =	vadd.s32 v48, v0;
	v8 =	vadd.s32 v16, v8;
	v5 =	vld [tilespmem:$0x1FFF0]  }
0x18a: {  	v13 =	vadd.s32 v63, v0;
	v14 =	vadd.s32 v57, v0;
	v11 =	vadd.s32 v49, v11;
	v4 =	vld.idx.msk [tilespmem:v4+s14+$0x0], $0xffff  }
0x18b: {  	v13 =	vadd.s32 v51, v13;
	v12 =	vadd.s32 v52, v0;
	v0 =	vadd.s32 v23, v0;
	v28 =	vld.idx.msk [tilespmem:v24+s15+$0x0], $0xffff  }
0x18c: {  	v37 =	vadd.s32 v63, v3;
	[tilespmem:$0x1FA60] =	vst v63;
	v55 =	vadd.s32 v60, v0;
	v24 =	vld.idx.msk [tilespmem:v26+s17+$0x0], $0xffff  }
0x18d: {  	v19 =	vadd.s32 v44, v1;
	v45 =	vadd.s32 v46, v1;
	v33 =	vadd.s32 v46, v3;
	v7 =	vld.idx.msk [tilespmem:v7+s17+$0x0], $0xffff  }
0x18e: {  	v21 =	vadd.s32 v47, v1;
	v34 =	vadd.s32 v47, v3;
	v9 =	vadd.s32 v6, v9;
	v8 =	vld.idx.msk [tilespmem:v8+s17+$0x0], $0xffff  }
0x18f: {  	v22 =	vadd.s32 v48, v1;
	v14 =	vadd.s32 v54, v14;
	v0 =	vadd.s32 v44, v3;
	v11 =	vld.idx.msk [tilespmem:v11+s17+$0x0], $0xffff  }
0x190: {  	v12 =	vadd.s32 v50, v12;
	[tilespmem:$0x1FAD0] =	vst v0;
	v0 =	vadd.s32 v59, v27;
	v27 =	vld.idx.msk [tilespmem:v13+s17+$0x0], $0xffff  }
0x191: {  	v35 =	vadd.s32 v48, v3;
	v58 =	vadd.s32 v52, v1;
	v38 =	vadd.s32 v6, v45;
	v45 =	vld.idx.msk [tilespmem:v55+s17+$0x0], $0xffff  }
0x192: {  	v36 =	vadd.s32 v52, v3;
	v10 =	vadd.s32 v5, v10;
	v26 =	vadd.s32 v57, v1;
	v55 =	vld.idx.msk [tilespmem:v15+s14+$0x0], $0xffff  }
0x193: {  	v1 =	vadd.s32 v23, v1;
	[tilespmem:$0x1FA90] =	vst v26;
	v15 =	vadd.s32 v49, v22;
	v9 =	vld.idx.msk [tilespmem:v9+s17+$0x0], $0xffff  }
0x194: {  	v26 =	vadd.s32 v25, v3;
	[tilespmem:$0x1FAB0] =	vst v1;
	v1 =	vadd.s32 v23, v3;
	v3 =	vld.idx.msk [tilespmem:v14+s17+$0x0], $0xffff  }
0x195: {  	v39 =	vadd.s32 v25, v2;
	[tilespmem:$0x1FA10] =	vst v44;
	v21 =	vadd.s32 v5, v21;
	v12 =	vld.idx.msk [tilespmem:v12+s17+$0x0], $0xffff  }
0x196: {  	v39 =	vadd.s32 v59, v39;
	[tilespmem:$0x1FA20] =	vst v46;
	v58 =	vadd.s32 v50, v58;
	v30 =	vld.idx.msk [tilespmem:v0+s15+$0x0], $0xffff  }
0x197: {  	v18 =	vadd.s32 v20, v18;
	v19 =	vadd.s32 v16, v19;
	[tilespmem:$0x1FA30] =	vst v47;
	v10 =	vld.idx.msk [tilespmem:v10+s17+$0x0], $0xffff  }
0x198: {  	v41 =	vadd.s32 v41, v2;
	v22 =	vmul.f32 v9, v4;
	v9 =	vadd.s32 v63, v2;
	v63 =	vld.idx.msk [tilespmem:v15+s17+$0x0], $0xffff  }
0x199: {  	v56 =	vadd.s32 v46, v2;
	[tilespmem:$0x1FA40] =	vst v48;
	v43 =	vadd.s32 v43, v2;
	v41 =	vadd.s32 v42, v41;
	v15 =	vld [tilespmem:$0x1FAB0]  }
0x19a: {  	v46 =	vadd.s32 v47, v2;
	v47 =	vadd.s32 v48, v2;
	[tilespmem:$0x1FA50] =	vst v52;
	v48 =	vld.idx.msk [tilespmem:v21+s17+$0x0], $0xffff  }
0x19b: {  	v44 =	vadd.s32 v44, v2;
	v34 =	vadd.s32 v5, v34;
	v13 =	vmul.f32 v28, v4;
	v21 =	vld.idx.msk [tilespmem:v58+s17+$0x0], $0xffff  }
0x19c: {  	v0 =	vmul.f32 v7, v4;
	v14 =	vmul.f32 v11, v4;
	v11 =	vadd.s32 v51, v29;
	v28 =	vld.idx.msk [tilespmem:v39+s14+$0x0], $0xffff  }
0x19d: {  	[tilespmem:$0x1FB30] =	vst v13;
	v13 =	vadd.s32 v52, v2;
	v52 =	vmul.f32 v24, v4;
	v24 =	vmul.f32 v3, v4;
	v3 =	vld [tilespmem:$0x1FA90]  }
0x19e: {  	v29 =	vadd.s32 v60, v1;
	v1 =	vld.idx.msk [tilespmem:v41+s17+$0x0], $0xffff;
	[tilespmem:$0x1FB40] =	vst v0;
	v15 =	vadd.s32 v60, v15  }
0x19f: {  	v56 =	vadd.s32 v6, v56;
	v27 =	vmul.f32 v27, v4;
	v39 =	vadd.s32 v16, v44;
	[tilespmem:$0x1FAC0] =	vst v15;
	v15 =	vld [tilespmem:$0x1FAD0]  }
0x1a0: {  	v0 =	vmul.f32 v8, v4;
	v8 =	vld.idx.msk [tilespmem:v18+s17+$0x0], $0xffff;
	v25 =	vmul.f32 v12, v4;
	v12 =	vadd.s32 v59, v26  }
0x1a1: {  	v18 =	vld.idx.msk [tilespmem:v38+s17+$0x0], $0xffff;
	v26 =	vmul.f32 v45, v4;
	v45 =	vadd.s32 v59, v31;
	v31 =	vadd.s32 v20, v61  }
0x1a2: {  	v61 =	vadd.s32 v49, v47;
	v7 =	vmul.f32 v10, v4;
	v10 =	vld.idx.msk [tilespmem:v19+s17+$0x0], $0xffff;
	v3 =	vadd.s32 v54, v3  }
0x1a3: {  	v44 =	vmul.f32 v40, v28;
	v40 =	vmul.f32 v1, v28;
	v1 =	vld [tilespmem:$0x1FB40];
	[tilespmem:$0x1FAA0] =	vst v3;
	v3 =	vadd.s32 v42, v32  }
0x1a4: {  	[tilespmem:$0x1FAF0] =	vst v50;
	v47 =	vimm.f32 $0.0e+00;
	v38 =	vadd.s32 v16, v15;
	v15 =	vld.idx.msk [tilespmem:v11+s17+$0x0], $0xffff;
	v11 =	vadd.s32 v20, v43  }
0x1a5: {  	v4 =	vadd.s32 v57, v2;
	v2 =	vadd.s32 v23, v2;
	v19 =	vadd.s32 v51, v37;
	v58 =	vld.idx.msk [tilespmem:v12+s14+$0x0], $0xffff  }
0x1a6: {  	[tilespmem:$0x1FA80] =	vst v23;
	v23 =	vadd.s32 v54, v62;
	v62 =	vadd.s32 v5, v46;
	v5 =	vimm.f32 $0.0e+00;
	v37 =	vld.idx.msk [tilespmem:v45+s15+$0x0], $0xffff  }
0x1a7: {  	[tilespmem:$0x1FB20] =	vst v60;
	v46 =	vimm.f32 $0.0e+00;
	v60 =	vadd.s32 v60, v2;
	v2 =	vld [tilespmem:$0x1FB30];
	v43 =	vadd.s32 v6, v33  }
0x1a8: {  	v59 =	vadd.s32 v54, v4;
	v12 =	vmul.f32 v17, v55;
	v16 =	vmul.f32 v10, v55;
	v10 =	vld.idx.msk [tilespmem:v3+s17+$0x0], $0xffff  }
0x1a9: {  	v32 =	vmul.f32 v8, v55;
	v20 =	vadd.s32 v50, v36;
	v36 =	vadd.s32 v50, v13;
	v50 =	vld.idx.msk [tilespmem:v11+s17+$0x0], $0xffff  }
0x1aa: {  	v17 =	vmul.f32 v18, v55;
	v33 =	vadd.s32 v49, v35;
	v35 =	vadd.s32 v51, v9;
	v9 =	vld.idx.msk [tilespmem:v31+s17+$0x0], $0xffff  }
0x1ab: {  	[tilespmem:$0x1FAE0] =	vst v49;
	v4 =	vimm.f32 $0.0e+00;
	v18 =	vmul.f32 v48, v55;
	v31 =	vmul.f32 v63, v55;
	v63 =	vld.idx.msk [tilespmem:v38+s17+$0x0], $0xffff  }
0x1ac: {  	[tilespmem:$0x1FB00] =	vst v51;
	v42 =	vadd.f32 v52, v4;
	v48 =	vimm.f32 $0.0e+00;
	v41 =	vadd.f32 v2, v4;
	v8 =	vld.idx.msk [tilespmem:v43+s17+$0x0], $0xffff  }
0x1ad: {  	[tilespmem:$0x1FB10] =	vst v54;
	v6 =	vimm.f32 $0.0e+00;
	v13 =	vimm.f32 $0.0e+00;
	v11 =	vmul.f32 v30, v55;
	v38 =	vld.idx.msk [tilespmem:v39+s17+$0x0], $0xffff  }
0x1ae: {  	[tilespmem:$0x1FA70] =	vst v57;
	s18 =	simm.s32 $0x4;
	v43 =	vadd.f32 v1, v4;
	v39 =	vld.idx.msk [tilespmem:v56+s17+$0x0], $0xffff;
	v30 =	vimm.f32 $0.0e+00;
	v45 =	vmul.f32 v50, v28  }
.LBB2_5:
0x1af: {  	v56 =	vld.idx.msk [tilespmem:v62+s17+$0x0], $0xffff  }
0x1b0: {  	v62 =	vld.idx.msk [tilespmem:v61+s17+$0x0], $0xffff;
	v41 =	vadd.f32 v44, v41;
	v40 =	vadd.f32 v40, v42;
	v37 =	vmul.f32 v37, v58  }
0x1b1: {  	v57 =	vadd.f32 v45, v43;
	v10 =	vmul.f32 v10, v58;
	v9 =	vmul.f32 v9, v58  }
0x1b2: {  	v34 =	vld.idx.msk [tilespmem:v34+s17+$0x0], $0xffff;
	v63 =	vmul.f32 v63, v58;
	v0 =	vadd.f32 v0, v4;
	v3 =	vadd.f32 v22, v6  }
0x1b3: {  	v38 =	vmul.f32 v38, v28;
	v4 =	vadd.f32 v7, v5;
	v37 =	vadd.f32 v37, v41  }
0x1b4: {  	v33 =	vld.idx.msk [tilespmem:v33+s17+$0x0], $0xffff;
	v5 =	vadd.f32 v14, v13;
	v6 =	vmul.f32 v56, v28;
	v10 =	vadd.f32 v10, v40  }
0x1b5: {  	v7 =	vmul.f32 v62, v28;
	v9 =	vadd.f32 v9, v57;
	v1 =	vadd.f32 v11, v37  }
0x1b6: {  	v20 =	vld.idx.msk [tilespmem:v20+s17+$0x0], $0xffff;
	v0 =	vadd.f32 v38, v0;
	v4 =	vadd.f32 v6, v4;
	v11 =	vmul.f32 v39, v28  }
0x1b7: {  	v5 =	vadd.f32 v7, v5;
	[tilespmem:$0x1F9A0] =	vst v1;
	v1 =	vadd.f32 v12, v10;
	v12 =	vmul.f32 v34, v58  }
0x1b8: {  	v19 =	vld.idx.msk [tilespmem:v19+s17+$0x0], $0xffff;
	v8 =	vmul.f32 v8, v58;
	v0 =	vadd.f32 v63, v0;
	v3 =	vadd.f32 v11, v3  }
0x1b9: {  	v6 =	vmul.f32 v33, v58;
	[tilespmem:$0x1F9B0] =	vst v1;
	v1 =	vadd.f32 v32, v9;
	v4 =	vadd.f32 v12, v4  }
0x1ba: {  	v49 =	vld [tilespmem:$0x1FA30];
	v0 =	vadd.f32 v16, v0;
	v8 =	vadd.f32 v8, v3  }
0x1bb: {  	v50 =	vld [tilespmem:$0x1FA40];
	v5 =	vadd.f32 v6, v5;
	[tilespmem:$0x1F9C0] =	vst v1;
	v1 =	vadd.f32 v18, v4  }
0x1bc: {  	v51 =	vld [tilespmem:$0x1FA50];
	[tilespmem:$0x1F920] =	vst v0;
	v0 =	vadd.f32 v17, v8  }
0x1bd: {  	v54 =	vld [tilespmem:$0x1FA70];
	[tilespmem:$0x1F940] =	vst v1;
	v1 =	vadd.f32 v31, v5  }
0x1be: {  	[tilespmem:$0x1F960] =	vst v0;
	v0 =	vld [tilespmem:$0x1FAA0]  }
0x1bf: {  	[tilespmem:$0x1F980] =	vst v1;
	v1 =	vld [tilespmem:$0x1FAC0]  }
0x1c0: {  	v10 =	vld.idx.msk [tilespmem:v35+s17+$0x0], $0xffff  }
0x1c1: {  	v11 =	vld.idx.msk [tilespmem:v59+s17+$0x0], $0xffff  }
0x1c2: {  	v9 =	vld.idx.msk [tilespmem:v36+s17+$0x0], $0xffff  }
0x1c3: {  	v7 =	vld.idx.msk [tilespmem:v60+s17+$0x0], $0xffff  }
0x1c4: {  	v14 =	vld.idx.msk [tilespmem:v23+s17+$0x0], $0xffff  }
0x1c5: {  	v12 =	vmul.f32 v19, v58;
	v19 =	vld.idx.msk [tilespmem:v29+s17+$0x0], $0xffff  }
0x1c6: {  	v2 =	vadd.f32 v27, v48;
	v16 =	vadd.f32 v24, v46;
	v8 =	vmul.f32 v10, v28;
	v0 =	vld.idx.msk [tilespmem:v0+s17+$0x0], $0xffff  }
0x1c7: {  	v11 =	vmul.f32 v11, v28;
	v9 =	vmul.f32 v9, v28;
	v10 =	vld.idx.msk [tilespmem:v1+s17+$0x0], $0xffff;
	v1 =	vadd.f32 v25, v47  }
0x1c8: {  	v48 =	vld [tilespmem:$0x1FA20];
	v7 =	vmul.f32 v7, v28;
	v17 =	vadd.f32 v26, v30;
	v2 =	vadd.f32 v8, v2  }
0x1c9: {  	v27 =	vld [tilespmem:$0x1FFD0];
	v8 =	vmul.f32 v14, v58;
	v1 =	vadd.f32 v9, v1;
	v9 =	vadd.f32 v11, v16  }
0x1ca: {  	v13 =	vmul.f32 v20, v58;
	v56 =	vld [tilespmem:$0x1FA80];
	v7 =	vadd.f32 v7, v17  }
0x1cb: {  	v46 =	vld [tilespmem:$0x1FA00];
	v11 =	vmul.f32 v19, v58;
	v0 =	vmul.f32 v0, v55;
	v8 =	vadd.f32 v8, v9  }
0x1cc: {  	v15 =	vmul.f32 v15, v55;
	v21 =	vmul.f32 v21, v55;
	v3 =	vld [tilespmem:$0x1F9F0];
	v1 =	vadd.f32 v13, v1  }
0x1cd: {  	s29 =	sadd.s32 $0x1, s18;
	v35 =	vld [tilespmem:$0x1FFB0];
	v7 =	vadd.f32 v11, v7;
	v9 =	vmul.f32 v10, v55;
	v0 =	vadd.f32 v0, v8  }
0x1ce: {  	v59 =	vld [tilespmem:$0x1FFC0];
	v2 =	vadd.f32 v12, v2;
	v1 =	vadd.f32 v21, v1;
	v8 =	vadd.s32 s29, v53  }
0x1cf: {  	s24 =	sadd.s32 $0x3, s18;
	s30 =	sadd.s32 $0x2, s18;
	v47 =	vld [tilespmem:$0x1FA10];
	v8 =	vand.u32 $0x3F, v8;
	[tilespmem:$0x1F930] =	vst v0;
	v0 =	vadd.f32 v9, v7  }
0x1d0: {  	v6 =	vld [tilespmem:$0x1FB00];
	[tilespmem:$0x1F950] =	vst v1;
	v1 =	vadd.f32 v15, v2;
	v7 =	vadd.s32 s24, v53;
	v9 =	vadd.s32 s30, v53  }
0x1d1: {  	v5 =	vld [tilespmem:$0x1FAF0];
	v45 =	vadd.s32 v3, v8;
	v7 =	vand.u32 $0x3F, v7;
	[tilespmem:$0x1F990] =	vst v0;
	v0 =	vadd.s32 s18, v53  }
0x1d2: {  	v2 =	vld [tilespmem:$0x1F9E0];
	v9 =	vand.u32 $0x3F, v9;
	v23 =	vadd.s32 v3, v7;
	v0 =	vand.u32 $0x3F, v0  }
0x1d3: {  	v58 =	vld [tilespmem:$0x1FFA0];
	v24 =	vadd.s32 v46, v7;
	v23 =	vadd.s32 v35, v23;
	v13 =	vadd.s32 v46, v0  }
0x1d4: {  	[tilespmem:$0x1F970] =	vst v1;
	v1 =	vld [tilespmem:$0x1F9D0];
	v25 =	vadd.s32 v47, v7;
	v14 =	vadd.s32 v47, v0;
	v13 =	vadd.s32 v59, v13  }
0x1d5: {  	v53 =	vld [tilespmem:$0x1FA60];
	v26 =	vadd.s32 v48, v7;
	v61 =	vadd.s32 v49, v7;
	v14 =	vadd.s32 v27, v14  }
0x1d6: {  	v32 =	vld [tilespmem:$0x1FFE0];
	v28 =	vadd.s32 v50, v7;
	v29 =	vadd.s32 v51, v7;
	v19 =	vadd.s32 v51, v0  }
0x1d7: {  	v30 =	vld [tilespmem:$0x1FB20];
	v31 =	vadd.s32 v54, v7;
	v11 =	vadd.s32 v2, v0;
	v19 =	vadd.s32 v5, v19  }
0x1d8: {  	v34 =	vadd.s32 v3, v9;
	v12 =	vadd.s32 v3, v0;
	v11 =	vadd.s32 v58, v11;
	v63 =	vld.idx.msk [tilespmem:v23+s17+$0x0], $0xffff  }
0x1d9: {  	v15 =	vadd.s32 v48, v0;
	v17 =	vadd.s32 v49, v0;
	v10 =	vadd.s32 v1, v0;
	v62 =	vld.idx.msk [tilespmem:v13+s17+$0x0], $0xffff  }
0x1da: {  	v18 =	vadd.s32 v50, v0;
	v20 =	vadd.s32 v53, v0;
	v10 =	vadd.s32 v58, v10;
	v14 =	vld.idx.msk [tilespmem:v14+s17+$0x0], $0xffff  }
0x1db: {  	v21 =	vadd.s32 v54, v0;
	v0 =	vadd.s32 v56, v0;
	v20 =	vadd.s32 v6, v20;
	v13 =	vld [tilespmem:$0x1FB10]  }
0x1dc: {  	v57 =	vadd.s32 v46, v9;
	v22 =	vadd.s32 v1, v7;
	v0 =	vadd.s32 v30, v0;
	v38 =	vld.idx.msk [tilespmem:v19+s17+$0x0], $0xffff  }
0x1dd: {  	v36 =	vadd.s32 v47, v9;
	v37 =	vadd.s32 v49, v9;
	v22 =	vadd.s32 v58, v22;
	v4 =	vld.idx.msk [tilespmem:v11+s15+$0x0], $0xffff  }
0x1de: {  	v40 =	vadd.s32 v51, v9;
	v43 =	vadd.s32 v54, v9;
	v12 =	vadd.s32 v35, v12;
	v11 =	vld [tilespmem:$0x1FFF0]  }
0x1df: {  	v3 =	vadd.s32 v48, v8;
	v16 =	vld.idx.msk [tilespmem:v10+s14+$0x0], $0xffff;
	v10 =	vadd.s32 v32, v15;
	v15 =	vadd.s32 v2, v7  }
0x1e0: {  	v33 =	vadd.s32 v2, v9;
	v52 =	vadd.s32 v53, v7;
	v39 =	vld.idx.msk [tilespmem:v20+s17+$0x0], $0xffff;
	v15 =	vadd.s32 v58, v15  }
0x1e1: {  	v42 =	vadd.s32 v53, v9;
	v19 =	vadd.s32 v48, v9;
	v7 =	vadd.s32 v56, v7;
	v44 =	vld.idx.msk [tilespmem:v0+s17+$0x0], $0xffff  }
0x1e2: {  	v20 =	vadd.s32 v50, v9;
	v0 =	vadd.s32 v1, v8;
	v55 =	vld.idx.msk [tilespmem:v22+s14+$0x0], $0xffff;
	v21 =	vadd.s32 v13, v21  }
0x1e3: {  	v22 =	vadd.s32 v32, v26;
	v26 =	vadd.s32 v46, v8;
	[tilespmem:$0x1F900] =	vst v4;
	v4 =	vld.idx.msk [tilespmem:v12+s17+$0x0], $0xffff  }
0x1e4: {  	v46 =	vadd.s32 v50, v8;
	v50 =	vadd.s32 v54, v8;
	v54 =	vadd.s32 v59, v57;
	v12 =	vld.idx.msk [tilespmem:v10+s17+$0x0], $0xffff  }
0x1e5: {  	v17 =	vadd.s32 v11, v17;
	v10 =	vadd.s32 v1, v9;
	v1 =	vadd.s32 v13, v31;
	v60 =	vld.idx.msk [tilespmem:v15+s15+$0x0], $0xffff  }
0x1e6: {  	v26 =	vadd.s32 v59, v26;
	[tilespmem:$0x1FAA0] =	vst v1;
	v1 =	vadd.s32 v30, v7;
	v7 =	vadd.s32 v58, v0;
	v0 =	vld [tilespmem:$0x1F900]  }
0x1e7: {  	v23 =	vadd.s32 v13, v43;
	v9 =	vadd.s32 v56, v9;
	v15 =	vadd.s32 v11, v61;
	v41 =	vld.idx.msk [tilespmem:v21+s17+$0x0], $0xffff  }
0x1e8: {  	v31 =	vadd.s32 v58, v33;
	v21 =	vadd.s32 v59, v24;
	v59 =	vadd.s32 v13, v50;
	v13 =	vld [tilespmem:$0x1F980]  }
0x1e9: {  	v61 =	vadd.s32 v49, v8;
	v49 =	vadd.s32 v53, v8;
	v24 =	vadd.s32 v27, v25;
	[tilespmem:$0x1F910] =	vst v4;
	v4 =	vld [tilespmem:$0x1FAE0]  }
0x1ea: {  	v25 =	vadd.s32 v2, v8;
	v2 =	vadd.s32 v47, v8;
	v47 =	vadd.s32 v51, v8;
	v17 =	vld.idx.msk [tilespmem:v17+s17+$0x0], $0xffff  }
0x1eb: {  	v8 =	vadd.s32 v56, v8;
	v56 =	vadd.s32 v27, v36;
	v36 =	vadd.s32 v5, v47;
	v47 =	vld [tilespmem:$0x1F950]  }
0x1ec: {  	v53 =	vld.idx.msk [tilespmem:v15+s17+$0x0], $0xffff  }
0x1ed: {  	v48 =	vld.idx.msk [tilespmem:v21+s17+$0x0], $0xffff  }
0x1ee: {  	v43 =	vmul.f32 v62, v16;
	[tilespmem:$0x1FAC0] =	vst v1;
	v1 =	vadd.s32 v32, v19;
	v51 =	vld.idx.msk [tilespmem:v24+s17+$0x0], $0xffff  }
0x1ef: {  	v25 =	vadd.s32 v58, v25;
	v21 =	vadd.s32 v5, v29;
	v24 =	vadd.s32 v6, v52;
	v52 =	vld.idx.msk [tilespmem:v22+s17+$0x0], $0xffff  }
0x1f0: {  	v29 =	vadd.s32 v58, v10;
	v10 =	vadd.s32 v35, v34;
	v34 =	vadd.s32 v11, v37;
	v37 =	vld.idx.msk [tilespmem:v31+s15+$0x0], $0xffff  }
0x1f1: {  	v35 =	vadd.s32 v35, v45;
	v45 =	vadd.s32 v27, v2;
	v27 =	vmul.f32 v39, v16;
	v39 =	vld.idx.msk [tilespmem:v26+s17+$0x0], $0xffff  }
0x1f2: {  	v22 =	vmul.f32 v12, v16;
	v12 =	vmul.f32 v63, v55;
	v63 =	vld.idx.msk [tilespmem:v56+s17+$0x0], $0xffff  }
0x1f3: {  	v62 =	vadd.s32 v11, v61;
	v11 =	vmul.f32 v60, v55;
	v60 =	vadd.s32 v30, v8;
	v8 =	vld.idx.msk [tilespmem:v1+s17+$0x0], $0xffff  }
0x1f4: {  	v1 =	vld [tilespmem:$0x1F9A0]  }
0x1f5: {  	v33 =	vadd.s32 v4, v20;
	v20 =	vadd.s32 v5, v40;
	v40 =	vmul.f32 v0, v16;
	v0 =	vld [tilespmem:$0x1F910]  }
0x1f6: {  	v2 =	vld.idx.msk [tilespmem:v25+s15+$0x0], $0xffff  }
0x1f7: {  	v18 =	vadd.s32 v4, v18;
	v28 =	vadd.s32 v4, v28;
	v61 =	vadd.s32 v4, v46;
	v4 =	vld [tilespmem:$0x1F920]  }
0x1f8: {  	v46 =	vld [tilespmem:$0x1F930]  }
0x1f9: {  	v5 =	vld [tilespmem:$0x1F940]  }
0x1fa: {  	v21 =	vld.idx.msk [tilespmem:v21+s17+$0x0], $0xffff  }
0x1fb: {  	v15 =	vld.idx.msk [tilespmem:v24+s17+$0x0], $0xffff  }
0x1fc: {  	v58 =	vld.idx.msk [tilespmem:v29+s14+$0x0], $0xffff  }
0x1fd: {  	v25 =	vmul.f32 v38, v16;
	v38 =	vld.idx.msk [tilespmem:v35+s17+$0x0], $0xffff  }
0x1fe: {  	v10 =	vld.idx.msk [tilespmem:v10+s17+$0x0], $0xffff  }
0x1ff: {  	v19 =	vadd.s32 v6, v42;
	v35 =	vadd.s32 v6, v49;
	v6 =	vld [tilespmem:$0x1F960]  }
0x200: {  	v24 =	vmul.f32 v41, v16;
	v41 =	vadd.f32 v40, v1;
	v1 =	vld [tilespmem:$0x1F9B0]  }
0x201: {  	v29 =	vadd.s32 v30, v9;
	v9 =	vld.idx.msk [tilespmem:v54+s17+$0x0], $0xffff  }
0x202: {  	v18 =	vld.idx.msk [tilespmem:v18+s17+$0x0], $0xffff  }
0x203: {  	v57 =	vld.idx.msk [tilespmem:v28+s17+$0x0], $0xffff;
	v42 =	vmul.f32 v0, v16  }
0x204: {  	v3 =	vadd.s32 v32, v3;
	v28 =	vld.idx.msk [tilespmem:v7+s14+$0x0], $0xffff  }
0x205: {  	p0 =	sne.s32 s18, $0x3C;
	v26 =	vmul.f32 v44, v16;
	v32 =	vmul.f32 v48, v55;
	v42 =	vadd.f32 v42, v1;
	v1 =	vld [tilespmem:$0x1F9C0]  }
.Ltmp3:
0x206: {  	v48 =	vld [tilespmem:$0x1F970];
	v0 =	vmul.f32 v14, v16;
	v7 =	vmul.f32 v17, v16;
	(pc) =	sbr.rel @p0 .LBB2_5-.Ltmp3, $4  }
0x207: {  	v30 =	vld [tilespmem:$0x1F990];
	v17 =	vmul.f32 v52, v55;
	v14 =	vmul.f32 v18, v16  }
0x208: {  	v16 =	vmul.f32 v51, v55;
	v18 =	vmul.f32 v53, v55;
	v53 =	vld [tilespmem:$0x1FEF0]  }
0x209: {  	v31 =	vmul.f32 v57, v55;
	v40 =	vmul.f32 v38, v28;
	v38 =	vld.idx.msk [tilespmem:v45+s17+$0x0], $0xffff  }
0x20a: {  	s18 =	sadd.s32 $0x4, s18;
	v44 =	vmul.f32 v2, v28;
	v45 =	vmul.f32 v39, v28;
	v39 =	vld.idx.msk [tilespmem:v3+s17+$0x0], $0xffff;
	v43 =	vadd.f32 v43, v1  }
0x20b: {  	_ = 	snop  }
0x20c: {  	v3 =	vmul.f32 v37, v58;
	v1 =	vadd.f32 v44, v41;
	_ =	sdelay $0x1  }
0x20d: {  	v1 =	vadd.f32 v3, v1  }
0x20e: {  	v2 =	vld.idx.msk [tilespmem:v62+s17+$0x0], $0xffff;
	v62 =	vmul.f32 v63, v58;
	v0 =	vadd.f32 v0, v4;
	v63 =	vmul.f32 v38, v28  }
0x20f: {  	v61 =	vld.idx.msk [tilespmem:v61+s17+$0x0], $0xffff;
	v6 =	vadd.f32 v22, v6;
	v1 =	vadd.f32 v11, v1;
	v11 =	vmul.f32 v39, v28  }
0x210: {  	v56 =	vadd.f32 v40, v42;
	v33 =	vld.idx.msk [tilespmem:v33+s17+$0x0], $0xffff;
	v0 =	vadd.f32 v63, v0  }
0x211: {  	v8 =	vmul.f32 v8, v58;
	v20 =	vld.idx.msk [tilespmem:v20+s17+$0x0], $0xffff;
	v4 =	vadd.f32 v7, v5;
	v6 =	vadd.f32 v11, v6  }
0x212: {  	v10 =	vmul.f32 v10, v58;
	v5 =	vadd.f32 v14, v13;
	v13 =	vld.idx.msk [tilespmem:v35+s17+$0x0], $0xffff;
	v0 =	vadd.f32 v62, v0  }
0x213: {  	v3 =	vld.idx.msk [tilespmem:v34+s17+$0x0], $0xffff;
	v6 =	vadd.f32 v8, v6  }
0x214: {  	v10 =	vadd.f32 v10, v56;
	v0 =	vadd.f32 v16, v0;
	v16 =	vld [tilespmem:$0x1FAA0]  }
0x215: {  	v9 =	vmul.f32 v9, v58;
	v6 =	vadd.f32 v17, v6;
	v17 =	vld [tilespmem:$0x1FAC0]  }
0x216: {  	v57 =	vadd.f32 v45, v43;
	v10 =	vadd.f32 v12, v10;
	v12 =	vld.idx.msk [tilespmem:v36+s17+$0x0], $0xffff;
	v2 =	vmul.f32 v2, v28  }
0x217: {  	v21 =	vmul.f32 v21, v55;
	v19 =	vld.idx.msk [tilespmem:v19+s17+$0x0], $0xffff;
	v7 =	vmul.f32 v61, v28  }
0x218: {  	v9 =	vadd.f32 v9, v57;
	v11 =	vld.idx.msk [tilespmem:v59+s17+$0x0], $0xffff;
	v2 =	vadd.f32 v2, v4;
	v3 =	vmul.f32 v3, v58  }
0x219: {  	v14 =	vmul.f32 v15, v55;
	v4 =	vadd.f32 v7, v5;
	v5 =	vld.idx.msk [tilespmem:v60+s17+$0x0], $0xffff;
	v7 =	vmul.f32 v33, v58  }
0x21a: {  	v9 =	vadd.f32 v32, v9;
	v15 =	vmul.f32 v20, v58;
	v8 =	vld.idx.msk [tilespmem:v23+s17+$0x0], $0xffff;
	v2 =	vadd.f32 v3, v2  }
0x21b: {  	v13 =	vmul.f32 v13, v28;
	v12 =	vmul.f32 v12, v28;
	v3 =	vadd.f32 v7, v4;
	v4 =	vld.idx.msk [tilespmem:v29+s17+$0x0], $0xffff  }
0x21c: {  	v7 =	vmul.f32 v19, v58;
	v2 =	vadd.f32 v18, v2;
	v18 =	vadd.f32 v25, v47;
	v16 =	vld.idx.msk [tilespmem:v16+s17+$0x0], $0xffff  }
0x21d: {  	v19 =	vadd.f32 v27, v48;
	v3 =	vadd.f32 v31, v3;
	v17 =	vld.idx.msk [tilespmem:v17+s17+$0x0], $0xffff;
	[tilespmem:$0x18710] =	vst v1  }
0x21e: {  	v12 =	vadd.f32 v12, v18;
	v1 =	vmul.f32 v11, v28;
	v11 =	vadd.f32 v24, v46;
	[tilespmem:$0x18790] =	vst v10  }
0x21f: {  	v5 =	vmul.f32 v5, v28;
	v13 =	vadd.f32 v13, v19;
	v10 =	vadd.f32 v26, v30;
	[tilespmem:$0x18810] =	vst v9  }
0x220: {  	v8 =	vmul.f32 v8, v58;
	v9 =	vadd.f32 v15, v12;
	[tilespmem:$0x18890] =	vst v0;
	v1 =	vadd.f32 v1, v11  }
0x221: {  	v4 =	vmul.f32 v4, v58;
	[tilespmem:$0x18910] =	vst v6;
	v0 =	vadd.f32 v5, v10;
	v5 =	vadd.f32 v7, v13  }
0x222: {  	[tilespmem:$0x18990] =	vst v2;
	v7 =	vadd.f32 v21, v9;
	v6 =	vmul.f32 v16, v55;
	v1 =	vadd.f32 v8, v1  }
0x223: {  	[tilespmem:$0x18A10] =	vst v3;
	v0 =	vadd.f32 v4, v0;
	v4 =	vadd.f32 v14, v5;
	v2 =	vmul.f32 v17, v55  }
0x224: {  	s24 =	sshll.u32 s23, $0x1;
	[tilespmem:$0x18A90] =	vst v7;
	v1 =	vadd.f32 v6, v1  }
0x225: {  	s18 =	sadd.s32 s16, s24;
	[tilespmem:$0x18B10] =	vst v4;
	v0 =	vadd.f32 v2, v0  }
0x226: {  	s18 =	sshll.u32 s18, $0x2;
	[tilespmem:$0x18B90] =	vst v1  }
0x227: {  	s20 =	sshll.u32 s23, $0xC;
	s18 =	sadd.s32 s11, s18;
	[tilespmem:$0x18C10] =	vst v0  }
0x228: {  	[hbm4b:s18+s1] =	stream.linear.scatter [tilespmem:s28], [sflag:$0x3], $0x20, $0x38;
	[tilespmem:$0x18F80] =	vst v63  }
0x229: {  	s18 =	sadd.s32 s26, s20;
	_ =	swait.ge [sflag:s31], $0x20  }
0x22a: {  	s18 =	sshrl.u32 s18, $0x3;
	[sflag:s31] =	ssyncset.done $0x0  }
0x22b: {  	s19 =	simm.s32 $0x18780;
	s18 =	sadd.s32 s12, s18;
	[sflag:s31] =	ssyncadd.s32 $0xFFFFFFE0  }
0x22c: {  	[hbm4b:s18+s1] =	stream.linear.scatter [tilespmem:s19], [sflag:$0x3], $0x500, $0x38;
	[tilespmem:$0x18F80] =	vst v63  }
0x22d: {  	p0 =	seq.s32 s23, $0x7;
	s18 =	rddreg [dreg:$0xf]  }
0x22e: {  	s18 =	sadd.s32 @!p0 s24, s18  }
0x22f: {  	_ =	swait.ge [sflag:s31], $0x500;
	s29 =	sshll.u32 @!p0 s18, $0x2  }
0x230: {  	[sflag:s31] =	ssyncset.done $0x0;
	s29 =	sand.u32 @!p0 $0x1FFFFFF8, s29  }
0x231: {  	s20 =	simm.s32 @!p0 $0x0;
	[sflag:s31] =	ssyncadd.s32 $0xFFFFFB00;
	s30 =	sadd.s32 @!p0 s2, s29  }
0x232: {  	[tilespmem:s20], [sflag:$0x3] =	stream.linear.gather @!p0 [hbm4b:s30+s20], $0x20, $0x38;
	[tilespmem:$0x18F80] =	vst v63  }
0x233: {  	s30 =	simm.s32 @!p0 $0x3  }
0x234: {  	_ =	swait.ge @!p0 [sflag:s30], $0x20  }
0x235: {  	[sflag:s30] =	ssyncset.done @!p0 $0x0  }
0x236: {  	s28 =	simm.s32 @!p0 $0x80;
	s22 =	sadd.s32 @!p0 s3, s29;
	[sflag:s30] =	ssyncadd.s32 @!p0 $0xFFFFFFE0  }
0x237: {  	[tilespmem:s28], [sflag:$0x3] =	stream.linear.gather @!p0 [hbm4b:s22+s20], $0x20, $0x38;
	[tilespmem:$0x18F80] =	vst v63  }
0x238: {  	_ =	swait.ge @!p0 [sflag:s30], $0x20  }
0x239: {  	[sflag:s30] =	ssyncset.done @!p0 $0x0  }
0x23a: {  	s19 =	simm.s32 @!p0 $0x100;
	s22 =	sadd.s32 @!p0 s4, s29;
	[sflag:s30] =	ssyncadd.s32 @!p0 $0xFFFFFFE0  }
0x23b: {  	[tilespmem:s19], [sflag:$0x3] =	stream.linear.gather @!p0 [hbm4b:s22+s20], $0x20, $0x38;
	[tilespmem:$0x18F80] =	vst v63  }
0x23c: {  	_ =	swait.ge @!p0 [sflag:s30], $0x20  }
0x23d: {  	[sflag:s30] =	ssyncset.done @!p0 $0x0  }
0x23e: {  	s22 =	sadd.s32 @!p0 s5, s29;
	s29 =	simm.s32 @!p0 $0x180;
	[sflag:s30] =	ssyncadd.s32 @!p0 $0xFFFFFFE0  }
0x23f: {  	[tilespmem:s29], [sflag:$0x3] =	stream.linear.gather @!p0 [hbm4b:s22+s20], $0x20, $0x38;
	[tilespmem:$0x18F80] =	vst v63  }
0x240: {  	s18 =	smul.u32 @!p0 $0x28, s18;
	_ =	swait.ge @!p0 [sflag:s30], $0x20  }
0x241: {  	[sflag:s30] =	ssyncset.done @!p0 $0x0  }
0x242: {  	s22 =	sadd.s32 @!p0 s7, s18;
	s29 =	simm.s32 @!p0 $0x200;
	[sflag:s30] =	ssyncadd.s32 @!p0 $0xFFFFFFE0  }
0x243: {  	[tilespmem:s29], [sflag:$0x3] =	stream.linear.gather @!p0 [hbm4b:s22+s20], $0x140, $0x38;
	[tilespmem:$0x18F80] =	vst v63  }
0x244: {  	_ =	swait.ge @!p0 [sflag:s30], $0x140  }
0x245: {  	[sflag:s30] =	ssyncset.done @!p0 $0x0  }
0x246: {  	s18 =	sadd.s32 @!p0 s8, s18;
	s22 =	simm.s32 @!p0 $0x480;
	[sflag:s30] =	ssyncadd.s32 @!p0 $0xFFFFFEC0  }
0x247: {  	[tilespmem:s22], [sflag:$0x3] =	stream.linear.gather @!p0 [hbm4b:s18+s20], $0x140, $0x38;
	[tilespmem:$0x18F80] =	vst v63  }
0x248: {  	_ =	swait.ge @!p0 [sflag:s30], $0x140  }
0x249: {  	[sflag:s30] =	ssyncset.done @!p0 $0x0  }
0x24a: {  	s18 =	simm.s32 @!p0 $0x20;
	s22 =	simm.s32 @!p0 $0x700;
	[sflag:s30] =	ssyncadd.s32 @!p0 $0xFFFFFEC0  }
0x24b: {  	[tilespmem:s22], [sflag:$0x1] =	stream.indirect.gather @!p0 [hbm4b:s9+s18], $0x80, s20, s18, $0xb8;
	[tilespmem:$0x18F80] =	vst v63  }
0x24c: {  	s20 =	simm.s32 @!p0 $0x2700  }
0x24d: {  	[tilespmem:s20], [sflag:$0x1] =	stream.indirect.gather @!p0 [hbm4b:s10+s18], $0x80, s19, s18, $0xb8;
	[tilespmem:$0x18F80] =	vst v63  }
0x24e: {  	s18 =	simm.s32 @!p0 $0x4700  }
0x24f: {  	[tilespmem:s18], [sflag:$0x1] =	stream.indirect.gather @!p0 [hbm4b:s10+s28], $0x80, s29, s28, $0xb8;
	[tilespmem:$0x18F80] =	vst v63  }
0x250: {  	s19 =	simm.s32 @!p0 $0x8700;
	s18 =	simm.s32 @!p0 $0x280  }
0x251: {  	[tilespmem:s19], [sflag:$0x1] =	stream.indirect.gather @!p0 [hbm4b:s10+s28], $0x80, s18, s28, $0xb8;
	[tilespmem:$0x18F80] =	vst v63  }
0x252: {  	s20 =	simm.s32 @!p0 $0xC700;
	s18 =	simm.s32 @!p0 $0x40;
	s19 =	simm.s32 @!p0 $0x300  }
0x253: {  	[tilespmem:s20], [sflag:$0x1] =	stream.indirect.gather @!p0 [hbm4b:s10+s18], $0x80, s19, s18, $0xb8;
	[tilespmem:$0x18F80] =	vst v63  }
0x254: {  	_ =	swait.ge [sflag:s21], $0x1000  }
0x255: {  	[sflag:s21] =	ssyncset.done $0x0  }
0x256: {  	[sflag:s21] =	ssyncadd.s32 $0xFFFFF000  }
0x257: {  	_ =	swait.ge [sflag:s21], $0x1000  }
0x258: {  	[sflag:s21] =	ssyncset.done $0x0  }
0x259: {  	[sflag:s21] =	ssyncadd.s32 $0xFFFFF000  }
0x25a: {  	_ =	swait.ge [sflag:s21], $0x4000  }
0x25b: {  	[sflag:s21] =	ssyncset.done $0x0  }
0x25c: {  	[sflag:s21] =	ssyncadd.s32 $0xFFFFC000  }
0x25d: {  	_ =	swait.ge [sflag:s21], $0x4000  }
0x25e: {  	[sflag:s21] =	ssyncset.done $0x0  }
0x25f: {  	[sflag:s21] =	ssyncadd.s32 $0xFFFFC000  }
0x260: {  	_ =	swait.ge [sflag:s21], $0x2000  }
0x261: {  	v6 =	vld [tilespmem:$0x1FEC0];
	_ =	sdelay $0x4  }
0x262: {  	v0 =	vadd.s32 $0x140, v6  }
0x263: {  	[sflag:s21] =	ssyncset.done $0x0;
	v1 =	vadd.s32 $0x141, v6  }
0x264: {  	v7 =	vld [tilespmem:$0x1FEE0];
	[sflag:s21] =	ssyncadd.s32 $0xFFFFE000;
	v3 =	vadd.s32 $0x143, v6  }
0x265: {  	v25 =	vld [tilespmem:$0xA0]  }
0x266: {  	v27 =	vld [tilespmem:$0x1A0];
	v2 =	vadd.s32 $0x142, v6  }
0x267: {  	v4 =	vadd.s32 $0x144, v6;
	v36 =	vld.idx.msk [tilespmem:v0+s6+$0x0], $0xffff  }
0x268: {  	v5 =	vadd.s32 $0x148, v6;
	v40 =	vld.idx.msk [tilespmem:v1+s6+$0x0], $0xffff  }
0x269: {  	v0 =	vadd.s32 $0x145, v6;
	v47 =	vld.idx.msk [tilespmem:v3+s6+$0x0], $0xffff  }
0x26a: {  	v1 =	vadd.s32 $0x146, v6;
	v3 =	vld [tilespmem:$0x1FF00]  }
0x26b: {  	v54 =	vadd.s32 $0xA000, v7;
	v46 =	vld.idx.msk [tilespmem:v2+s6+$0x0], $0xffff;
	v2 =	vadd.s32 $0x147, v6  }
0x26c: {  	v55 =	vadd.s32 $0xA080, v7;
	v56 =	vadd.s32 $0xA100, v7;
	v57 =	vadd.s32 $0xA180, v7;
	v48 =	vld.idx.msk [tilespmem:v4+s6+$0x0], $0xffff  }
0x26d: {  	v58 =	vadd.s32 $0xA200, v7;
	v59 =	vadd.s32 $0xA280, v7;
	v60 =	vadd.s32 $0xA300, v7;
	v31 =	vld.idx.msk [tilespmem:v5+s6+$0x0], $0xffff  }
0x26e: {  	s22 =	simm.s32 $0x0;
	v23 =	vadd.s32 $0xA380, v7;
	v62 =	vadd.s32 $0xA400, v7;
	v6 =	vadd.s32 $0x149, v6;
	v49 =	vld.idx.msk [tilespmem:v0+s6+$0x0], $0xffff  }
0x26f: {  	s30 =	simm.s32 $0x2;
	s29 =	simm.s32 $0x1;
	s28 =	simm.s32 $0x3;
	v33 =	vadd.s32 $0xA480, v7;
	v44 =	vor.u32 $0x1000, v3;
	v3 =	vadd.s32 s22, v53;
	v50 =	vld.idx.msk [tilespmem:v1+s6+$0x0], $0xffff  }
0x270: {  	[tilespmem:$0x1F820] =	vst v54;
	v0 =	vadd.s32 s28, v53;
	v1 =	vadd.s32 s29, v53;
	v52 =	vld.idx.msk [tilespmem:v2+s6+$0x0], $0xffff;
	v2 =	vadd.s32 s30, v53  }
0x271: {  	[tilespmem:$0x1F840] =	vst v55;
	v3 =	vand.u32 $0x3F, v3;
	v1 =	vand.u32 $0x3F, v1;
	v2 =	vand.u32 $0x3F, v2  }
0x272: {  	[tilespmem:$0x1F850] =	vst v56;
	v0 =	vand.u32 $0x3F, v0;
	v4 =	vadd.s32 v25, v3;
	v5 =	vadd.s32 v27, v3  }
0x273: {  	v43 =	vld.idx.msk [tilespmem:v6+s6+$0x0], $0xffff;
	v6 =	vadd.s32 v36, v3;
	v7 =	vadd.s32 v40, v3;
	v8 =	vadd.s32 v46, v3  }
0x274: {  	[tilespmem:$0x1F860] =	vst v57;
	v9 =	vadd.s32 v47, v3;
	v10 =	vadd.s32 v48, v3;
	v14 =	vadd.s32 v31, v3  }
0x275: {  	[tilespmem:$0x1F870] =	vst v58;
	v15 =	vadd.s32 v25, v0;
	v16 =	vadd.s32 v27, v0;
	v17 =	vadd.s32 v36, v0  }
0x276: {  	[tilespmem:$0x1F6F0] =	vst v25;
	v18 =	vadd.s32 v40, v0;
	v19 =	vadd.s32 v46, v0;
	v20 =	vadd.s32 v47, v0  }
0x277: {  	[tilespmem:$0x1F700] =	vst v27;
	v21 =	vadd.s32 v48, v0;
	v45 =	vadd.s32 v31, v0;
	v4 =	vadd.s32 v44, v4  }
0x278: {  	[tilespmem:$0x1F710] =	vst v36;
	v30 =	vadd.s32 v25, v2;
	v63 =	vadd.s32 v27, v2;
	v5 =	vadd.s32 v44, v5  }
0x279: {  	[tilespmem:$0x1F720] =	vst v40;
	v32 =	vadd.s32 v36, v2;
	v34 =	vadd.s32 v40, v2;
	v6 =	vadd.s32 v54, v6  }
0x27a: {  	[tilespmem:$0x1F760] =	vst v46;
	v35 =	vadd.s32 v46, v2;
	v37 =	vadd.s32 v48, v2;
	v7 =	vadd.s32 v55, v7  }
0x27b: {  	[tilespmem:$0x1F770] =	vst v47;
	v41 =	vadd.s32 v31, v2;
	v25 =	vadd.s32 v25, v1;
	v8 =	vadd.s32 v56, v8  }
0x27c: {  	v42 =	vadd.s32 v27, v1;
	v9 =	vadd.s32 v57, v9;
	v10 =	vadd.s32 v58, v10;
	v4 =	vld.idx.msk [tilespmem:v4+s14+$0x0], $0xffff  }
0x27d: {  	v14 =	vadd.s32 v62, v14;
	v15 =	vadd.s32 v44, v15;
	v16 =	vadd.s32 v44, v16;
	v5 =	vld.idx.msk [tilespmem:v5+s15+$0x0], $0xffff  }
0x27e: {  	v17 =	vadd.s32 v54, v17;
	v18 =	vadd.s32 v55, v18;
	v19 =	vadd.s32 v56, v19;
	v6 =	vld.idx.msk [tilespmem:v6+s17+$0x0], $0xffff  }
0x27f: {  	v20 =	vadd.s32 v57, v20;
	v32 =	vadd.s32 v54, v32;
	v11 =	vadd.s32 v49, v3;
	v7 =	vld.idx.msk [tilespmem:v7+s17+$0x0], $0xffff  }
0x280: {  	v12 =	vadd.s32 v50, v3;
	v13 =	vadd.s32 v52, v3;
	v11 =	vadd.s32 v59, v11;
	v8 =	vld.idx.msk [tilespmem:v8+s17+$0x0], $0xffff  }
0x281: {  	v3 =	vadd.s32 v43, v3;
	v22 =	vadd.s32 v49, v0;
	v12 =	vadd.s32 v60, v12;
	v9 =	vld.idx.msk [tilespmem:v9+s17+$0x0], $0xffff  }
0x282: {  	v51 =	vadd.s32 v50, v0;
	[tilespmem:$0x1F790] =	vst v49;
	v13 =	vadd.s32 v23, v13;
	v10 =	vld.idx.msk [tilespmem:v10+s17+$0x0], $0xffff  }
0x283: {  	v24 =	vadd.s32 v52, v0;
	[tilespmem:$0x1F7A0] =	vst v50;
	v3 =	vadd.s32 v33, v3;
	v28 =	vld.idx.msk [tilespmem:v14+s17+$0x0], $0xffff  }
0x284: {  	v0 =	vadd.s32 v43, v0;
	v38 =	vadd.s32 v49, v2;
	[tilespmem:$0x1F7B0] =	vst v52;
	v61 =	vld.idx.msk [tilespmem:v15+s14+$0x0], $0xffff  }
0x285: {  	v39 =	vadd.s32 v50, v2;
	v29 =	vadd.s32 v52, v2;
	[tilespmem:$0x1F7D0] =	vst v43;
	v11 =	vld.idx.msk [tilespmem:v11+s17+$0x0], $0xffff  }
0x286: {  	v49 =	vadd.s32 v49, v1;
	v50 =	vadd.s32 v50, v1;
	[tilespmem:$0x1F800] =	vst v0;
	v12 =	vld.idx.msk [tilespmem:v12+s17+$0x0], $0xffff  }
0x287: {  	v0 =	vadd.s32 v47, v2;
	v26 =	vld.idx.msk [tilespmem:v13+s17+$0x0], $0xffff;
	v5 =	vmul.f32 v5, v4;
	v6 =	vmul.f32 v6, v4  }
0x288: {  	v3 =	vld.idx.msk [tilespmem:v3+s17+$0x0], $0xffff;
	v13 =	vmul.f32 v8, v4;
	v8 =	vadd.s32 v40, v1;
	v14 =	vmul.f32 v10, v4  }
0x289: {  	v10 =	vadd.s32 v58, v21;
	v40 =	vld.idx.msk [tilespmem:v19+s17+$0x0], $0xffff;
	[tilespmem:$0x1F8E0] =	vst v6;
	v6 =	vmul.f32 v7, v4  }
0x28a: {  	v19 =	vadd.s32 v44, v30;
	[tilespmem:$0x1F8D0] =	vst v5;
	v5 =	vadd.s32 v36, v1;
	v36 =	vld.idx.msk [tilespmem:v16+s15+$0x0], $0xffff  }
0x28b: {  	v7 =	vmul.f32 v9, v4;
	v9 =	vld.idx.msk [tilespmem:v17+s17+$0x0], $0xffff;
	[tilespmem:$0x1F8F0] =	vst v6;
	v6 =	vmul.f32 v12, v4  }
0x28c: {  	v2 =	vadd.s32 v43, v2;
	v16 =	vadd.s32 v60, v51;
	v51 =	vadd.s32 v52, v1;
	v12 =	vld.idx.msk [tilespmem:v18+s17+$0x0], $0xffff  }
0x28d: {  	v18 =	vadd.s32 v43, v1;
	v43 =	vld.idx.msk [tilespmem:v32+s17+$0x0], $0xffff;
	[tilespmem:$0x1F730] =	vst v6;
	v6 =	vmul.f32 v26, v4  }
0x28e: {  	v52 =	vadd.s32 v31, v1;
	v15 =	vmul.f32 v11, v4;
	v11 =	vadd.s32 v59, v22;
	v27 =	vld.idx.msk [tilespmem:v10+s17+$0x0], $0xffff  }
0x28f: {  	[tilespmem:$0x1F740] =	vst v6;
	v6 =	vmul.f32 v28, v4;
	v28 =	vmul.f32 v3, v4;
	v3 =	vadd.s32 v46, v1  }
0x290: {  	v22 =	vld.idx.msk [tilespmem:v19+s14+$0x0], $0xffff;
	v46 =	vadd.s32 v47, v1;
	v47 =	vadd.s32 v48, v1;
	v1 =	vadd.s32 v62, v45  }
0x291: {  	v10 =	vadd.s32 v44, v25;
	[tilespmem:$0x1F7E0] =	vst v1;
	v1 =	vld [tilespmem:$0x1F800]  }
0x292: {  	[tilespmem:$0x1F780] =	vst v48;
	v17 =	vadd.s32 v23, v24;
	v48 =	vld.idx.msk [tilespmem:v20+s17+$0x0], $0xffff  }
0x293: {  	[tilespmem:$0x1F7C0] =	vst v31;
	v31 =	vadd.s32 v33, v2;
	v2 =	vadd.s32 v56, v3;
	v3 =	vld [tilespmem:$0x1F8D0]  }
0x294: {  	[tilespmem:$0x1F880] =	vst v59;
	v63 =	vadd.s32 v44, v63;
	v30 =	vld.idx.msk [tilespmem:v16+s17+$0x0], $0xffff  }
0x295: {  	v16 =	vadd.s32 v54, v5;
	[tilespmem:$0x1F750] =	vst v6;
	v6 =	vld.idx.msk [tilespmem:v11+s17+$0x0], $0xffff  }
0x296: {  	v20 =	vadd.s32 v23, v29;
	v11 =	vadd.s32 v44, v42;
	v29 =	vld.idx.msk [tilespmem:v10+s14+$0x0], $0xffff;
	v1 =	vadd.s32 v33, v1  }
0x297: {  	v8 =	vadd.s32 v55, v8;
	v4 =	vadd.s32 v56, v35;
	v56 =	vimm.f32 $0.0e+00;
	[tilespmem:$0x1F810] =	vst v1;
	v1 =	vld.idx.msk [tilespmem:v17+s17+$0x0], $0xffff  }
0x298: {  	[tilespmem:$0x1F890] =	vst v60;
	v24 =	vadd.s32 v58, v37;
	v17 =	vmul.f32 v48, v61;
	v48 =	vadd.f32 v3, v56;
	v3 =	vld [tilespmem:$0x1F8E0]  }
0x299: {  	v37 =	vadd.s32 v60, v50;
	v25 =	vadd.s32 v62, v41;
	v32 =	vadd.s32 v33, v18;
	v10 =	vld.idx.msk [tilespmem:v63+s15+$0x0], $0xffff  }
0x29a: {  	[tilespmem:$0x1F8A0] =	vst v23;
	v26 =	vimm.f32 $0.0e+00;
	v5 =	vadd.s32 v57, v0;
	v45 =	vadd.s32 v57, v46;
	v46 =	vld.idx.msk [tilespmem:v16+s17+$0x0], $0xffff  }
0x29b: {  	v0 =	vadd.s32 v60, v39;
	v9 =	vmul.f32 v9, v61;
	v42 =	vadd.s32 v55, v34;
	v41 =	vld.idx.msk [tilespmem:v11+s15+$0x0], $0xffff  }
0x29c: {  	v54 =	vimm.f32 $0.0e+00;
	v39 =	vadd.s32 v58, v47;
	v57 =	vimm.f32 $0.0e+00;
	[tilespmem:$0x1F830] =	vst v1;
	v1 =	vld.idx.msk [tilespmem:v8+s17+$0x0], $0xffff  }
0x29d: {  	[tilespmem:$0x1F7F0] =	vst v44;
	v44 =	vadd.s32 v59, v38;
	v38 =	vadd.s32 v59, v49;
	v49 =	vadd.f32 v3, v56;
	v3 =	vld [tilespmem:$0x1F8F0]  }
0x29e: {  	[tilespmem:$0x1F8B0] =	vst v62;
	v58 =	vimm.f32 $0.0e+00;
	v19 =	vmul.f32 v27, v61;
	v16 =	vmul.f32 v40, v61;
	v40 =	vld.idx.msk [tilespmem:v4+s17+$0x0], $0xffff  }
0x29f: {  	[tilespmem:$0x1F8C0] =	vst v33;
	v59 =	vimm.f32 $0.0e+00;
	v27 =	vimm.f32 $0.0e+00;
	v55 =	vimm.f32 $0.0e+00;
	v45 =	vld.idx.msk [tilespmem:v45+s17+$0x0], $0xffff  }
0x2a0: {  	v11 =	vmul.f32 v36, v61;
	v36 =	vadd.s32 v23, v51;
	v42 =	vld.idx.msk [tilespmem:v42+s17+$0x0], $0xffff;
	v18 =	vmul.f32 v6, v61  }
0x2a1: {  	v47 =	vmul.f32 v46, v29;
	v46 =	vld.idx.msk [tilespmem:v2+s17+$0x0], $0xffff;
	v8 =	vmul.f32 v12, v61;
	v12 =	vadd.s32 v62, v52  }
0x2a2: {  	s18 =	simm.s32 $0x4;
	v51 =	vmul.f32 v41, v29;
	v41 =	vld.idx.msk [tilespmem:v5+s17+$0x0], $0xffff;
	v50 =	vadd.f32 v3, v56;
	v52 =	vmul.f32 v1, v29  }
.LBB2_7:
0x2a3: {  	_ =	sdelay $0x1  }
0x2a4: {  	v48 =	vadd.f32 v51, v48;
	v10 =	vmul.f32 v10, v22;
	_ =	sdelay $0x1  }
0x2a5: {  	v46 =	vmul.f32 v46, v29;
	v3 =	vadd.f32 v13, v56;
	v10 =	vadd.f32 v10, v48  }
0x2a6: {  	v1 =	vld [tilespmem:$0x1F830];
	v40 =	vmul.f32 v40, v22;
	v6 =	vadd.f32 v7, v59  }
0x2a7: {  	v21 =	vld.idx.msk [tilespmem:v0+s17+$0x0], $0xffff;
	v3 =	vadd.f32 v46, v3;
	v0 =	vadd.f32 v11, v10;
	v10 =	vmul.f32 v45, v29;
	_ =	sdelay $0x1  }
0x2a8: {  	v41 =	vmul.f32 v41, v22;
	v3 =	vadd.f32 v40, v3;
	v6 =	vadd.f32 v10, v6  }
0x2a9: {  	v33 =	vmul.f32 v30, v61  }
0x2aa: {  	v39 =	vld.idx.msk [tilespmem:v39+s17+$0x0], $0xffff;
	v30 =	vmul.f32 v1, v61;
	v1 =	vadd.f32 v16, v3;
	v6 =	vadd.f32 v41, v6;
	_ =	sdelay $0x1  }
0x2ab: {  	v38 =	vld.idx.msk [tilespmem:v38+s17+$0x0], $0xffff;
	[tilespmem:$0x1F690] =	vst v1;
	v1 =	vadd.f32 v17, v6  }
0x2ac: {  	v35 =	vld.idx.msk [tilespmem:v24+s17+$0x0], $0xffff  }
0x2ad: {  	v47 =	vadd.f32 v47, v49;
	v43 =	vmul.f32 v43, v22;
	[tilespmem:$0x1F640] =	vst v1;
	v1 =	vld [tilespmem:$0x1F7E0]  }
0x2ae: {  	v34 =	vld.idx.msk [tilespmem:v44+s17+$0x0], $0xffff;
	v4 =	vadd.f32 v14, v57;
	v7 =	vmul.f32 v39, v29  }
0x2af: {  	v43 =	vadd.f32 v43, v47  }
0x2b0: {  	v5 =	vadd.f32 v15, v58;
	v4 =	vadd.f32 v7, v4;
	[tilespmem:$0x1F6C0] =	vst v0  }
0x2b1: {  	v0 =	vadd.f32 v9, v43;
	v9 =	vmul.f32 v38, v29;
	v10 =	vld.idx.msk [tilespmem:v12+s17+$0x0], $0xffff;
	v12 =	vmul.f32 v35, v22;
	_ =	sdelay $0x1  }
0x2b2: {  	v5 =	vadd.f32 v9, v5;
	v9 =	vmul.f32 v34, v22;
	v4 =	vadd.f32 v12, v4;
	_ =	sdelay $0x1  }
0x2b3: {  	v5 =	vadd.f32 v9, v5;
	v12 =	vld.idx.msk [tilespmem:v1+s17+$0x0], $0xffff;
	v1 =	vadd.f32 v19, v4;
	_ =	sdelay $0x1  }
0x2b4: {  	[tilespmem:$0x1F6B0] =	vst v1;
	v1 =	vadd.f32 v18, v5;
	_ =	sdelay $0x1  }
0x2b5: {  	[tilespmem:$0x1F6A0] =	vst v1;
	v1 =	vld [tilespmem:$0x1F810];
	_ =	sdelay $0x7  }
0x2b6: {  	v15 =	vld.idx.msk [tilespmem:v1+s17+$0x0], $0xffff  }
0x2b7: {  	v1 =	vld [tilespmem:$0x1F730];
	_ =	sdelay $0x2  }
0x2b8: {  	v44 =	vld [tilespmem:$0x1F820]  }
0x2b9: {  	v49 =	vld [tilespmem:$0x1F780]  }
0x2ba: {  	v52 =	vadd.f32 v52, v50;
	v42 =	vmul.f32 v42, v22;
	v16 =	vadd.f32 v1, v27;
	v1 =	vld [tilespmem:$0x1F740]  }
0x2bb: {  	v13 =	vld.idx.msk [tilespmem:v36+s17+$0x0], $0xffff  }
0x2bc: {  	v42 =	vadd.f32 v42, v52;
	v7 =	vld.idx.msk [tilespmem:v32+s17+$0x0], $0xffff  }
0x2bd: {  	v11 =	vld.idx.msk [tilespmem:v20+s17+$0x0], $0xffff  }
0x2be: {  	[tilespmem:$0x1F6D0] =	vst v0;
	v0 =	vadd.f32 v8, v42;
	v8 =	vld.idx.msk [tilespmem:v37+s17+$0x0], $0xffff  }
0x2bf: {  	v2 =	vadd.f32 v1, v55;
	v1 =	vld [tilespmem:$0x1F750]  }
0x2c0: {  	v51 =	vld [tilespmem:$0x1F790]  }
0x2c1: {  	[tilespmem:$0x1F6E0] =	vst v0;
	v0 =	vld.idx.msk [tilespmem:v25+s17+$0x0], $0xffff  }
0x2c2: {  	v36 =	vld [tilespmem:$0x1F840];
	v13 =	vmul.f32 v13, v29;
	v7 =	vmul.f32 v7, v29  }
0x2c3: {  	v9 =	vmul.f32 v11, v22;
	v11 =	vld.idx.msk [tilespmem:v31+s17+$0x0], $0xffff;
	v8 =	vmul.f32 v8, v29  }
0x2c4: {  	v52 =	vld [tilespmem:$0x1F7A0];
	v17 =	vadd.f32 v28, v26;
	v10 =	vmul.f32 v10, v29;
	v1 =	vadd.f32 v1, v54  }
0x2c5: {  	v14 =	vmul.f32 v21, v22;
	v47 =	vld [tilespmem:$0x1F7D0];
	v8 =	vadd.f32 v8, v16;
	v2 =	vadd.f32 v13, v2  }
0x2c6: {  	v3 =	vld [tilespmem:$0x1F710];
	v7 =	vadd.f32 v7, v17;
	v0 =	vmul.f32 v0, v22;
	v1 =	vadd.f32 v10, v1  }
0x2c7: {  	v35 =	vld [tilespmem:$0x1F850];
	v8 =	vadd.f32 v14, v8;
	v2 =	vadd.f32 v9, v2  }
0x2c8: {  	v34 =	vld [tilespmem:$0x1F890];
	v9 =	vmul.f32 v12, v61;
	v10 =	vmul.f32 v11, v22;
	v0 =	vadd.f32 v0, v1  }
0x2c9: {  	v6 =	vld [tilespmem:$0x1F770];
	v1 =	vadd.f32 v33, v8  }
0x2ca: {  	v5 =	vld [tilespmem:$0x1F760];
	v7 =	vadd.f32 v10, v7;
	v10 =	vmul.f32 v15, v61;
	v0 =	vadd.f32 v9, v0  }
0x2cb: {  	s19 =	sadd.s32 $0x3, s18;
	[tilespmem:$0x1F660] =	vst v1;
	v1 =	vadd.f32 v30, v2;
	v2 =	vld [tilespmem:$0x1F700]  }
0x2cc: {  	v30 =	vld [tilespmem:$0x1F7F0];
	[tilespmem:$0x1F650] =	vst v0;
	v0 =	vadd.f32 v10, v7;
	v7 =	vadd.s32 s19, v53  }
0x2cd: {  	v4 =	vld [tilespmem:$0x1F720];
	v7 =	vand.u32 $0x3F, v7  }
0x2ce: {  	v26 =	vld [tilespmem:$0x1F8B0];
	[tilespmem:$0x1F680] =	vst v0;
	v0 =	vadd.s32 s18, v53;
	v23 =	vadd.s32 v3, v7  }
0x2cf: {  	v27 =	vld [tilespmem:$0x1F8A0];
	v25 =	vadd.s32 v5, v7;
	v0 =	vand.u32 $0x3F, v0;
	v23 =	vadd.s32 v44, v23  }
0x2d0: {  	v54 =	vld [tilespmem:$0x1F7B0];
	v25 =	vadd.s32 v35, v25;
	v11 =	vadd.s32 v2, v0  }
0x2d1: {  	[tilespmem:$0x1F670] =	vst v1;
	v1 =	vld [tilespmem:$0x1F6F0];
	v12 =	vadd.s32 v3, v0;
	v11 =	vadd.s32 v30, v11  }
0x2d2: {  	v55 =	vld [tilespmem:$0x1F7C0];
	v13 =	vadd.s32 v4, v0;
	v12 =	vadd.s32 v44, v12  }
0x2d3: {  	v33 =	vld [tilespmem:$0x1F860];
	v14 =	vadd.s32 v5, v0;
	v13 =	vadd.s32 v36, v13  }
0x2d4: {  	v19 =	vadd.s32 v52, v0;
	v14 =	vadd.s32 v35, v14;
	v50 =	vld.idx.msk [tilespmem:v23+s17+$0x0], $0xffff  }
0x2d5: {  	v20 =	vadd.s32 v54, v0;
	v19 =	vadd.s32 v34, v19;
	v56 =	vld.idx.msk [tilespmem:v25+s17+$0x0], $0xffff  }
0x2d6: {  	v10 =	vadd.s32 v1, v0;
	v20 =	vadd.s32 v27, v20;
	v11 =	vld.idx.msk [tilespmem:v11+s15+$0x0], $0xffff  }
0x2d7: {  	v22 =	vadd.s32 v1, v7;
	v10 =	vadd.s32 v30, v10;
	v12 =	vld.idx.msk [tilespmem:v12+s17+$0x0], $0xffff  }
0x2d8: {  	v57 =	vadd.s32 v54, v7;
	v22 =	vadd.s32 v30, v22;
	v13 =	vld.idx.msk [tilespmem:v13+s17+$0x0], $0xffff  }
0x2d9: {  	v25 =	vadd.s32 v27, v57;
	v14 =	vld.idx.msk [tilespmem:v14+s17+$0x0], $0xffff  }
0x2da: {  	s20 =	sadd.s32 $0x1, s18;
	s22 =	sadd.s32 $0x2, s18;
	v19 =	vld.idx.msk [tilespmem:v19+s17+$0x0], $0xffff  }
0x2db: {  	v8 =	vadd.s32 s20, v53;
	v9 =	vadd.s32 s22, v53;
	v15 =	vadd.s32 v6, v0;
	v40 =	vld.idx.msk [tilespmem:v20+s17+$0x0], $0xffff  }
0x2dc: {  	v8 =	vand.u32 $0x3F, v8;
	v9 =	vand.u32 $0x3F, v9;
	v16 =	vld.idx.msk [tilespmem:v10+s14+$0x0], $0xffff;
	v10 =	vadd.s32 v33, v15  }
0x2dd: {  	v46 =	vadd.s32 v3, v8;
	v62 =	vadd.s32 v4, v9;
	v61 =	vld.idx.msk [tilespmem:v22+s14+$0x0], $0xffff  }
0x2de: {  	v60 =	vadd.s32 v3, v9;
	v63 =	vadd.s32 v5, v9;
	v62 =	vadd.s32 v36, v62;
	v3 =	vld.idx.msk [tilespmem:v25+s17+$0x0], $0xffff  }
0x2df: {  	v24 =	vadd.s32 v4, v7;
	v59 =	vadd.s32 v2, v9;
	v15 =	vadd.s32 v2, v7;
	[tilespmem:$0x1F620] =	vst v11;
	v11 =	vld [tilespmem:$0x1F870]  }
0x2e0: {  	v45 =	vadd.s32 v2, v8;
	v2 =	vadd.s32 v4, v8;
	v15 =	vadd.s32 v30, v15;
	[tilespmem:$0x1F630] =	vst v12;
	v12 =	vld [tilespmem:$0x1F880]  }
0x2e1: {  	v24 =	vadd.s32 v36, v24;
	v21 =	vadd.s32 v55, v0;
	v36 =	vadd.s32 v36, v2;
	v32 =	vld.idx.msk [tilespmem:v10+s17+$0x0], $0xffff  }
0x2e2: {  	v38 =	vadd.s32 v49, v9;
	v42 =	vadd.s32 v55, v9;
	v10 =	vadd.s32 v26, v21;
	v21 =	vld [tilespmem:$0x1F8C0]  }
0x2e3: {  	v39 =	vadd.s32 v52, v9;
	v48 =	vadd.s32 v6, v7;
	v25 =	vadd.s32 v26, v42;
	v42 =	vld.idx.msk [tilespmem:v62+s17+$0x0], $0xffff  }
0x2e4: {  	v53 =	vadd.s32 v49, v7;
	v28 =	vadd.s32 v51, v7;
	v17 =	vadd.s32 v49, v0;
	v2 =	vld [tilespmem:$0x1F620]  }
0x2e5: {  	v18 =	vadd.s32 v51, v0;
	v22 =	vadd.s32 v33, v48;
	v48 =	vld.idx.msk [tilespmem:v15+s15+$0x0], $0xffff;
	v17 =	vadd.s32 v11, v17  }
0x2e6: {  	v29 =	vadd.s32 v52, v7;
	v0 =	vadd.s32 v47, v0;
	v23 =	vld.idx.msk [tilespmem:v36+s17+$0x0], $0xffff;
	v18 =	vadd.s32 v12, v18  }
0x2e7: {  	v31 =	vadd.s32 v55, v7;
	v15 =	vadd.s32 v11, v53;
	v53 =	vld.idx.msk [tilespmem:v24+s17+$0x0], $0xffff;
	v0 =	vadd.s32 v21, v0  }
0x2e8: {  	v29 =	vadd.s32 v34, v29;
	v41 =	vld.idx.msk [tilespmem:v10+s17+$0x0], $0xffff;
	v10 =	vadd.s32 v54, v9;
	v54 =	vadd.s32 v54, v8  }
0x2e9: {  	v49 =	vadd.s32 v49, v8;
	v52 =	vadd.s32 v52, v8;
	v36 =	vadd.s32 v27, v54;
	v54 =	vld [tilespmem:$0x1F650]  }
0x2ea: {  	v55 =	vadd.s32 v55, v8;
	v58 =	vadd.s32 v1, v9;
	v57 =	vadd.s32 v47, v8;
	v17 =	vld.idx.msk [tilespmem:v17+s17+$0x0], $0xffff  }
0x2eb: {  	v20 =	vadd.s32 v51, v9;
	v51 =	vadd.s32 v51, v8;
	v28 =	vadd.s32 v12, v28;
	v18 =	vld.idx.msk [tilespmem:v18+s17+$0x0], $0xffff  }
0x2ec: {  	v7 =	vadd.s32 v47, v7;
	v4 =	vadd.s32 v5, v8;
	v5 =	vadd.s32 v6, v8;
	v43 =	vld.idx.msk [tilespmem:v0+s17+$0x0], $0xffff  }
0x2ed: {  	v0 =	vadd.s32 v1, v8;
	v8 =	vadd.s32 v30, v58;
	v58 =	vld.idx.msk [tilespmem:v22+s17+$0x0], $0xffff;
	v1 =	vadd.s32 v26, v31  }
0x2ee: {  	v31 =	vadd.s32 v30, v59;
	v59 =	vadd.s32 v44, v60;
	v60 =	vld.idx.msk [tilespmem:v15+s17+$0x0], $0xffff;
	v15 =	vadd.s32 v30, v45  }
0x2ef: {  	[tilespmem:$0x1F7E0] =	vst v1;
	v1 =	vadd.s32 v21, v7;
	v7 =	vadd.s32 v30, v0;
	v30 =	vld.idx.msk [tilespmem:v29+s17+$0x0], $0xffff  }
0x2f0: {  	[tilespmem:$0x1F810] =	vst v1;
	v1 =	vadd.s32 v35, v63;
	v63 =	vld.idx.msk [tilespmem:v28+s17+$0x0], $0xffff  }
0x2f1: {  	v28 =	vadd.s32 v44, v46;
	v46 =	vmul.f32 v2, v16;
	v2 =	vld [tilespmem:$0x1F630]  }
0x2f2: {  	v44 =	vadd.s32 v12, v20;
	v20 =	vadd.s32 v27, v10;
	v27 =	vld [tilespmem:$0x1F660]  }
0x2f3: {  	v24 =	vadd.s32 v11, v38;
	v38 =	vadd.s32 v12, v51;
	v12 =	vadd.s32 v26, v55;
	v55 =	vld [tilespmem:$0x1F670]  }
0x2f4: {  	v26 =	vld [tilespmem:$0x1F680]  }
0x2f5: {  	v22 =	vld.idx.msk [tilespmem:v8+s14+$0x0], $0xffff  }
0x2f6: {  	v8 =	vmul.f32 v40, v16;
	v40 =	vld.idx.msk [tilespmem:v1+s17+$0x0], $0xffff  }
0x2f7: {  	v1 =	vld [tilespmem:$0x1F6C0]  }
0x2f8: {  	v37 =	vadd.s32 v6, v9;
	[tilespmem:$0x1F830] =	vst v3;
	v10 =	vld.idx.msk [tilespmem:v31+s15+$0x0], $0xffff  }
0x2f9: {  	v3 =	vmul.f32 v13, v16;
	v13 =	vmul.f32 v14, v16;
	v9 =	vadd.s32 v47, v9;
	v47 =	vld.idx.msk [tilespmem:v15+s15+$0x0], $0xffff  }
0x2fa: {  	v14 =	vmul.f32 v17, v16;
	v17 =	vmul.f32 v58, v61;
	v58 =	vld [tilespmem:$0x1F6A0]  }
0x2fb: {  	v6 =	vmul.f32 v19, v16;
	v0 =	vadd.s32 v34, v39;
	v29 =	vld.idx.msk [tilespmem:v7+s14+$0x0], $0xffff  }
0x2fc: {  	v39 =	vadd.s32 v11, v49;
	v11 =	vmul.f32 v48, v61;
	v48 =	vadd.f32 v46, v1;
	v1 =	vld [tilespmem:$0x1F6D0]  }
0x2fd: {  	v7 =	vmul.f32 v32, v16;
	v32 =	vadd.s32 v21, v57;
	v57 =	vld [tilespmem:$0x1F6B0]  }
0x2fe: {  	[tilespmem:$0x1F730] =	vst v6;
	v45 =	vadd.s32 v33, v37;
	v6 =	vld.idx.msk [tilespmem:v28+s17+$0x0], $0xffff  }
0x2ff: {  	v5 =	vadd.s32 v33, v5;
	v2 =	vmul.f32 v2, v16;
	v28 =	vmul.f32 v43, v16;
	v43 =	vld.idx.msk [tilespmem:v59+s17+$0x0], $0xffff  }
0x300: {  	v59 =	vld [tilespmem:$0x1F640]  }
0x301: {  	p1 =	sne.s32 s18, $0x3C;
	v4 =	vadd.s32 v35, v4;
	v15 =	vmul.f32 v18, v16;
	v49 =	vadd.f32 v2, v1;
	v1 =	vld [tilespmem:$0x1F6E0]  }
.Ltmp4:
0x302: {  	[tilespmem:$0x1F740] =	vst v8;
	v8 =	vmul.f32 v41, v16;
	v16 =	vmul.f32 v56, v61;
	v56 =	vld [tilespmem:$0x1F690];
	(pc) =	sbr.rel @p1 .LBB2_7-.Ltmp4, $4  }
0x303: {  	v31 =	vadd.s32 v21, v9;
	v9 =	vmul.f32 v50, v61;
	v41 =	vld.idx.msk [tilespmem:v45+s17+$0x0], $0xffff  }
0x304: {  	v19 =	vmul.f32 v60, v61;
	v18 =	vmul.f32 v63, v61;
	v45 =	vld.idx.msk [tilespmem:v5+s17+$0x0], $0xffff  }
0x305: {  	v37 =	vadd.s32 v34, v52;
	[tilespmem:$0x1F750] =	vst v8;
	v8 =	vmul.f32 v53, v61;
	v53 =	vld [tilespmem:$0x1FEF0];
	v51 =	vmul.f32 v47, v29  }
0x306: {  	s18 =	sadd.s32 $0x4, s18;
	v52 =	vmul.f32 v23, v29;
	v47 =	vmul.f32 v6, v29;
	v46 =	vld.idx.msk [tilespmem:v4+s17+$0x0], $0xffff;
	v50 =	vadd.f32 v3, v1  }
0x307: {  	_ =	sdelay $0x3  }
0x308: {  	v1 =	vadd.f32 v51, v48;
	v2 =	vld.idx.msk [tilespmem:v39+s17+$0x0], $0xffff;
	v3 =	vmul.f32 v10, v22;
	v4 =	vmul.f32 v43, v22  }
0x309: {  	v10 =	vld.idx.msk [tilespmem:v38+s17+$0x0], $0xffff;
	v23 =	vmul.f32 v42, v22;
	v5 =	vadd.f32 v47, v49;
	v6 =	vadd.f32 v52, v50  }
0x30a: {  	v1 =	vadd.f32 v3, v1;
	v3 =	vld.idx.msk [tilespmem:v24+s17+$0x0], $0xffff  }
0x30b: {  	v4 =	vadd.f32 v4, v5;
	v5 =	vadd.f32 v23, v6;
	v23 =	vld.idx.msk [tilespmem:v44+s17+$0x0], $0xffff  }
0x30c: {  	v14 =	vadd.f32 v14, v57;
	v6 =	vmul.f32 v40, v22  }
0x30d: {  	v34 =	vmul.f32 v46, v29;
	v5 =	vadd.f32 v8, v5;
	v8 =	vadd.f32 v13, v56  }
0x30e: {  	v21 =	vld.idx.msk [tilespmem:v0+s17+$0x0], $0xffff;
	v15 =	vadd.f32 v15, v58;
	v2 =	vmul.f32 v2, v29;
	v10 =	vmul.f32 v10, v29  }
0x30f: {  	v0 =	vld.idx.msk [tilespmem:v25+s17+$0x0], $0xffff;
	v1 =	vadd.f32 v11, v1;
	v8 =	vadd.f32 v34, v8;
	v3 =	vmul.f32 v3, v22  }
0x310: {  	v11 =	vld.idx.msk [tilespmem:v20+s17+$0x0], $0xffff;
	v2 =	vadd.f32 v2, v14;
	v10 =	vadd.f32 v10, v15;
	v14 =	vmul.f32 v23, v22  }
0x311: {  	v7 =	vadd.f32 v7, v59;
	v20 =	vld.idx.msk [tilespmem:v36+s17+$0x0], $0xffff;
	v6 =	vadd.f32 v6, v8  }
0x312: {  	v2 =	vadd.f32 v3, v2;
	v3 =	vadd.f32 v14, v10;
	v14 =	vld [tilespmem:$0x1F7E0]  }
0x313: {  	v4 =	vadd.f32 v9, v4;
	v9 =	vmul.f32 v45, v29;
	v6 =	vadd.f32 v16, v6;
	v16 =	vld [tilespmem:$0x1F810]  }
0x314: {  	v13 =	vld.idx.msk [tilespmem:v37+s17+$0x0], $0xffff  }
0x315: {  	v35 =	vmul.f32 v41, v22;
	v7 =	vadd.f32 v9, v7;
	v9 =	vld.idx.msk [tilespmem:v12+s17+$0x0], $0xffff  }
0x316: {  	v12 =	vld.idx.msk [tilespmem:v32+s17+$0x0], $0xffff  }
0x317: {  	v7 =	vadd.f32 v35, v7;
	v10 =	vmul.f32 v11, v22;
	v11 =	vld.idx.msk [tilespmem:v31+s17+$0x0], $0xffff  }
0x318: {  	v3 =	vadd.f32 v18, v3;
	v18 =	vld [tilespmem:$0x1F740]  }
0x319: {  	v7 =	vadd.f32 v17, v7;
	v17 =	vld [tilespmem:$0x1F730]  }
0x31a: {  	v14 =	vld.idx.msk [tilespmem:v14+s17+$0x0], $0xffff  }
0x31b: {  	v16 =	vld.idx.msk [tilespmem:v16+s17+$0x0], $0xffff  }
0x31c: {  	[tilespmem:$0x18880] =	vst v6;
	v6 =	vld [tilespmem:$0x1F830]  }
0x31d: {  	v15 =	vmul.f32 v20, v29;
	v2 =	vadd.f32 v19, v2;
	v19 =	vld [tilespmem:$0x1F750];
	v18 =	vadd.f32 v18, v55;
	_ =	sdelay $0x1  }
0x31e: {  	[tilespmem:$0x18780] =	vst v4;
	v4 =	vadd.f32 v15, v18  }
0x31f: {  	v13 =	vmul.f32 v13, v29;
	v17 =	vadd.f32 v17, v27  }
0x320: {  	v8 =	vmul.f32 v21, v22;
	v4 =	vadd.f32 v10, v4;
	v6 =	vmul.f32 v6, v61  }
0x321: {  	v9 =	vmul.f32 v9, v29;
	v19 =	vadd.f32 v19, v54;
	v13 =	vadd.f32 v13, v17  }
0x322: {  	v12 =	vmul.f32 v12, v29;
	[tilespmem:$0x18700] =	vst v1;
	v1 =	vadd.f32 v28, v26;
	v4 =	vadd.f32 v6, v4;
	v6 =	vld [tilespmem:$0x1FEC0]  }
0x323: {  	v33 =	vmul.f32 v30, v61;
	v0 =	vmul.f32 v0, v22;
	v9 =	vadd.f32 v9, v19  }
0x324: {  	[tilespmem:$0x18800] =	vst v5;
	v5 =	vmul.f32 v11, v22;
	v8 =	vadd.f32 v8, v13;
	v1 =	vadd.f32 v12, v1  }
0x325: {  	[tilespmem:$0x18900] =	vst v7;
	v0 =	vadd.f32 v0, v9;
	v7 =	vmul.f32 v14, v61  }
0x326: {  	[tilespmem:$0x18980] =	vst v2;
	v1 =	vadd.f32 v5, v1;
	v5 =	vadd.f32 v33, v8  }
0x327: {  	[tilespmem:$0x18A00] =	vst v3;
	v2 =	vmul.f32 v16, v61;
	v0 =	vadd.f32 v7, v0;
	v3 =	vadd.s32 $0x1E0, v6  }
0x328: {  	[tilespmem:$0x18A80] =	vst v5;
	v5 =	vadd.s32 $0x1E1, v6  }
0x329: {  	v7 =	vld [tilespmem:$0x1FEE0];
	v1 =	vadd.f32 v2, v1;
	[tilespmem:$0x18B80] =	vst v0;
	v0 =	vadd.s32 $0x1E3, v6  }
0x32a: {  	v26 =	vld [tilespmem:$0xB0];
	[tilespmem:$0x18B00] =	vst v4  }
0x32b: {  	v28 =	vld [tilespmem:$0x1B0];
	[tilespmem:$0x18C00] =	vst v1;
	v2 =	vadd.s32 $0x1E2, v6  }
0x32c: {  	v1 =	vadd.s32 $0x1E4, v6;
	v40 =	vld.idx.msk [tilespmem:v3+s6+$0x0], $0xffff  }
0x32d: {  	v4 =	vadd.s32 $0x1E6, v6;
	v46 =	vld.idx.msk [tilespmem:v5+s6+$0x0], $0xffff  }
0x32e: {  	v54 =	vadd.s32 $0xF000, v7;
	v48 =	vld.idx.msk [tilespmem:v0+s6+$0x0], $0xffff  }
0x32f: {  	v55 =	vadd.s32 $0xF080, v7;
	v56 =	vadd.s32 $0xF100, v7;
	v57 =	vadd.s32 $0xF180, v7;
	v0 =	vld [tilespmem:$0x1FF00]  }
0x330: {  	v58 =	vadd.s32 $0xF200, v7;
	v59 =	vadd.s32 $0xF280, v7;
	v3 =	vadd.s32 $0x1E5, v6;
	v47 =	vld.idx.msk [tilespmem:v2+s6+$0x0], $0xffff  }
0x331: {  	s19 =	simm.s32 $0x3;
	v60 =	vadd.s32 $0xF300, v7;
	v23 =	vadd.s32 $0xF380, v7;
	v62 =	vadd.s32 $0xF400, v7;
	v49 =	vld.idx.msk [tilespmem:v1+s6+$0x0], $0xffff  }
0x332: {  	v33 =	vadd.s32 $0xF480, v7;
	v2 =	vadd.s32 $0x1E7, v6;
	v52 =	vld.idx.msk [tilespmem:v4+s6+$0x0], $0xffff;
	v1 =	vadd.s32 s19, v53  }
0x333: {  	[tilespmem:$0x1F420] =	vst v26;
	v5 =	vadd.s32 $0x1E8, v6;
	v6 =	vadd.s32 $0x1E9, v6;
	v1 =	vand.u32 $0x3F, v1  }
0x334: {  	s18 =	simm.s32 $0x0;
	s20 =	simm.s32 $0x2;
	[tilespmem:$0x1F430] =	vst v28;
	v15 =	vadd.s32 v26, v1;
	v16 =	vadd.s32 v28, v1;
	v44 =	vor.u32 $0x1800, v0  }
0x335: {  	[tilespmem:$0x1F540] =	vst v54;
	v50 =	vld.idx.msk [tilespmem:v3+s6+$0x0], $0xffff;
	v0 =	vadd.s32 s18, v53;
	v3 =	vadd.s32 s20, v53;
	v17 =	vadd.s32 v40, v1  }
0x336: {  	[tilespmem:$0x1F550] =	vst v55;
	v18 =	vadd.s32 v46, v1;
	v42 =	vadd.s32 v47, v1;
	v61 =	vadd.s32 v48, v1  }
0x337: {  	[tilespmem:$0x1F570] =	vst v56;
	v43 =	vld.idx.msk [tilespmem:v2+s6+$0x0], $0xffff;
	v21 =	vadd.s32 v49, v1;
	v51 =	vadd.s32 v52, v1;
	v0 =	vand.u32 $0x3F, v0  }
0x338: {  	[tilespmem:$0x1F580] =	vst v57;
	v19 =	vld.idx.msk [tilespmem:v5+s6+$0x0], $0xffff;
	v3 =	vand.u32 $0x3F, v3;
	v15 =	vadd.s32 v44, v15;
	v16 =	vadd.s32 v44, v16  }
0x339: {  	v20 =	vld.idx.msk [tilespmem:v6+s6+$0x0], $0xffff;
	v18 =	vadd.s32 v55, v18;
	v4 =	vadd.s32 v26, v0;
	v5 =	vadd.s32 v28, v0  }
0x33a: {  	[tilespmem:$0x1F450] =	vst v46;
	v6 =	vadd.s32 v40, v0;
	v7 =	vadd.s32 v46, v0;
	v4 =	vadd.s32 v44, v4  }
0x33b: {  	[tilespmem:$0x1F490] =	vst v47;
	v8 =	vadd.s32 v47, v0;
	v9 =	vadd.s32 v48, v0;
	v5 =	vadd.s32 v44, v5  }
0x33c: {  	[tilespmem:$0x1F4A0] =	vst v48;
	v10 =	vadd.s32 v49, v0;
	v12 =	vadd.s32 v52, v0;
	v6 =	vadd.s32 v54, v6  }
0x33d: {  	[tilespmem:$0x1F4B0] =	vst v49;
	v30 =	vadd.s32 v26, v3;
	v31 =	vadd.s32 v28, v3;
	v10 =	vadd.s32 v58, v10  }
0x33e: {  	[tilespmem:$0x1F4D0] =	vst v52;
	v32 =	vadd.s32 v40, v3;
	v34 =	vadd.s32 v46, v3;
	v7 =	vadd.s32 v55, v7  }
0x33f: {  	v35 =	vadd.s32 v47, v3;
	v37 =	vadd.s32 v49, v3;
	v8 =	vadd.s32 v56, v8;
	v4 =	vld.idx.msk [tilespmem:v4+s14+$0x0], $0xffff  }
0x340: {  	v39 =	vadd.s32 v52, v3;
	v12 =	vadd.s32 v60, v12;
	v11 =	vadd.s32 v50, v0;
	v5 =	vld.idx.msk [tilespmem:v5+s15+$0x0], $0xffff  }
0x341: {  	v9 =	vadd.s32 v57, v9;
	v14 =	vadd.s32 v19, v0;
	v11 =	vadd.s32 v59, v11;
	v6 =	vld.idx.msk [tilespmem:v6+s17+$0x0], $0xffff  }
0x342: {  	v13 =	vadd.s32 v43, v0;
	v0 =	vadd.s32 v20, v0;
	v14 =	vadd.s32 v62, v14;
	v10 =	vld.idx.msk [tilespmem:v10+s17+$0x0], $0xffff  }
0x343: {  	v22 =	vadd.s32 v50, v1;
	v24 =	vadd.s32 v43, v1;
	v63 =	vadd.s32 v19, v1;
	v7 =	vld.idx.msk [tilespmem:v7+s17+$0x0], $0xffff  }
0x344: {  	v45 =	vadd.s32 v20, v1;
	v1 =	vadd.s32 v48, v3;
	v13 =	vadd.s32 v23, v13;
	v8 =	vld.idx.msk [tilespmem:v8+s17+$0x0], $0xffff  }
0x345: {  	v38 =	vadd.s32 v50, v3;
	v29 =	vadd.s32 v43, v3;
	v0 =	vadd.s32 v33, v0;
	v12 =	vld.idx.msk [tilespmem:v12+s17+$0x0], $0xffff  }
0x346: {  	s30 =	simm.s32 $0x1;
	v41 =	vadd.s32 v19, v3;
	v36 =	vadd.s32 v20, v3;
	v11 =	vld.idx.msk [tilespmem:v11+s17+$0x0], $0xffff;
	v6 =	vmul.f32 v6, v4  }
0x347: {  	v2 =	vadd.s32 s30, v53;
	[tilespmem:$0x1F4C0] =	vst v50;
	v27 =	vld.idx.msk [tilespmem:v14+s17+$0x0], $0xffff;
	v14 =	vmul.f32 v10, v4;
	v10 =	vadd.s32 v58, v21  }
0x348: {  	v2 =	vand.u32 $0x3F, v2;
	v3 =	vadd.s32 v56, v42;
	v9 =	vld.idx.msk [tilespmem:v9+s17+$0x0], $0xffff;
	[tilespmem:$0x1F600] =	vst v6;
	v6 =	vmul.f32 v7, v4  }
0x349: {  	v42 =	vadd.s32 v28, v2;
	[tilespmem:$0x1F560] =	vst v1;
	v1 =	vadd.s32 v26, v2;
	v25 =	vld.idx.msk [tilespmem:v13+s17+$0x0], $0xffff  }
0x34a: {  	v0 =	vld.idx.msk [tilespmem:v0+s17+$0x0], $0xffff;
	v5 =	vmul.f32 v5, v4;
	[tilespmem:$0x1F610] =	vst v6;
	v6 =	vadd.s32 v57, v61  }
0x34b: {  	v61 =	vld.idx.msk [tilespmem:v15+s14+$0x0], $0xffff;
	v15 =	vmul.f32 v11, v4;
	v11 =	vmul.f32 v12, v4;
	v12 =	vadd.s32 v59, v22  }
0x34c: {  	v13 =	vmul.f32 v8, v4;
	v26 =	vld.idx.msk [tilespmem:v10+s17+$0x0], $0xffff;
	v10 =	vadd.s32 v44, v1;
	v1 =	vadd.s32 v62, v63  }
0x34d: {  	v7 =	vmul.f32 v9, v4;
	v9 =	vld.idx.msk [tilespmem:v16+s15+$0x0], $0xffff;
	[tilespmem:$0x1F510] =	vst v1;
	v1 =	vadd.s32 v33, v45  }
0x34e: {  	v8 =	vadd.s32 v46, v2;
	v21 =	vadd.s32 v44, v30;
	v46 =	vadd.s32 v48, v2;
	[tilespmem:$0x1F530] =	vst v1;
	v1 =	vld [tilespmem:$0x1F560]  }
0x34f: {  	[tilespmem:$0x1F5F0] =	vst v5;
	v5 =	vadd.s32 v40, v2;
	v16 =	vmul.f32 v27, v4;
	v48 =	vld.idx.msk [tilespmem:v6+s17+$0x0], $0xffff  }
0x350: {  	v6 =	vld.idx.msk [tilespmem:v12+s17+$0x0], $0xffff;
	v12 =	vadd.s32 v44, v42;
	v42 =	vadd.s32 v54, v32;
	v32 =	vadd.s32 v54, v5  }
0x351: {  	v17 =	vadd.s32 v54, v17;
	[tilespmem:$0x1F470] =	vst v16;
	v16 =	vld.idx.msk [tilespmem:v18+s17+$0x0], $0xffff  }
0x352: {  	[tilespmem:$0x1F500] =	vst v20;
	v8 =	vadd.s32 v55, v8;
	v46 =	vadd.s32 v57, v46;
	v18 =	vld.idx.msk [tilespmem:v3+s17+$0x0], $0xffff  }
0x353: {  	v28 =	vmul.f32 v25, v4;
	v0 =	vmul.f32 v0, v4;
	v4 =	vadd.s32 v47, v2;
	v22 =	vld.idx.msk [tilespmem:v21+s14+$0x0], $0xffff  }
0x354: {  	v47 =	vadd.s32 v49, v2;
	v3 =	vadd.s32 v20, v2;
	v20 =	vadd.s32 v23, v29;
	v29 =	vld.idx.msk [tilespmem:v10+s14+$0x0], $0xffff  }
0x355: {  	v49 =	vadd.s32 v50, v2;
	[tilespmem:$0x1F480] =	vst v0;
	v5 =	vadd.s32 v57, v1;
	v1 =	vld.idx.msk [tilespmem:v32+s17+$0x0], $0xffff  }
0x356: {  	v50 =	vadd.s32 v52, v2;
	v0 =	vadd.s32 v60, v51;
	[tilespmem:$0x1F460] =	vst v11;
	v11 =	vld.idx.msk [tilespmem:v17+s17+$0x0], $0xffff  }
0x357: {  	v52 =	vadd.s32 v19, v2;
	v51 =	vadd.s32 v43, v2;
	v63 =	vadd.s32 v44, v31;
	v2 =	vld.idx.msk [tilespmem:v8+s17+$0x0], $0xffff  }
0x358: {  	[tilespmem:$0x1F590] =	vst v58;
	v17 =	vadd.s32 v23, v24;
	v24 =	vadd.s32 v58, v37;
	v37 =	vadd.s32 v33, v3;
	v3 =	vld [tilespmem:$0x1F5F0]  }
0x359: {  	[tilespmem:$0x1F5A0] =	vst v59;
	v46 =	vld.idx.msk [tilespmem:v46+s17+$0x0], $0xffff  }
0x35a: {  	[tilespmem:$0x1F520] =	vst v44;
	v44 =	vadd.s32 v60, v39;
	v39 =	vadd.s32 v58, v47;
	v47 =	vmul.f32 v1, v29;
	v1 =	vld [tilespmem:$0x1F600]  }
0x35b: {  	v30 =	vadd.s32 v33, v36;
	v25 =	vadd.s32 v62, v41;
	v4 =	vadd.s32 v56, v4;
	v0 =	vld.idx.msk [tilespmem:v0+s17+$0x0], $0xffff  }
0x35c: {  	v45 =	vadd.s32 v55, v34;
	v34 =	vadd.s32 v59, v38;
	v38 =	vadd.s32 v59, v49;
	v10 =	vld.idx.msk [tilespmem:v63+s15+$0x0], $0xffff  }
0x35d: {  	[tilespmem:$0x1F5B0] =	vst v60;
	v36 =	vadd.s32 v23, v51;
	v59 =	vimm.f32 $0.0e+00;
	v55 =	vimm.f32 $0.0e+00;
	v31 =	vld.idx.msk [tilespmem:v17+s17+$0x0], $0xffff  }
0x35e: {  	[tilespmem:$0x1F5C0] =	vst v23;
	v54 =	vadd.s32 v56, v35;
	v27 =	vmul.f32 v11, v61;
	v11 =	vimm.f32 $0.0e+00;
	v56 =	vld.idx.msk [tilespmem:v12+s15+$0x0], $0xffff  }
0x35f: {  	[tilespmem:$0x1F4E0] =	vst v43;
	v8 =	vmul.f32 v9, v61;
	v58 =	vimm.f32 $0.0e+00;
	v49 =	vadd.f32 v1, v11;
	v1 =	vld [tilespmem:$0x1F610]  }
0x360: {  	[tilespmem:$0x1F4F0] =	vst v19;
	v9 =	vmul.f32 v16, v61;
	v19 =	vmul.f32 v26, v61;
	v26 =	vimm.f32 $0.0e+00;
	v43 =	vld.idx.msk [tilespmem:v42+s17+$0x0], $0xffff  }
0x361: {  	[tilespmem:$0x1F5D0] =	vst v62;
	v17 =	vmul.f32 v18, v61;
	v57 =	vimm.f32 $0.0e+00;
	v12 =	vadd.s32 v60, v50;
	v42 =	vld.idx.msk [tilespmem:v45+s17+$0x0], $0xffff  }
0x362: {  	v32 =	vadd.s32 v62, v52;
	v18 =	vmul.f32 v48, v61;
	v16 =	vmul.f32 v6, v61;
	v45 =	vld.idx.msk [tilespmem:v4+s17+$0x0], $0xffff  }
0x363: {  	[tilespmem:$0x1F440] =	vst v40;
	v48 =	vadd.f32 v3, v11;
	v40 =	vld.idx.msk [tilespmem:v54+s17+$0x0], $0xffff;
	v54 =	vimm.f32 $0.0e+00;
	v51 =	vmul.f32 v56, v29  }
0x364: {  	[tilespmem:$0x1F5E0] =	vst v33;
	s18 =	simm.s32 $0x4;
	v52 =	vmul.f32 v2, v29;
	v41 =	vld.idx.msk [tilespmem:v5+s17+$0x0], $0xffff;
	v56 =	vimm.f32 $0.0e+00;
	v50 =	vadd.f32 v1, v11  }
.LBB2_9:
0x365: {  	v48 =	vadd.f32 v51, v48;
	v10 =	vmul.f32 v10, v22;
	_ =	sdelay $0x1  }
0x366: {  	v45 =	vmul.f32 v45, v29;
	v3 =	vadd.f32 v13, v11;
	v10 =	vadd.f32 v10, v48  }
0x367: {  	v33 =	vmul.f32 v0, v61;
	v40 =	vmul.f32 v40, v22;
	v6 =	vadd.f32 v7, v59  }
0x368: {  	v3 =	vadd.f32 v45, v3;
	v0 =	vadd.f32 v8, v10;
	v8 =	vmul.f32 v46, v29;
	_ =	sdelay $0x1  }
0x369: {  	v41 =	vmul.f32 v41, v22;
	v3 =	vadd.f32 v40, v3;
	v6 =	vadd.f32 v8, v6;
	_ =	sdelay $0x1  }
0x36a: {  	v1 =	vadd.f32 v17, v3;
	v6 =	vadd.f32 v41, v6  }
0x36b: {  	v39 =	vld.idx.msk [tilespmem:v39+s17+$0x0], $0xffff  }
0x36c: {  	v38 =	vld.idx.msk [tilespmem:v38+s17+$0x0], $0xffff;
	[tilespmem:$0x1F3A0] =	vst v1;
	v1 =	vadd.f32 v18, v6  }
0x36d: {  	v35 =	vld.idx.msk [tilespmem:v24+s17+$0x0], $0xffff  }
0x36e: {  	[tilespmem:$0x1F370] =	vst v1;
	v1 =	vld [tilespmem:$0x1F510]  }
0x36f: {  	v34 =	vld.idx.msk [tilespmem:v34+s17+$0x0], $0xffff  }
0x370: {  	v4 =	vadd.f32 v14, v57;
	v7 =	vmul.f32 v39, v29  }
0x371: {  	v5 =	vadd.f32 v15, v58  }
0x372: {  	v11 =	vmul.f32 v38, v29;
	v13 =	vmul.f32 v35, v22;
	v4 =	vadd.f32 v7, v4;
	_ =	sdelay $0x1  }
0x373: {  	v5 =	vadd.f32 v11, v5;
	v11 =	vmul.f32 v34, v22;
	v4 =	vadd.f32 v13, v4;
	_ =	sdelay $0x1  }
0x374: {  	v5 =	vadd.f32 v11, v5;
	v13 =	vld.idx.msk [tilespmem:v1+s17+$0x0], $0xffff;
	v1 =	vadd.f32 v19, v4;
	_ =	sdelay $0x1  }
0x375: {  	[tilespmem:$0x1F3E0] =	vst v1;
	v1 =	vadd.f32 v16, v5;
	_ =	sdelay $0x1  }
0x376: {  	v47 =	vadd.f32 v47, v49;
	v43 =	vmul.f32 v43, v22;
	[tilespmem:$0x1F3D0] =	vst v1;
	v1 =	vld [tilespmem:$0x1F530];
	_ =	sdelay $0x1  }
0x377: {  	v21 =	vld.idx.msk [tilespmem:v44+s17+$0x0], $0xffff;
	v52 =	vadd.f32 v52, v50;
	v42 =	vmul.f32 v42, v22;
	v43 =	vadd.f32 v43, v47  }
0x378: {  	v7 =	vld.idx.msk [tilespmem:v37+s17+$0x0], $0xffff  }
0x379: {  	v42 =	vadd.f32 v42, v52;
	v10 =	vld.idx.msk [tilespmem:v20+s17+$0x0], $0xffff;
	[tilespmem:$0x1F3F0] =	vst v0;
	v0 =	vadd.f32 v27, v43  }
0x37a: {  	v3 =	vld [tilespmem:$0x1F470]  }
0x37b: {  	[tilespmem:$0x1F400] =	vst v0;
	v0 =	vadd.f32 v9, v42;
	v9 =	vld.idx.msk [tilespmem:v12+s17+$0x0], $0xffff  }
0x37c: {  	v12 =	vld.idx.msk [tilespmem:v36+s17+$0x0], $0xffff  }
0x37d: {  	v15 =	vld.idx.msk [tilespmem:v1+s17+$0x0], $0xffff  }
0x37e: {  	v1 =	vld [tilespmem:$0x1F460]  }
0x37f: {  	v8 =	vld.idx.msk [tilespmem:v32+s17+$0x0], $0xffff  }
0x380: {  	[tilespmem:$0x1F410] =	vst v0;
	v0 =	vld.idx.msk [tilespmem:v25+s17+$0x0], $0xffff  }
0x381: {  	v16 =	vadd.f32 v3, v54;
	v3 =	vld [tilespmem:$0x1F480]  }
0x382: {  	v2 =	vadd.f32 v28, v56;
	v14 =	vmul.f32 v21, v22  }
0x383: {  	v11 =	vld.idx.msk [tilespmem:v30+s17+$0x0], $0xffff;
	v9 =	vmul.f32 v9, v29;
	v12 =	vmul.f32 v12, v29;
	v1 =	vadd.f32 v1, v55  }
0x384: {  	v7 =	vmul.f32 v7, v29;
	v8 =	vmul.f32 v8, v29  }
0x385: {  	v10 =	vmul.f32 v10, v22;
	v2 =	vadd.f32 v12, v2;
	v1 =	vadd.f32 v9, v1  }
0x386: {  	v44 =	vld [tilespmem:$0x1F540];
	v0 =	vmul.f32 v0, v22;
	v8 =	vadd.f32 v8, v16;
	v17 =	vadd.f32 v3, v26  }
0x387: {  	v49 =	vld [tilespmem:$0x1F4B0];
	v2 =	vadd.f32 v10, v2;
	v10 =	vmul.f32 v13, v61;
	v1 =	vadd.f32 v14, v1  }
0x388: {  	v51 =	vld [tilespmem:$0x1F4C0];
	v0 =	vadd.f32 v0, v8;
	v7 =	vadd.f32 v7, v17;
	v9 =	vmul.f32 v11, v22  }
0x389: {  	v31 =	vmul.f32 v31, v61;
	v57 =	vld [tilespmem:$0x1F500];
	v1 =	vadd.f32 v33, v1  }
0x38a: {  	v35 =	vld [tilespmem:$0x1F570];
	v0 =	vadd.f32 v10, v0;
	v8 =	vmul.f32 v15, v61;
	v7 =	vadd.f32 v9, v7  }
0x38b: {  	[tilespmem:$0x1F3B0] =	vst v1;
	v1 =	vadd.f32 v31, v2;
	v2 =	vld [tilespmem:$0x1F430]  }
0x38c: {  	[tilespmem:$0x1F380] =	vst v0;
	v0 =	vadd.f32 v8, v7;
	v31 =	vld [tilespmem:$0x1F520]  }
0x38d: {  	v52 =	vld [tilespmem:$0x1F4D0]  }
0x38e: {  	v32 =	vld [tilespmem:$0x1F590];
	[tilespmem:$0x1F390] =	vst v0;
	v0 =	vadd.s32 s18, v53  }
0x38f: {  	v27 =	vld [tilespmem:$0x1F5B0];
	v0 =	vand.u32 $0x3F, v0  }
0x390: {  	v3 =	vld [tilespmem:$0x1F440];
	v11 =	vadd.s32 v2, v0  }
0x391: {  	v36 =	vld [tilespmem:$0x1F550];
	v11 =	vadd.s32 v31, v11  }
0x392: {  	v5 =	vld [tilespmem:$0x1F490]  }
0x393: {  	s19 =	sadd.s32 $0x3, s18;
	v6 =	vld [tilespmem:$0x1F4A0]  }
0x394: {  	v7 =	vadd.s32 s19, v53;
	[tilespmem:$0x1F3C0] =	vst v1;
	v1 =	vld [tilespmem:$0x1F420]  }
0x395: {  	v4 =	vld [tilespmem:$0x1F450];
	v7 =	vand.u32 $0x3F, v7;
	v12 =	vadd.s32 v3, v0  }
0x396: {  	v23 =	vadd.s32 v3, v7;
	v12 =	vadd.s32 v44, v12;
	v11 =	vld.idx.msk [tilespmem:v11+s15+$0x0], $0xffff  }
0x397: {  	v54 =	vld [tilespmem:$0x1F4E0];
	v25 =	vadd.s32 v5, v7;
	v23 =	vadd.s32 v44, v23  }
0x398: {  	v26 =	vld [tilespmem:$0x1F5C0];
	v25 =	vadd.s32 v35, v25;
	v17 =	vadd.s32 v49, v0  }
0x399: {  	v55 =	vld [tilespmem:$0x1F4F0];
	v17 =	vadd.s32 v32, v17;
	v10 =	vadd.s32 v1, v0  }
0x39a: {  	v33 =	vld [tilespmem:$0x1F580];
	v13 =	vadd.s32 v4, v0;
	v10 =	vadd.s32 v31, v10  }
0x39b: {  	v19 =	vadd.s32 v52, v0;
	v13 =	vadd.s32 v36, v13;
	[tilespmem:$0x1F340] =	vst v11;
	v11 =	vld.idx.msk [tilespmem:v12+s17+$0x0], $0xffff  }
0x39c: {  	v20 =	vadd.s32 v54, v0;
	v19 =	vadd.s32 v27, v19;
	v50 =	vld.idx.msk [tilespmem:v23+s17+$0x0], $0xffff  }
0x39d: {  	v20 =	vadd.s32 v26, v20;
	v56 =	vld.idx.msk [tilespmem:v25+s17+$0x0], $0xffff;
	v22 =	vadd.s32 v1, v7  }
0x39e: {  	v17 =	vld.idx.msk [tilespmem:v17+s17+$0x0], $0xffff;
	v22 =	vadd.s32 v31, v22  }
0x39f: {  	s22 =	sadd.s32 $0x2, s18;
	v15 =	vadd.s32 v6, v0;
	v16 =	vld.idx.msk [tilespmem:v10+s14+$0x0], $0xffff  }
0x3a0: {  	v9 =	vadd.s32 s22, v53;
	v10 =	vadd.s32 v33, v15;
	v15 =	vadd.s32 v2, v7;
	[tilespmem:$0x1F350] =	vst v11;
	v11 =	vld.idx.msk [tilespmem:v13+s17+$0x0], $0xffff  }
0x3a1: {  	s20 =	sadd.s32 $0x1, s18;
	v9 =	vand.u32 $0x3F, v9;
	v19 =	vld.idx.msk [tilespmem:v19+s17+$0x0], $0xffff;
	v15 =	vadd.s32 v31, v15  }
0x3a2: {  	v8 =	vadd.s32 s20, v53;
	v34 =	vadd.s32 v3, v9;
	v14 =	vadd.s32 v5, v0;
	v40 =	vld.idx.msk [tilespmem:v20+s17+$0x0], $0xffff  }
0x3a3: {  	v62 =	vadd.s32 v4, v9;
	v63 =	vadd.s32 v5, v9;
	v14 =	vadd.s32 v35, v14;
	v61 =	vld.idx.msk [tilespmem:v22+s14+$0x0], $0xffff  }
0x3a4: {  	v37 =	vadd.s32 v6, v9;
	v38 =	vadd.s32 v49, v9;
	v8 =	vand.u32 $0x3F, v8;
	v12 =	vld [tilespmem:$0x1F5A0]  }
0x3a5: {  	v24 =	vadd.s32 v4, v7;
	v53 =	vadd.s32 v49, v7;
	v60 =	vadd.s32 v2, v9;
	[tilespmem:$0x1F360] =	vst v11;
	v11 =	vld [tilespmem:$0x1F5D0]  }
0x3a6: {  	v45 =	vadd.s32 v2, v8;
	v2 =	vadd.s32 v4, v8;
	v48 =	vld.idx.msk [tilespmem:v15+s15+$0x0], $0xffff;
	v15 =	vadd.s32 v32, v53  }
0x3a7: {  	v62 =	vadd.s32 v36, v62;
	v24 =	vadd.s32 v36, v24;
	v36 =	vadd.s32 v36, v2;
	v2 =	vld [tilespmem:$0x1F340]  }
0x3a8: {  	v39 =	vadd.s32 v52, v9;
	v42 =	vadd.s32 v55, v9;
	v18 =	vadd.s32 v51, v0;
	v13 =	vld.idx.msk [tilespmem:v14+s17+$0x0], $0xffff  }
0x3a9: {  	v47 =	vadd.s32 v6, v7;
	v21 =	vadd.s32 v55, v0;
	v18 =	vadd.s32 v12, v18;
	v14 =	vld.idx.msk [tilespmem:v10+s17+$0x0], $0xffff  }
0x3aa: {  	v28 =	vadd.s32 v51, v7;
	v30 =	vadd.s32 v54, v7;
	v10 =	vadd.s32 v11, v21;
	v21 =	vld [tilespmem:$0x1F5E0]  }
0x3ab: {  	v25 =	vadd.s32 v26, v30;
	v30 =	vadd.s32 v31, v60;
	v60 =	vld.idx.msk [tilespmem:v15+s17+$0x0], $0xffff;
	v15 =	vadd.s32 v31, v45  }
0x3ac: {  	v29 =	vadd.s32 v52, v7;
	v59 =	vadd.s32 v55, v7;
	v46 =	vadd.s32 v3, v8;
	v53 =	vld.idx.msk [tilespmem:v24+s17+$0x0], $0xffff  }
0x3ad: {  	v29 =	vadd.s32 v27, v29;
	v49 =	vadd.s32 v49, v8;
	v52 =	vadd.s32 v52, v8;
	v23 =	vld.idx.msk [tilespmem:v36+s17+$0x0], $0xffff  }
0x3ae: {  	v55 =	vadd.s32 v55, v8;
	v0 =	vadd.s32 v57, v0;
	v58 =	vadd.s32 v1, v9;
	v18 =	vld.idx.msk [tilespmem:v18+s17+$0x0], $0xffff  }
0x3af: {  	v22 =	vadd.s32 v33, v47;
	v47 =	vadd.s32 v5, v8;
	v3 =	vld [tilespmem:$0x1F360];
	v0 =	vadd.s32 v21, v0  }
0x3b0: {  	v20 =	vadd.s32 v51, v9;
	v7 =	vadd.s32 v57, v7;
	v4 =	vadd.s32 v35, v47;
	v47 =	vld.idx.msk [tilespmem:v15+s15+$0x0], $0xffff  }
0x3b1: {  	v28 =	vadd.s32 v12, v28;
	v41 =	vld.idx.msk [tilespmem:v10+s17+$0x0], $0xffff;
	v10 =	vadd.s32 v54, v9;
	v54 =	vadd.s32 v54, v8  }
0x3b2: {  	v9 =	vadd.s32 v57, v9;
	v57 =	vadd.s32 v57, v8;
	v36 =	vadd.s32 v26, v54;
	v54 =	vld [tilespmem:$0x1F380]  }
0x3b3: {  	v51 =	vadd.s32 v51, v8;
	v45 =	vadd.s32 v33, v37;
	v37 =	vadd.s32 v21, v57;
	v57 =	vld [tilespmem:$0x1F3E0]  }
0x3b4: {  	v5 =	vadd.s32 v6, v8;
	v43 =	vld.idx.msk [tilespmem:v0+s17+$0x0], $0xffff;
	v0 =	vadd.s32 v1, v8;
	v8 =	vadd.s32 v31, v58  }
0x3b5: {  	v58 =	vld.idx.msk [tilespmem:v22+s17+$0x0], $0xffff;
	v1 =	vadd.s32 v11, v59;
	v59 =	vadd.s32 v44, v34;
	v34 =	vadd.s32 v12, v20  }
0x3b6: {  	v20 =	vadd.s32 v26, v10;
	v10 =	vld.idx.msk [tilespmem:v30+s15+$0x0], $0xffff;
	[tilespmem:$0x1F510] =	vst v1;
	v1 =	vadd.s32 v21, v7  }
0x3b7: {  	v7 =	vadd.s32 v31, v0;
	[tilespmem:$0x1F530] =	vst v1;
	v1 =	vld.idx.msk [tilespmem:v28+s17+$0x0], $0xffff  }
0x3b8: {  	v28 =	vadd.s32 v44, v46;
	v46 =	vmul.f32 v2, v16;
	v2 =	vld [tilespmem:$0x1F350]  }
0x3b9: {  	v6 =	vmul.f32 v19, v16;
	v26 =	vld [tilespmem:$0x1F390]  }
0x3ba: {  	v13 =	vmul.f32 v13, v16;
	v15 =	vmul.f32 v18, v16;
	v0 =	vld.idx.msk [tilespmem:v29+s17+$0x0], $0xffff  }
0x3bb: {  	v3 =	vmul.f32 v3, v16;
	v22 =	vld.idx.msk [tilespmem:v8+s14+$0x0], $0xffff;
	v8 =	vmul.f32 v41, v16  }
0x3bc: {  	v29 =	vld.idx.msk [tilespmem:v7+s14+$0x0], $0xffff;
	v7 =	vmul.f32 v14, v16;
	v14 =	vmul.f32 v17, v16  }
0x3bd: {  	[tilespmem:$0x1F460] =	vst v6;
	v2 =	vmul.f32 v2, v16;
	v6 =	vld.idx.msk [tilespmem:v28+s17+$0x0], $0xffff;
	v28 =	vmul.f32 v40, v16  }
0x3be: {  	[tilespmem:$0x1F470] =	vst v8;
	v8 =	vmul.f32 v43, v16;
	v16 =	vmul.f32 v1, v61;
	v1 =	vld [tilespmem:$0x1F3F0]  }
0x3bf: {  	v30 =	vadd.s32 v21, v9;
	v9 =	vmul.f32 v53, v61;
	v53 =	vld [tilespmem:$0x1FEF0]  }
0x3c0: {  	v31 =	vld.idx.msk [tilespmem:v25+s17+$0x0], $0xffff  }
0x3c1: {  	v24 =	vadd.s32 v32, v38;
	v25 =	vadd.s32 v11, v42;
	v42 =	vld.idx.msk [tilespmem:v62+s17+$0x0], $0xffff  }
0x3c2: {  	v44 =	vadd.s32 v27, v39;
	v39 =	vadd.s32 v32, v49;
	v32 =	vadd.s32 v11, v55;
	v11 =	vld [tilespmem:$0x1F3A0]  }
0x3c3: {  	[tilespmem:$0x1F480] =	vst v8;
	v8 =	vmul.f32 v48, v61;
	v48 =	vadd.f32 v46, v1;
	v1 =	vld [tilespmem:$0x1F400]  }
0x3c4: {  	v55 =	vld [tilespmem:$0x1F3B0]  }
0x3c5: {  	v18 =	vmul.f32 v58, v61;
	v58 =	vld [tilespmem:$0x1F3D0]  }
0x3c6: {  	v41 =	vld.idx.msk [tilespmem:v45+s17+$0x0], $0xffff  }
0x3c7: {  	v63 =	vadd.s32 v35, v63;
	v45 =	vld.idx.msk [tilespmem:v4+s17+$0x0], $0xffff  }
0x3c8: {  	p1 =	sne.s32 s18, $0x3C;
	v5 =	vadd.s32 v33, v5;
	v49 =	vadd.f32 v2, v1;
	v1 =	vld [tilespmem:$0x1F410]  }
.Ltmp5:
0x3c9: {  	v17 =	vmul.f32 v56, v61;
	v56 =	vld [tilespmem:$0x1F3C0];
	(pc) =	sbr.rel @p1 .LBB2_9-.Ltmp5, $4  }
0x3ca: {  	v43 =	vld.idx.msk [tilespmem:v59+s17+$0x0], $0xffff  }
0x3cb: {  	v38 =	vadd.s32 v12, v51;
	v19 =	vmul.f32 v60, v61;
	v59 =	vld [tilespmem:$0x1F370]  }
0x3cc: {  	v12 =	vadd.s32 v27, v52;
	v27 =	vmul.f32 v50, v61;
	v40 =	vld.idx.msk [tilespmem:v63+s17+$0x0], $0xffff;
	v51 =	vmul.f32 v47, v29  }
0x3cd: {  	s18 =	sadd.s32 $0x4, s18;
	v52 =	vmul.f32 v23, v29;
	v47 =	vmul.f32 v6, v29;
	v46 =	vld.idx.msk [tilespmem:v5+s17+$0x0], $0xffff;
	v50 =	vadd.f32 v3, v1  }
0x3ce: {  	_ =	sdelay $0x3  }
0x3cf: {  	v2 =	vld.idx.msk [tilespmem:v39+s17+$0x0], $0xffff  }
0x3d0: {  	v1 =	vadd.f32 v51, v48;
	v48 =	vld.idx.msk [tilespmem:v24+s17+$0x0], $0xffff  }
0x3d1: {  	v51 =	vld.idx.msk [tilespmem:v34+s17+$0x0], $0xffff  }
0x3d2: {  	v21 =	vld.idx.msk [tilespmem:v44+s17+$0x0], $0xffff  }
0x3d3: {  	v3 =	vmul.f32 v10, v22;
	v23 =	vmul.f32 v42, v22;
	v20 =	vld.idx.msk [tilespmem:v20+s17+$0x0], $0xffff  }
0x3d4: {  	v33 =	vmul.f32 v0, v61;
	v5 =	vadd.f32 v47, v49;
	v6 =	vadd.f32 v52, v50;
	v47 =	vld.idx.msk [tilespmem:v38+s17+$0x0], $0xffff  }
0x3d5: {  	v35 =	vmul.f32 v41, v22;
	v62 =	vadd.f32 v13, v11;
	v63 =	vld.idx.msk [tilespmem:v12+s17+$0x0], $0xffff;
	v4 =	vmul.f32 v43, v22  }
0x3d6: {  	v24 =	vadd.f32 v14, v57;
	v36 =	vld.idx.msk [tilespmem:v36+s17+$0x0], $0xffff;
	v52 =	vmul.f32 v45, v29;
	v49 =	vadd.f32 v23, v6  }
0x3d7: {  	v1 =	vadd.f32 v3, v1;
	v4 =	vadd.f32 v4, v5;
	v3 =	vmul.f32 v48, v22;
	v48 =	vld [tilespmem:$0x1F530]  }
0x3d8: {  	v50 =	vmul.f32 v40, v22;
	v5 =	vadd.f32 v9, v49;
	v9 =	vadd.f32 v52, v62;
	v52 =	vld [tilespmem:$0x1F470]  }
0x3d9: {  	v7 =	vadd.f32 v7, v59;
	v60 =	vmul.f32 v46, v29;
	v10 =	vmul.f32 v47, v29;
	v47 =	vld [tilespmem:$0x1F510]  }
0x3da: {  	v39 =	vld.idx.msk [tilespmem:v37+s17+$0x0], $0xffff;
	v1 =	vadd.f32 v8, v1;
	v4 =	vadd.f32 v27, v4;
	v2 =	vmul.f32 v2, v29  }
0x3db: {  	v41 =	vmul.f32 v31, v61;
	v42 =	vld.idx.msk [tilespmem:v25+s17+$0x0], $0xffff;
	v27 =	vadd.f32 v15, v58;
	v7 =	vadd.f32 v60, v7  }
0x3dc: {  	v40 =	vmul.f32 v51, v22;
	v49 =	vld [tilespmem:$0x1F460];
	v2 =	vadd.f32 v2, v24;
	v6 =	vadd.f32 v50, v9  }
0x3dd: {  	v38 =	vld.idx.msk [tilespmem:v32+s17+$0x0], $0xffff;
	v43 =	vmul.f32 v21, v22;
	v50 =	vadd.f32 v28, v56;
	v10 =	vadd.f32 v10, v27  }
0x3de: {  	v14 =	vmul.f32 v36, v29;
	v7 =	vadd.f32 v35, v7;
	v8 =	vadd.f32 v52, v54;
	v54 =	vld [tilespmem:$0x1F480]  }
0x3df: {  	v45 =	vld.idx.msk [tilespmem:v30+s17+$0x0], $0xffff;
	v46 =	vmul.f32 v20, v22;
	v2 =	vadd.f32 v3, v2;
	v6 =	vadd.f32 v17, v6  }
0x3e0: {  	v11 =	vmul.f32 v63, v29;
	v14 =	vadd.f32 v14, v50;
	v7 =	vadd.f32 v18, v7;
	v18 =	vld.idx.msk [tilespmem:v48+s17+$0x0], $0xffff  }
0x3e1: {  	v2 =	vadd.f32 v19, v2;
	v19 =	vadd.f32 v49, v55;
	v17 =	vld.idx.msk [tilespmem:v47+s17+$0x0], $0xffff;
	[tilespmem:$0x18710] =	vst v1  }
0x3e2: {  	v51 =	vmul.f32 v38, v29;
	v44 =	vadd.f32 v40, v10;
	v57 =	vadd.f32 v46, v14;
	[tilespmem:$0x18790] =	vst v4  }
0x3e3: {  	v12 =	vmul.f32 v39, v29;
	v11 =	vadd.f32 v11, v19;
	[tilespmem:$0x18810] =	vst v5;
	v4 =	vadd.f32 v54, v26  }
0x3e4: {  	v0 =	vmul.f32 v42, v22;
	v3 =	vadd.f32 v16, v44;
	v1 =	vadd.f32 v51, v8;
	[tilespmem:$0x18890] =	vst v6  }
0x3e5: {  	v56 =	vmul.f32 v45, v22;
	[tilespmem:$0x18910] =	vst v7;
	v55 =	vadd.f32 v43, v11;
	v4 =	vadd.f32 v12, v4  }
0x3e6: {  	v62 =	vadd.f32 v41, v57;
	[tilespmem:$0x18990] =	vst v2;
	v0 =	vadd.f32 v0, v1;
	v58 =	vmul.f32 v17, v61  }
0x3e7: {  	s18 =	sor.u32 $0x1, s24;
	[tilespmem:$0x18A10] =	vst v3;
	v59 =	vadd.f32 v33, v55;
	v60 =	vadd.f32 v56, v4;
	v61 =	vmul.f32 v18, v61  }
0x3e8: {  	s19 =	sadd.s32 s16, s18;
	[tilespmem:$0x18B10] =	vst v62;
	v0 =	vadd.f32 v58, v0  }
0x3e9: {  	s19 =	sshll.u32 s19, $0x2;
	[tilespmem:$0x18A90] =	vst v59;
	v63 =	vadd.f32 v61, v60  }
0x3ea: {  	s19 =	sand.u32 $0x1FFFFFFC, s19;
	[tilespmem:$0x18B90] =	vst v0  }
0x3eb: {  	s28 =	simm.s32 $0x18700;
	s18 =	sshll.u32 s18, $0xB;
	s19 =	sadd.s32 s11, s19;
	[tilespmem:$0x18C10] =	vst v63  }
0x3ec: {  	[hbm4b:s19+s1] =	stream.linear.scatter [tilespmem:s28], [sflag:$0x3], $0x20, $0x38;
	[tilespmem:$0x18F80] =	vst v63  }
0x3ed: {  	s18 =	sadd.s32 s26, s18;
	_ =	swait.ge [sflag:s31], $0x20  }
0x3ee: {  	s30 =	simm.s32 $0x18780;
	s18 =	sshrl.u32 s18, $0x3;
	[sflag:s31] =	ssyncset.done $0x0  }
.Ltmp6:
0x3ef: {  	s18 =	sadd.s32 s12, s18;
	[sflag:s31] =	ssyncadd.s32 $0xFFFFFFE0;
	(pc) =	sbr.rel @p0 .LBB2_12-.Ltmp6, $4  }
0x3f0: {  	[hbm4b:s18+s1] =	stream.linear.scatter [tilespmem:s30], [sflag:$0x3], $0x500, $0x38;
	[tilespmem:$0x18F80] =	vst v63  }
0x3f1: {  	_ =	swait.ge [sflag:s31], $0x500  }
0x3f2: {  	[sflag:s31] =	ssyncset.done $0x0  }
0x3f3: {  	[sflag:s31] =	ssyncadd.s32 $0xFFFFFB00  }
0x3f4: {  	s18 =	rddreg [dreg:$0x10]  }
0x3f5: {  	s18 =	sadd.s32 s24, s18  }
0x3f6: {  	s19 =	sshll.u32 s18, $0x2  }
0x3f7: {  	s19 =	sand.u32 $0x1FFFFFFC, s19  }
0x3f8: {  	s20 =	sadd.s32 s2, s19  }
0x3f9: {  	[tilespmem:s13], [sflag:$0x3] =	stream.linear.gather [hbm4b:s20+s1], $0x20, $0x38;
	[tilespmem:$0x18F80] =	vst v63  }
0x3fa: {  	_ =	swait.ge [sflag:s31], $0x20  }
0x3fb: {  	[sflag:s31] =	ssyncset.done $0x0  }
0x3fc: {  	s22 =	simm.s32 $0xA0;
	s30 =	sadd.s32 s3, s19;
	[sflag:s31] =	ssyncadd.s32 $0xFFFFFFE0  }
0x3fd: {  	[tilespmem:s22], [sflag:$0x3] =	stream.linear.gather [hbm4b:s30+s1], $0x20, $0x38;
	[tilespmem:$0x18F80] =	vst v63  }
0x3fe: {  	_ =	swait.ge [sflag:s31], $0x20  }
0x3ff: {  	[sflag:s31] =	ssyncset.done $0x0  }
0x400: {  	s24 =	sadd.s32 s4, s19;
	s22 =	simm.s32 $0x120;
	[sflag:s31] =	ssyncadd.s32 $0xFFFFFFE0  }
0x401: {  	[tilespmem:s22], [sflag:$0x3] =	stream.linear.gather [hbm4b:s24+s1], $0x20, $0x38;
	[tilespmem:$0x18F80] =	vst v63  }
0x402: {  	_ =	swait.ge [sflag:s31], $0x20  }
0x403: {  	[sflag:s31] =	ssyncset.done $0x0  }
0x404: {  	s29 =	simm.s32 $0x1A0;
	s19 =	sadd.s32 s5, s19;
	[sflag:s31] =	ssyncadd.s32 $0xFFFFFFE0  }
0x405: {  	[tilespmem:s29], [sflag:$0x3] =	stream.linear.gather [hbm4b:s19+s1], $0x20, $0x38;
	[tilespmem:$0x18F80] =	vst v63  }
0x406: {  	s18 =	smul.u32 $0x28, s18;
	_ =	swait.ge [sflag:s31], $0x20  }
0x407: {  	[sflag:s31] =	ssyncset.done $0x0  }
0x408: {  	s20 =	simm.s32 $0x340;
	s30 =	sadd.s32 s7, s18;
	[sflag:s31] =	ssyncadd.s32 $0xFFFFFFE0  }
0x409: {  	[tilespmem:s20], [sflag:$0x3] =	stream.linear.gather [hbm4b:s30+s1], $0x140, $0x38;
	[tilespmem:$0x18F80] =	vst v63  }
0x40a: {  	_ =	swait.ge [sflag:s31], $0x140  }
0x40b: {  	[sflag:s31] =	ssyncset.done $0x0  }
0x40c: {  	s18 =	sadd.s32 s8, s18;
	s24 =	simm.s32 $0x5C0;
	[sflag:s31] =	ssyncadd.s32 $0xFFFFFEC0  }
0x40d: {  	[tilespmem:s24], [sflag:$0x3] =	stream.linear.gather [hbm4b:s18+s1], $0x140, $0x38;
	[tilespmem:$0x18F80] =	vst v63  }
0x40e: {  	_ =	swait.ge [sflag:s31], $0x140  }
0x40f: {  	[sflag:s31] =	ssyncset.done $0x0  }
0x410: {  	s29 =	simm.s32 $0x1700;
	v11 =	vld [tilespmem:$0x1FEE0];
	[sflag:s31] =	ssyncadd.s32 $0xFFFFFEC0  }
0x411: {  	v41 =	vld [tilespmem:$0x1FF00];
	[tilespmem:s29], [sflag:$0x2] =	stream.indirect.gather [hbm4b:s9+s13], $0x80, s13, s13, $0xb8  }
0x412: {  	s30 =	simm.s32 $0x3700;
	v58 =	vld [tilespmem:$0x1FF10]  }
0x413: {  	v15 =	vld [tilespmem:$0x1FF20];
	[tilespmem:s30], [sflag:$0x2] =	stream.indirect.gather [hbm4b:s10+s13], $0x80, s22, s13, $0xb8  }
0x414: {  	s19 =	simm.s32 $0xE700;
	v62 =	vld [tilespmem:$0x1FF30]  }
0x415: {  	v18 =	vld [tilespmem:$0x1FF40];
	[tilespmem:s19], [sflag:$0x2] =	stream.indirect.gather [hbm4b:s10+s0], $0x80, s20, s0, $0xb8  }
.Ltmp7:
0x416: {  	v61 =	vld [tilespmem:$0x1FF50];
	(pc) =	sbr.rel .LBB2_2-.Ltmp7, $4  }
0x417: {  	s23 =	sadd.s32 $0x1, s23;
	v42 =	vld [tilespmem:$0x1FF60];
	s22 =	simm.s32 $0x12700;
	s20 =	simm.s32 $0x3C0  }
0x418: {  	v24 =	vld [tilespmem:$0x1FF70];
	[tilespmem:s22], [sflag:$0x2] =	stream.indirect.gather [hbm4b:s10+s0], $0x80, s20, s0, $0xb8  }
0x419: {  	s24 =	simm.s32 $0x40;
	v43 =	vld [tilespmem:$0x1FF80];
	s29 =	simm.s32 $0x440;
	s30 =	simm.s32 $0x16700  }
0x41a: {  	v44 =	vld [tilespmem:$0x1FF90];
	[tilespmem:s30], [sflag:$0x2] =	stream.indirect.gather [hbm4b:s10+s24], $0x80, s29, s24, $0xb8  }
.LBB2_13:
0x41b: {  	_ =	sfence.sel $0x180000  }
0x41c: {  	[bflag:$0x0] =	sbarrier.arrive $0xFFFF  }
0x41d: {  	_ =	strace $0x90000047  }
0x41e: {  	s0 =	stileid.u32;
	[bflag:$0x2] =	sbarrier.arrive $0xFFFF  }
0x41f: {  	p0 =	sne.s32 s0, $0x0;
	s0 =	rddreg [dreg:$0x1]  }
0x420: {  	s0 =	sadd.s32 @!p0 $0x100000, s0  }
0x421: {  	[sflag:s0] =	ssyncadd.tile.s32 @!p0 $0x1;
	_ =	shalt  }
.Lfunc_end2:
_tile_overlayer_lowered:
.L_overlay_start_2:
0x422: {  	(tag) =	ssettag $0x2  }
0x423: {  	s0 =	rddreg [dreg:$0x0];
	s2 =	stileid.u32  }
0x424: {  	s1 =	rddreg [dreg:$0x1];
	p0 =	sne.s32 s2, $0x0  }
0x425: {  	s3 =	rddreg [dreg:$0x2];
	[bflag:$0x3] =	sbarrier.arrive $0xFFFF;
	s2 =	simm.s32 @!p0 $0x1C03  }
0x426: {  	[timem:s3], [sflag:s2] =	dma.local @!p0 [hbm:s0], s1  }
0x427: {  	s0 =	simm.s32 @!p0 $0x3  }
0x428: {  	_ =	swait.ge @!p0 [sflag:s0], s1  }
0x429: {  	s1 =	ssub.s32 @!p0 $0x0, s1;
	[sflag:s0] =	ssyncset.done @!p0 $0x0  }
0x42a: {  	[sflag:s0] =	ssyncadd.s32 @!p0 s1  }
0x42b: {  	[bflag:$0x3] =	sbarrier.arrive $0xFFFF  }
0x42c: {  	_ =	shalt  }

</sc_bundles>
